<compile_context>
chip_gen: v7x
topology: tpu7x:2x2x1
jax: 0.10.2.dev20260603
libtpu: 0.0.44.dev20260713+nightly
codegen_flags: <defaults>
</compile_context>

<pallas_src>
import jax
import jax.numpy as jnp
from jax import lax
from jax.experimental import pallas as pl
from jax.experimental.pallas import tpu as pltpu
from jax.experimental.pallas import tpu_sc as plsc

_NC = 2
_NS = 16
_NW = _NC * _NS
_L = 16
_D = 128
_CHUNK = 128


def _project_kernel(x_ref, w_ref, b_ref, dvm_ref, o_ref):
    acc = jnp.dot(x_ref[...], w_ref[...], preferred_element_type=jnp.float32)
    acc = jnp.maximum(acc + b_ref[...], 0.0)
    o_ref[...] = acc * dvm_ref[...]


def _combine_kernel(p_ref, s_ref, o_ref):
    o_ref[...] = (p_ref[0] + p_ref[1]) * s_ref[...]


def _scale_kernel(p_ref, s_ref, o_ref):
    o_ref[...] = p_ref[...] * s_ref[...]


def _splat(vvec, j):
    return lax.gather(
        vvec, jnp.full((_L, 1), j, jnp.int32),
        lax.GatherDimensionNumbers(
            offset_dims=(), collapsed_slice_dims=(0,), start_index_map=(0,)),
        (1,), mode=lax.GatherScatterMode.PROMISE_IN_BOUNDS)


def _scale_rows(rows_v, vals_v):
    def scale(g, c2):
        vvec = vals_v[pl.ds(g * _L, _L)]
        for j in range(_L):
            v = _splat(vvec, j)
            r = g * _L + j
            for c in range(_D // _L):
                rows_v[r, pl.ds(c * _L, _L)] = rows_v[r, pl.ds(c * _L, _L)] * v
        return c2
    lax.fori_loop(0, _CHUNK // _L, scale, 0)


def _zero_acc(zero_v, acc_sh, rpt, sid):
    def zrow(r, carry):
        for c in range(_D // _L):
            zero_v[r, pl.ds(c * _L, _L)] = jnp.zeros((_L,), jnp.float32)
        return carry
    lax.fori_loop(0, rpt, zrow, 0)
    pltpu.sync_copy(zero_v, acc_sh.at[pl.ds(sid * rpt, rpt)])
    plsc.subcore_barrier()


def _sc_edge_pass(n_edges, n_chunks, per_tile):
    n_pad = -(-n_edges // (_NS * 8)) * (_NS * 8)
    rpt = n_pad // _NS
    mesh = plsc.VectorSubcoreMesh(core_axis_name="c", subcore_axis_name="s")

    def body(table_hbm, gidx_hbm, sidx_hbm, vals_hbm, out_hbm,
             gidx_v, sidx_v, vals_v, rows_v, zero_v, acc_sh, sem):
        cid = lax.axis_index("c")
        sid = lax.axis_index("s")
        wid = cid * _NS + sid
        _zero_acc(zero_v, acc_sh, rpt, sid)

        base = wid * per_tile

        def chunk(i, carry):
            off = base + i * _CHUNK
            pltpu.sync_copy(gidx_hbm.at[pl.ds(off, _CHUNK)], gidx_v)
            pltpu.sync_copy(sidx_hbm.at[pl.ds(off, _CHUNK)], sidx_v)
            pltpu.sync_copy(vals_hbm.at[pl.ds(off, _CHUNK)], vals_v)
            pltpu.async_copy(table_hbm.at[gidx_v], rows_v, sem).wait()
            _scale_rows(rows_v, vals_v)
            pltpu.sync_copy(rows_v, acc_sh.at[sidx_v], add=True)
            return carry
        lax.fori_loop(0, n_chunks, chunk, 0)

        plsc.subcore_barrier()
        pltpu.sync_copy(acc_sh.at[pl.ds(sid * rpt, rpt)],
                        out_hbm.at[cid, pl.ds(sid * rpt, rpt)])

    return pl.kernel(
        body,
        out_type=jax.ShapeDtypeStruct((_NC, n_pad, _D), jnp.float32),
        mesh=mesh,
        scratch_types=[
            pltpu.VMEM((_CHUNK,), jnp.int32),
            pltpu.VMEM((_CHUNK,), jnp.int32),
            pltpu.VMEM((_CHUNK,), jnp.float32),
            pltpu.VMEM((_CHUNK, _D), jnp.float32),
            pltpu.VMEM((rpt, _D), jnp.float32),
            pltpu.VMEM_SHARED((n_pad, _D), jnp.float32),
            pltpu.SemaphoreType.DMA,
        ],
    )


def _sc_node_pass(n_nodes, n_chunks, per_tile):
    n_pad = -(-n_nodes // (_NC * _NS * 8)) * (_NC * _NS * 8)
    n_half = n_pad // _NC
    rpt = n_half // _NS
    mesh = plsc.VectorSubcoreMesh(core_axis_name="c", subcore_axis_name="s")

    def body(table_hbm, gidx_hbm, sidx_hbm, vals_hbm, out_hbm,
             gidx_v, sidx_v, vals_v, rows_v, zero_v, acc_sh, sem):
        cid = lax.axis_index("c")
        sid = lax.axis_index("s")
        _zero_acc(zero_v, acc_sh, rpt, sid)

        base = sid * per_tile
        lo = cid * n_half

        def chunk(i, carry):
            off = base + i * _CHUNK
            pltpu.sync_copy(gidx_hbm.at[pl.ds(off, _CHUNK)], gidx_v)
            pltpu.sync_copy(sidx_hbm.at[pl.ds(off, _CHUNK)], sidx_v)
            pltpu.sync_copy(vals_hbm.at[pl.ds(off, _CHUNK)], vals_v)
            for g in range(_CHUNK // _L):
                v = sidx_v[pl.ds(g * _L, _L)]
                local = v - lo
                ok = (local >= 0) & (local < n_half)
                sidx_v[pl.ds(g * _L, _L)] = jnp.where(
                    ok, local, jnp.full((_L,), n_half, jnp.int32))
            pltpu.async_copy(table_hbm.at[gidx_v], rows_v, sem).wait()
            _scale_rows(rows_v, vals_v)
            pltpu.sync_copy(rows_v, acc_sh.at[sidx_v], add=True)
            return carry
        lax.fori_loop(0, n_chunks, chunk, 0)

        plsc.subcore_barrier()
        pltpu.sync_copy(acc_sh.at[pl.ds(sid * rpt, rpt)],
                        out_hbm.at[pl.ds(lo + sid * rpt, rpt)])

    return pl.kernel(
        body,
        out_type=jax.ShapeDtypeStruct((n_pad, _D), jnp.float32),
        mesh=mesh,
        scratch_types=[
            pltpu.VMEM((_CHUNK,), jnp.int32),
            pltpu.VMEM((_CHUNK,), jnp.int32),
            pltpu.VMEM((_CHUNK,), jnp.float32),
            pltpu.VMEM((_CHUNK, _D), jnp.float32),
            pltpu.VMEM((rpt, _D), jnp.float32),
            pltpu.VMEM_SHARED((n_half + 8, _D), jnp.float32),
            pltpu.SemaphoreType.DMA,
        ],
    )


def kernel(X_dict, H_node_idx, H_edge_idx, H_values, Dv_inv_sqrt, De_inv,
           node_mask, W, b):
    n_nodes, d_in = X_dict.shape
    d_out = W.shape[1]
    n_edges = De_inv.shape[0]
    nnz = H_node_idx.shape[0]

    dvm = (Dv_inv_sqrt * node_mask.astype(jnp.float32))[:, None]

    blk = 1000
    xs = pl.pallas_call(
        _project_kernel,
        grid=(n_nodes // blk,),
        in_specs=[
            pl.BlockSpec((blk, d_in), lambda i: (i, 0)),
            pl.BlockSpec((d_in, d_out), lambda i: (0, 0)),
            pl.BlockSpec((1, d_out), lambda i: (0, 0)),
            pl.BlockSpec((blk, 1), lambda i: (i, 0)),
        ],
        out_specs=pl.BlockSpec((blk, d_out), lambda i: (i, 0)),
        out_shape=jax.ShapeDtypeStruct((n_nodes, d_out), jnp.float32),
    )(X_dict, W, b[None, :], dvm)

    per_tile = -(-nnz // (_NW * _CHUNK)) * _CHUNK
    pad = per_tile * _NW - nnz
    nidx = jnp.pad(H_node_idx, (0, pad))
    eidx = jnp.pad(H_edge_idx, (0, pad))
    vals = jnp.pad(H_values, (0, pad))
    n_chunks = per_tile // _CHUNK

    y_part = _sc_edge_pass(n_edges, n_chunks, per_tile)(xs, nidx, eidx, vals)

    eb = n_edges // 2
    y = pl.pallas_call(
        _combine_kernel,
        grid=(2,),
        in_specs=[
            pl.BlockSpec((2, eb, d_out), lambda i: (0, i, 0)),
            pl.BlockSpec((eb, 1), lambda i: (i, 0)),
        ],
        out_specs=pl.BlockSpec((eb, d_out), lambda i: (i, 0)),
        out_shape=jax.ShapeDtypeStruct((n_edges, d_out), jnp.float32),
    )(y_part, De_inv[:, None])

    z_part = _sc_node_pass(n_nodes, n_chunks * 2, per_tile * 2)(
        y, eidx, nidx, vals)

    nb = n_nodes // 10
    z = pl.pallas_call(
        _scale_kernel,
        grid=(10,),
        in_specs=[
            pl.BlockSpec((nb, d_out), lambda i: (i, 0)),
            pl.BlockSpec((nb, 1), lambda i: (i, 0)),
        ],
        out_specs=pl.BlockSpec((nb, d_out), lambda i: (i, 0)),
        out_shape=jax.ShapeDtypeStruct((n_nodes, d_out), jnp.float32),
    )(z_part, Dv_inv_sqrt[:, None])
    return z

# --- scband reference (transcript-rebuilt; emitter-appended) ---
"""Pipeline reference for scband-hypergraph-conv-73624329388484 (READ-ONLY COPY).

The authoritative reference and input builder live on the scoring server;
editing this copy changes nothing except your own understanding.
"""

import jax, jax.numpy as jnp
import numpy as np

N_NODES = 10000
N_HYPEREDGES = 2000
NNZ = 320000
D_IN = 128
D_OUT = 128


def setup_inputs(seed: int = 0) -> dict:
    key = jax.random.key(seed)
    ks = jax.random.split(key, 8)
    X_dict = jax.random.normal(ks[0], (N_NODES, D_IN), dtype=jnp.float32)
    H_node_idx = jax.random.randint(ks[1], (NNZ,), 0, N_NODES, dtype=jnp.int32)
    H_edge_idx = jax.random.randint(ks[2], (NNZ,), 0, N_HYPEREDGES, dtype=jnp.int32)
    H_values = jax.random.uniform(ks[3], (NNZ,), dtype=jnp.float32)
    Dv_inv_sqrt = jax.random.uniform(ks[4], (N_NODES,), dtype=jnp.float32)
    De_inv = jax.random.uniform(ks[5], (N_HYPEREDGES,), dtype=jnp.float32)
    node_mask = jnp.ones((N_NODES,), dtype=bool)
    # learned params: single node-type projector Linear(D_IN, D_OUT)
    W = jax.random.normal(ks[6], (D_IN, D_OUT), dtype=jnp.float32) * 0.05
    b = jnp.zeros((D_OUT,), dtype=jnp.float32)
    return {
        "X_dict": X_dict,
        "H_node_idx": H_node_idx,
        "H_edge_idx": H_edge_idx,
        "H_values": H_values,
        "Dv_inv_sqrt": Dv_inv_sqrt,
        "De_inv": De_inv,
        "node_mask": node_mask,
        "W": W,
        "b": b,
    }


def reference(X_dict, H_node_idx, H_edge_idx, H_values, Dv_inv_sqrt, De_inv, node_mask, W, b):
    # Per-type projection (single type 'node'); dropout is identity in eval mode.
    feat = jax.nn.relu(X_dict @ W + b)
    X_projected = jnp.where(node_mask[:, None], feat, 0.0)
    # X = Dv^{-1/2} * X_projected
    X = Dv_inv_sqrt[:, None] * X_projected
    # X = H^T @ X  (sparse mm: aggregate node features into hyperedges)
    gathered = H_values[:, None] * jnp.take(X, H_node_idx, axis=0)
    Y = jax.ops.segment_sum(gathered, H_edge_idx, num_segments=N_HYPEREDGES)
    # X = De^{-1} * X
    Y = De_inv[:, None] * Y
    # X = H @ X  (sparse mm: scatter hyperedge features back to nodes)
    back = H_values[:, None] * jnp.take(Y, H_edge_idx, axis=0)
    Z = jax.ops.segment_sum(back, H_node_idx, num_segments=N_NODES)
    # X = Dv^{-1/2} * X
    return Dv_inv_sqrt[:, None] * Z

if __name__ == "__main__":
    import jax
    _d = setup_inputs()
    print(jax.jit(kernel)(*tuple(_d.values())))

</pallas_src>

<mosaic_0001>
#map = affine_map<(d0, d1) -> (0, 0)>
#map1 = affine_map<(d0, d1) -> (0)>
#map2 = affine_map<(d0, d1) -> (0, 0, 0)>
module attributes {stable_mosaic.version = 14 : i64} {
  func.func @body(%arg0: i32, %arg1: i32, %arg2: memref<10000x128xf32, #tpu.memory_space<hbm>>, %arg3: memref<323584xi32, #tpu.memory_space<hbm>>, %arg4: memref<323584xi32, #tpu.memory_space<hbm>>, %arg5: memref<323584xf32, #tpu.memory_space<hbm>>, %arg6: memref<2x2048x128xf32, #tpu.memory_space<hbm>>, %arg7: memref<128xi32, #tpu.memory_space<vmem>>, %arg8: memref<128xi32, #tpu.memory_space<vmem>>, %arg9: memref<128xf32, #tpu.memory_space<vmem>>, %arg10: memref<128x128xf32, #tpu.memory_space<vmem>>, %arg11: memref<128x128xf32, #tpu.memory_space<vmem>>, %arg12: memref<2048x128xf32, #tpu.memory_space<vmem_shared>>, %arg13: memref<!tpu.dma_semaphore, #tpu.memory_space<semaphore_mem>>) attributes {dimension_semantics = [#tpu.dimension_semantics<core_parallel>, #tpu.dimension_semantics<subcore_parallel>], iteration_bounds = array<i64: 2, 16>, scalar_prefetch = 0 : i64, scratch_operands = 7 : i64, tpu.core_type = #tpu.core_type<sc_vector_subcore>, window_params = [{transform_indices = #map}, {transform_indices = #map1}, {transform_indices = #map1}, {transform_indices = #map1}, {transform_indices = #map2}]} {
    %mul3A = arith.constant 16 : i32
    %mul3A_0 = arith.muli %arg0, %mul3A : i32
    %add3A = arith.addi %mul3A_0, %arg1 : i32
    %scan3A = arith.constant 0 : i32
    %scan3A_1 = arith.constant 0 : i32
    %scan3A_2 = arith.constant 128 : i32
    %scan3A_3 = arith.addi %scan3A_1, %scan3A_2 : i32
    %scan3A_4 = arith.constant 1 : i32
    scf.for %scan3A_21 = %scan3A_1 to %scan3A_3 step %scan3A_4  : i32 {
      %broadcast_in_dim3A = arith.constant 0.000000e+00 : f32
      %broadcast_in_dim3A_22 = vector.broadcast %broadcast_in_dim3A : f32 to vector<16xf32>
      %swap3A = arith.index_cast %scan3A_21 : i32 to index
      %swap3A_23 = arith.constant 0 : index
      %swap3A_24 = tpu.vector_load %arg11[%swap3A, %swap3A_23] {strides = array<i32>} : memref<128x128xf32, #tpu.memory_space<vmem>>, vector<1x16xf32>,
      %swap3A_25 = vector.shape_cast %swap3A_24 : vector<1x16xf32> to vector<16xf32>
      %swap3A_26 = vector.shape_cast %broadcast_in_dim3A_22 : vector<16xf32> to vector<1x16xf32>
      tpu.vector_store %arg11[%swap3A, %swap3A_23], %swap3A_26 {strides = array<i32>} : memref<128x128xf32, #tpu.memory_space<vmem>>, vector<1x16xf32>,
      %broadcast_in_dim3A_27 = arith.constant 0.000000e+00 : f32
      %broadcast_in_dim3A_28 = vector.broadcast %broadcast_in_dim3A_27 : f32 to vector<16xf32>
      %swap3A_29 = arith.index_cast %scan3A_21 : i32 to index
      %swap3A_30 = arith.constant 16 : index
      %swap3A_31 = tpu.vector_load %arg11[%swap3A_29, %swap3A_30] {strides = array<i32>} : memref<128x128xf32, #tpu.memory_space<vmem>>, vector<1x16xf32>,
      %swap3A_32 = vector.shape_cast %swap3A_31 : vector<1x16xf32> to vector<16xf32>
      %swap3A_33 = vector.shape_cast %broadcast_in_dim3A_28 : vector<16xf32> to vector<1x16xf32>
      tpu.vector_store %arg11[%swap3A_29, %swap3A_30], %swap3A_33 {strides = array<i32>} : memref<128x128xf32, #tpu.memory_space<vmem>>, vector<1x16xf32>,
      %broadcast_in_dim3A_34 = arith.constant 0.000000e+00 : f32
      %broadcast_in_dim3A_35 = vector.broadcast %broadcast_in_dim3A_34 : f32 to vector<16xf32>
      %swap3A_36 = arith.index_cast %scan3A_21 : i32 to index
      %swap3A_37 = arith.constant 32 : index
      %swap3A_38 = tpu.vector_load %arg11[%swap3A_36, %swap3A_37] {strides = array<i32>} : memref<128x128xf32, #tpu.memory_space<vmem>>, vector<1x16xf32>,
      %swap3A_39 = vector.shape_cast %swap3A_38 : vector<1x16xf32> to vector<16xf32>
      %swap3A_40 = vector.shape_cast %broadcast_in_dim3A_35 : vector<16xf32> to vector<1x16xf32>
      tpu.vector_store %arg11[%swap3A_36, %swap3A_37], %swap3A_40 {strides = array<i32>} : memref<128x128xf32, #tpu.memory_space<vmem>>, vector<1x16xf32>,
      %broadcast_in_dim3A_41 = arith.constant 0.000000e+00 : f32
      %broadcast_in_dim3A_42 = vector.broadcast %broadcast_in_dim3A_41 : f32 to vector<16xf32>
      %swap3A_43 = arith.index_cast %scan3A_21 : i32 to index
      %swap3A_44 = arith.constant 48 : index
      %swap3A_45 = tpu.vector_load %arg11[%swap3A_43, %swap3A_44] {strides = array<i32>} : memref<128x128xf32, #tpu.memory_space<vmem>>, vector<1x16xf32>,
      %swap3A_46 = vector.shape_cast %swap3A_45 : vector<1x16xf32> to vector<16xf32>
      %swap3A_47 = vector.shape_cast %broadcast_in_dim3A_42 : vector<16xf32> to vector<1x16xf32>
      tpu.vector_store %arg11[%swap3A_43, %swap3A_44], %swap3A_47 {strides = array<i32>} : memref<128x128xf32, #tpu.memory_space<vmem>>, vector<1x16xf32>,
      %broadcast_in_dim3A_48 = arith.constant 0.000000e+00 : f32
      %broadcast_in_dim3A_49 = vector.broadcast %broadcast_in_dim3A_48 : f32 to vector<16xf32>
      %swap3A_50 = arith.index_cast %scan3A_21 : i32 to index
      %swap3A_51 = arith.constant 64 : index
      %swap3A_52 = tpu.vector_load %arg11[%swap3A_50, %swap3A_51] {strides = array<i32>} : memref<128x128xf32, #tpu.memory_space<vmem>>, vector<1x16xf32>,
      %swap3A_53 = vector.shape_cast %swap3A_52 : vector<1x16xf32> to vector<16xf32>
      %swap3A_54 = vector.shape_cast %broadcast_in_dim3A_49 : vector<16xf32> to vector<1x16xf32>
      tpu.vector_store %arg11[%swap3A_50, %swap3A_51], %swap3A_54 {strides = array<i32>} : memref<128x128xf32, #tpu.memory_space<vmem>>, vector<1x16xf32>,
      %broadcast_in_dim3A_55 = arith.constant 0.000000e+00 : f32
      %broadcast_in_dim3A_56 = vector.broadcast %broadcast_in_dim3A_55 : f32 to vector<16xf32>
      %swap3A_57 = arith.index_cast %scan3A_21 : i32 to index
      %swap3A_58 = arith.constant 80 : index
      %swap3A_59 = tpu.vector_load %arg11[%swap3A_57, %swap3A_58] {strides = array<i32>} : memref<128x128xf32, #tpu.memory_space<vmem>>, vector<1x16xf32>,
      %swap3A_60 = vector.shape_cast %swap3A_59 : vector<1x16xf32> to vector<16xf32>
      %swap3A_61 = vector.shape_cast %broadcast_in_dim3A_56 : vector<16xf32> to vector<1x16xf32>
      tpu.vector_store %arg11[%swap3A_57, %swap3A_58], %swap3A_61 {strides = array<i32>} : memref<128x128xf32, #tpu.memory_space<vmem>>, vector<1x16xf32>,
      %broadcast_in_dim3A_62 = arith.constant 0.000000e+00 : f32
      %broadcast_in_dim3A_63 = vector.broadcast %broadcast_in_dim3A_62 : f32 to vector<16xf32>
      %swap3A_64 = arith.index_cast %scan3A_21 : i32 to index
      %swap3A_65 = arith.constant 96 : index
      %swap3A_66 = tpu.vector_load %arg11[%swap3A_64, %swap3A_65] {strides = array<i32>} : memref<128x128xf32, #tpu.memory_space<vmem>>, vector<1x16xf32>,
      %swap3A_67 = vector.shape_cast %swap3A_66 : vector<1x16xf32> to vector<16xf32>
      %swap3A_68 = vector.shape_cast %broadcast_in_dim3A_63 : vector<16xf32> to vector<1x16xf32>
      tpu.vector_store %arg11[%swap3A_64, %swap3A_65], %swap3A_68 {strides = array<i32>} : memref<128x128xf32, #tpu.memory_space<vmem>>, vector<1x16xf32>,
      %broadcast_in_dim3A_69 = arith.constant 0.000000e+00 : f32
      %broadcast_in_dim3A_70 = vector.broadcast %broadcast_in_dim3A_69 : f32 to vector<16xf32>
      %swap3A_71 = arith.index_cast %scan3A_21 : i32 to index
      %swap3A_72 = arith.constant 112 : index
      %swap3A_73 = tpu.vector_load %arg11[%swap3A_71, %swap3A_72] {strides = array<i32>} : memref<128x128xf32, #tpu.memory_space<vmem>>, vector<1x16xf32>,
      %swap3A_74 = vector.shape_cast %swap3A_73 : vector<1x16xf32> to vector<16xf32>
      %swap3A_75 = vector.shape_cast %broadcast_in_dim3A_70 : vector<16xf32> to vector<1x16xf32>
      tpu.vector_store %arg11[%swap3A_71, %swap3A_72], %swap3A_75 {strides = array<i32>} : memref<128x128xf32, #tpu.memory_space<vmem>>, vector<1x16xf32>,
    }
    %scan3A_5 = arith.constant 128 : i32
    %mul3A_6 = arith.constant 128 : i32
    %mul3A_7 = arith.muli %arg1, %mul3A_6 : i32
    "tpu.region"() ({
      %run_scoped3A = tpu.sem_alloc : memref<!tpu.dma_semaphore, #tpu.memory_space<semaphore_mem>>
      %dma_start3A = arith.constant 0 : i32
      %dma_start3A_21 = tpu.memref_slice %arg12[%mul3A_7, %dma_start3A] : memref<2048x128xf32, #tpu.memory_space<vmem_shared>> -> memref<128x128xf32, #tpu.memory_space<vmem_shared>>
      %dma_start3A_22 = arith.constant 0 : i32
      %dma_start3A_23 = tpu.memref_slice %arg12[%mul3A_7, %dma_start3A_22] : memref<2048x128xf32, #tpu.memory_space<vmem_shared>> -> memref<128x128xf32, #tpu.memory_space<vmem_shared>>
      tpu.enqueue_dma source(%arg11 : memref<128x128xf32, #tpu.memory_space<vmem>>) target(%dma_start3A_23 : memref<128x128xf32, #tpu.memory_space<vmem_shared>>) target_semaphore(%run_scoped3A : memref<!tpu.dma_semaphore, #tpu.memory_space<semaphore_mem>>)
      %dma_wait3A = arith.constant 0 : i32
      %dma_wait3A_24 = tpu.memref_slice %arg12[%mul3A_7, %dma_wait3A] : memref<2048x128xf32, #tpu.memory_space<vmem_shared>> -> memref<128x128xf32, #tpu.memory_space<vmem_shared>>
      %dma_wait3A_25 = arith.constant 0 : i32
      %dma_wait3A_26 = tpu.memref_slice %arg12[%mul3A_7, %dma_wait3A_25] : memref<2048x128xf32, #tpu.memory_space<vmem_shared>> -> memref<128x128xf32, #tpu.memory_space<vmem_shared>>
      tpu.wait_dma2 semaphore(%run_scoped3A : memref<!tpu.dma_semaphore, #tpu.memory_space<semaphore_mem>>) src(%arg11 : memref<128x128xf32, #tpu.memory_space<vmem>>) dst(%dma_wait3A_26 : memref<128x128xf32, #tpu.memory_space<vmem_shared>>)
      tpu.yield
    }) : () -> ()
    %barrier3A = arith.constant 0 : index
    tpu.barrier barrier_id(%barrier3A)
    %mul3A_8 = arith.constant 10112 : i32
    %mul3A_9 = arith.muli %add3A, %mul3A_8 : i32
    %scan3A_10 = arith.constant 0 : i32
    %scan3A_11 = arith.constant 0 : i32
    %scan3A_12 = arith.constant 79 : i32
    %scan3A_13 = arith.addi %scan3A_11, %scan3A_12 : i32
    %scan3A_14 = arith.constant 1 : i32
    scf.for %scan3A_21 = %scan3A_11 to %scan3A_13 step %scan3A_14  : i32 {
      %mul3A_22 = arith.constant 128 : i32
      %mul3A_23 = arith.muli %scan3A_21, %mul3A_22 : i32
      %add3A_24 = arith.addi %mul3A_9, %mul3A_23 : i32
      "tpu.region"() ({
        %run_scoped3A = tpu.sem_alloc : memref<!tpu.dma_semaphore, #tpu.memory_space<semaphore_mem>>
        %dma_start3A_35 = tpu.memref_slice %arg3[%add3A_24] : memref<323584xi32, #tpu.memory_space<hbm>> -> memref<128xi32, #tpu.memory_space<hbm>>
        %dma_start3A_36 = tpu.memref_slice %arg3[%add3A_24] : memref<323584xi32, #tpu.memory_space<hbm>> -> memref<128xi32, #tpu.memory_space<hbm>>
        tpu.enqueue_dma source(%dma_start3A_36 : memref<128xi32, #tpu.memory_space<hbm>>) target(%arg7 : memref<128xi32, #tpu.memory_space<vmem>>) target_semaphore(%run_scoped3A : memref<!tpu.dma_semaphore, #tpu.memory_space<semaphore_mem>>)
        %dma_wait3A_37 = tpu.memref_slice %arg3[%add3A_24] : memref<323584xi32, #tpu.memory_space<hbm>> -> memref<128xi32, #tpu.memory_space<hbm>>
        %dma_wait3A_38 = tpu.memref_slice %arg3[%add3A_24] : memref<323584xi32, #tpu.memory_space<hbm>> -> memref<128xi32, #tpu.memory_space<hbm>>
        tpu.wait_dma2 semaphore(%run_scoped3A : memref<!tpu.dma_semaphore, #tpu.memory_space<semaphore_mem>>) src(%dma_wait3A_38 : memref<128xi32, #tpu.memory_space<hbm>>) dst(%arg7 : memref<128xi32, #tpu.memory_space<vmem>>)
        tpu.yield
      }) : () -> ()
      "tpu.region"() ({
        %run_scoped3A = tpu.sem_alloc : memref<!tpu.dma_semaphore, #tpu.memory_space<semaphore_mem>>
        %dma_start3A_35 = tpu.memref_slice %arg4[%add3A_24] : memref<323584xi32, #tpu.memory_space<hbm>> -> memref<128xi32, #tpu.memory_space<hbm>>
        %dma_start3A_36 = tpu.memref_slice %arg4[%add3A_24] : memref<323584xi32, #tpu.memory_space<hbm>> -> memref<128xi32, #tpu.memory_space<hbm>>
        tpu.enqueue_dma source(%dma_start3A_36 : memref<128xi32, #tpu.memory_space<hbm>>) target(%arg8 : memref<128xi32, #tpu.memory_space<vmem>>) target_semaphore(%run_scoped3A : memref<!tpu.dma_semaphore, #tpu.memory_space<semaphore_mem>>)
        %dma_wait3A_37 = tpu.memref_slice %arg4[%add3A_24] : memref<323584xi32, #tpu.memory_space<hbm>> -> memref<128xi32, #tpu.memory_space<hbm>>
        %dma_wait3A_38 = tpu.memref_slice %arg4[%add3A_24] : memref<323584xi32, #tpu.memory_space<hbm>> -> memref<128xi32, #tpu.memory_space<hbm>>
        tpu.wait_dma2 semaphore(%run_scoped3A : memref<!tpu.dma_semaphore, #tpu.memory_space<semaphore_mem>>) src(%dma_wait3A_38 : memref<128xi32, #tpu.memory_space<hbm>>) dst(%arg8 : memref<128xi32, #tpu.memory_space<vmem>>)
        tpu.yield
      }) : () -> ()
      "tpu.region"() ({
        %run_scoped3A = tpu.sem_alloc : memref<!tpu.dma_semaphore, #tpu.memory_space<semaphore_mem>>
        %dma_start3A_35 = tpu.memref_slice %arg5[%add3A_24] : memref<323584xf32, #tpu.memory_space<hbm>> -> memref<128xf32, #tpu.memory_space<hbm>>
        %dma_start3A_36 = tpu.memref_slice %arg5[%add3A_24] : memref<323584xf32, #tpu.memory_space<hbm>> -> memref<128xf32, #tpu.memory_space<hbm>>
        tpu.enqueue_dma source(%dma_start3A_36 : memref<128xf32, #tpu.memory_space<hbm>>) target(%arg9 : memref<128xf32, #tpu.memory_space<vmem>>) target_semaphore(%run_scoped3A : memref<!tpu.dma_semaphore, #tpu.memory_space<semaphore_mem>>)
        %dma_wait3A_37 = tpu.memref_slice %arg5[%add3A_24] : memref<323584xf32, #tpu.memory_space<hbm>> -> memref<128xf32, #tpu.memory_space<hbm>>
        %dma_wait3A_38 = tpu.memref_slice %arg5[%add3A_24] : memref<323584xf32, #tpu.memory_space<hbm>> -> memref<128xf32, #tpu.memory_space<hbm>>
        tpu.wait_dma2 semaphore(%run_scoped3A : memref<!tpu.dma_semaphore, #tpu.memory_space<semaphore_mem>>) src(%dma_wait3A_38 : memref<128xf32, #tpu.memory_space<hbm>>) dst(%arg9 : memref<128xf32, #tpu.memory_space<vmem>>)
        tpu.yield
      }) : () -> ()
      %dma_start3A = arith.constant 0 : i32
      %dma_start3A_25 = arith.constant 0 : i32
      %dma_start3A_26 = tpu.memref_slice %arg2[%dma_start3A, %dma_start3A_25] : memref<10000x128xf32, #tpu.memory_space<hbm>> -> memref<10000x128xf32, #tpu.memory_space<hbm>>
      tpu.enqueue_indirect_dma source(%dma_start3A_26 : memref<10000x128xf32, #tpu.memory_space<hbm>>) target(%arg10 : memref<128x128xf32, #tpu.memory_space<vmem>>) offsets(%arg7 : memref<128xi32, #tpu.memory_space<vmem>>) semaphore(%arg13 : memref<!tpu.dma_semaphore, #tpu.memory_space<semaphore_mem>>)
      %dma_wait3A = arith.constant 0 : i32
      %dma_wait3A_27 = arith.constant 0 : i32
      %dma_wait3A_28 = tpu.memref_slice %arg2[%dma_wait3A, %dma_wait3A_27] : memref<10000x128xf32, #tpu.memory_space<hbm>> -> memref<10000x128xf32, #tpu.memory_space<hbm>>
      tpu.wait_indirect_dma semaphore(%arg13 : memref<!tpu.dma_semaphore, #tpu.memory_space<semaphore_mem>>) src(%dma_wait3A_28 : memref<10000x128xf32, #tpu.memory_space<hbm>>) dst(%arg10 : memref<128x128xf32, #tpu.memory_space<vmem>>)
      %scan3A_29 = arith.constant 0 : i32
      %scan3A_30 = arith.constant 0 : i32
      %scan3A_31 = arith.constant 8 : i32
      %scan3A_32 = arith.addi %scan3A_30, %scan3A_31 : i32
      %scan3A_33 = arith.constant 1 : i32
      scf.for %scan3A_35 = %scan3A_30 to %scan3A_32 step %scan3A_33  : i32 {
        %mul3A_36 = arith.constant 16 : i32
        %mul3A_37 = arith.muli %scan3A_35, %mul3A_36 : i32
        %get3A = arith.index_cast %mul3A_37 : i32 to index
        %get3A_38 = tpu.vector_load %arg9[%get3A] {strides = array<i32>} : memref<128xf32, #tpu.memory_space<vmem>>, vector<16xf32>,
        %get3A_39 = vector.shape_cast %get3A_38 : vector<16xf32> to vector<16xf32>
        %broadcast_in_dim3A = arith.constant 0 : i32
        %broadcast_in_dim3A_40 = vector.broadcast %broadcast_in_dim3A : i32 to vector<16x1xi32>
        %gather3A = vector.shape_cast %broadcast_in_dim3A_40 : vector<16x1xi32> to vector<16xi32>
        %gather3A_41 = tpu.dynamic_gather %get3A_39[%gather3A] in [0] : vector<16xf32>, vector<16xi32> -> vector<16xf32>
        %mul3A_42 = arith.constant 16 : i32
        %mul3A_43 = arith.muli %scan3A_35, %mul3A_42 : i32
        %add3A_44 = arith.constant 0 : i32
        %add3A_45 = arith.addi %mul3A_43, %add3A_44 : i32
        %get3A_46 = arith.index_cast %add3A_45 : i32 to index
        %get3A_47 = arith.constant 0 : index
        %get3A_48 = tpu.vector_load %arg10[%get3A_46, %get3A_47] {strides = array<i32>} : memref<128x128xf32, #tpu.memory_space<vmem>>, vector<1x16xf32>,
        %get3A_49 = vector.shape_cast %get3A_48 : vector<1x16xf32> to vector<16xf32>
        %mul3A_50 = arith.mulf %get3A_49, %gather3A_41 : vector<16xf32>
        %swap3A = arith.index_cast %add3A_45 : i32 to index
        %swap3A_51 = arith.constant 0 : index
        %swap3A_52 = tpu.vector_load %arg10[%swap3A, %swap3A_51] {strides = array<i32>} : memref<128x128xf32, #tpu.memory_space<vmem>>, vector<1x16xf32>,
        %swap3A_53 = vector.shape_cast %swap3A_52 : vector<1x16xf32> to vector<16xf32>
        %swap3A_54 = vector.shape_cast %mul3A_50 : vector<16xf32> to vector<1x16xf32>
        tpu.vector_store %arg10[%swap3A, %swap3A_51], %swap3A_54 {strides = array<i32>} : memref<128x128xf32, #tpu.memory_space<vmem>>, vector<1x16xf32>,
        %get3A_55 = arith.index_cast %add3A_45 : i32 to index
        %get3A_56 = arith.constant 16 : index
        %get3A_57 = tpu.vector_load %arg10[%get3A_55, %get3A_56] {strides = array<i32>} : memref<128x128xf32, #tpu.memory_space<vmem>>, vector<1x16xf32>,
        %get3A_58 = vector.shape_cast %get3A_57 : vector<1x16xf32> to vector<16xf32>
        %mul3A_59 = arith.mulf %get3A_58, %gather3A_41 : vector<16xf32>
        %swap3A_60 = arith.index_cast %add3A_45 : i32 to index
        %swap3A_61 = arith.constant 16 : index
        %swap3A_62 = tpu.vector_load %arg10[%swap3A_60, %swap3A_61] {strides = array<i32>} : memref<128x128xf32, #tpu.memory_space<vmem>>, vector<1x16xf32>,
        %swap3A_63 = vector.shape_cast %swap3A_62 : vector<1x16xf32> to vector<16xf32>
        %swap3A_64 = vector.shape_cast %mul3A_59 : vector<16xf32> to vector<1x16xf32>
        tpu.vector_store %arg10[%swap3A_60, %swap3A_61], %swap3A_64 {strides = array<i32>} : memref<128x128xf32, #tpu.memory_space<vmem>>, vector<1x16xf32>,
        %get3A_65 = arith.index_cast %add3A_45 : i32 to index
        %get3A_66 = arith.constant 32 : index
        %get3A_67 = tpu.vector_load %arg10[%get3A_65, %get3A_66] {strides = array<i32>} : memref<128x128xf32, #tpu.memory_space<vmem>>, vector<1x16xf32>,
        %get3A_68 = vector.shape_cast %get3A_67 : vector<1x16xf32> to vector<16xf32>
        %mul3A_69 = arith.mulf %get3A_68, %gather3A_41 : vector<16xf32>
        %swap3A_70 = arith.index_cast %add3A_45 : i32 to index
        %swap3A_71 = arith.constant 32 : index
        %swap3A_72 = tpu.vector_load %arg10[%swap3A_70, %swap3A_71] {strides = array<i32>} : memref<128x128xf32, #tpu.memory_space<vmem>>, vector<1x16xf32>,
        %swap3A_73 = vector.shape_cast %swap3A_72 : vector<1x16xf32> to vector<16xf32>
        %swap3A_74 = vector.shape_cast %mul3A_69 : vector<16xf32> to vector<1x16xf32>
        tpu.vector_store %arg10[%swap3A_70, %swap3A_71], %swap3A_74 {strides = array<i32>} : memref<128x128xf32, #tpu.memory_space<vmem>>, vector<1x16xf32>,
        %get3A_75 = arith.index_cast %add3A_45 : i32 to index
        %get3A_76 = arith.constant 48 : index
        %get3A_77 = tpu.vector_load %arg10[%get3A_75, %get3A_76] {strides = array<i32>} : memref<128x128xf32, #tpu.memory_space<vmem>>, vector<1x16xf32>,
        %get3A_78 = vector.shape_cast %get3A_77 : vector<1x16xf32> to vector<16xf32>
        %mul3A_79 = arith.mulf %get3A_78, %gather3A_41 : vector<16xf32>
        %swap3A_80 = arith.index_cast %add3A_45 : i32 to index
        %swap3A_81 = arith.constant 48 : index
        %swap3A_82 = tpu.vector_load %arg10[%swap3A_80, %swap3A_81] {strides = array<i32>} : memref<128x128xf32, #tpu.memory_space<vmem>>, vector<1x16xf32>,
        %swap3A_83 = vector.shape_cast %swap3A_82 : vector<1x16xf32> to vector<16xf32>
        %swap3A_84 = vector.shape_cast %mul3A_79 : vector<16xf32> to vector<1x16xf32>
        tpu.vector_store %arg10[%swap3A_80, %swap3A_81], %swap3A_84 {strides = array<i32>} : memref<128x128xf32, #tpu.memory_space<vmem>>, vector<1x16xf32>,
        %get3A_85 = arith.index_cast %add3A_45 : i32 to index
        %get3A_86 = arith.constant 64 : index
        %get3A_87 = tpu.vector_load %arg10[%get3A_85, %get3A_86] {strides = array<i32>} : memref<128x128xf32, #tpu.memory_space<vmem>>, vector<1x16xf32>,
        %get3A_88 = vector.shape_cast %get3A_87 : vector<1x16xf32> to vector<16xf32>
        %mul3A_89 = arith.mulf %get3A_88, %gather3A_41 : vector<16xf32>
        %swap3A_90 = arith.index_cast %add3A_45 : i32 to index
        %swap3A_91 = arith.constant 64 : index
        %swap3A_92 = tpu.vector_load %arg10[%swap3A_90, %swap3A_91] {strides = array<i32>} : memref<128x128xf32, #tpu.memory_space<vmem>>, vector<1x16xf32>,
        %swap3A_93 = vector.shape_cast %swap3A_92 : vector<1x16xf32> to vector<16xf32>
        %swap3A_94 = vector.shape_cast %mul3A_89 : vector<16xf32> to vector<1x16xf32>
        tpu.vector_store %arg10[%swap3A_90, %swap3A_91], %swap3A_94 {strides = array<i32>} : memref<128x128xf32, #tpu.memory_space<vmem>>, vector<1x16xf32>,
        %get3A_95 = arith.index_cast %add3A_45 : i32 to index
        %get3A_96 = arith.constant 80 : index
        %get3A_97 = tpu.vector_load %arg10[%get3A_95, %get3A_96] {strides = array<i32>} : memref<128x128xf32, #tpu.memory_space<vmem>>, vector<1x16xf32>,
        %get3A_98 = vector.shape_cast %get3A_97 : vector<1x16xf32> to vector<16xf32>
        %mul3A_99 = arith.mulf %get3A_98, %gather3A_41 : vector<16xf32>
        %swap3A_100 = arith.index_cast %add3A_45 : i32 to index
        %swap3A_101 = arith.constant 80 : index
        %swap3A_102 = tpu.vector_load %arg10[%swap3A_100, %swap3A_101] {strides = array<i32>} : memref<128x128xf32, #tpu.memory_space<vmem>>, vector<1x16xf32>,
        %swap3A_103 = vector.shape_cast %swap3A_102 : vector<1x16xf32> to vector<16xf32>
        %swap3A_104 = vector.shape_cast %mul3A_99 : vector<16xf32> to vector<1x16xf32>
        tpu.vector_store %arg10[%swap3A_100, %swap3A_101], %swap3A_104 {strides = array<i32>} : memref<128x128xf32, #tpu.memory_space<vmem>>, vector<1x16xf32>,
        %get3A_105 = arith.index_cast %add3A_45 : i32 to index
        %get3A_106 = arith.constant 96 : index
        %get3A_107 = tpu.vector_load %arg10[%get3A_105, %get3A_106] {strides = array<i32>} : memref<128x128xf32, #tpu.memory_space<vmem>>, vector<1x16xf32>,
        %get3A_108 = vector.shape_cast %get3A_107 : vector<1x16xf32> to vector<16xf32>
        %mul3A_109 = arith.mulf %get3A_108, %gather3A_41 : vector<16xf32>
        %swap3A_110 = arith.index_cast %add3A_45 : i32 to index
        %swap3A_111 = arith.constant 96 : index
        %swap3A_112 = tpu.vector_load %arg10[%swap3A_110, %swap3A_111] {strides = array<i32>} : memref<128x128xf32, #tpu.memory_space<vmem>>, vector<1x16xf32>,
        %swap3A_113 = vector.shape_cast %swap3A_112 : vector<1x16xf32> to vector<16xf32>
        %swap3A_114 = vector.shape_cast %mul3A_109 : vector<16xf32> to vector<1x16xf32>
        tpu.vector_store %arg10[%swap3A_110, %swap3A_111], %swap3A_114 {strides = array<i32>} : memref<128x128xf32, #tpu.memory_space<vmem>>, vector<1x16xf32>,
        %get3A_115 = arith.index_cast %add3A_45 : i32 to index
        %get3A_116 = arith.constant 112 : index
        %get3A_117 = tpu.vector_load %arg10[%get3A_115, %get3A_116] {strides = array<i32>} : memref<128x128xf32, #tpu.memory_space<vmem>>, vector<1x16xf32>,
        %get3A_118 = vector.shape_cast %get3A_117 : vector<1x16xf32> to vector<16xf32>
        %mul3A_119 = arith.mulf %get3A_118, %gather3A_41 : vector<16xf32>
        %swap3A_120 = arith.index_cast %add3A_45 : i32 to index
        %swap3A_121 = arith.constant 112 : index
        %swap3A_122 = tpu.vector_load %arg10[%swap3A_120, %swap3A_121] {strides = array<i32>} : memref<128x128xf32, #tpu.memory_space<vmem>>, vector<1x16xf32>,
        %swap3A_123 = vector.shape_cast %swap3A_122 : vector<1x16xf32> to vector<16xf32>
        %swap3A_124 = vector.shape_cast %mul3A_119 : vector<16xf32> to vector<1x16xf32>
        tpu.vector_store %arg10[%swap3A_120, %swap3A_121], %swap3A_124 {strides = array<i32>} : memref<128x128xf32, #tpu.memory_space<vmem>>, vector<1x16xf32>,
        %broadcast_in_dim3A_125 = arith.constant 1 : i32
        %broadcast_in_dim3A_126 = vector.broadcast %broadcast_in_dim3A_125 : i32 to vector<16x1xi32>
        %gather3A_127 = vector.shape_cast %broadcast_in_dim3A_126 : vector<16x1xi32> to vector<16xi32>
        %gather3A_128 = tpu.dynamic_gather %get3A_39[%gather3A_127] in [0] : vector<16xf32>, vector<16xi32> -> vector<16xf32>
        %mul3A_129 = arith.constant 16 : i32
        %mul3A_130 = arith.muli %scan3A_35, %mul3A_129 : i32
        %add3A_131 = arith.constant 1 : i32
        %add3A_132 = arith.addi %mul3A_130, %add3A_131 : i32
        %get3A_133 = arith.index_cast %add3A_132 : i32 to index
        %get3A_134 = arith.constant 0 : index
        %get3A_135 = tpu.vector_load %arg10[%get3A_133, %get3A_134] {strides = array<i32>} : memref<128x128xf32, #tpu.memory_space<vmem>>, vector<1x16xf32>,
        %get3A_136 = vector.shape_cast %get3A_135 : vector<1x16xf32> to vector<16xf32>
        %mul3A_137 = arith.mulf %get3A_136, %gather3A_128 : vector<16xf32>
        %swap3A_138 = arith.index_cast %add3A_132 : i32 to index
        %swap3A_139 = arith.constant 0 : index
        %swap3A_140 = tpu.vector_load %arg10[%swap3A_138, %swap3A_139] {strides = array<i32>} : memref<128x128xf32, #tpu.memory_space<vmem>>, vector<1x16xf32>,
        %swap3A_141 = vector.shape_cast %swap3A_140 : vector<1x16xf32> to vector<16xf32>
        %swap3A_142 = vector.shape_cast %mul3A_137 : vector<16xf32> to vector<1x16xf32>
        tpu.vector_store %arg10[%swap3A_138, %swap3A_139], %swap3A_142 {strides = array<i32>} : memref<128x128xf32, #tpu.memory_space<vmem>>, vector<1x16xf32>,
        %get3A_143 = arith.index_cast %add3A_132 : i32 to index
        %get3A_144 = arith.constant 16 : index
        %get3A_145 = tpu.vector_load %arg10[%get3A_143, %get3A_144] {strides = array<i32>} : memref<128x128xf32, #tpu.memory_space<vmem>>, vector<1x16xf32>,
        %get3A_146 = vector.shape_cast %get3A_145 : vector<1x16xf32> to vector<16xf32>
        %mul3A_147 = arith.mulf %get3A_146, %gather3A_128 : vector<16xf32>
        %swap3A_148 = arith.index_cast %add3A_132 : i32 to index
        %swap3A_149 = arith.constant 16 : index
        %swap3A_150 = tpu.vector_load %arg10[%swap3A_148, %swap3A_149] {strides = array<i32>} : memref<128x128xf32, #tpu.memory_space<vmem>>, vector<1x16xf32>,
        %swap3A_151 = vector.shape_cast %swap3A_150 : vector<1x16xf32> to vector<16xf32>
        %swap3A_152 = vector.shape_cast %mul3A_147 : vector<16xf32> to vector<1x16xf32>
        tpu.vector_store %arg10[%swap3A_148, %swap3A_149], %swap3A_152 {strides = array<i32>} : memref<128x128xf32, #tpu.memory_space<vmem>>, vector<1x16xf32>,
        %get3A_153 = arith.index_cast %add3A_132 : i32 to index
        %get3A_154 = arith.constant 32 : index
        %get3A_155 = tpu.vector_load %arg10[%get3A_153, %get3A_154] {strides = array<i32>} : memref<128x128xf32, #tpu.memory_space<vmem>>, vector<1x16xf32>,
        %get3A_156 = vector.shape_cast %get3A_155 : vector<1x16xf32> to vector<16xf32>
        %mul3A_157 = arith.mulf %get3A_156, %gather3A_128 : vector<16xf32>
        %swap3A_158 = arith.index_cast %add3A_132 : i32 to index
        %swap3A_159 = arith.constant 32 : index
        %swap3A_160 = tpu.vector_load %arg10[%swap3A_158, %swap3A_159] {strides = array<i32>} : memref<128x128xf32, #tpu.memory_space<vmem>>, vector<1x16xf32>,
        %swap3A_161 = vector.shape_cast %swap3A_160 : vector<1x16xf32> to vector<16xf32>
        %swap3A_162 = vector.shape_cast %mul3A_157 : vector<16xf32> to vector<1x16xf32>
        tpu.vector_store %arg10[%swap3A_158, %swap3A_159], %swap3A_162 {strides = array<i32>} : memref<128x128xf32, #tpu.memory_space<vmem>>, vector<1x16xf32>,
        %get3A_163 = arith.index_cast %add3A_132 : i32 to index
        %get3A_164 = arith.constant 48 : index
        %get3A_165 = tpu.vector_load %arg10[%get3A_163, %get3A_164] {strides = array<i32>} : memref<128x128xf32, #tpu.memory_space<vmem>>, vector<1x16xf32>,
        %get3A_166 = vector.shape_cast %get3A_165 : vector<1x16xf32> to vector<16xf32>
        %mul3A_167 = arith.mulf %get3A_166, %gather3A_128 : vector<16xf32>
        %swap3A_168 = arith.index_cast %add3A_132 : i32 to index
        %swap3A_169 = arith.constant 48 : index
        %swap3A_170 = tpu.vector_load %arg10[%swap3A_168, %swap3A_169] {strides = array<i32>} : memref<128x128xf32, #tpu.memory_space<vmem>>, vector<1x16xf32>,
        %swap3A_171 = vector.shape_cast %swap3A_170 : vector<1x16xf32> to vector<16xf32>
        %swap3A_172 = vector.shape_cast %mul3A_167 : vector<16xf32> to vector<1x16xf32>
        tpu.vector_store %arg10[%swap3A_168, %swap3A_169], %swap3A_172 {strides = array<i32>} : memref<128x128xf32, #tpu.memory_space<vmem>>, vector<1x16xf32>,
        %get3A_173 = arith.index_cast %add3A_132 : i32 to index
        %get3A_174 = arith.constant 64 : index
        %get3A_175 = tpu.vector_load %arg10[%get3A_173, %get3A_174] {strides = array<i32>} : memref<128x128xf32, #tpu.memory_space<vmem>>, vector<1x16xf32>,
        %get3A_176 = vector.shape_cast %get3A_175 : vector<1x16xf32> to vector<16xf32>
        %mul3A_177 = arith.mulf %get3A_176, %gather3A_128 : vector<16xf32>
        %swap3A_178 = arith.index_cast %add3A_132 : i32 to index
        %swap3A_179 = arith.constant 64 : index
        %swap3A_180 = tpu.vector_load %arg10[%swap3A_178, %swap3A_179] {strides = array<i32>} : memref<128x128xf32, #tpu.memory_space<vmem>>, vector<1x16xf32>,
        %swap3A_181 = vector.shape_cast %swap3A_180 : vector<1x16xf32> to vector<16xf32>
        %swap3A_182 = vector.shape_cast %mul3A_177 : vector<16xf32> to vector<1x16xf32>
        tpu.vector_store %arg10[%swap3A_178, %swap3A_179], %swap3A_182 {strides = array<i32>} : memref<128x128xf32, #tpu.memory_space<vmem>>, vector<1x16xf32>,
        %get3A_183 = arith.index_cast %add3A_132 : i32 to index
        %get3A_184 = arith.constant 80 : index
        %get3A_185 = tpu.vector_load %arg10[%get3A_183, %get3A_184] {strides = array<i32>} : memref<128x128xf32, #tpu.memory_space<vmem>>, vector<1x16xf32>,
        %get3A_186 = vector.shape_cast %get3A_185 : vector<1x16xf32> to vector<16xf32>
        %mul3A_187 = arith.mulf %get3A_186, %gather3A_128 : vector<16xf32>
        %swap3A_188 = arith.index_cast %add3A_132 : i32 to index
        %swap3A_189 = arith.constant 80 : index
        %swap3A_190 = tpu.vector_load %arg10[%swap3A_188, %swap3A_189] {strides = array<i32>} : memref<128x128xf32, #tpu.memory_space<vmem>>, vector<1x16xf32>,
        %swap3A_191 = vector.shape_cast %swap3A_190 : vector<1x16xf32> to vector<16xf32>
        %swap3A_192 = vector.shape_cast %mul3A_187 : vector<16xf32> to vector<1x16xf32>
        tpu.vector_store %arg10[%swap3A_188, %swap3A_189], %swap3A_192 {strides = array<i32>} : memref<128x128xf32, #tpu.memory_space<vmem>>, vector<1x16xf32>,
        %get3A_193 = arith.index_cast %add3A_132 : i32 to index
        %get3A_194 = arith.constant 96 : index
        %get3A_195 = tpu.vector_load %arg10[%get3A_193, %get3A_194] {strides = array<i32>} : memref<128x128xf32, #tpu.memory_space<vmem>>, vector<1x16xf32>,
        %get3A_196 = vector.shape_cast %get3A_195 : vector<1x16xf32> to vector<16xf32>
        %mul3A_197 = arith.mulf %get3A_196, %gather3A_128 : vector<16xf32>
        %swap3A_198 = arith.index_cast %add3A_132 : i32 to index
        %swap3A_199 = arith.constant 96 : index
        %swap3A_200 = tpu.vector_load %arg10[%swap3A_198, %swap3A_199] {strides = array<i32>} : memref<128x128xf32, #tpu.memory_space<vmem>>, vector<1x16xf32>,
        %swap3A_201 = vector.shape_cast %swap3A_200 : vector<1x16xf32> to vector<16xf32>
        %swap3A_202 = vector.shape_cast %mul3A_197 : vector<16xf32> to vector<1x16xf32>
        tpu.vector_store %arg10[%swap3A_198, %swap3A_199], %swap3A_202 {strides = array<i32>} : memref<128x128xf32, #tpu.memory_space<vmem>>, vector<1x16xf32>,
        %get3A_203 = arith.index_cast %add3A_132 : i32 to index
        %get3A_204 = arith.constant 112 : index
        %get3A_205 = tpu.vector_load %arg10[%get3A_203, %get3A_204] {strides = array<i32>} : memref<128x128xf32, #tpu.memory_space<vmem>>, vector<1x16xf32>,
        %get3A_206 = vector.shape_cast %get3A_205 : vector<1x16xf32> to vector<16xf32>
        %mul3A_207 = arith.mulf %get3A_206, %gather3A_128 : vector<16xf32>
        %swap3A_208 = arith.index_cast %add3A_132 : i32 to index
        %swap3A_209 = arith.constant 112 : index
        %swap3A_210 = tpu.vector_load %arg10[%swap3A_208, %swap3A_209] {strides = array<i32>} : memref<128x128xf32, #tpu.memory_space<vmem>>, vector<1x16xf32>,
        %swap3A_211 = vector.shape_cast %swap3A_210 : vector<1x16xf32> to vector<16xf32>
        %swap3A_212 = vector.shape_cast %mul3A_207 : vector<16xf32> to vector<1x16xf32>
        tpu.vector_store %arg10[%swap3A_208, %swap3A_209], %swap3A_212 {strides = array<i32>} : memref<128x128xf32, #tpu.memory_space<vmem>>, vector<1x16xf32>,
        %broadcast_in_dim3A_213 = arith.constant 2 : i32
        %broadcast_in_dim3A_214 = vector.broadcast %broadcast_in_dim3A_213 : i32 to vector<16x1xi32>
        %gather3A_215 = vector.shape_cast %broadcast_in_dim3A_214 : vector<16x1xi32> to vector<16xi32>
        %gather3A_216 = tpu.dynamic_gather %get3A_39[%gather3A_215] in [0] : vector<16xf32>, vector<16xi32> -> vector<16xf32>
        %mul3A_217 = arith.constant 16 : i32
        %mul3A_218 = arith.muli %scan3A_35, %mul3A_217 : i32
        %add3A_219 = arith.constant 2 : i32
        %add3A_220 = arith.addi %mul3A_218, %add3A_219 : i32
        %get3A_221 = arith.index_cast %add3A_220 : i32 to index
        %get3A_222 = arith.constant 0 : index
        %get3A_223 = tpu.vector_load %arg10[%get3A_221, %get3A_222] {strides = array<i32>} : memref<128x128xf32, #tpu.memory_space<vmem>>, vector<1x16xf32>,
        %get3A_224 = vector.shape_cast %get3A_223 : vector<1x16xf32> to vector<16xf32>
        %mul3A_225 = arith.mulf %get3A_224, %gather3A_216 : vector<16xf32>
        %swap3A_226 = arith.index_cast %add3A_220 : i32 to index
        %swap3A_227 = arith.constant 0 : index
        %swap3A_228 = tpu.vector_load %arg10[%swap3A_226, %swap3A_227] {strides = array<i32>} : memref<128x128xf32, #tpu.memory_space<vmem>>, vector<1x16xf32>,
        %swap3A_229 = vector.shape_cast %swap3A_228 : vector<1x16xf32> to vector<16xf32>
        %swap3A_230 = vector.shape_cast %mul3A_225 : vector<16xf32> to vector<1x16xf32>
        tpu.vector_store %arg10[%swap3A_226, %swap3A_227], %swap3A_230 {strides = array<i32>} : memref<128x128xf32, #tpu.memory_space<vmem>>, vector<1x16xf32>,
        %get3A_231 = arith.index_cast %add3A_220 : i32 to index
        %get3A_232 = arith.constant 16 : index
        %get3A_233 = tpu.vector_load %arg10[%get3A_231, %get3A_232] {strides = array<i32>} : memref<128x128xf32, #tpu.memory_space<vmem>>, vector<1x16xf32>,
        %get3A_234 = vector.shape_cast %get3A_233 : vector<1x16xf32> to vector<16xf32>
        %mul3A_235 = arith.mulf %get3A_234, %gather3A_216 : vector<16xf32>
        %swap3A_236 = arith.index_cast %add3A_220 : i32 to index
        %swap3A_237 = arith.constant 16 : index
        %swap3A_238 = tpu.vector_load %arg10[%swap3A_236, %swap3A_237] {strides = array<i32>} : memref<128x128xf32, #tpu.memory_space<vmem>>, vector<1x16xf32>,
        %swap3A_239 = vector.shape_cast %swap3A_238 : vector<1x16xf32> to vector<16xf32>
        %swap3A_240 = vector.shape_cast %mul3A_235 : vector<16xf32> to vector<1x16xf32>
        tpu.vector_store %arg10[%swap3A_236, %swap3A_237], %swap3A_240 {strides = array<i32>} : memref<128x128xf32, #tpu.memory_space<vmem>>, vector<1x16xf32>,
        %get3A_241 = arith.index_cast %add3A_220 : i32 to index
        %get3A_242 = arith.constant 32 : index
        %get3A_243 = tpu.vector_load %arg10[%get3A_241, %get3A_242] {strides = array<i32>} : memref<128x128xf32, #tpu.memory_space<vmem>>, vector<1x16xf32>,
        %get3A_244 = vector.shape_cast %get3A_243 : vector<1x16xf32> to vector<16xf32>
        %mul3A_245 = arith.mulf %get3A_244, %gather3A_216 : vector<16xf32>
        %swap3A_246 = arith.index_cast %add3A_220 : i32 to index
        %swap3A_247 = arith.constant 32 : index
        %swap3A_248 = tpu.vector_load %arg10[%swap3A_246, %swap3A_247] {strides = array<i32>} : memref<128x128xf32, #tpu.memory_space<vmem>>, vector<1x16xf32>,
        %swap3A_249 = vector.shape_cast %swap3A_248 : vector<1x16xf32> to vector<16xf32>
        %swap3A_250 = vector.shape_cast %mul3A_245 : vector<16xf32> to vector<1x16xf32>
        tpu.vector_store %arg10[%swap3A_246, %swap3A_247], %swap3A_250 {strides = array<i32>} : memref<128x128xf32, #tpu.memory_space<vmem>>, vector<1x16xf32>,
        %get3A_251 = arith.index_cast %add3A_220 : i32 to index
        %get3A_252 = arith.constant 48 : index
        %get3A_253 = tpu.vector_load %arg10[%get3A_251, %get3A_252] {strides = array<i32>} : memref<128x128xf32, #tpu.memory_space<vmem>>, vector<1x16xf32>,
        %get3A_254 = vector.shape_cast %get3A_253 : vector<1x16xf32> to vector<16xf32>
        %mul3A_255 = arith.mulf %get3A_254, %gather3A_216 : vector<16xf32>
        %swap3A_256 = arith.index_cast %add3A_220 : i32 to index
        %swap3A_257 = arith.constant 48 : index
        %swap3A_258 = tpu.vector_load %arg10[%swap3A_256, %swap3A_257] {strides = array<i32>} : memref<128x128xf32, #tpu.memory_space<vmem>>, vector<1x16xf32>,
        %swap3A_259 = vector.shape_cast %swap3A_258 : vector<1x16xf32> to vector<16xf32>
        %swap3A_260 = vector.shape_cast %mul3A_255 : vector<16xf32> to vector<1x16xf32>
        tpu.vector_store %arg10[%swap3A_256, %swap3A_257], %swap3A_260 {strides = array<i32>} : memref<128x128xf32, #tpu.memory_space<vmem>>, vector<1x16xf32>,
        %get3A_261 = arith.index_cast %add3A_220 : i32 to index
        %get3A_262 = arith.constant 64 : index
        %get3A_263 = tpu.vector_load %arg10[%get3A_261, %get3A_262] {strides = array<i32>} : memref<128x128xf32, #tpu.memory_space<vmem>>, vector<1x16xf32>,
        %get3A_264 = vector.shape_cast %get3A_263 : vector<1x16xf32> to vector<16xf32>
        %mul3A_265 = arith.mulf %get3A_264, %gather3A_216 : vector<16xf32>
        %swap3A_266 = arith.index_cast %add3A_220 : i32 to index
        %swap3A_267 = arith.constant 64 : index
        %swap3A_268 = tpu.vector_load %arg10[%swap3A_266, %swap3A_267] {strides = array<i32>} : memref<128x128xf32, #tpu.memory_space<vmem>>, vector<1x16xf32>,
        %swap3A_269 = vector.shape_cast %swap3A_268 : vector<1x16xf32> to vector<16xf32>
        %swap3A_270 = vector.shape_cast %mul3A_265 : vector<16xf32> to vector<1x16xf32>
        tpu.vector_store %arg10[%swap3A_266, %swap3A_267], %swap3A_270 {strides = array<i32>} : memref<128x128xf32, #tpu.memory_space<vmem>>, vector<1x16xf32>,
        %get3A_271 = arith.index_cast %add3A_220 : i32 to index
        %get3A_272 = arith.constant 80 : index
        %get3A_273 = tpu.vector_load %arg10[%get3A_271, %get3A_272] {strides = array<i32>} : memref<128x128xf32, #tpu.memory_space<vmem>>, vector<1x16xf32>,
        %get3A_274 = vector.shape_cast %get3A_273 : vector<1x16xf32> to vector<16xf32>
        %mul3A_275 = arith.mulf %get3A_274, %gather3A_216 : vector<16xf32>
        %swap3A_276 = arith.index_cast %add3A_220 : i32 to index
        %swap3A_277 = arith.constant 80 : index
        %swap3A_278 = tpu.vector_load %arg10[%swap3A_276, %swap3A_277] {strides = array<i32>} : memref<128x128xf32, #tpu.memory_space<vmem>>, vector<1x16xf32>,
        %swap3A_279 = vector.shape_cast %swap3A_278 : vector<1x16xf32> to vector<16xf32>
        %swap3A_280 = vector.shape_cast %mul3A_275 : vector<16xf32> to vector<1x16xf32>
        tpu.vector_store %arg10[%swap3A_276, %swap3A_277], %swap3A_280 {strides = array<i32>} : memref<128x128xf32, #tpu.memory_space<vmem>>, vector<1x16xf32>,
        %get3A_281 = arith.index_cast %add3A_220 : i32 to index
        %get3A_282 = arith.constant 96 : index
        %get3A_283 = tpu.vector_load %arg10[%get3A_281, %get3A_282] {strides = array<i32>} : memref<128x128xf32, #tpu.memory_space<vmem>>, vector<1x16xf32>,
        %get3A_284 = vector.shape_cast %get3A_283 : vector<1x16xf32> to vector<16xf32>
        %mul3A_285 = arith.mulf %get3A_284, %gather3A_216 : vector<16xf32>
        %swap3A_286 = arith.index_cast %add3A_220 : i32 to index
        %swap3A_287 = arith.constant 96 : index
        %swap3A_288 = tpu.vector_load %arg10[%swap3A_286, %swap3A_287] {strides = array<i32>} : memref<128x128xf32, #tpu.memory_space<vmem>>, vector<1x16xf32>,
        %swap3A_289 = vector.shape_cast %swap3A_288 : vector<1x16xf32> to vector<16xf32>
        %swap3A_290 = vector.shape_cast %mul3A_285 : vector<16xf32> to vector<1x16xf32>
        tpu.vector_store %arg10[%swap3A_286, %swap3A_287], %swap3A_290 {strides = array<i32>} : memref<128x128xf32, #tpu.memory_space<vmem>>, vector<1x16xf32>,
        %get3A_291 = arith.index_cast %add3A_220 : i32 to index
        %get3A_292 = arith.constant 112 : index
        %get3A_293 = tpu.vector_load %arg10[%get3A_291, %get3A_292] {strides = array<i32>} : memref<128x128xf32, #tpu.memory_space<vmem>>, vector<1x16xf32>,
        %get3A_294 = vector.shape_cast %get3A_293 : vector<1x16xf32> to vector<16xf32>
        %mul3A_295 = arith.mulf %get3A_294, %gather3A_216 : vector<16xf32>
        %swap3A_296 = arith.index_cast %add3A_220 : i32 to index
        %swap3A_297 = arith.constant 112 : index
        %swap3A_298 = tpu.vector_load %arg10[%swap3A_296, %swap3A_297] {strides = array<i32>} : memref<128x128xf32, #tpu.memory_space<vmem>>, vector<1x16xf32>,
        %swap3A_299 = vector.shape_cast %swap3A_298 : vector<1x16xf32> to vector<16xf32>
        %swap3A_300 = vector.shape_cast %mul3A_295 : vector<16xf32> to vector<1x16xf32>
        tpu.vector_store %arg10[%swap3A_296, %swap3A_297], %swap3A_300 {strides = array<i32>} : memref<128x128xf32, #tpu.memory_space<vmem>>, vector<1x16xf32>,
        %broadcast_in_dim3A_301 = arith.constant 3 : i32
        %broadcast_in_dim3A_302 = vector.broadcast %broadcast_in_dim3A_301 : i32 to vector<16x1xi32>
        %gather3A_303 = vector.shape_cast %broadcast_in_dim3A_302 : vector<16x1xi32> to vector<16xi32>
        %gather3A_304 = tpu.dynamic_gather %get3A_39[%gather3A_303] in [0] : vector<16xf32>, vector<16xi32> -> vector<16xf32>
        %mul3A_305 = arith.constant 16 : i32
        %mul3A_306 = arith.muli %scan3A_35, %mul3A_305 : i32
        %add3A_307 = arith.constant 3 : i32
        %add3A_308 = arith.addi %mul3A_306, %add3A_307 : i32
        %get3A_309 = arith.index_cast %add3A_308 : i32 to index
        %get3A_310 = arith.constant 0 : index
        %get3A_311 = tpu.vector_load %arg10[%get3A_309, %get3A_310] {strides = array<i32>} : memref<128x128xf32, #tpu.memory_space<vmem>>, vector<1x16xf32>,
        %get3A_312 = vector.shape_cast %get3A_311 : vector<1x16xf32> to vector<16xf32>
        %mul3A_313 = arith.mulf %get3A_312, %gather3A_304 : vector<16xf32>
        %swap3A_314 = arith.index_cast %add3A_308 : i32 to index
        %swap3A_315 = arith.constant 0 : index
        %swap3A_316 = tpu.vector_load %arg10[%swap3A_314, %swap3A_315] {strides = array<i32>} : memref<128x128xf32, #tpu.memory_space<vmem>>, vector<1x16xf32>,
        %swap3A_317 = vector.shape_cast %swap3A_316 : vector<1x16xf32> to vector<16xf32>
        %swap3A_318 = vector.shape_cast %mul3A_313 : vector<16xf32> to vector<1x16xf32>
        tpu.vector_store %arg10[%swap3A_314, %swap3A_315], %swap3A_318 {strides = array<i32>} : memref<128x128xf32, #tpu.memory_space<vmem>>, vector<1x16xf32>,
        %get3A_319 = arith.index_cast %add3A_308 : i32 to index
        %get3A_320 = arith.constant 16 : index
        %get3A_321 = tpu.vector_load %arg10[%get3A_319, %get3A_320] {strides = array<i32>} : memref<128x128xf32, #tpu.memory_space<vmem>>, vector<1x16xf32>,
        %get3A_322 = vector.shape_cast %get3A_321 : vector<1x16xf32> to vector<16xf32>
        %mul3A_323 = arith.mulf %get3A_322, %gather3A_304 : vector<16xf32>
        %swap3A_324 = arith.index_cast %add3A_308 : i32 to index
        %swap3A_325 = arith.constant 16 : index
        %swap3A_326 = tpu.vector_load %arg10[%swap3A_324, %swap3A_325] {strides = array<i32>} : memref<128x128xf32, #tpu.memory_space<vmem>>, vector<1x16xf32>,
        %swap3A_327 = vector.shape_cast %swap3A_326 : vector<1x16xf32> to vector<16xf32>
        %swap3A_328 = vector.shape_cast %mul3A_323 : vector<16xf32> to vector<1x16xf32>
        tpu.vector_store %arg10[%swap3A_324, %swap3A_325], %swap3A_328 {strides = array<i32>} : memref<128x128xf32, #tpu.memory_space<vmem>>, vector<1x16xf32>,
        %get3A_329 = arith.index_cast %add3A_308 : i32 to index
        %get3A_330 = arith.constant 32 : index
        %get3A_331 = tpu.vector_load %arg10[%get3A_329, %get3A_330] {strides = array<i32>} : memref<128x128xf32, #tpu.memory_space<vmem>>, vector<1x16xf32>,
        %get3A_332 = vector.shape_cast %get3A_331 : vector<1x16xf32> to vector<16xf32>
        %mul3A_333 = arith.mulf %get3A_332, %gather3A_304 : vector<16xf32>
        %swap3A_334 = arith.index_cast %add3A_308 : i32 to index
        %swap3A_335 = arith.constant 32 : index
        %swap3A_336 = tpu.vector_load %arg10[%swap3A_334, %swap3A_335] {strides = array<i32>} : memref<128x128xf32, #tpu.memory_space<vmem>>, vector<1x16xf32>,
        %swap3A_337 = vector.shape_cast %swap3A_336 : vector<1x16xf32> to vector<16xf32>
        %swap3A_338 = vector.shape_cast %mul3A_333 : vector<16xf32> to vector<1x16xf32>
        tpu.vector_store %arg10[%swap3A_334, %swap3A_335], %swap3A_338 {strides = array<i32>} : memref<128x128xf32, #tpu.memory_space<vmem>>, vector<1x16xf32>,
        %get3A_339 = arith.index_cast %add3A_308 : i32 to index
        %get3A_340 = arith.constant 48 : index
        %get3A_341 = tpu.vector_load %arg10[%get3A_339, %get3A_340] {strides = array<i32>} : memref<128x128xf32, #tpu.memory_space<vmem>>, vector<1x16xf32>,
        %get3A_342 = vector.shape_cast %get3A_341 : vector<1x16xf32> to vector<16xf32>
        %mul3A_343 = arith.mulf %get3A_342, %gather3A_304 : vector<16xf32>
        %swap3A_344 = arith.index_cast %add3A_308 : i32 to index
        %swap3A_345 = arith.constant 48 : index
        %swap3A_346 = tpu.vector_load %arg10[%swap3A_344, %swap3A_345] {strides = array<i32>} : memref<128x128xf32, #tpu.memory_space<vmem>>, vector<1x16xf32>,
        %swap3A_347 = vector.shape_cast %swap3A_346 : vector<1x16xf32> to vector<16xf32>
        %swap3A_348 = vector.shape_cast %mul3A_343 : vector<16xf32> to vector<1x16xf32>
        tpu.vector_store %arg10[%swap3A_344, %swap3A_345], %swap3A_348 {strides = array<i32>} : memref<128x128xf32, #tpu.memory_space<vmem>>, vector<1x16xf32>,
        %get3A_349 = arith.index_cast %add3A_308 : i32 to index
        %get3A_350 = arith.constant 64 : index
        %get3A_351 = tpu.vector_load %arg10[%get3A_349, %get3A_350] {strides = array<i32>} : memref<128x128xf32, #tpu.memory_space<vmem>>, vector<1x16xf32>,
        %get3A_352 = vector.shape_cast %get3A_351 : vector<1x16xf32> to vector<16xf32>
        %mul3A_353 = arith.mulf %get3A_352, %gather3A_304 : vector<16xf32>
        %swap3A_354 = arith.index_cast %add3A_308 : i32 to index
        %swap3A_355 = arith.constant 64 : index
        %swap3A_356 = tpu.vector_load %arg10[%swap3A_354, %swap3A_355] {strides = array<i32>} : memref<128x128xf32, #tpu.memory_space<vmem>>, vector<1x16xf32>,
        %swap3A_357 = vector.shape_cast %swap3A_356 : vector<1x16xf32> to vector<16xf32>
        %swap3A_358 = vector.shape_cast %mul3A_353 : vector<16xf32> to vector<1x16xf32>
        tpu.vector_store %arg10[%swap3A_354, %swap3A_355], %swap3A_358 {strides = array<i32>} : memref<128x128xf32, #tpu.memory_space<vmem>>, vector<1x16xf32>,
        %get3A_359 = arith.index_cast %add3A_308 : i32 to index
        %get3A_360 = arith.constant 80 : index
        %get3A_361 = tpu.vector_load %arg10[%get3A_359, %get3A_360] {strides = array<i32>} : memref<128x128xf32, #tpu.memory_space<vmem>>, vector<1x16xf32>,
        %get3A_362 = vector.shape_cast %get3A_361 : vector<1x16xf32> to vector<16xf32>
        %mul3A_363 = arith.mulf %get3A_362, %gather3A_304 : vector<16xf32>
        %swap3A_364 = arith.index_cast %add3A_308 : i32 to index
        %swap3A_365 = arith.constant 80 : index
        %swap3A_366 = tpu.vector_load %arg10[%swap3A_364, %swap3A_365] {strides = array<i32>} : memref<128x128xf32, #tpu.memory_space<vmem>>, vector<1x16xf32>,
        %swap3A_367 = vector.shape_cast %swap3A_366 : vector<1x16xf32> to vector<16xf32>
        %swap3A_368 = vector.shape_cast %mul3A_363 : vector<16xf32> to vector<1x16xf32>
        tpu.vector_store %arg10[%swap3A_364, %swap3A_365], %swap3A_368 {strides = array<i32>} : memref<128x128xf32, #tpu.memory_space<vmem>>, vector<1x16xf32>,
        %get3A_369 = arith.index_cast %add3A_308 : i32 to index
        %get3A_370 = arith.constant 96 : index
        %get3A_371 = tpu.vector_load %arg10[%get3A_369, %get3A_370] {strides = array<i32>} : memref<128x128xf32, #tpu.memory_space<vmem>>, vector<1x16xf32>,
        %get3A_372 = vector.shape_cast %get3A_371 : vector<1x16xf32> to vector<16xf32>
        %mul3A_373 = arith.mulf %get3A_372, %gather3A_304 : vector<16xf32>
        %swap3A_374 = arith.index_cast %add3A_308 : i32 to index
        %swap3A_375 = arith.constant 96 : index
        %swap3A_376 = tpu.vector_load %arg10[%swap3A_374, %swap3A_375] {strides = array<i32>} : memref<128x128xf32, #tpu.memory_space<vmem>>, vector<1x16xf32>,
        %swap3A_377 = vector.shape_cast %swap3A_376 : vector<1x16xf32> to vector<16xf32>
        %swap3A_378 = vector.shape_cast %mul3A_373 : vector<16xf32> to vector<1x16xf32>
        tpu.vector_store %arg10[%swap3A_374, %swap3A_375], %swap3A_378 {strides = array<i32>} : memref<128x128xf32, #tpu.memory_space<vmem>>, vector<1x16xf32>,
        %get3A_379 = arith.index_cast %add3A_308 : i32 to index
        %get3A_380 = arith.constant 112 : index
        %get3A_381 = tpu.vector_load %arg10[%get3A_379, %get3A_380] {strides = array<i32>} : memref<128x128xf32, #tpu.memory_space<vmem>>, vector<1x16xf32>,
        %get3A_382 = vector.shape_cast %get3A_381 : vector<1x16xf32> to vector<16xf32>
        %mul3A_383 = arith.mulf %get3A_382, %gather3A_304 : vector<16xf32>
        %swap3A_384 = arith.index_cast %add3A_308 : i32 to index
        %swap3A_385 = arith.constant 112 : index
        %swap3A_386 = tpu.vector_load %arg10[%swap3A_384, %swap3A_385] {strides = array<i32>} : memref<128x128xf32, #tpu.memory_space<vmem>>, vector<1x16xf32>,
        %swap3A_387 = vector.shape_cast %swap3A_386 : vector<1x16xf32> to vector<16xf32>
        %swap3A_388 = vector.shape_cast %mul3A_383 : vector<16xf32> to vector<1x16xf32>
        tpu.vector_store %arg10[%swap3A_384, %swap3A_385], %swap3A_388 {strides = array<i32>} : memref<128x128xf32, #tpu.memory_space<vmem>>, vector<1x16xf32>,
        %broadcast_in_dim3A_389 = arith.constant 4 : i32
        %broadcast_in_dim3A_390 = vector.broadcast %broadcast_in_dim3A_389 : i32 to vector<16x1xi32>
        %gather3A_391 = vector.shape_cast %broadcast_in_dim3A_390 : vector<16x1xi32> to vector<16xi32>
        %gather3A_392 = tpu.dynamic_gather %get3A_39[%gather3A_391] in [0] : vector<16xf32>, vector<16xi32> -> vector<16xf32>
        %mul3A_393 = arith.constant 16 : i32
        %mul3A_394 = arith.muli %scan3A_35, %mul3A_393 : i32
        %add3A_395 = arith.constant 4 : i32
        %add3A_396 = arith.addi %mul3A_394, %add3A_395 : i32
        %get3A_397 = arith.index_cast %add3A_396 : i32 to index
        %get3A_398 = arith.constant 0 : index
        %get3A_399 = tpu.vector_load %arg10[%get3A_397, %get3A_398] {strides = array<i32>} : memref<128x128xf32, #tpu.memory_space<vmem>>, vector<1x16xf32>,
        %get3A_400 = vector.shape_cast %get3A_399 : vector<1x16xf32> to vector<16xf32>
        %mul3A_401 = arith.mulf %get3A_400, %gather3A_392 : vector<16xf32>
        %swap3A_402 = arith.index_cast %add3A_396 : i32 to index
        %swap3A_403 = arith.constant 0 : index
        %swap3A_404 = tpu.vector_load %arg10[%swap3A_402, %swap3A_403] {strides = array<i32>} : memref<128x128xf32, #tpu.memory_space<vmem>>, vector<1x16xf32>,
        %swap3A_405 = vector.shape_cast %swap3A_404 : vector<1x16xf32> to vector<16xf32>
        %swap3A_406 = vector.shape_cast %mul3A_401 : vector<16xf32> to vector<1x16xf32>
        tpu.vector_store %arg10[%swap3A_402, %swap3A_403], %swap3A_406 {strides = array<i32>} : memref<128x128xf32, #tpu.memory_space<vmem>>, vector<1x16xf32>,
        %get3A_407 = arith.index_cast %add3A_396 : i32 to index
        %get3A_408 = arith.constant 16 : index
        %get3A_409 = tpu.vector_load %arg10[%get3A_407, %get3A_408] {strides = array<i32>} : memref<128x128xf32, #tpu.memory_space<vmem>>, vector<1x16xf32>,
        %get3A_410 = vector.shape_cast %get3A_409 : vector<1x16xf32> to vector<16xf32>
        %mul3A_411 = arith.mulf %get3A_410, %gather3A_392 : vector<16xf32>
        %swap3A_412 = arith.index_cast %add3A_396 : i32 to index
        %swap3A_413 = arith.constant 16 : index
        %swap3A_414 = tpu.vector_load %arg10[%swap3A_412, %swap3A_413] {strides = array<i32>} : memref<128x128xf32, #tpu.memory_space<vmem>>, vector<1x16xf32>,
        %swap3A_415 = vector.shape_cast %swap3A_414 : vector<1x16xf32> to vector<16xf32>
        %swap3A_416 = vector.shape_cast %mul3A_411 : vector<16xf32> to vector<1x16xf32>
        tpu.vector_store %arg10[%swap3A_412, %swap3A_413], %swap3A_416 {strides = array<i32>} : memref<128x128xf32, #tpu.memory_space<vmem>>, vector<1x16xf32>,
        %get3A_417 = arith.index_cast %add3A_396 : i32 to index
        %get3A_418 = arith.constant 32 : index
        %get3A_419 = tpu.vector_load %arg10[%get3A_417, %get3A_418] {strides = array<i32>} : memref<128x128xf32, #tpu.memory_space<vmem>>, vector<1x16xf32>,
        %get3A_420 = vector.shape_cast %get3A_419 : vector<1x16xf32> to vector<16xf32>
        %mul3A_421 = arith.mulf %get3A_420, %gather3A_392 : vector<16xf32>
        %swap3A_422 = arith.index_cast %add3A_396 : i32 to index
        %swap3A_423 = arith.constant 32 : index
        %swap3A_424 = tpu.vector_load %arg10[%swap3A_422, %swap3A_423] {strides = array<i32>} : memref<128x128xf32, #tpu.memory_space<vmem>>, vector<1x16xf32>,
        %swap3A_425 = vector.shape_cast %swap3A_424 : vector<1x16xf32> to vector<16xf32>
        %swap3A_426 = vector.shape_cast %mul3A_421 : vector<16xf32> to vector<1x16xf32>
        tpu.vector_store %arg10[%swap3A_422, %swap3A_423], %swap3A_426 {strides = array<i32>} : memref<128x128xf32, #tpu.memory_space<vmem>>, vector<1x16xf32>,
        %get3A_427 = arith.index_cast %add3A_396 : i32 to index
        %get3A_428 = arith.constant 48 : index
        %get3A_429 = tpu.vector_load %arg10[%get3A_427, %get3A_428] {strides = array<i32>} : memref<128x128xf32, #tpu.memory_space<vmem>>, vector<1x16xf32>,
        %get3A_430 = vector.shape_cast %get3A_429 : vector<1x16xf32> to vector<16xf32>
        %mul3A_431 = arith.mulf %get3A_430, %gather3A_392 : vector<16xf32>
        %swap3A_432 = arith.index_cast %add3A_396 : i32 to index
        %swap3A_433 = arith.constant 48 : index
        %swap3A_434 = tpu.vector_load %arg10[%swap3A_432, %swap3A_433] {strides = array<i32>} : memref<128x128xf32, #tpu.memory_space<vmem>>, vector<1x16xf32>,
        %swap3A_435 = vector.shape_cast %swap3A_434 : vector<1x16xf32> to vector<16xf32>
        %swap3A_436 = vector.shape_cast %mul3A_431 : vector<16xf32> to vector<1x16xf32>
        tpu.vector_store %arg10[%swap3A_432, %swap3A_433], %swap3A_436 {strides = array<i32>} : memref<128x128xf32, #tpu.memory_space<vmem>>, vector<1x16xf32>,
        %get3A_437 = arith.index_cast %add3A_396 : i32 to index
        %get3A_438 = arith.constant 64 : index
        %get3A_439 = tpu.vector_load %arg10[%get3A_437, %get3A_438] {strides = array<i32>} : memref<128x128xf32, #tpu.memory_space<vmem>>, vector<1x16xf32>,
        %get3A_440 = vector.shape_cast %get3A_439 : vector<1x16xf32> to vector<16xf32>
        %mul3A_441 = arith.mulf %get3A_440, %gather3A_392 : vector<16xf32>
        %swap3A_442 = arith.index_cast %add3A_396 : i32 to index
        %swap3A_443 = arith.constant 64 : index
        %swap3A_444 = tpu.vector_load %arg10[%swap3A_442, %swap3A_443] {strides = array<i32>} : memref<128x128xf32, #tpu.memory_space<vmem>>, vector<1x16xf32>,
        %swap3A_445 = vector.shape_cast %swap3A_444 : vector<1x16xf32> to vector<16xf32>
        %swap3A_446 = vector.shape_cast %mul3A_441 : vector<16xf32> to vector<1x16xf32>
        tpu.vector_store %arg10[%swap3A_442, %swap3A_443], %swap3A_446 {strides = array<i32>} : memref<128x128xf32, #tpu.memory_space<vmem>>, vector<1x16xf32>,
        %get3A_447 = arith.index_cast %add3A_396 : i32 to index
        %get3A_448 = arith.constant 80 : index
        %get3A_449 = tpu.vector_load %arg10[%get3A_447, %get3A_448] {strides = array<i32>} : memref<128x128xf32, #tpu.memory_space<vmem>>, vector<1x16xf32>,
        %get3A_450 = vector.shape_cast %get3A_449 : vector<1x16xf32> to vector<16xf32>
        %mul3A_451 = arith.mulf %get3A_450, %gather3A_392 : vector<16xf32>
        %swap3A_452 = arith.index_cast %add3A_396 : i32 to index
        %swap3A_453 = arith.constant 80 : index
        %swap3A_454 = tpu.vector_load %arg10[%swap3A_452, %swap3A_453] {strides = array<i32>} : memref<128x128xf32, #tpu.memory_space<vmem>>, vector<1x16xf32>,
        %swap3A_455 = vector.shape_cast %swap3A_454 : vector<1x16xf32> to vector<16xf32>
        %swap3A_456 = vector.shape_cast %mul3A_451 : vector<16xf32> to vector<1x16xf32>
        tpu.vector_store %arg10[%swap3A_452, %swap3A_453], %swap3A_456 {strides = array<i32>} : memref<128x128xf32, #tpu.memory_space<vmem>>, vector<1x16xf32>,
        %get3A_457 = arith.index_cast %add3A_396 : i32 to index
        %get3A_458 = arith.constant 96 : index
        %get3A_459 = tpu.vector_load %arg10[%get3A_457, %get3A_458] {strides = array<i32>} : memref<128x128xf32, #tpu.memory_space<vmem>>, vector<1x16xf32>,
        %get3A_460 = vector.shape_cast %get3A_459 : vector<1x16xf32> to vector<16xf32>
        %mul3A_461 = arith.mulf %get3A_460, %gather3A_392 : vector<16xf32>
        %swap3A_462 = arith.index_cast %add3A_396 : i32 to index
        %swap3A_463 = arith.constant 96 : index
        %swap3A_464 = tpu.vector_load %arg10[%swap3A_462, %swap3A_463] {strides = array<i32>} : memref<128x128xf32, #tpu.memory_space<vmem>>, vector<1x16xf32>,
        %swap3A_465 = vector.shape_cast %swap3A_464 : vector<1x16xf32> to vector<16xf32>
        %swap3A_466 = vector.shape_cast %mul3A_461 : vector<16xf32> to vector<1x16xf32>
        tpu.vector_store %arg10[%swap3A_462, %swap3A_463], %swap3A_466 {strides = array<i32>} : memref<128x128xf32, #tpu.memory_space<vmem>>, vector<1x16xf32>,
        %get3A_467 = arith.index_cast %add3A_396 : i32 to index
        %get3A_468 = arith.constant 112 : index
        %get3A_469 = tpu.vector_load %arg10[%get3A_467, %get3A_468] {strides = array<i32>} : memref<128x128xf32, #tpu.memory_space<vmem>>, vector<1x16xf32>,
        %get3A_470 = vector.shape_cast %get3A_469 : vector<1x16xf32> to vector<16xf32>
        %mul3A_471 = arith.mulf %get3A_470, %gather3A_392 : vector<16xf32>
        %swap3A_472 = arith.index_cast %add3A_396 : i32 to index
        %swap3A_473 = arith.constant 112 : index
        %swap3A_474 = tpu.vector_load %arg10[%swap3A_472, %swap3A_473] {strides = array<i32>} : memref<128x128xf32, #tpu.memory_space<vmem>>, vector<1x16xf32>,
        %swap3A_475 = vector.shape_cast %swap3A_474 : vector<1x16xf32> to vector<16xf32>
        %swap3A_476 = vector.shape_cast %mul3A_471 : vector<16xf32> to vector<1x16xf32>
        tpu.vector_store %arg10[%swap3A_472, %swap3A_473], %swap3A_476 {strides = array<i32>} : memref<128x128xf32, #tpu.memory_space<vmem>>, vector<1x16xf32>,
        %broadcast_in_dim3A_477 = arith.constant 5 : i32
        %broadcast_in_dim3A_478 = vector.broadcast %broadcast_in_dim3A_477 : i32 to vector<16x1xi32>
        %gather3A_479 = vector.shape_cast %broadcast_in_dim3A_478 : vector<16x1xi32> to vector<16xi32>
        %gather3A_480 = tpu.dynamic_gather %get3A_39[%gather3A_479] in [0] : vector<16xf32>, vector<16xi32> -> vector<16xf32>
        %mul3A_481 = arith.constant 16 : i32
        %mul3A_482 = arith.muli %scan3A_35, %mul3A_481 : i32
        %add3A_483 = arith.constant 5 : i32
        %add3A_484 = arith.addi %mul3A_482, %add3A_483 : i32
        %get3A_485 = arith.index_cast %add3A_484 : i32 to index
        %get3A_486 = arith.constant 0 : index
        %get3A_487 = tpu.vector_load %arg10[%get3A_485, %get3A_486] {strides = array<i32>} : memref<128x128xf32, #tpu.memory_space<vmem>>, vector<1x16xf32>,
        %get3A_488 = vector.shape_cast %get3A_487 : vector<1x16xf32> to vector<16xf32>
        %mul3A_489 = arith.mulf %get3A_488, %gather3A_480 : vector<16xf32>
        %swap3A_490 = arith.index_cast %add3A_484 : i32 to index
        %swap3A_491 = arith.constant 0 : index
        %swap3A_492 = tpu.vector_load %arg10[%swap3A_490, %swap3A_491] {strides = array<i32>} : memref<128x128xf32, #tpu.memory_space<vmem>>, vector<1x16xf32>,
        %swap3A_493 = vector.shape_cast %swap3A_492 : vector<1x16xf32> to vector<16xf32>
        %swap3A_494 = vector.shape_cast %mul3A_489 : vector<16xf32> to vector<1x16xf32>
        tpu.vector_store %arg10[%swap3A_490, %swap3A_491], %swap3A_494 {strides = array<i32>} : memref<128x128xf32, #tpu.memory_space<vmem>>, vector<1x16xf32>,
        %get3A_495 = arith.index_cast %add3A_484 : i32 to index
        %get3A_496 = arith.constant 16 : index
        %get3A_497 = tpu.vector_load %arg10[%get3A_495, %get3A_496] {strides = array<i32>} : memref<128x128xf32, #tpu.memory_space<vmem>>, vector<1x16xf32>,
        %get3A_498 = vector.shape_cast %get3A_497 : vector<1x16xf32> to vector<16xf32>
        %mul3A_499 = arith.mulf %get3A_498, %gather3A_480 : vector<16xf32>
        %swap3A_500 = arith.index_cast %add3A_484 : i32 to index
        %swap3A_501 = arith.constant 16 : index
        %swap3A_502 = tpu.vector_load %arg10[%swap3A_500, %swap3A_501] {strides = array<i32>} : memref<128x128xf32, #tpu.memory_space<vmem>>, vector<1x16xf32>,
        %swap3A_503 = vector.shape_cast %swap3A_502 : vector<1x16xf32> to vector<16xf32>
        %swap3A_504 = vector.shape_cast %mul3A_499 : vector<16xf32> to vector<1x16xf32>
        tpu.vector_store %arg10[%swap3A_500, %swap3A_501], %swap3A_504 {strides = array<i32>} : memref<128x128xf32, #tpu.memory_space<vmem>>, vector<1x16xf32>,
        %get3A_505 = arith.index_cast %add3A_484 : i32 to index
        %get3A_506 = arith.constant 32 : index
        %get3A_507 = tpu.vector_load %arg10[%get3A_505, %get3A_506] {strides = array<i32>} : memref<128x128xf32, #tpu.memory_space<vmem>>, vector<1x16xf32>,
        %get3A_508 = vector.shape_cast %get3A_507 : vector<1x16xf32> to vector<16xf32>
        %mul3A_509 = arith.mulf %get3A_508, %gather3A_480 : vector<16xf32>
        %swap3A_510 = arith.index_cast %add3A_484 : i32 to index
        %swap3A_511 = arith.constant 32 : index
        %swap3A_512 = tpu.vector_load %arg10[%swap3A_510, %swap3A_511] {strides = array<i32>} : memref<128x128xf32, #tpu.memory_space<vmem>>, vector<1x16xf32>,
        %swap3A_513 = vector.shape_cast %swap3A_512 : vector<1x16xf32> to vector<16xf32>
        %swap3A_514 = vector.shape_cast %mul3A_509 : vector<16xf32> to vector<1x16xf32>
        tpu.vector_store %arg10[%swap3A_510, %swap3A_511], %swap3A_514 {strides = array<i32>} : memref<128x128xf32, #tpu.memory_space<vmem>>, vector<1x16xf32>,
        %get3A_515 = arith.index_cast %add3A_484 : i32 to index
        %get3A_516 = arith.constant 48 : index
        %get3A_517 = tpu.vector_load %arg10[%get3A_515, %get3A_516] {strides = array<i32>} : memref<128x128xf32, #tpu.memory_space<vmem>>, vector<1x16xf32>,
        %get3A_518 = vector.shape_cast %get3A_517 : vector<1x16xf32> to vector<16xf32>
        %mul3A_519 = arith.mulf %get3A_518, %gather3A_480 : vector<16xf32>
        %swap3A_520 = arith.index_cast %add3A_484 : i32 to index
        %swap3A_521 = arith.constant 48 : index
        %swap3A_522 = tpu.vector_load %arg10[%swap3A_520, %swap3A_521] {strides = array<i32>} : memref<128x128xf32, #tpu.memory_space<vmem>>, vector<1x16xf32>,
        %swap3A_523 = vector.shape_cast %swap3A_522 : vector<1x16xf32> to vector<16xf32>
        %swap3A_524 = vector.shape_cast %mul3A_519 : vector<16xf32> to vector<1x16xf32>
        tpu.vector_store %arg10[%swap3A_520, %swap3A_521], %swap3A_524 {strides = array<i32>} : memref<128x128xf32, #tpu.memory_space<vmem>>, vector<1x16xf32>,
        %get3A_525 = arith.index_cast %add3A_484 : i32 to index
        %get3A_526 = arith.constant 64 : index
        %get3A_527 = tpu.vector_load %arg10[%get3A_525, %get3A_526] {strides = array<i32>} : memref<128x128xf32, #tpu.memory_space<vmem>>, vector<1x16xf32>,
        %get3A_528 = vector.shape_cast %get3A_527 : vector<1x16xf32> to vector<16xf32>
        %mul3A_529 = arith.mulf %get3A_528, %gather3A_480 : vector<16xf32>
        %swap3A_530 = arith.index_cast %add3A_484 : i32 to index
        %swap3A_531 = arith.constant 64 : index
        %swap3A_532 = tpu.vector_load %arg10[%swap3A_530, %swap3A_531] {strides = array<i32>} : memref<128x128xf32, #tpu.memory_space<vmem>>, vector<1x16xf32>,
        %swap3A_533 = vector.shape_cast %swap3A_532 : vector<1x16xf32> to vector<16xf32>
        %swap3A_534 = vector.shape_cast %mul3A_529 : vector<16xf32> to vector<1x16xf32>
        tpu.vector_store %arg10[%swap3A_530, %swap3A_531], %swap3A_534 {strides = array<i32>} : memref<128x128xf32, #tpu.memory_space<vmem>>, vector<1x16xf32>,
        %get3A_535 = arith.index_cast %add3A_484 : i32 to index
        %get3A_536 = arith.constant 80 : index
        %get3A_537 = tpu.vector_load %arg10[%get3A_535, %get3A_536] {strides = array<i32>} : memref<128x128xf32, #tpu.memory_space<vmem>>, vector<1x16xf32>,
        %get3A_538 = vector.shape_cast %get3A_537 : vector<1x16xf32> to vector<16xf32>
        %mul3A_539 = arith.mulf %get3A_538, %gather3A_480 : vector<16xf32>
        %swap3A_540 = arith.index_cast %add3A_484 : i32 to index
        %swap3A_541 = arith.constant 80 : index
        %swap3A_542 = tpu.vector_load %arg10[%swap3A_540, %swap3A_541] {strides = array<i32>} : memref<128x128xf32, #tpu.memory_space<vmem>>, vector<1x16xf32>,
        %swap3A_543 = vector.shape_cast %swap3A_542 : vector<1x16xf32> to vector<16xf32>
        %swap3A_544 = vector.shape_cast %mul3A_539 : vector<16xf32> to vector<1x16xf32>
        tpu.vector_store %arg10[%swap3A_540, %swap3A_541], %swap3A_544 {strides = array<i32>} : memref<128x128xf32, #tpu.memory_space<vmem>>, vector<1x16xf32>,
        %get3A_545 = arith.index_cast %add3A_484 : i32 to index
        %get3A_546 = arith.constant 96 : index
        %get3A_547 = tpu.vector_load %arg10[%get3A_545, %get3A_546] {strides = array<i32>} : memref<128x128xf32, #tpu.memory_space<vmem>>, vector<1x16xf32>,
        %get3A_548 = vector.shape_cast %get3A_547 : vector<1x16xf32> to vector<16xf32>
        %mul3A_549 = arith.mulf %get3A_548, %gather3A_480 : vector<16xf32>
        %swap3A_550 = arith.index_cast %add3A_484 : i32 to index
        %swap3A_551 = arith.constant 96 : index
        %swap3A_552 = tpu.vector_load %arg10[%swap3A_550, %swap3A_551] {strides = array<i32>} : memref<128x128xf32, #tpu.memory_space<vmem>>, vector<1x16xf32>,
        %swap3A_553 = vector.shape_cast %swap3A_552 : vector<1x16xf32> to vector<16xf32>
        %swap3A_554 = vector.shape_cast %mul3A_549 : vector<16xf32> to vector<1x16xf32>
        tpu.vector_store %arg10[%swap3A_550, %swap3A_551], %swap3A_554 {strides = array<i32>} : memref<128x128xf32, #tpu.memory_space<vmem>>, vector<1x16xf32>,
        %get3A_555 = arith.index_cast %add3A_484 : i32 to index
        %get3A_556 = arith.constant 112 : index
        %get3A_557 = tpu.vector_load %arg10[%get3A_555, %get3A_556] {strides = array<i32>} : memref<128x128xf32, #tpu.memory_space<vmem>>, vector<1x16xf32>,
        %get3A_558 = vector.shape_cast %get3A_557 : vector<1x16xf32> to vector<16xf32>
        %mul3A_559 = arith.mulf %get3A_558, %gather3A_480 : vector<16xf32>
        %swap3A_560 = arith.index_cast %add3A_484 : i32 to index
        %swap3A_561 = arith.constant 112 : index
        %swap3A_562 = tpu.vector_load %arg10[%swap3A_560, %swap3A_561] {strides = array<i32>} : memref<128x128xf32, #tpu.memory_space<vmem>>, vector<1x16xf32>,
        %swap3A_563 = vector.shape_cast %swap3A_562 : vector<1x16xf32> to vector<16xf32>
        %swap3A_564 = vector.shape_cast %mul3A_559 : vector<16xf32> to vector<1x16xf32>
        tpu.vector_store %arg10[%swap3A_560, %swap3A_561], %swap3A_564 {strides = array<i32>} : memref<128x128xf32, #tpu.memory_space<vmem>>, vector<1x16xf32>,
        %broadcast_in_dim3A_565 = arith.constant 6 : i32
        %broadcast_in_dim3A_566 = vector.broadcast %broadcast_in_dim3A_565 : i32 to vector<16x1xi32>
        %gather3A_567 = vector.shape_cast %broadcast_in_dim3A_566 : vector<16x1xi32> to vector<16xi32>
        %gather3A_568 = tpu.dynamic_gather %get3A_39[%gather3A_567] in [0] : vector<16xf32>, vector<16xi32> -> vector<16xf32>
        %mul3A_569 = arith.constant 16 : i32
        %mul3A_570 = arith.muli %scan3A_35, %mul3A_569 : i32
        %add3A_571 = arith.constant 6 : i32
        %add3A_572 = arith.addi %mul3A_570, %add3A_571 : i32
        %get3A_573 = arith.index_cast %add3A_572 : i32 to index
        %get3A_574 = arith.constant 0 : index
        %get3A_575 = tpu.vector_load %arg10[%get3A_573, %get3A_574] {strides = array<i32>} : memref<128x128xf32, #tpu.memory_space<vmem>>, vector<1x16xf32>,
        %get3A_576 = vector.shape_cast %get3A_575 : vector<1x16xf32> to vector<16xf32>
        %mul3A_577 = arith.mulf %get3A_576, %gather3A_568 : vector<16xf32>
        %swap3A_578 = arith.index_cast %add3A_572 : i32 to index
        %swap3A_579 = arith.constant 0 : index
        %swap3A_580 = tpu.vector_load %arg10[%swap3A_578, %swap3A_579] {strides = array<i32>} : memref<128x128xf32, #tpu.memory_space<vmem>>, vector<1x16xf32>,
        %swap3A_581 = vector.shape_cast %swap3A_580 : vector<1x16xf32> to vector<16xf32>
        %swap3A_582 = vector.shape_cast %mul3A_577 : vector<16xf32> to vector<1x16xf32>
        tpu.vector_store %arg10[%swap3A_578, %swap3A_579], %swap3A_582 {strides = array<i32>} : memref<128x128xf32, #tpu.memory_space<vmem>>, vector<1x16xf32>,
        %get3A_583 = arith.index_cast %add3A_572 : i32 to index
        %get3A_584 = arith.constant 16 : index
        %get3A_585 = tpu.vector_load %arg10[%get3A_583, %get3A_584] {strides = array<i32>} : memref<128x128xf32, #tpu.memory_space<vmem>>, vector<1x16xf32>,
        %get3A_586 = vector.shape_cast %get3A_585 : vector<1x16xf32> to vector<16xf32>
        %mul3A_587 = arith.mulf %get3A_586, %gather3A_568 : vector<16xf32>
        %swap3A_588 = arith.index_cast %add3A_572 : i32 to index
        %swap3A_589 = arith.constant 16 : index
        %swap3A_590 = tpu.vector_load %arg10[%swap3A_588, %swap3A_589] {strides = array<i32>} : memref<128x128xf32, #tpu.memory_space<vmem>>, vector<1x16xf32>,
        %swap3A_591 = vector.shape_cast %swap3A_590 : vector<1x16xf32> to vector<16xf32>
        %swap3A_592 = vector.shape_cast %mul3A_587 : vector<16xf32> to vector<1x16xf32>
        tpu.vector_store %arg10[%swap3A_588, %swap3A_589], %swap3A_592 {strides = array<i32>} : memref<128x128xf32, #tpu.memory_space<vmem>>, vector<1x16xf32>,
        %get3A_593 = arith.index_cast %add3A_572 : i32 to index
        %get3A_594 = arith.constant 32 : index
        %get3A_595 = tpu.vector_load %arg10[%get3A_593, %get3A_594] {strides = array<i32>} : memref<128x128xf32, #tpu.memory_space<vmem>>, vector<1x16xf32>,
        %get3A_596 = vector.shape_cast %get3A_595 : vector<1x16xf32> to vector<16xf32>
        %mul3A_597 = arith.mulf %get3A_596, %gather3A_568 : vector<16xf32>
        %swap3A_598 = arith.index_cast %add3A_572 : i32 to index
        %swap3A_599 = arith.constant 32 : index
        %swap3A_600 = tpu.vector_load %arg10[%swap3A_598, %swap3A_599] {strides = array<i32>} : memref<128x128xf32, #tpu.memory_space<vmem>>, vector<1x16xf32>,
        %swap3A_601 = vector.shape_cast %swap3A_600 : vector<1x16xf32> to vector<16xf32>
        %swap3A_602 = vector.shape_cast %mul3A_597 : vector<16xf32> to vector<1x16xf32>
        tpu.vector_store %arg10[%swap3A_598, %swap3A_599], %swap3A_602 {strides = array<i32>} : memref<128x128xf32, #tpu.memory_space<vmem>>, vector<1x16xf32>,
        %get3A_603 = arith.index_cast %add3A_572 : i32 to index
        %get3A_604 = arith.constant 48 : index
        %get3A_605 = tpu.vector_load %arg10[%get3A_603, %get3A_604] {strides = array<i32>} : memref<128x128xf32, #tpu.memory_space<vmem>>, vector<1x16xf32>,
        %get3A_606 = vector.shape_cast %get3A_605 : vector<1x16xf32> to vector<16xf32>
        %mul3A_607 = arith.mulf %get3A_606, %gather3A_568 : vector<16xf32>
        %swap3A_608 = arith.index_cast %add3A_572 : i32 to index
        %swap3A_609 = arith.constant 48 : index
        %swap3A_610 = tpu.vector_load %arg10[%swap3A_608, %swap3A_609] {strides = array<i32>} : memref<128x128xf32, #tpu.memory_space<vmem>>, vector<1x16xf32>,
        %swap3A_611 = vector.shape_cast %swap3A_610 : vector<1x16xf32> to vector<16xf32>
        %swap3A_612 = vector.shape_cast %mul3A_607 : vector<16xf32> to vector<1x16xf32>
        tpu.vector_store %arg10[%swap3A_608, %swap3A_609], %swap3A_612 {strides = array<i32>} : memref<128x128xf32, #tpu.memory_space<vmem>>, vector<1x16xf32>,
        %get3A_613 = arith.index_cast %add3A_572 : i32 to index
        %get3A_614 = arith.constant 64 : index
        %get3A_615 = tpu.vector_load %arg10[%get3A_613, %get3A_614] {strides = array<i32>} : memref<128x128xf32, #tpu.memory_space<vmem>>, vector<1x16xf32>,
        %get3A_616 = vector.shape_cast %get3A_615 : vector<1x16xf32> to vector<16xf32>
        %mul3A_617 = arith.mulf %get3A_616, %gather3A_568 : vector<16xf32>
        %swap3A_618 = arith.index_cast %add3A_572 : i32 to index
        %swap3A_619 = arith.constant 64 : index
        %swap3A_620 = tpu.vector_load %arg10[%swap3A_618, %swap3A_619] {strides = array<i32>} : memref<128x128xf32, #tpu.memory_space<vmem>>, vector<1x16xf32>,
        %swap3A_621 = vector.shape_cast %swap3A_620 : vector<1x16xf32> to vector<16xf32>
        %swap3A_622 = vector.shape_cast %mul3A_617 : vector<16xf32> to vector<1x16xf32>
        tpu.vector_store %arg10[%swap3A_618, %swap3A_619], %swap3A_622 {strides = array<i32>} : memref<128x128xf32, #tpu.memory_space<vmem>>, vector<1x16xf32>,
        %get3A_623 = arith.index_cast %add3A_572 : i32 to index
        %get3A_624 = arith.constant 80 : index
        %get3A_625 = tpu.vector_load %arg10[%get3A_623, %get3A_624] {strides = array<i32>} : memref<128x128xf32, #tpu.memory_space<vmem>>, vector<1x16xf32>,
        %get3A_626 = vector.shape_cast %get3A_625 : vector<1x16xf32> to vector<16xf32>
        %mul3A_627 = arith.mulf %get3A_626, %gather3A_568 : vector<16xf32>
        %swap3A_628 = arith.index_cast %add3A_572 : i32 to index
        %swap3A_629 = arith.constant 80 : index
        %swap3A_630 = tpu.vector_load %arg10[%swap3A_628, %swap3A_629] {strides = array<i32>} : memref<128x128xf32, #tpu.memory_space<vmem>>, vector<1x16xf32>,
        %swap3A_631 = vector.shape_cast %swap3A_630 : vector<1x16xf32> to vector<16xf32>
        %swap3A_632 = vector.shape_cast %mul3A_627 : vector<16xf32> to vector<1x16xf32>
        tpu.vector_store %arg10[%swap3A_628, %swap3A_629], %swap3A_632 {strides = array<i32>} : memref<128x128xf32, #tpu.memory_space<vmem>>, vector<1x16xf32>,
        %get3A_633 = arith.index_cast %add3A_572 : i32 to index
        %get3A_634 = arith.constant 96 : index
        %get3A_635 = tpu.vector_load %arg10[%get3A_633, %get3A_634] {strides = array<i32>} : memref<128x128xf32, #tpu.memory_space<vmem>>, vector<1x16xf32>,
        %get3A_636 = vector.shape_cast %get3A_635 : vector<1x16xf32> to vector<16xf32>
        %mul3A_637 = arith.mulf %get3A_636, %gather3A_568 : vector<16xf32>
        %swap3A_638 = arith.index_cast %add3A_572 : i32 to index
        %swap3A_639 = arith.constant 96 : index
        %swap3A_640 = tpu.vector_load %arg10[%swap3A_638, %swap3A_639] {strides = array<i32>} : memref<128x128xf32, #tpu.memory_space<vmem>>, vector<1x16xf32>,
        %swap3A_641 = vector.shape_cast %swap3A_640 : vector<1x16xf32> to vector<16xf32>
        %swap3A_642 = vector.shape_cast %mul3A_637 : vector<16xf32> to vector<1x16xf32>
        tpu.vector_store %arg10[%swap3A_638, %swap3A_639], %swap3A_642 {strides = array<i32>} : memref<128x128xf32, #tpu.memory_space<vmem>>, vector<1x16xf32>,
        %get3A_643 = arith.index_cast %add3A_572 : i32 to index
        %get3A_644 = arith.constant 112 : index
        %get3A_645 = tpu.vector_load %arg10[%get3A_643, %get3A_644] {strides = array<i32>} : memref<128x128xf32, #tpu.memory_space<vmem>>, vector<1x16xf32>,
        %get3A_646 = vector.shape_cast %get3A_645 : vector<1x16xf32> to vector<16xf32>
        %mul3A_647 = arith.mulf %get3A_646, %gather3A_568 : vector<16xf32>
        %swap3A_648 = arith.index_cast %add3A_572 : i32 to index
        %swap3A_649 = arith.constant 112 : index
        %swap3A_650 = tpu.vector_load %arg10[%swap3A_648, %swap3A_649] {strides = array<i32>} : memref<128x128xf32, #tpu.memory_space<vmem>>, vector<1x16xf32>,
        %swap3A_651 = vector.shape_cast %swap3A_650 : vector<1x16xf32> to vector<16xf32>
        %swap3A_652 = vector.shape_cast %mul3A_647 : vector<16xf32> to vector<1x16xf32>
        tpu.vector_store %arg10[%swap3A_648, %swap3A_649], %swap3A_652 {strides = array<i32>} : memref<128x128xf32, #tpu.memory_space<vmem>>, vector<1x16xf32>,
        %broadcast_in_dim3A_653 = arith.constant 7 : i32
        %broadcast_in_dim3A_654 = vector.broadcast %broadcast_in_dim3A_653 : i32 to vector<16x1xi32>
        %gather3A_655 = vector.shape_cast %broadcast_in_dim3A_654 : vector<16x1xi32> to vector<16xi32>
        %gather3A_656 = tpu.dynamic_gather %get3A_39[%gather3A_655] in [0] : vector<16xf32>, vector<16xi32> -> vector<16xf32>
        %mul3A_657 = arith.constant 16 : i32
        %mul3A_658 = arith.muli %scan3A_35, %mul3A_657 : i32
        %add3A_659 = arith.constant 7 : i32
        %add3A_660 = arith.addi %mul3A_658, %add3A_659 : i32
        %get3A_661 = arith.index_cast %add3A_660 : i32 to index
        %get3A_662 = arith.constant 0 : index
        %get3A_663 = tpu.vector_load %arg10[%get3A_661, %get3A_662] {strides = array<i32>} : memref<128x128xf32, #tpu.memory_space<vmem>>, vector<1x16xf32>,
        %get3A_664 = vector.shape_cast %get3A_663 : vector<1x16xf32> to vector<16xf32>
        %mul3A_665 = arith.mulf %get3A_664, %gather3A_656 : vector<16xf32>
        %swap3A_666 = arith.index_cast %add3A_660 : i32 to index
        %swap3A_667 = arith.constant 0 : index
        %swap3A_668 = tpu.vector_load %arg10[%swap3A_666, %swap3A_667] {strides = array<i32>} : memref<128x128xf32, #tpu.memory_space<vmem>>, vector<1x16xf32>,
        %swap3A_669 = vector.shape_cast %swap3A_668 : vector<1x16xf32> to vector<16xf32>
        %swap3A_670 = vector.shape_cast %mul3A_665 : vector<16xf32> to vector<1x16xf32>
        tpu.vector_store %arg10[%swap3A_666, %swap3A_667], %swap3A_670 {strides = array<i32>} : memref<128x128xf32, #tpu.memory_space<vmem>>, vector<1x16xf32>,
        %get3A_671 = arith.index_cast %add3A_660 : i32 to index
        %get3A_672 = arith.constant 16 : index
        %get3A_673 = tpu.vector_load %arg10[%get3A_671, %get3A_672] {strides = array<i32>} : memref<128x128xf32, #tpu.memory_space<vmem>>, vector<1x16xf32>,
        %get3A_674 = vector.shape_cast %get3A_673 : vector<1x16xf32> to vector<16xf32>
        %mul3A_675 = arith.mulf %get3A_674, %gather3A_656 : vector<16xf32>
        %swap3A_676 = arith.index_cast %add3A_660 : i32 to index
        %swap3A_677 = arith.constant 16 : index
        %swap3A_678 = tpu.vector_load %arg10[%swap3A_676, %swap3A_677] {strides = array<i32>} : memref<128x128xf32, #tpu.memory_space<vmem>>, vector<1x16xf32>,
        %swap3A_679 = vector.shape_cast %swap3A_678 : vector<1x16xf32> to vector<16xf32>
        %swap3A_680 = vector.shape_cast %mul3A_675 : vector<16xf32> to vector<1x16xf32>
        tpu.vector_store %arg10[%swap3A_676, %swap3A_677], %swap3A_680 {strides = array<i32>} : memref<128x128xf32, #tpu.memory_space<vmem>>, vector<1x16xf32>,
        %get3A_681 = arith.index_cast %add3A_660 : i32 to index
        %get3A_682 = arith.constant 32 : index
        %get3A_683 = tpu.vector_load %arg10[%get3A_681, %get3A_682] {strides = array<i32>} : memref<128x128xf32, #tpu.memory_space<vmem>>, vector<1x16xf32>,
        %get3A_684 = vector.shape_cast %get3A_683 : vector<1x16xf32> to vector<16xf32>
        %mul3A_685 = arith.mulf %get3A_684, %gather3A_656 : vector<16xf32>
        %swap3A_686 = arith.index_cast %add3A_660 : i32 to index
        %swap3A_687 = arith.constant 32 : index
        %swap3A_688 = tpu.vector_load %arg10[%swap3A_686, %swap3A_687] {strides = array<i32>} : memref<128x128xf32, #tpu.memory_space<vmem>>, vector<1x16xf32>,
        %swap3A_689 = vector.shape_cast %swap3A_688 : vector<1x16xf32> to vector<16xf32>
        %swap3A_690 = vector.shape_cast %mul3A_685 : vector<16xf32> to vector<1x16xf32>
        tpu.vector_store %arg10[%swap3A_686, %swap3A_687], %swap3A_690 {strides = array<i32>} : memref<128x128xf32, #tpu.memory_space<vmem>>, vector<1x16xf32>,
        %get3A_691 = arith.index_cast %add3A_660 : i32 to index
        %get3A_692 = arith.constant 48 : index
        %get3A_693 = tpu.vector_load %arg10[%get3A_691, %get3A_692] {strides = array<i32>} : memref<128x128xf32, #tpu.memory_space<vmem>>, vector<1x16xf32>,
        %get3A_694 = vector.shape_cast %get3A_693 : vector<1x16xf32> to vector<16xf32>
        %mul3A_695 = arith.mulf %get3A_694, %gather3A_656 : vector<16xf32>
        %swap3A_696 = arith.index_cast %add3A_660 : i32 to index
        %swap3A_697 = arith.constant 48 : index
        %swap3A_698 = tpu.vector_load %arg10[%swap3A_696, %swap3A_697] {strides = array<i32>} : memref<128x128xf32, #tpu.memory_space<vmem>>, vector<1x16xf32>,
        %swap3A_699 = vector.shape_cast %swap3A_698 : vector<1x16xf32> to vector<16xf32>
        %swap3A_700 = vector.shape_cast %mul3A_695 : vector<16xf32> to vector<1x16xf32>
        tpu.vector_store %arg10[%swap3A_696, %swap3A_697], %swap3A_700 {strides = array<i32>} : memref<128x128xf32, #tpu.memory_space<vmem>>, vector<1x16xf32>,
        %get3A_701 = arith.index_cast %add3A_660 : i32 to index
        %get3A_702 = arith.constant 64 : index
        %get3A_703 = tpu.vector_load %arg10[%get3A_701, %get3A_702] {strides = array<i32>} : memref<128x128xf32, #tpu.memory_space<vmem>>, vector<1x16xf32>,
        %get3A_704 = vector.shape_cast %get3A_703 : vector<1x16xf32> to vector<16xf32>
        %mul3A_705 = arith.mulf %get3A_704, %gather3A_656 : vector<16xf32>
        %swap3A_706 = arith.index_cast %add3A_660 : i32 to index
        %swap3A_707 = arith.constant 64 : index
        %swap3A_708 = tpu.vector_load %arg10[%swap3A_706, %swap3A_707] {strides = array<i32>} : memref<128x128xf32, #tpu.memory_space<vmem>>, vector<1x16xf32>,
        %swap3A_709 = vector.shape_cast %swap3A_708 : vector<1x16xf32> to vector<16xf32>
        %swap3A_710 = vector.shape_cast %mul3A_705 : vector<16xf32> to vector<1x16xf32>
        tpu.vector_store %arg10[%swap3A_706, %swap3A_707], %swap3A_710 {strides = array<i32>} : memref<128x128xf32, #tpu.memory_space<vmem>>, vector<1x16xf32>,
        %get3A_711 = arith.index_cast %add3A_660 : i32 to index
        %get3A_712 = arith.constant 80 : index
        %get3A_713 = tpu.vector_load %arg10[%get3A_711, %get3A_712] {strides = array<i32>} : memref<128x128xf32, #tpu.memory_space<vmem>>, vector<1x16xf32>,
        %get3A_714 = vector.shape_cast %get3A_713 : vector<1x16xf32> to vector<16xf32>
        %mul3A_715 = arith.mulf %get3A_714, %gather3A_656 : vector<16xf32>
        %swap3A_716 = arith.index_cast %add3A_660 : i32 to index
        %swap3A_717 = arith.constant 80 : index
        %swap3A_718 = tpu.vector_load %arg10[%swap3A_716, %swap3A_717] {strides = array<i32>} : memref<128x128xf32, #tpu.memory_space<vmem>>, vector<1x16xf32>,
        %swap3A_719 = vector.shape_cast %swap3A_718 : vector<1x16xf32> to vector<16xf32>
        %swap3A_720 = vector.shape_cast %mul3A_715 : vector<16xf32> to vector<1x16xf32>
        tpu.vector_store %arg10[%swap3A_716, %swap3A_717], %swap3A_720 {strides = array<i32>} : memref<128x128xf32, #tpu.memory_space<vmem>>, vector<1x16xf32>,
        %get3A_721 = arith.index_cast %add3A_660 : i32 to index
        %get3A_722 = arith.constant 96 : index
        %get3A_723 = tpu.vector_load %arg10[%get3A_721, %get3A_722] {strides = array<i32>} : memref<128x128xf32, #tpu.memory_space<vmem>>, vector<1x16xf32>,
        %get3A_724 = vector.shape_cast %get3A_723 : vector<1x16xf32> to vector<16xf32>
        %mul3A_725 = arith.mulf %get3A_724, %gather3A_656 : vector<16xf32>
        %swap3A_726 = arith.index_cast %add3A_660 : i32 to index
        %swap3A_727 = arith.constant 96 : index
        %swap3A_728 = tpu.vector_load %arg10[%swap3A_726, %swap3A_727] {strides = array<i32>} : memref<128x128xf32, #tpu.memory_space<vmem>>, vector<1x16xf32>,
        %swap3A_729 = vector.shape_cast %swap3A_728 : vector<1x16xf32> to vector<16xf32>
        %swap3A_730 = vector.shape_cast %mul3A_725 : vector<16xf32> to vector<1x16xf32>
        tpu.vector_store %arg10[%swap3A_726, %swap3A_727], %swap3A_730 {strides = array<i32>} : memref<128x128xf32, #tpu.memory_space<vmem>>, vector<1x16xf32>,
        %get3A_731 = arith.index_cast %add3A_660 : i32 to index
        %get3A_732 = arith.constant 112 : index
        %get3A_733 = tpu.vector_load %arg10[%get3A_731, %get3A_732] {strides = array<i32>} : memref<128x128xf32, #tpu.memory_space<vmem>>, vector<1x16xf32>,
        %get3A_734 = vector.shape_cast %get3A_733 : vector<1x16xf32> to vector<16xf32>
        %mul3A_735 = arith.mulf %get3A_734, %gather3A_656 : vector<16xf32>
        %swap3A_736 = arith.index_cast %add3A_660 : i32 to index
        %swap3A_737 = arith.constant 112 : index
        %swap3A_738 = tpu.vector_load %arg10[%swap3A_736, %swap3A_737] {strides = array<i32>} : memref<128x128xf32, #tpu.memory_space<vmem>>, vector<1x16xf32>,
        %swap3A_739 = vector.shape_cast %swap3A_738 : vector<1x16xf32> to vector<16xf32>
        %swap3A_740 = vector.shape_cast %mul3A_735 : vector<16xf32> to vector<1x16xf32>
        tpu.vector_store %arg10[%swap3A_736, %swap3A_737], %swap3A_740 {strides = array<i32>} : memref<128x128xf32, #tpu.memory_space<vmem>>, vector<1x16xf32>,
        %broadcast_in_dim3A_741 = arith.constant 8 : i32
        %broadcast_in_dim3A_742 = vector.broadcast %broadcast_in_dim3A_741 : i32 to vector<16x1xi32>
        %gather3A_743 = vector.shape_cast %broadcast_in_dim3A_742 : vector<16x1xi32> to vector<16xi32>
        %gather3A_744 = tpu.dynamic_gather %get3A_39[%gather3A_743] in [0] : vector<16xf32>, vector<16xi32> -> vector<16xf32>
        %mul3A_745 = arith.constant 16 : i32
        %mul3A_746 = arith.muli %scan3A_35, %mul3A_745 : i32
        %add3A_747 = arith.constant 8 : i32
        %add3A_748 = arith.addi %mul3A_746, %add3A_747 : i32
        %get3A_749 = arith.index_cast %add3A_748 : i32 to index
        %get3A_750 = arith.constant 0 : index
        %get3A_751 = tpu.vector_load %arg10[%get3A_749, %get3A_750] {strides = array<i32>} : memref<128x128xf32, #tpu.memory_space<vmem>>, vector<1x16xf32>,
        %get3A_752 = vector.shape_cast %get3A_751 : vector<1x16xf32> to vector<16xf32>
        %mul3A_753 = arith.mulf %get3A_752, %gather3A_744 : vector<16xf32>
        %swap3A_754 = arith.index_cast %add3A_748 : i32 to index
        %swap3A_755 = arith.constant 0 : index
        %swap3A_756 = tpu.vector_load %arg10[%swap3A_754, %swap3A_755] {strides = array<i32>} : memref<128x128xf32, #tpu.memory_space<vmem>>, vector<1x16xf32>,
        %swap3A_757 = vector.shape_cast %swap3A_756 : vector<1x16xf32> to vector<16xf32>
        %swap3A_758 = vector.shape_cast %mul3A_753 : vector<16xf32> to vector<1x16xf32>
        tpu.vector_store %arg10[%swap3A_754, %swap3A_755], %swap3A_758 {strides = array<i32>} : memref<128x128xf32, #tpu.memory_space<vmem>>, vector<1x16xf32>,
        %get3A_759 = arith.index_cast %add3A_748 : i32 to index
        %get3A_760 = arith.constant 16 : index
        %get3A_761 = tpu.vector_load %arg10[%get3A_759, %get3A_760] {strides = array<i32>} : memref<128x128xf32, #tpu.memory_space<vmem>>, vector<1x16xf32>,
        %get3A_762 = vector.shape_cast %get3A_761 : vector<1x16xf32> to vector<16xf32>
        %mul3A_763 = arith.mulf %get3A_762, %gather3A_744 : vector<16xf32>
        %swap3A_764 = arith.index_cast %add3A_748 : i32 to index
        %swap3A_765 = arith.constant 16 : index
        %swap3A_766 = tpu.vector_load %arg10[%swap3A_764, %swap3A_765] {strides = array<i32>} : memref<128x128xf32, #tpu.memory_space<vmem>>, vector<1x16xf32>,
        %swap3A_767 = vector.shape_cast %swap3A_766 : vector<1x16xf32> to vector<16xf32>
        %swap3A_768 = vector.shape_cast %mul3A_763 : vector<16xf32> to vector<1x16xf32>
        tpu.vector_store %arg10[%swap3A_764, %swap3A_765], %swap3A_768 {strides = array<i32>} : memref<128x128xf32, #tpu.memory_space<vmem>>, vector<1x16xf32>,
        %get3A_769 = arith.index_cast %add3A_748 : i32 to index
        %get3A_770 = arith.constant 32 : index
        %get3A_771 = tpu.vector_load %arg10[%get3A_769, %get3A_770] {strides = array<i32>} : memref<128x128xf32, #tpu.memory_space<vmem>>, vector<1x16xf32>,
        %get3A_772 = vector.shape_cast %get3A_771 : vector<1x16xf32> to vector<16xf32>
        %mul3A_773 = arith.mulf %get3A_772, %gather3A_744 : vector<16xf32>
        %swap3A_774 = arith.index_cast %add3A_748 : i32 to index
        %swap3A_775 = arith.constant 32 : index
        %swap3A_776 = tpu.vector_load %arg10[%swap3A_774, %swap3A_775] {strides = array<i32>} : memref<128x128xf32, #tpu.memory_space<vmem>>, vector<1x16xf32>,
        %swap3A_777 = vector.shape_cast %swap3A_776 : vector<1x16xf32> to vector<16xf32>
        %swap3A_778 = vector.shape_cast %mul3A_773 : vector<16xf32> to vector<1x16xf32>
        tpu.vector_store %arg10[%swap3A_774, %swap3A_775], %swap3A_778 {strides = array<i32>} : memref<128x128xf32, #tpu.memory_space<vmem>>, vector<1x16xf32>,
        %get3A_779 = arith.index_cast %add3A_748 : i32 to index
        %get3A_780 = arith.constant 48 : index
        %get3A_781 = tpu.vector_load %arg10[%get3A_779, %get3A_780] {strides = array<i32>} : memref<128x128xf32, #tpu.memory_space<vmem>>, vector<1x16xf32>,
        %get3A_782 = vector.shape_cast %get3A_781 : vector<1x16xf32> to vector<16xf32>
        %mul3A_783 = arith.mulf %get3A_782, %gather3A_744 : vector<16xf32>
        %swap3A_784 = arith.index_cast %add3A_748 : i32 to index
        %swap3A_785 = arith.constant 48 : index
        %swap3A_786 = tpu.vector_load %arg10[%swap3A_784, %swap3A_785] {strides = array<i32>} : memref<128x128xf32, #tpu.memory_space<vmem>>, vector<1x16xf32>,
        %swap3A_787 = vector.shape_cast %swap3A_786 : vector<1x16xf32> to vector<16xf32>
        %swap3A_788 = vector.shape_cast %mul3A_783 : vector<16xf32> to vector<1x16xf32>
        tpu.vector_store %arg10[%swap3A_784, %swap3A_785], %swap3A_788 {strides = array<i32>} : memref<128x128xf32, #tpu.memory_space<vmem>>, vector<1x16xf32>,
        %get3A_789 = arith.index_cast %add3A_748 : i32 to index
        %get3A_790 = arith.constant 64 : index
        %get3A_791 = tpu.vector_load %arg10[%get3A_789, %get3A_790] {strides = array<i32>} : memref<128x128xf32, #tpu.memory_space<vmem>>, vector<1x16xf32>,
        %get3A_792 = vector.shape_cast %get3A_791 : vector<1x16xf32> to vector<16xf32>
        %mul3A_793 = arith.mulf %get3A_792, %gather3A_744 : vector<16xf32>
        %swap3A_794 = arith.index_cast %add3A_748 : i32 to index
        %swap3A_795 = arith.constant 64 : index
        %swap3A_796 = tpu.vector_load %arg10[%swap3A_794, %swap3A_795] {strides = array<i32>} : memref<128x128xf32, #tpu.memory_space<vmem>>, vector<1x16xf32>,
        %swap3A_797 = vector.shape_cast %swap3A_796 : vector<1x16xf32> to vector<16xf32>
        %swap3A_798 = vector.shape_cast %mul3A_793 : vector<16xf32> to vector<1x16xf32>
        tpu.vector_store %arg10[%swap3A_794, %swap3A_795], %swap3A_798 {strides = array<i32>} : memref<128x128xf32, #tpu.memory_space<vmem>>, vector<1x16xf32>,
        %get3A_799 = arith.index_cast %add3A_748 : i32 to index
        %get3A_800 = arith.constant 80 : index
        %get3A_801 = tpu.vector_load %arg10[%get3A_799, %get3A_800] {strides = array<i32>} : memref<128x128xf32, #tpu.memory_space<vmem>>, vector<1x16xf32>,
        %get3A_802 = vector.shape_cast %get3A_801 : vector<1x16xf32> to vector<16xf32>
        %mul3A_803 = arith.mulf %get3A_802, %gather3A_744 : vector<16xf32>
        %swap3A_804 = arith.index_cast %add3A_748 : i32 to index
        %swap3A_805 = arith.constant 80 : index
        %swap3A_806 = tpu.vector_load %arg10[%swap3A_804, %swap3A_805] {strides = array<i32>} : memref<128x128xf32, #tpu.memory_space<vmem>>, vector<1x16xf32>,
        %swap3A_807 = vector.shape_cast %swap3A_806 : vector<1x16xf32> to vector<16xf32>
        %swap3A_808 = vector.shape_cast %mul3A_803 : vector<16xf32> to vector<1x16xf32>
        tpu.vector_store %arg10[%swap3A_804, %swap3A_805], %swap3A_808 {strides = array<i32>} : memref<128x128xf32, #tpu.memory_space<vmem>>, vector<1x16xf32>,
        %get3A_809 = arith.index_cast %add3A_748 : i32 to index
        %get3A_810 = arith.constant 96 : index
        %get3A_811 = tpu.vector_load %arg10[%get3A_809, %get3A_810] {strides = array<i32>} : memref<128x128xf32, #tpu.memory_space<vmem>>, vector<1x16xf32>,
        %get3A_812 = vector.shape_cast %get3A_811 : vector<1x16xf32> to vector<16xf32>
        %mul3A_813 = arith.mulf %get3A_812, %gather3A_744 : vector<16xf32>
        %swap3A_814 = arith.index_cast %add3A_748 : i32 to index
        %swap3A_815 = arith.constant 96 : index
        %swap3A_816 = tpu.vector_load %arg10[%swap3A_814, %swap3A_815] {strides = array<i32>} : memref<128x128xf32, #tpu.memory_space<vmem>>, vector<1x16xf32>,
        %swap3A_817 = vector.shape_cast %swap3A_816 : vector<1x16xf32> to vector<16xf32>
        %swap3A_818 = vector.shape_cast %mul3A_813 : vector<16xf32> to vector<1x16xf32>
        tpu.vector_store %arg10[%swap3A_814, %swap3A_815], %swap3A_818 {strides = array<i32>} : memref<128x128xf32, #tpu.memory_space<vmem>>, vector<1x16xf32>,
        %get3A_819 = arith.index_cast %add3A_748 : i32 to index
        %get3A_820 = arith.constant 112 : index
        %get3A_821 = tpu.vector_load %arg10[%get3A_819, %get3A_820] {strides = array<i32>} : memref<128x128xf32, #tpu.memory_space<vmem>>, vector<1x16xf32>,
        %get3A_822 = vector.shape_cast %get3A_821 : vector<1x16xf32> to vector<16xf32>
        %mul3A_823 = arith.mulf %get3A_822, %gather3A_744 : vector<16xf32>
        %swap3A_824 = arith.index_cast %add3A_748 : i32 to index
        %swap3A_825 = arith.constant 112 : index
        %swap3A_826 = tpu.vector_load %arg10[%swap3A_824, %swap3A_825] {strides = array<i32>} : memref<128x128xf32, #tpu.memory_space<vmem>>, vector<1x16xf32>,
        %swap3A_827 = vector.shape_cast %swap3A_826 : vector<1x16xf32> to vector<16xf32>
        %swap3A_828 = vector.shape_cast %mul3A_823 : vector<16xf32> to vector<1x16xf32>
        tpu.vector_store %arg10[%swap3A_824, %swap3A_825], %swap3A_828 {strides = array<i32>} : memref<128x128xf32, #tpu.memory_space<vmem>>, vector<1x16xf32>,
        %broadcast_in_dim3A_829 = arith.constant 9 : i32
        %broadcast_in_dim3A_830 = vector.broadcast %broadcast_in_dim3A_829 : i32 to vector<16x1xi32>
        %gather3A_831 = vector.shape_cast %broadcast_in_dim3A_830 : vector<16x1xi32> to vector<16xi32>
        %gather3A_832 = tpu.dynamic_gather %get3A_39[%gather3A_831] in [0] : vector<16xf32>, vector<16xi32> -> vector<16xf32>
        %mul3A_833 = arith.constant 16 : i32
        %mul3A_834 = arith.muli %scan3A_35, %mul3A_833 : i32
        %add3A_835 = arith.constant 9 : i32
        %add3A_836 = arith.addi %mul3A_834, %add3A_835 : i32
        %get3A_837 = arith.index_cast %add3A_836 : i32 to index
        %get3A_838 = arith.constant 0 : index
        %get3A_839 = tpu.vector_load %arg10[%get3A_837, %get3A_838] {strides = array<i32>} : memref<128x128xf32, #tpu.memory_space<vmem>>, vector<1x16xf32>,
        %get3A_840 = vector.shape_cast %get3A_839 : vector<1x16xf32> to vector<16xf32>
        %mul3A_841 = arith.mulf %get3A_840, %gather3A_832 : vector<16xf32>
        %swap3A_842 = arith.index_cast %add3A_836 : i32 to index
        %swap3A_843 = arith.constant 0 : index
        %swap3A_844 = tpu.vector_load %arg10[%swap3A_842, %swap3A_843] {strides = array<i32>} : memref<128x128xf32, #tpu.memory_space<vmem>>, vector<1x16xf32>,
        %swap3A_845 = vector.shape_cast %swap3A_844 : vector<1x16xf32> to vector<16xf32>
        %swap3A_846 = vector.shape_cast %mul3A_841 : vector<16xf32> to vector<1x16xf32>
        tpu.vector_store %arg10[%swap3A_842, %swap3A_843], %swap3A_846 {strides = array<i32>} : memref<128x128xf32, #tpu.memory_space<vmem>>, vector<1x16xf32>,
        %get3A_847 = arith.index_cast %add3A_836 : i32 to index
        %get3A_848 = arith.constant 16 : index
        %get3A_849 = tpu.vector_load %arg10[%get3A_847, %get3A_848] {strides = array<i32>} : memref<128x128xf32, #tpu.memory_space<vmem>>, vector<1x16xf32>,
        %get3A_850 = vector.shape_cast %get3A_849 : vector<1x16xf32> to vector<16xf32>
        %mul3A_851 = arith.mulf %get3A_850, %gather3A_832 : vector<16xf32>
        %swap3A_852 = arith.index_cast %add3A_836 : i32 to index
        %swap3A_853 = arith.constant 16 : index
        %swap3A_854 = tpu.vector_load %arg10[%swap3A_852, %swap3A_853] {strides = array<i32>} : memref<128x128xf32, #tpu.memory_space<vmem>>, vector<1x16xf32>,
        %swap3A_855 = vector.shape_cast %swap3A_854 : vector<1x16xf32> to vector<16xf32>
        %swap3A_856 = vector.shape_cast %mul3A_851 : vector<16xf32> to vector<1x16xf32>
        tpu.vector_store %arg10[%swap3A_852, %swap3A_853], %swap3A_856 {strides = array<i32>} : memref<128x128xf32, #tpu.memory_space<vmem>>, vector<1x16xf32>,
        %get3A_857 = arith.index_cast %add3A_836 : i32 to index
        %get3A_858 = arith.constant 32 : index
        %get3A_859 = tpu.vector_load %arg10[%get3A_857, %get3A_858] {strides = array<i32>} : memref<128x128xf32, #tpu.memory_space<vmem>>, vector<1x16xf32>,
        %get3A_860 = vector.shape_cast %get3A_859 : vector<1x16xf32> to vector<16xf32>
        %mul3A_861 = arith.mulf %get3A_860, %gather3A_832 : vector<16xf32>
        %swap3A_862 = arith.index_cast %add3A_836 : i32 to index
        %swap3A_863 = arith.constant 32 : index
        %swap3A_864 = tpu.vector_load %arg10[%swap3A_862, %swap3A_863] {strides = array<i32>} : memref<128x128xf32, #tpu.memory_space<vmem>>, vector<1x16xf32>,
        %swap3A_865 = vector.shape_cast %swap3A_864 : vector<1x16xf32> to vector<16xf32>
        %swap3A_866 = vector.shape_cast %mul3A_861 : vector<16xf32> to vector<1x16xf32>
        tpu.vector_store %arg10[%swap3A_862, %swap3A_863], %swap3A_866 {strides = array<i32>} : memref<128x128xf32, #tpu.memory_space<vmem>>, vector<1x16xf32>,
        %get3A_867 = arith.index_cast %add3A_836 : i32 to index
        %get3A_868 = arith.constant 48 : index
        %get3A_869 = tpu.vector_load %arg10[%get3A_867, %get3A_868] {strides = array<i32>} : memref<128x128xf32, #tpu.memory_space<vmem>>, vector<1x16xf32>,
        %get3A_870 = vector.shape_cast %get3A_869 : vector<1x16xf32> to vector<16xf32>
        %mul3A_871 = arith.mulf %get3A_870, %gather3A_832 : vector<16xf32>
        %swap3A_872 = arith.index_cast %add3A_836 : i32 to index
        %swap3A_873 = arith.constant 48 : index
        %swap3A_874 = tpu.vector_load %arg10[%swap3A_872, %swap3A_873] {strides = array<i32>} : memref<128x128xf32, #tpu.memory_space<vmem>>, vector<1x16xf32>,
        %swap3A_875 = vector.shape_cast %swap3A_874 : vector<1x16xf32> to vector<16xf32>
        %swap3A_876 = vector.shape_cast %mul3A_871 : vector<16xf32> to vector<1x16xf32>
        tpu.vector_store %arg10[%swap3A_872, %swap3A_873], %swap3A_876 {strides = array<i32>} : memref<128x128xf32, #tpu.memory_space<vmem>>, vector<1x16xf32>,
        %get3A_877 = arith.index_cast %add3A_836 : i32 to index
        %get3A_878 = arith.constant 64 : index
        %get3A_879 = tpu.vector_load %arg10[%get3A_877, %get3A_878] {strides = array<i32>} : memref<128x128xf32, #tpu.memory_space<vmem>>, vector<1x16xf32>,
        %get3A_880 = vector.shape_cast %get3A_879 : vector<1x16xf32> to vector<16xf32>
        %mul3A_881 = arith.mulf %get3A_880, %gather3A_832 : vector<16xf32>
        %swap3A_882 = arith.index_cast %add3A_836 : i32 to index
        %swap3A_883 = arith.constant 64 : index
        %swap3A_884 = tpu.vector_load %arg10[%swap3A_882, %swap3A_883] {strides = array<i32>} : memref<128x128xf32, #tpu.memory_space<vmem>>, vector<1x16xf32>,
        %swap3A_885 = vector.shape_cast %swap3A_884 : vector<1x16xf32> to vector<16xf32>
        %swap3A_886 = vector.shape_cast %mul3A_881 : vector<16xf32> to vector<1x16xf32>
        tpu.vector_store %arg10[%swap3A_882, %swap3A_883], %swap3A_886 {strides = array<i32>} : memref<128x128xf32, #tpu.memory_space<vmem>>, vector<1x16xf32>,
        %get3A_887 = arith.index_cast %add3A_836 : i32 to index
        %get3A_888 = arith.constant 80 : index
        %get3A_889 = tpu.vector_load %arg10[%get3A_887, %get3A_888] {strides = array<i32>} : memref<128x128xf32, #tpu.memory_space<vmem>>, vector<1x16xf32>,
        %get3A_890 = vector.shape_cast %get3A_889 : vector<1x16xf32> to vector<16xf32>
        %mul3A_891 = arith.mulf %get3A_890, %gather3A_832 : vector<16xf32>
        %swap3A_892 = arith.index_cast %add3A_836 : i32 to index
        %swap3A_893 = arith.constant 80 : index
        %swap3A_894 = tpu.vector_load %arg10[%swap3A_892, %swap3A_893] {strides = array<i32>} : memref<128x128xf32, #tpu.memory_space<vmem>>, vector<1x16xf32>,
        %swap3A_895 = vector.shape_cast %swap3A_894 : vector<1x16xf32> to vector<16xf32>
        %swap3A_896 = vector.shape_cast %mul3A_891 : vector<16xf32> to vector<1x16xf32>
        tpu.vector_store %arg10[%swap3A_892, %swap3A_893], %swap3A_896 {strides = array<i32>} : memref<128x128xf32, #tpu.memory_space<vmem>>, vector<1x16xf32>,
        %get3A_897 = arith.index_cast %add3A_836 : i32 to index
        %get3A_898 = arith.constant 96 : index
        %get3A_899 = tpu.vector_load %arg10[%get3A_897, %get3A_898] {strides = array<i32>} : memref<128x128xf32, #tpu.memory_space<vmem>>, vector<1x16xf32>,
        %get3A_900 = vector.shape_cast %get3A_899 : vector<1x16xf32> to vector<16xf32>
        %mul3A_901 = arith.mulf %get3A_900, %gather3A_832 : vector<16xf32>
        %swap3A_902 = arith.index_cast %add3A_836 : i32 to index
        %swap3A_903 = arith.constant 96 : index
        %swap3A_904 = tpu.vector_load %arg10[%swap3A_902, %swap3A_903] {strides = array<i32>} : memref<128x128xf32, #tpu.memory_space<vmem>>, vector<1x16xf32>,
        %swap3A_905 = vector.shape_cast %swap3A_904 : vector<1x16xf32> to vector<16xf32>
        %swap3A_906 = vector.shape_cast %mul3A_901 : vector<16xf32> to vector<1x16xf32>
        tpu.vector_store %arg10[%swap3A_902, %swap3A_903], %swap3A_906 {strides = array<i32>} : memref<128x128xf32, #tpu.memory_space<vmem>>, vector<1x16xf32>,
        %get3A_907 = arith.index_cast %add3A_836 : i32 to index
        %get3A_908 = arith.constant 112 : index
        %get3A_909 = tpu.vector_load %arg10[%get3A_907, %get3A_908] {strides = array<i32>} : memref<128x128xf32, #tpu.memory_space<vmem>>, vector<1x16xf32>,
        %get3A_910 = vector.shape_cast %get3A_909 : vector<1x16xf32> to vector<16xf32>
        %mul3A_911 = arith.mulf %get3A_910, %gather3A_832 : vector<16xf32>
        %swap3A_912 = arith.index_cast %add3A_836 : i32 to index
        %swap3A_913 = arith.constant 112 : index
        %swap3A_914 = tpu.vector_load %arg10[%swap3A_912, %swap3A_913] {strides = array<i32>} : memref<128x128xf32, #tpu.memory_space<vmem>>, vector<1x16xf32>,
        %swap3A_915 = vector.shape_cast %swap3A_914 : vector<1x16xf32> to vector<16xf32>
        %swap3A_916 = vector.shape_cast %mul3A_911 : vector<16xf32> to vector<1x16xf32>
        tpu.vector_store %arg10[%swap3A_912, %swap3A_913], %swap3A_916 {strides = array<i32>} : memref<128x128xf32, #tpu.memory_space<vmem>>, vector<1x16xf32>,
        %broadcast_in_dim3A_917 = arith.constant 10 : i32
        %broadcast_in_dim3A_918 = vector.broadcast %broadcast_in_dim3A_917 : i32 to vector<16x1xi32>
        %gather3A_919 = vector.shape_cast %broadcast_in_dim3A_918 : vector<16x1xi32> to vector<16xi32>
        %gather3A_920 = tpu.dynamic_gather %get3A_39[%gather3A_919] in [0] : vector<16xf32>, vector<16xi32> -> vector<16xf32>
        %mul3A_921 = arith.constant 16 : i32
        %mul3A_922 = arith.muli %scan3A_35, %mul3A_921 : i32
        %add3A_923 = arith.constant 10 : i32
        %add3A_924 = arith.addi %mul3A_922, %add3A_923 : i32
        %get3A_925 = arith.index_cast %add3A_924 : i32 to index
        %get3A_926 = arith.constant 0 : index
        %get3A_927 = tpu.vector_load %arg10[%get3A_925, %get3A_926] {strides = array<i32>} : memref<128x128xf32, #tpu.memory_space<vmem>>, vector<1x16xf32>,
        %get3A_928 = vector.shape_cast %get3A_927 : vector<1x16xf32> to vector<16xf32>
        %mul3A_929 = arith.mulf %get3A_928, %gather3A_920 : vector<16xf32>
        %swap3A_930 = arith.index_cast %add3A_924 : i32 to index
        %swap3A_931 = arith.constant 0 : index
        %swap3A_932 = tpu.vector_load %arg10[%swap3A_930, %swap3A_931] {strides = array<i32>} : memref<128x128xf32, #tpu.memory_space<vmem>>, vector<1x16xf32>,
        %swap3A_933 = vector.shape_cast %swap3A_932 : vector<1x16xf32> to vector<16xf32>
        %swap3A_934 = vector.shape_cast %mul3A_929 : vector<16xf32> to vector<1x16xf32>
        tpu.vector_store %arg10[%swap3A_930, %swap3A_931], %swap3A_934 {strides = array<i32>} : memref<128x128xf32, #tpu.memory_space<vmem>>, vector<1x16xf32>,
        %get3A_935 = arith.index_cast %add3A_924 : i32 to index
        %get3A_936 = arith.constant 16 : index
        %get3A_937 = tpu.vector_load %arg10[%get3A_935, %get3A_936] {strides = array<i32>} : memref<128x128xf32, #tpu.memory_space<vmem>>, vector<1x16xf32>,
        %get3A_938 = vector.shape_cast %get3A_937 : vector<1x16xf32> to vector<16xf32>
        %mul3A_939 = arith.mulf %get3A_938, %gather3A_920 : vector<16xf32>
        %swap3A_940 = arith.index_cast %add3A_924 : i32 to index
        %swap3A_941 = arith.constant 16 : index
        %swap3A_942 = tpu.vector_load %arg10[%swap3A_940, %swap3A_941] {strides = array<i32>} : memref<128x128xf32, #tpu.memory_space<vmem>>, vector<1x16xf32>,
        %swap3A_943 = vector.shape_cast %swap3A_942 : vector<1x16xf32> to vector<16xf32>
        %swap3A_944 = vector.shape_cast %mul3A_939 : vector<16xf32> to vector<1x16xf32>
        tpu.vector_store %arg10[%swap3A_940, %swap3A_941], %swap3A_944 {strides = array<i32>} : memref<128x128xf32, #tpu.memory_space<vmem>>, vector<1x16xf32>,
        %get3A_945 = arith.index_cast %add3A_924 : i32 to index
        %get3A_946 = arith.constant 32 : index
        %get3A_947 = tpu.vector_load %arg10[%get3A_945, %get3A_946] {strides = array<i32>} : memref<128x128xf32, #tpu.memory_space<vmem>>, vector<1x16xf32>,
        %get3A_948 = vector.shape_cast %get3A_947 : vector<1x16xf32> to vector<16xf32>
        %mul3A_949 = arith.mulf %get3A_948, %gather3A_920 : vector<16xf32>
        %swap3A_950 = arith.index_cast %add3A_924 : i32 to index
        %swap3A_951 = arith.constant 32 : index
        %swap3A_952 = tpu.vector_load %arg10[%swap3A_950, %swap3A_951] {strides = array<i32>} : memref<128x128xf32, #tpu.memory_space<vmem>>, vector<1x16xf32>,
        %swap3A_953 = vector.shape_cast %swap3A_952 : vector<1x16xf32> to vector<16xf32>
        %swap3A_954 = vector.shape_cast %mul3A_949 : vector<16xf32> to vector<1x16xf32>
        tpu.vector_store %arg10[%swap3A_950, %swap3A_951], %swap3A_954 {strides = array<i32>} : memref<128x128xf32, #tpu.memory_space<vmem>>, vector<1x16xf32>,
        %get3A_955 = arith.index_cast %add3A_924 : i32 to index
        %get3A_956 = arith.constant 48 : index
        %get3A_957 = tpu.vector_load %arg10[%get3A_955, %get3A_956] {strides = array<i32>} : memref<128x128xf32, #tpu.memory_space<vmem>>, vector<1x16xf32>,
        %get3A_958 = vector.shape_cast %get3A_957 : vector<1x16xf32> to vector<16xf32>
        %mul3A_959 = arith.mulf %get3A_958, %gather3A_920 : vector<16xf32>
        %swap3A_960 = arith.index_cast %add3A_924 : i32 to index
        %swap3A_961 = arith.constant 48 : index
        %swap3A_962 = tpu.vector_load %arg10[%swap3A_960, %swap3A_961] {strides = array<i32>} : memref<128x128xf32, #tpu.memory_space<vmem>>, vector<1x16xf32>,
        %swap3A_963 = vector.shape_cast %swap3A_962 : vector<1x16xf32> to vector<16xf32>
        %swap3A_964 = vector.shape_cast %mul3A_959 : vector<16xf32> to vector<1x16xf32>
        tpu.vector_store %arg10[%swap3A_960, %swap3A_961], %swap3A_964 {strides = array<i32>} : memref<128x128xf32, #tpu.memory_space<vmem>>, vector<1x16xf32>,
        %get3A_965 = arith.index_cast %add3A_924 : i32 to index
        %get3A_966 = arith.constant 64 : index
        %get3A_967 = tpu.vector_load %arg10[%get3A_965, %get3A_966] {strides = array<i32>} : memref<128x128xf32, #tpu.memory_space<vmem>>, vector<1x16xf32>,
        %get3A_968 = vector.shape_cast %get3A_967 : vector<1x16xf32> to vector<16xf32>
        %mul3A_969 = arith.mulf %get3A_968, %gather3A_920 : vector<16xf32>
        %swap3A_970 = arith.index_cast %add3A_924 : i32 to index
        %swap3A_971 = arith.constant 64 : index
        %swap3A_972 = tpu.vector_load %arg10[%swap3A_970, %swap3A_971] {strides = array<i32>} : memref<128x128xf32, #tpu.memory_space<vmem>>, vector<1x16xf32>,
        %swap3A_973 = vector.shape_cast %swap3A_972 : vector<1x16xf32> to vector<16xf32>
        %swap3A_974 = vector.shape_cast %mul3A_969 : vector<16xf32> to vector<1x16xf32>
        tpu.vector_store %arg10[%swap3A_970, %swap3A_971], %swap3A_974 {strides = array<i32>} : memref<128x128xf32, #tpu.memory_space<vmem>>, vector<1x16xf32>,
        %get3A_975 = arith.index_cast %add3A_924 : i32 to index
        %get3A_976 = arith.constant 80 : index
        %get3A_977 = tpu.vector_load %arg10[%get3A_975, %get3A_976] {strides = array<i32>} : memref<128x128xf32, #tpu.memory_space<vmem>>, vector<1x16xf32>,
        %get3A_978 = vector.shape_cast %get3A_977 : vector<1x16xf32> to vector<16xf32>
        %mul3A_979 = arith.mulf %get3A_978, %gather3A_920 : vector<16xf32>
        %swap3A_980 = arith.index_cast %add3A_924 : i32 to index
        %swap3A_981 = arith.constant 80 : index
        %swap3A_982 = tpu.vector_load %arg10[%swap3A_980, %swap3A_981] {strides = array<i32>} : memref<128x128xf32, #tpu.memory_space<vmem>>, vector<1x16xf32>,
        %swap3A_983 = vector.shape_cast %swap3A_982 : vector<1x16xf32> to vector<16xf32>
        %swap3A_984 = vector.shape_cast %mul3A_979 : vector<16xf32> to vector<1x16xf32>
        tpu.vector_store %arg10[%swap3A_980, %swap3A_981], %swap3A_984 {strides = array<i32>} : memref<128x128xf32, #tpu.memory_space<vmem>>, vector<1x16xf32>,
        %get3A_985 = arith.index_cast %add3A_924 : i32 to index
        %get3A_986 = arith.constant 96 : index
        %get3A_987 = tpu.vector_load %arg10[%get3A_985, %get3A_986] {strides = array<i32>} : memref<128x128xf32, #tpu.memory_space<vmem>>, vector<1x16xf32>,
        %get3A_988 = vector.shape_cast %get3A_987 : vector<1x16xf32> to vector<16xf32>
        %mul3A_989 = arith.mulf %get3A_988, %gather3A_920 : vector<16xf32>
        %swap3A_990 = arith.index_cast %add3A_924 : i32 to index
        %swap3A_991 = arith.constant 96 : index
        %swap3A_992 = tpu.vector_load %arg10[%swap3A_990, %swap3A_991] {strides = array<i32>} : memref<128x128xf32, #tpu.memory_space<vmem>>, vector<1x16xf32>,
        %swap3A_993 = vector.shape_cast %swap3A_992 : vector<1x16xf32> to vector<16xf32>
        %swap3A_994 = vector.shape_cast %mul3A_989 : vector<16xf32> to vector<1x16xf32>
        tpu.vector_store %arg10[%swap3A_990, %swap3A_991], %swap3A_994 {strides = array<i32>} : memref<128x128xf32, #tpu.memory_space<vmem>>, vector<1x16xf32>,
        %get3A_995 = arith.index_cast %add3A_924 : i32 to index
        %get3A_996 = arith.constant 112 : index
        %get3A_997 = tpu.vector_load %arg10[%get3A_995, %get3A_996] {strides = array<i32>} : memref<128x128xf32, #tpu.memory_space<vmem>>, vector<1x16xf32>,
        %get3A_998 = vector.shape_cast %get3A_997 : vector<1x16xf32> to vector<16xf32>
        %mul3A_999 = arith.mulf %get3A_998, %gather3A_920 : vector<16xf32>
        %swap3A_1000 = arith.index_cast %add3A_924 : i32 to index
        %swap3A_1001 = arith.constant 112 : index
        %swap3A_1002 = tpu.vector_load %arg10[%swap3A_1000, %swap3A_1001] {strides = array<i32>} : memref<128x128xf32, #tpu.memory_space<vmem>>, vector<1x16xf32>,
        %swap3A_1003 = vector.shape_cast %swap3A_1002 : vector<1x16xf32> to vector<16xf32>
        %swap3A_1004 = vector.shape_cast %mul3A_999 : vector<16xf32> to vector<1x16xf32>
        tpu.vector_store %arg10[%swap3A_1000, %swap3A_1001], %swap3A_1004 {strides = array<i32>} : memref<128x128xf32, #tpu.memory_space<vmem>>, vector<1x16xf32>,
        %broadcast_in_dim3A_1005 = arith.constant 11 : i32
        %broadcast_in_dim3A_1006 = vector.broadcast %broadcast_in_dim3A_1005 : i32 to vector<16x1xi32>
        %gather3A_1007 = vector.shape_cast %broadcast_in_dim3A_1006 : vector<16x1xi32> to vector<16xi32>
        %gather3A_1008 = tpu.dynamic_gather %get3A_39[%gather3A_1007] in [0] : vector<16xf32>, vector<16xi32> -> vector<16xf32>
        %mul3A_1009 = arith.constant 16 : i32
        %mul3A_1010 = arith.muli %scan3A_35, %mul3A_1009 : i32
        %add3A_1011 = arith.constant 11 : i32
        %add3A_1012 = arith.addi %mul3A_1010, %add3A_1011 : i32
        %get3A_1013 = arith.index_cast %add3A_1012 : i32 to index
        %get3A_1014 = arith.constant 0 : index
        %get3A_1015 = tpu.vector_load %arg10[%get3A_1013, %get3A_1014] {strides = array<i32>} : memref<128x128xf32, #tpu.memory_space<vmem>>, vector<1x16xf32>,
        %get3A_1016 = vector.shape_cast %get3A_1015 : vector<1x16xf32> to vector<16xf32>
        %mul3A_1017 = arith.mulf %get3A_1016, %gather3A_1008 : vector<16xf32>
        %swap3A_1018 = arith.index_cast %add3A_1012 : i32 to index
        %swap3A_1019 = arith.constant 0 : index
        %swap3A_1020 = tpu.vector_load %arg10[%swap3A_1018, %swap3A_1019] {strides = array<i32>} : memref<128x128xf32, #tpu.memory_space<vmem>>, vector<1x16xf32>,
        %swap3A_1021 = vector.shape_cast %swap3A_1020 : vector<1x16xf32> to vector<16xf32>
        %swap3A_1022 = vector.shape_cast %mul3A_1017 : vector<16xf32> to vector<1x16xf32>
        tpu.vector_store %arg10[%swap3A_1018, %swap3A_1019], %swap3A_1022 {strides = array<i32>} : memref<128x128xf32, #tpu.memory_space<vmem>>, vector<1x16xf32>,
        %get3A_1023 = arith.index_cast %add3A_1012 : i32 to index
        %get3A_1024 = arith.constant 16 : index
        %get3A_1025 = tpu.vector_load %arg10[%get3A_1023, %get3A_1024] {strides = array<i32>} : memref<128x128xf32, #tpu.memory_space<vmem>>, vector<1x16xf32>,
        %get3A_1026 = vector.shape_cast %get3A_1025 : vector<1x16xf32> to vector<16xf32>
        %mul3A_1027 = arith.mulf %get3A_1026, %gather3A_1008 : vector<16xf32>
        %swap3A_1028 = arith.index_cast %add3A_1012 : i32 to index
        %swap3A_1029 = arith.constant 16 : index
        %swap3A_1030 = tpu.vector_load %arg10[%swap3A_1028, %swap3A_1029] {strides = array<i32>} : memref<128x128xf32, #tpu.memory_space<vmem>>, vector<1x16xf32>,
        %swap3A_1031 = vector.shape_cast %swap3A_1030 : vector<1x16xf32> to vector<16xf32>
        %swap3A_1032 = vector.shape_cast %mul3A_1027 : vector<16xf32> to vector<1x16xf32>
        tpu.vector_store %arg10[%swap3A_1028, %swap3A_1029], %swap3A_1032 {strides = array<i32>} : memref<128x128xf32, #tpu.memory_space<vmem>>, vector<1x16xf32>,
        %get3A_1033 = arith.index_cast %add3A_1012 : i32 to index
        %get3A_1034 = arith.constant 32 : index
        %get3A_1035 = tpu.vector_load %arg10[%get3A_1033, %get3A_1034] {strides = array<i32>} : memref<128x128xf32, #tpu.memory_space<vmem>>, vector<1x16xf32>,
        %get3A_1036 = vector.shape_cast %get3A_1035 : vector<1x16xf32> to vector<16xf32>
        %mul3A_1037 = arith.mulf %get3A_1036, %gather3A_1008 : vector<16xf32>
        %swap3A_1038 = arith.index_cast %add3A_1012 : i32 to index
        %swap3A_1039 = arith.constant 32 : index
        %swap3A_1040 = tpu.vector_load %arg10[%swap3A_1038, %swap3A_1039] {strides = array<i32>} : memref<128x128xf32, #tpu.memory_space<vmem>>, vector<1x16xf32>,
        %swap3A_1041 = vector.shape_cast %swap3A_1040 : vector<1x16xf32> to vector<16xf32>
        %swap3A_1042 = vector.shape_cast %mul3A_1037 : vector<16xf32> to vector<1x16xf32>
        tpu.vector_store %arg10[%swap3A_1038, %swap3A_1039], %swap3A_1042 {strides = array<i32>} : memref<128x128xf32, #tpu.memory_space<vmem>>, vector<1x16xf32>,
        %get3A_1043 = arith.index_cast %add3A_1012 : i32 to index
        %get3A_1044 = arith.constant 48 : index
        %get3A_1045 = tpu.vector_load %arg10[%get3A_1043, %get3A_1044] {strides = array<i32>} : memref<128x128xf32, #tpu.memory_space<vmem>>, vector<1x16xf32>,
        %get3A_1046 = vector.shape_cast %get3A_1045 : vector<1x16xf32> to vector<16xf32>
        %mul3A_1047 = arith.mulf %get3A_1046, %gather3A_1008 : vector<16xf32>
        %swap3A_1048 = arith.index_cast %add3A_1012 : i32 to index
        %swap3A_1049 = arith.constant 48 : index
        %swap3A_1050 = tpu.vector_load %arg10[%swap3A_1048, %swap3A_1049] {strides = array<i32>} : memref<128x128xf32, #tpu.memory_space<vmem>>, vector<1x16xf32>,
        %swap3A_1051 = vector.shape_cast %swap3A_1050 : vector<1x16xf32> to vector<16xf32>
        %swap3A_1052 = vector.shape_cast %mul3A_1047 : vector<16xf32> to vector<1x16xf32>
        tpu.vector_store %arg10[%swap3A_1048, %swap3A_1049], %swap3A_1052 {strides = array<i32>} : memref<128x128xf32, #tpu.memory_space<vmem>>, vector<1x16xf32>,
        %get3A_1053 = arith.index_cast %add3A_1012 : i32 to index
        %get3A_1054 = arith.constant 64 : index
        %get3A_1055 = tpu.vector_load %arg10[%get3A_1053, %get3A_1054] {strides = array<i32>} : memref<128x128xf32, #tpu.memory_space<vmem>>, vector<1x16xf32>,
        %get3A_1056 = vector.shape_cast %get3A_1055 : vector<1x16xf32> to vector<16xf32>
        %mul3A_1057 = arith.mulf %get3A_1056, %gather3A_1008 : vector<16xf32>
        %swap3A_1058 = arith.index_cast %add3A_1012 : i32 to index
        %swap3A_1059 = arith.constant 64 : index
        %swap3A_1060 = tpu.vector_load %arg10[%swap3A_1058, %swap3A_1059] {strides = array<i32>} : memref<128x128xf32, #tpu.memory_space<vmem>>, vector<1x16xf32>,
        %swap3A_1061 = vector.shape_cast %swap3A_1060 : vector<1x16xf32> to vector<16xf32>
        %swap3A_1062 = vector.shape_cast %mul3A_1057 : vector<16xf32> to vector<1x16xf32>
        tpu.vector_store %arg10[%swap3A_1058, %swap3A_1059], %swap3A_1062 {strides = array<i32>} : memref<128x128xf32, #tpu.memory_space<vmem>>, vector<1x16xf32>,
        %get3A_1063 = arith.index_cast %add3A_1012 : i32 to index
        %get3A_1064 = arith.constant 80 : index
        %get3A_1065 = tpu.vector_load %arg10[%get3A_1063, %get3A_1064] {strides = array<i32>} : memref<128x128xf32, #tpu.memory_space<vmem>>, vector<1x16xf32>,
        %get3A_1066 = vector.shape_cast %get3A_1065 : vector<1x16xf32> to vector<16xf32>
        %mul3A_1067 = arith.mulf %get3A_1066, %gather3A_1008 : vector<16xf32>
        %swap3A_1068 = arith.index_cast %add3A_1012 : i32 to index
        %swap3A_1069 = arith.constant 80 : index
        %swap3A_1070 = tpu.vector_load %arg10[%swap3A_1068, %swap3A_1069] {strides = array<i32>} : memref<128x128xf32, #tpu.memory_space<vmem>>, vector<1x16xf32>,
        %swap3A_1071 = vector.shape_cast %swap3A_1070 : vector<1x16xf32> to vector<16xf32>
        %swap3A_1072 = vector.shape_cast %mul3A_1067 : vector<16xf32> to vector<1x16xf32>
        tpu.vector_store %arg10[%swap3A_1068, %swap3A_1069], %swap3A_1072 {strides = array<i32>} : memref<128x128xf32, #tpu.memory_space<vmem>>, vector<1x16xf32>,
        %get3A_1073 = arith.index_cast %add3A_1012 : i32 to index
        %get3A_1074 = arith.constant 96 : index
        %get3A_1075 = tpu.vector_load %arg10[%get3A_1073, %get3A_1074] {strides = array<i32>} : memref<128x128xf32, #tpu.memory_space<vmem>>, vector<1x16xf32>,
        %get3A_1076 = vector.shape_cast %get3A_1075 : vector<1x16xf32> to vector<16xf32>
        %mul3A_1077 = arith.mulf %get3A_1076, %gather3A_1008 : vector<16xf32>
        %swap3A_1078 = arith.index_cast %add3A_1012 : i32 to index
        %swap3A_1079 = arith.constant 96 : index
        %swap3A_1080 = tpu.vector_load %arg10[%swap3A_1078, %swap3A_1079] {strides = array<i32>} : memref<128x128xf32, #tpu.memory_space<vmem>>, vector<1x16xf32>,
        %swap3A_1081 = vector.shape_cast %swap3A_1080 : vector<1x16xf32> to vector<16xf32>
        %swap3A_1082 = vector.shape_cast %mul3A_1077 : vector<16xf32> to vector<1x16xf32>
        tpu.vector_store %arg10[%swap3A_1078, %swap3A_1079], %swap3A_1082 {strides = array<i32>} : memref<128x128xf32, #tpu.memory_space<vmem>>, vector<1x16xf32>,
        %get3A_1083 = arith.index_cast %add3A_1012 : i32 to index
        %get3A_1084 = arith.constant 112 : index
        %get3A_1085 = tpu.vector_load %arg10[%get3A_1083, %get3A_1084] {strides = array<i32>} : memref<128x128xf32, #tpu.memory_space<vmem>>, vector<1x16xf32>,
        %get3A_1086 = vector.shape_cast %get3A_1085 : vector<1x16xf32> to vector<16xf32>
        %mul3A_1087 = arith.mulf %get3A_1086, %gather3A_1008 : vector<16xf32>
        %swap3A_1088 = arith.index_cast %add3A_1012 : i32 to index
        %swap3A_1089 = arith.constant 112 : index
        %swap3A_1090 = tpu.vector_load %arg10[%swap3A_1088, %swap3A_1089] {strides = array<i32>} : memref<128x128xf32, #tpu.memory_space<vmem>>, vector<1x16xf32>,
        %swap3A_1091 = vector.shape_cast %swap3A_1090 : vector<1x16xf32> to vector<16xf32>
        %swap3A_1092 = vector.shape_cast %mul3A_1087 : vector<16xf32> to vector<1x16xf32>
        tpu.vector_store %arg10[%swap3A_1088, %swap3A_1089], %swap3A_1092 {strides = array<i32>} : memref<128x128xf32, #tpu.memory_space<vmem>>, vector<1x16xf32>,
        %broadcast_in_dim3A_1093 = arith.constant 12 : i32
        %broadcast_in_dim3A_1094 = vector.broadcast %broadcast_in_dim3A_1093 : i32 to vector<16x1xi32>
        %gather3A_1095 = vector.shape_cast %broadcast_in_dim3A_1094 : vector<16x1xi32> to vector<16xi32>
        %gather3A_1096 = tpu.dynamic_gather %get3A_39[%gather3A_1095] in [0] : vector<16xf32>, vector<16xi32> -> vector<16xf32>
        %mul3A_1097 = arith.constant 16 : i32
        %mul3A_1098 = arith.muli %scan3A_35, %mul3A_1097 : i32
        %add3A_1099 = arith.constant 12 : i32
        %add3A_1100 = arith.addi %mul3A_1098, %add3A_1099 : i32
        %get3A_1101 = arith.index_cast %add3A_1100 : i32 to index
        %get3A_1102 = arith.constant 0 : index
        %get3A_1103 = tpu.vector_load %arg10[%get3A_1101, %get3A_1102] {strides = array<i32>} : memref<128x128xf32, #tpu.memory_space<vmem>>, vector<1x16xf32>,
        %get3A_1104 = vector.shape_cast %get3A_1103 : vector<1x16xf32> to vector<16xf32>
        %mul3A_1105 = arith.mulf %get3A_1104, %gather3A_1096 : vector<16xf32>
        %swap3A_1106 = arith.index_cast %add3A_1100 : i32 to index
        %swap3A_1107 = arith.constant 0 : index
        %swap3A_1108 = tpu.vector_load %arg10[%swap3A_1106, %swap3A_1107] {strides = array<i32>} : memref<128x128xf32, #tpu.memory_space<vmem>>, vector<1x16xf32>,
        %swap3A_1109 = vector.shape_cast %swap3A_1108 : vector<1x16xf32> to vector<16xf32>
        %swap3A_1110 = vector.shape_cast %mul3A_1105 : vector<16xf32> to vector<1x16xf32>
        tpu.vector_store %arg10[%swap3A_1106, %swap3A_1107], %swap3A_1110 {strides = array<i32>} : memref<128x128xf32, #tpu.memory_space<vmem>>, vector<1x16xf32>,
        %get3A_1111 = arith.index_cast %add3A_1100 : i32 to index
        %get3A_1112 = arith.constant 16 : index
        %get3A_1113 = tpu.vector_load %arg10[%get3A_1111, %get3A_1112] {strides = array<i32>} : memref<128x128xf32, #tpu.memory_space<vmem>>, vector<1x16xf32>,
        %get3A_1114 = vector.shape_cast %get3A_1113 : vector<1x16xf32> to vector<16xf32>
        %mul3A_1115 = arith.mulf %get3A_1114, %gather3A_1096 : vector<16xf32>
        %swap3A_1116 = arith.index_cast %add3A_1100 : i32 to index
        %swap3A_1117 = arith.constant 16 : index
        %swap3A_1118 = tpu.vector_load %arg10[%swap3A_1116, %swap3A_1117] {strides = array<i32>} : memref<128x128xf32, #tpu.memory_space<vmem>>, vector<1x16xf32>,
        %swap3A_1119 = vector.shape_cast %swap3A_1118 : vector<1x16xf32> to vector<16xf32>
        %swap3A_1120 = vector.shape_cast %mul3A_1115 : vector<16xf32> to vector<1x16xf32>
        tpu.vector_store %arg10[%swap3A_1116, %swap3A_1117], %swap3A_1120 {strides = array<i32>} : memref<128x128xf32, #tpu.memory_space<vmem>>, vector<1x16xf32>,
        %get3A_1121 = arith.index_cast %add3A_1100 : i32 to index
        %get3A_1122 = arith.constant 32 : index
        %get3A_1123 = tpu.vector_load %arg10[%get3A_1121, %get3A_1122] {strides = array<i32>} : memref<128x128xf32, #tpu.memory_space<vmem>>, vector<1x16xf32>,
        %get3A_1124 = vector.shape_cast %get3A_1123 : vector<1x16xf32> to vector<16xf32>
        %mul3A_1125 = arith.mulf %get3A_1124, %gather3A_1096 : vector<16xf32>
        %swap3A_1126 = arith.index_cast %add3A_1100 : i32 to index
        %swap3A_1127 = arith.constant 32 : index
        %swap3A_1128 = tpu.vector_load %arg10[%swap3A_1126, %swap3A_1127] {strides = array<i32>} : memref<128x128xf32, #tpu.memory_space<vmem>>, vector<1x16xf32>,
        %swap3A_1129 = vector.shape_cast %swap3A_1128 : vector<1x16xf32> to vector<16xf32>
        %swap3A_1130 = vector.shape_cast %mul3A_1125 : vector<16xf32> to vector<1x16xf32>
        tpu.vector_store %arg10[%swap3A_1126, %swap3A_1127], %swap3A_1130 {strides = array<i32>} : memref<128x128xf32, #tpu.memory_space<vmem>>, vector<1x16xf32>,
        %get3A_1131 = arith.index_cast %add3A_1100 : i32 to index
        %get3A_1132 = arith.constant 48 : index
        %get3A_1133 = tpu.vector_load %arg10[%get3A_1131, %get3A_1132] {strides = array<i32>} : memref<128x128xf32, #tpu.memory_space<vmem>>, vector<1x16xf32>,
        %get3A_1134 = vector.shape_cast %get3A_1133 : vector<1x16xf32> to vector<16xf32>
        %mul3A_1135 = arith.mulf %get3A_1134, %gather3A_1096 : vector<16xf32>
        %swap3A_1136 = arith.index_cast %add3A_1100 : i32 to index
        %swap3A_1137 = arith.constant 48 : index
        %swap3A_1138 = tpu.vector_load %arg10[%swap3A_1136, %swap3A_1137] {strides = array<i32>} : memref<128x128xf32, #tpu.memory_space<vmem>>, vector<1x16xf32>,
        %swap3A_1139 = vector.shape_cast %swap3A_1138 : vector<1x16xf32> to vector<16xf32>
        %swap3A_1140 = vector.shape_cast %mul3A_1135 : vector<16xf32> to vector<1x16xf32>
        tpu.vector_store %arg10[%swap3A_1136, %swap3A_1137], %swap3A_1140 {strides = array<i32>} : memref<128x128xf32, #tpu.memory_space<vmem>>, vector<1x16xf32>,
        %get3A_1141 = arith.index_cast %add3A_1100 : i32 to index
        %get3A_1142 = arith.constant 64 : index
        %get3A_1143 = tpu.vector_load %arg10[%get3A_1141, %get3A_1142] {strides = array<i32>} : memref<128x128xf32, #tpu.memory_space<vmem>>, vector<1x16xf32>,
        %get3A_1144 = vector.shape_cast %get3A_1143 : vector<1x16xf32> to vector<16xf32>
        %mul3A_1145 = arith.mulf %get3A_1144, %gather3A_1096 : vector<16xf32>
        %swap3A_1146 = arith.index_cast %add3A_1100 : i32 to index
        %swap3A_1147 = arith.constant 64 : index
        %swap3A_1148 = tpu.vector_load %arg10[%swap3A_1146, %swap3A_1147] {strides = array<i32>} : memref<128x128xf32, #tpu.memory_space<vmem>>, vector<1x16xf32>,
        %swap3A_1149 = vector.shape_cast %swap3A_1148 : vector<1x16xf32> to vector<16xf32>
        %swap3A_1150 = vector.shape_cast %mul3A_1145 : vector<16xf32> to vector<1x16xf32>
        tpu.vector_store %arg10[%swap3A_1146, %swap3A_1147], %swap3A_1150 {strides = array<i32>} : memref<128x128xf32, #tpu.memory_space<vmem>>, vector<1x16xf32>,
        %get3A_1151 = arith.index_cast %add3A_1100 : i32 to index
        %get3A_1152 = arith.constant 80 : index
        %get3A_1153 = tpu.vector_load %arg10[%get3A_1151, %get3A_1152] {strides = array<i32>} : memref<128x128xf32, #tpu.memory_space<vmem>>, vector<1x16xf32>,
        %get3A_1154 = vector.shape_cast %get3A_1153 : vector<1x16xf32> to vector<16xf32>
        %mul3A_1155 = arith.mulf %get3A_1154, %gather3A_1096 : vector<16xf32>
        %swap3A_1156 = arith.index_cast %add3A_1100 : i32 to index
        %swap3A_1157 = arith.constant 80 : index
        %swap3A_1158 = tpu.vector_load %arg10[%swap3A_1156, %swap3A_1157] {strides = array<i32>} : memref<128x128xf32, #tpu.memory_space<vmem>>, vector<1x16xf32>,
        %swap3A_1159 = vector.shape_cast %swap3A_1158 : vector<1x16xf32> to vector<16xf32>
        %swap3A_1160 = vector.shape_cast %mul3A_1155 : vector<16xf32> to vector<1x16xf32>
        tpu.vector_store %arg10[%swap3A_1156, %swap3A_1157], %swap3A_1160 {strides = array<i32>} : memref<128x128xf32, #tpu.memory_space<vmem>>, vector<1x16xf32>,
        %get3A_1161 = arith.index_cast %add3A_1100 : i32 to index
        %get3A_1162 = arith.constant 96 : index
        %get3A_1163 = tpu.vector_load %arg10[%get3A_1161, %get3A_1162] {strides = array<i32>} : memref<128x128xf32, #tpu.memory_space<vmem>>, vector<1x16xf32>,
        %get3A_1164 = vector.shape_cast %get3A_1163 : vector<1x16xf32> to vector<16xf32>
        %mul3A_1165 = arith.mulf %get3A_1164, %gather3A_1096 : vector<16xf32>
        %swap3A_1166 = arith.index_cast %add3A_1100 : i32 to index
        %swap3A_1167 = arith.constant 96 : index
        %swap3A_1168 = tpu.vector_load %arg10[%swap3A_1166, %swap3A_1167] {strides = array<i32>} : memref<128x128xf32, #tpu.memory_space<vmem>>, vector<1x16xf32>,
        %swap3A_1169 = vector.shape_cast %swap3A_1168 : vector<1x16xf32> to vector<16xf32>
        %swap3A_1170 = vector.shape_cast %mul3A_1165 : vector<16xf32> to vector<1x16xf32>
        tpu.vector_store %arg10[%swap3A_1166, %swap3A_1167], %swap3A_1170 {strides = array<i32>} : memref<128x128xf32, #tpu.memory_space<vmem>>, vector<1x16xf32>,
        %get3A_1171 = arith.index_cast %add3A_1100 : i32 to index
        %get3A_1172 = arith.constant 112 : index
        %get3A_1173 = tpu.vector_load %arg10[%get3A_1171, %get3A_1172] {strides = array<i32>} : memref<128x128xf32, #tpu.memory_space<vmem>>, vector<1x16xf32>,
        %get3A_1174 = vector.shape_cast %get3A_1173 : vector<1x16xf32> to vector<16xf32>
        %mul3A_1175 = arith.mulf %get3A_1174, %gather3A_1096 : vector<16xf32>
        %swap3A_1176 = arith.index_cast %add3A_1100 : i32 to index
        %swap3A_1177 = arith.constant 112 : index
        %swap3A_1178 = tpu.vector_load %arg10[%swap3A_1176, %swap3A_1177] {strides = array<i32>} : memref<128x128xf32, #tpu.memory_space<vmem>>, vector<1x16xf32>,
        %swap3A_1179 = vector.shape_cast %swap3A_1178 : vector<1x16xf32> to vector<16xf32>
        %swap3A_1180 = vector.shape_cast %mul3A_1175 : vector<16xf32> to vector<1x16xf32>
        tpu.vector_store %arg10[%swap3A_1176, %swap3A_1177], %swap3A_1180 {strides = array<i32>} : memref<128x128xf32, #tpu.memory_space<vmem>>, vector<1x16xf32>,
        %broadcast_in_dim3A_1181 = arith.constant 13 : i32
        %broadcast_in_dim3A_1182 = vector.broadcast %broadcast_in_dim3A_1181 : i32 to vector<16x1xi32>
        %gather3A_1183 = vector.shape_cast %broadcast_in_dim3A_1182 : vector<16x1xi32> to vector<16xi32>
        %gather3A_1184 = tpu.dynamic_gather %get3A_39[%gather3A_1183] in [0] : vector<16xf32>, vector<16xi32> -> vector<16xf32>
        %mul3A_1185 = arith.constant 16 : i32
        %mul3A_1186 = arith.muli %scan3A_35, %mul3A_1185 : i32
        %add3A_1187 = arith.constant 13 : i32
        %add3A_1188 = arith.addi %mul3A_1186, %add3A_1187 : i32
        %get3A_1189 = arith.index_cast %add3A_1188 : i32 to index
        %get3A_1190 = arith.constant 0 : index
        %get3A_1191 = tpu.vector_load %arg10[%get3A_1189, %get3A_1190] {strides = array<i32>} : memref<128x128xf32, #tpu.memory_space<vmem>>, vector<1x16xf32>,
        %get3A_1192 = vector.shape_cast %get3A_1191 : vector<1x16xf32> to vector<16xf32>
        %mul3A_1193 = arith.mulf %get3A_1192, %gather3A_1184 : vector<16xf32>
        %swap3A_1194 = arith.index_cast %add3A_1188 : i32 to index
        %swap3A_1195 = arith.constant 0 : index
        %swap3A_1196 = tpu.vector_load %arg10[%swap3A_1194, %swap3A_1195] {strides = array<i32>} : memref<128x128xf32, #tpu.memory_space<vmem>>, vector<1x16xf32>,
        %swap3A_1197 = vector.shape_cast %swap3A_1196 : vector<1x16xf32> to vector<16xf32>
        %swap3A_1198 = vector.shape_cast %mul3A_1193 : vector<16xf32> to vector<1x16xf32>
        tpu.vector_store %arg10[%swap3A_1194, %swap3A_1195], %swap3A_1198 {strides = array<i32>} : memref<128x128xf32, #tpu.memory_space<vmem>>, vector<1x16xf32>,
        %get3A_1199 = arith.index_cast %add3A_1188 : i32 to index
        %get3A_1200 = arith.constant 16 : index
        %get3A_1201 = tpu.vector_load %arg10[%get3A_1199, %get3A_1200] {strides = array<i32>} : memref<128x128xf32, #tpu.memory_space<vmem>>, vector<1x16xf32>,
        %get3A_1202 = vector.shape_cast %get3A_1201 : vector<1x16xf32> to vector<16xf32>
        %mul3A_1203 = arith.mulf %get3A_1202, %gather3A_1184 : vector<16xf32>
        %swap3A_1204 = arith.index_cast %add3A_1188 : i32 to index
        %swap3A_1205 = arith.constant 16 : index
        %swap3A_1206 = tpu.vector_load %arg10[%swap3A_1204, %swap3A_1205] {strides = array<i32>} : memref<128x128xf32, #tpu.memory_space<vmem>>, vector<1x16xf32>,
        %swap3A_1207 = vector.shape_cast %swap3A_1206 : vector<1x16xf32> to vector<16xf32>
        %swap3A_1208 = vector.shape_cast %mul3A_1203 : vector<16xf32> to vector<1x16xf32>
        tpu.vector_store %arg10[%swap3A_1204, %swap3A_1205], %swap3A_1208 {strides = array<i32>} : memref<128x128xf32, #tpu.memory_space<vmem>>, vector<1x16xf32>,
        %get3A_1209 = arith.index_cast %add3A_1188 : i32 to index
        %get3A_1210 = arith.constant 32 : index
        %get3A_1211 = tpu.vector_load %arg10[%get3A_1209, %get3A_1210] {strides = array<i32>} : memref<128x128xf32, #tpu.memory_space<vmem>>, vector<1x16xf32>,
        %get3A_1212 = vector.shape_cast %get3A_1211 : vector<1x16xf32> to vector<16xf32>
        %mul3A_1213 = arith.mulf %get3A_1212, %gather3A_1184 : vector<16xf32>
        %swap3A_1214 = arith.index_cast %add3A_1188 : i32 to index
        %swap3A_1215 = arith.constant 32 : index
        %swap3A_1216 = tpu.vector_load %arg10[%swap3A_1214, %swap3A_1215] {strides = array<i32>} : memref<128x128xf32, #tpu.memory_space<vmem>>, vector<1x16xf32>,
        %swap3A_1217 = vector.shape_cast %swap3A_1216 : vector<1x16xf32> to vector<16xf32>
        %swap3A_1218 = vector.shape_cast %mul3A_1213 : vector<16xf32> to vector<1x16xf32>
        tpu.vector_store %arg10[%swap3A_1214, %swap3A_1215], %swap3A_1218 {strides = array<i32>} : memref<128x128xf32, #tpu.memory_space<vmem>>, vector<1x16xf32>,
        %get3A_1219 = arith.index_cast %add3A_1188 : i32 to index
        %get3A_1220 = arith.constant 48 : index
        %get3A_1221 = tpu.vector_load %arg10[%get3A_1219, %get3A_1220] {strides = array<i32>} : memref<128x128xf32, #tpu.memory_space<vmem>>, vector<1x16xf32>,
        %get3A_1222 = vector.shape_cast %get3A_1221 : vector<1x16xf32> to vector<16xf32>
        %mul3A_1223 = arith.mulf %get3A_1222, %gather3A_1184 : vector<16xf32>
        %swap3A_1224 = arith.index_cast %add3A_1188 : i32 to index
        %swap3A_1225 = arith.constant 48 : index
        %swap3A_1226 = tpu.vector_load %arg10[%swap3A_1224, %swap3A_1225] {strides = array<i32>} : memref<128x128xf32, #tpu.memory_space<vmem>>, vector<1x16xf32>,
        %swap3A_1227 = vector.shape_cast %swap3A_1226 : vector<1x16xf32> to vector<16xf32>
        %swap3A_1228 = vector.shape_cast %mul3A_1223 : vector<16xf32> to vector<1x16xf32>
        tpu.vector_store %arg10[%swap3A_1224, %swap3A_1225], %swap3A_1228 {strides = array<i32>} : memref<128x128xf32, #tpu.memory_space<vmem>>, vector<1x16xf32>,
        %get3A_1229 = arith.index_cast %add3A_1188 : i32 to index
        %get3A_1230 = arith.constant 64 : index
        %get3A_1231 = tpu.vector_load %arg10[%get3A_1229, %get3A_1230] {strides = array<i32>} : memref<128x128xf32, #tpu.memory_space<vmem>>, vector<1x16xf32>,
        %get3A_1232 = vector.shape_cast %get3A_1231 : vector<1x16xf32> to vector<16xf32>
        %mul3A_1233 = arith.mulf %get3A_1232, %gather3A_1184 : vector<16xf32>
        %swap3A_1234 = arith.index_cast %add3A_1188 : i32 to index
        %swap3A_1235 = arith.constant 64 : index
        %swap3A_1236 = tpu.vector_load %arg10[%swap3A_1234, %swap3A_1235] {strides = array<i32>} : memref<128x128xf32, #tpu.memory_space<vmem>>, vector<1x16xf32>,
        %swap3A_1237 = vector.shape_cast %swap3A_1236 : vector<1x16xf32> to vector<16xf32>
        %swap3A_1238 = vector.shape_cast %mul3A_1233 : vector<16xf32> to vector<1x16xf32>
        tpu.vector_store %arg10[%swap3A_1234, %swap3A_1235], %swap3A_1238 {strides = array<i32>} : memref<128x128xf32, #tpu.memory_space<vmem>>, vector<1x16xf32>,
        %get3A_1239 = arith.index_cast %add3A_1188 : i32 to index
        %get3A_1240 = arith.constant 80 : index
        %get3A_1241 = tpu.vector_load %arg10[%get3A_1239, %get3A_1240] {strides = array<i32>} : memref<128x128xf32, #tpu.memory_space<vmem>>, vector<1x16xf32>,
        %get3A_1242 = vector.shape_cast %get3A_1241 : vector<1x16xf32> to vector<16xf32>
        %mul3A_1243 = arith.mulf %get3A_1242, %gather3A_1184 : vector<16xf32>
        %swap3A_1244 = arith.index_cast %add3A_1188 : i32 to index
        %swap3A_1245 = arith.constant 80 : index
        %swap3A_1246 = tpu.vector_load %arg10[%swap3A_1244, %swap3A_1245] {strides = array<i32>} : memref<128x128xf32, #tpu.memory_space<vmem>>, vector<1x16xf32>,
        %swap3A_1247 = vector.shape_cast %swap3A_1246 : vector<1x16xf32> to vector<16xf32>
        %swap3A_1248 = vector.shape_cast %mul3A_1243 : vector<16xf32> to vector<1x16xf32>
        tpu.vector_store %arg10[%swap3A_1244, %swap3A_1245], %swap3A_1248 {strides = array<i32>} : memref<128x128xf32, #tpu.memory_space<vmem>>, vector<1x16xf32>,
        %get3A_1249 = arith.index_cast %add3A_1188 : i32 to index
        %get3A_1250 = arith.constant 96 : index
        %get3A_1251 = tpu.vector_load %arg10[%get3A_1249, %get3A_1250] {strides = array<i32>} : memref<128x128xf32, #tpu.memory_space<vmem>>, vector<1x16xf32>,
        %get3A_1252 = vector.shape_cast %get3A_1251 : vector<1x16xf32> to vector<16xf32>
        %mul3A_1253 = arith.mulf %get3A_1252, %gather3A_1184 : vector<16xf32>
        %swap3A_1254 = arith.index_cast %add3A_1188 : i32 to index
        %swap3A_1255 = arith.constant 96 : index
        %swap3A_1256 = tpu.vector_load %arg10[%swap3A_1254, %swap3A_1255] {strides = array<i32>} : memref<128x128xf32, #tpu.memory_space<vmem>>, vector<1x16xf32>,
        %swap3A_1257 = vector.shape_cast %swap3A_1256 : vector<1x16xf32> to vector<16xf32>
        %swap3A_1258 = vector.shape_cast %mul3A_1253 : vector<16xf32> to vector<1x16xf32>
        tpu.vector_store %arg10[%swap3A_1254, %swap3A_1255], %swap3A_1258 {strides = array<i32>} : memref<128x128xf32, #tpu.memory_space<vmem>>, vector<1x16xf32>,
        %get3A_1259 = arith.index_cast %add3A_1188 : i32 to index
        %get3A_1260 = arith.constant 112 : index
        %get3A_1261 = tpu.vector_load %arg10[%get3A_1259, %get3A_1260] {strides = array<i32>} : memref<128x128xf32, #tpu.memory_space<vmem>>, vector<1x16xf32>,
        %get3A_1262 = vector.shape_cast %get3A_1261 : vector<1x16xf32> to vector<16xf32>
        %mul3A_1263 = arith.mulf %get3A_1262, %gather3A_1184 : vector<16xf32>
        %swap3A_1264 = arith.index_cast %add3A_1188 : i32 to index
        %swap3A_1265 = arith.constant 112 : index
        %swap3A_1266 = tpu.vector_load %arg10[%swap3A_1264, %swap3A_1265] {strides = array<i32>} : memref<128x128xf32, #tpu.memory_space<vmem>>, vector<1x16xf32>,
        %swap3A_1267 = vector.shape_cast %swap3A_1266 : vector<1x16xf32> to vector<16xf32>
        %swap3A_1268 = vector.shape_cast %mul3A_1263 : vector<16xf32> to vector<1x16xf32>
        tpu.vector_store %arg10[%swap3A_1264, %swap3A_1265], %swap3A_1268 {strides = array<i32>} : memref<128x128xf32, #tpu.memory_space<vmem>>, vector<1x16xf32>,
        %broadcast_in_dim3A_1269 = arith.constant 14 : i32
        %broadcast_in_dim3A_1270 = vector.broadcast %broadcast_in_dim3A_1269 : i32 to vector<16x1xi32>
        %gather3A_1271 = vector.shape_cast %broadcast_in_dim3A_1270 : vector<16x1xi32> to vector<16xi32>
        %gather3A_1272 = tpu.dynamic_gather %get3A_39[%gather3A_1271] in [0] : vector<16xf32>, vector<16xi32> -> vector<16xf32>
        %mul3A_1273 = arith.constant 16 : i32
        %mul3A_1274 = arith.muli %scan3A_35, %mul3A_1273 : i32
        %add3A_1275 = arith.constant 14 : i32
        %add3A_1276 = arith.addi %mul3A_1274, %add3A_1275 : i32
        %get3A_1277 = arith.index_cast %add3A_1276 : i32 to index
        %get3A_1278 = arith.constant 0 : index
        %get3A_1279 = tpu.vector_load %arg10[%get3A_1277, %get3A_1278] {strides = array<i32>} : memref<128x128xf32, #tpu.memory_space<vmem>>, vector<1x16xf32>,
        %get3A_1280 = vector.shape_cast %get3A_1279 : vector<1x16xf32> to vector<16xf32>
        %mul3A_1281 = arith.mulf %get3A_1280, %gather3A_1272 : vector<16xf32>
        %swap3A_1282 = arith.index_cast %add3A_1276 : i32 to index
        %swap3A_1283 = arith.constant 0 : index
        %swap3A_1284 = tpu.vector_load %arg10[%swap3A_1282, %swap3A_1283] {strides = array<i32>} : memref<128x128xf32, #tpu.memory_space<vmem>>, vector<1x16xf32>,
        %swap3A_1285 = vector.shape_cast %swap3A_1284 : vector<1x16xf32> to vector<16xf32>
        %swap3A_1286 = vector.shape_cast %mul3A_1281 : vector<16xf32> to vector<1x16xf32>
        tpu.vector_store %arg10[%swap3A_1282, %swap3A_1283], %swap3A_1286 {strides = array<i32>} : memref<128x128xf32, #tpu.memory_space<vmem>>, vector<1x16xf32>,
        %get3A_1287 = arith.index_cast %add3A_1276 : i32 to index
        %get3A_1288 = arith.constant 16 : index
        %get3A_1289 = tpu.vector_load %arg10[%get3A_1287, %get3A_1288] {strides = array<i32>} : memref<128x128xf32, #tpu.memory_space<vmem>>, vector<1x16xf32>,
        %get3A_1290 = vector.shape_cast %get3A_1289 : vector<1x16xf32> to vector<16xf32>
        %mul3A_1291 = arith.mulf %get3A_1290, %gather3A_1272 : vector<16xf32>
        %swap3A_1292 = arith.index_cast %add3A_1276 : i32 to index
        %swap3A_1293 = arith.constant 16 : index
        %swap3A_1294 = tpu.vector_load %arg10[%swap3A_1292, %swap3A_1293] {strides = array<i32>} : memref<128x128xf32, #tpu.memory_space<vmem>>, vector<1x16xf32>,
        %swap3A_1295 = vector.shape_cast %swap3A_1294 : vector<1x16xf32> to vector<16xf32>
        %swap3A_1296 = vector.shape_cast %mul3A_1291 : vector<16xf32> to vector<1x16xf32>
        tpu.vector_store %arg10[%swap3A_1292, %swap3A_1293], %swap3A_1296 {strides = array<i32>} : memref<128x128xf32, #tpu.memory_space<vmem>>, vector<1x16xf32>,
        %get3A_1297 = arith.index_cast %add3A_1276 : i32 to index
        %get3A_1298 = arith.constant 32 : index
        %get3A_1299 = tpu.vector_load %arg10[%get3A_1297, %get3A_1298] {strides = array<i32>} : memref<128x128xf32, #tpu.memory_space<vmem>>, vector<1x16xf32>,
        %get3A_1300 = vector.shape_cast %get3A_1299 : vector<1x16xf32> to vector<16xf32>
        %mul3A_1301 = arith.mulf %get3A_1300, %gather3A_1272 : vector<16xf32>
        %swap3A_1302 = arith.index_cast %add3A_1276 : i32 to index
        %swap3A_1303 = arith.constant 32 : index
        %swap3A_1304 = tpu.vector_load %arg10[%swap3A_1302, %swap3A_1303] {strides = array<i32>} : memref<128x128xf32, #tpu.memory_space<vmem>>, vector<1x16xf32>,
        %swap3A_1305 = vector.shape_cast %swap3A_1304 : vector<1x16xf32> to vector<16xf32>
        %swap3A_1306 = vector.shape_cast %mul3A_1301 : vector<16xf32> to vector<1x16xf32>
        tpu.vector_store %arg10[%swap3A_1302, %swap3A_1303], %swap3A_1306 {strides = array<i32>} : memref<128x128xf32, #tpu.memory_space<vmem>>, vector<1x16xf32>,
        %get3A_1307 = arith.index_cast %add3A_1276 : i32 to index
        %get3A_1308 = arith.constant 48 : index
        %get3A_1309 = tpu.vector_load %arg10[%get3A_1307, %get3A_1308] {strides = array<i32>} : memref<128x128xf32, #tpu.memory_space<vmem>>, vector<1x16xf32>,
        %get3A_1310 = vector.shape_cast %get3A_1309 : vector<1x16xf32> to vector<16xf32>
        %mul3A_1311 = arith.mulf %get3A_1310, %gather3A_1272 : vector<16xf32>
        %swap3A_1312 = arith.index_cast %add3A_1276 : i32 to index
        %swap3A_1313 = arith.constant 48 : index
        %swap3A_1314 = tpu.vector_load %arg10[%swap3A_1312, %swap3A_1313] {strides = array<i32>} : memref<128x128xf32, #tpu.memory_space<vmem>>, vector<1x16xf32>,
        %swap3A_1315 = vector.shape_cast %swap3A_1314 : vector<1x16xf32> to vector<16xf32>
        %swap3A_1316 = vector.shape_cast %mul3A_1311 : vector<16xf32> to vector<1x16xf32>
        tpu.vector_store %arg10[%swap3A_1312, %swap3A_1313], %swap3A_1316 {strides = array<i32>} : memref<128x128xf32, #tpu.memory_space<vmem>>, vector<1x16xf32>,
        %get3A_1317 = arith.index_cast %add3A_1276 : i32 to index
        %get3A_1318 = arith.constant 64 : index
        %get3A_1319 = tpu.vector_load %arg10[%get3A_1317, %get3A_1318] {strides = array<i32>} : memref<128x128xf32, #tpu.memory_space<vmem>>, vector<1x16xf32>,
        %get3A_1320 = vector.shape_cast %get3A_1319 : vector<1x16xf32> to vector<16xf32>
        %mul3A_1321 = arith.mulf %get3A_1320, %gather3A_1272 : vector<16xf32>
        %swap3A_1322 = arith.index_cast %add3A_1276 : i32 to index
        %swap3A_1323 = arith.constant 64 : index
        %swap3A_1324 = tpu.vector_load %arg10[%swap3A_1322, %swap3A_1323] {strides = array<i32>} : memref<128x128xf32, #tpu.memory_space<vmem>>, vector<1x16xf32>,
        %swap3A_1325 = vector.shape_cast %swap3A_1324 : vector<1x16xf32> to vector<16xf32>
        %swap3A_1326 = vector.shape_cast %mul3A_1321 : vector<16xf32> to vector<1x16xf32>
        tpu.vector_store %arg10[%swap3A_1322, %swap3A_1323], %swap3A_1326 {strides = array<i32>} : memref<128x128xf32, #tpu.memory_space<vmem>>, vector<1x16xf32>,
        %get3A_1327 = arith.index_cast %add3A_1276 : i32 to index
        %get3A_1328 = arith.constant 80 : index
        %get3A_1329 = tpu.vector_load %arg10[%get3A_1327, %get3A_1328] {strides = array<i32>} : memref<128x128xf32, #tpu.memory_space<vmem>>, vector<1x16xf32>,
        %get3A_1330 = vector.shape_cast %get3A_1329 : vector<1x16xf32> to vector<16xf32>
        %mul3A_1331 = arith.mulf %get3A_1330, %gather3A_1272 : vector<16xf32>
        %swap3A_1332 = arith.index_cast %add3A_1276 : i32 to index
        %swap3A_1333 = arith.constant 80 : index
        %swap3A_1334 = tpu.vector_load %arg10[%swap3A_1332, %swap3A_1333] {strides = array<i32>} : memref<128x128xf32, #tpu.memory_space<vmem>>, vector<1x16xf32>,
        %swap3A_1335 = vector.shape_cast %swap3A_1334 : vector<1x16xf32> to vector<16xf32>
        %swap3A_1336 = vector.shape_cast %mul3A_1331 : vector<16xf32> to vector<1x16xf32>
        tpu.vector_store %arg10[%swap3A_1332, %swap3A_1333], %swap3A_1336 {strides = array<i32>} : memref<128x128xf32, #tpu.memory_space<vmem>>, vector<1x16xf32>,
        %get3A_1337 = arith.index_cast %add3A_1276 : i32 to index
        %get3A_1338 = arith.constant 96 : index
        %get3A_1339 = tpu.vector_load %arg10[%get3A_1337, %get3A_1338] {strides = array<i32>} : memref<128x128xf32, #tpu.memory_space<vmem>>, vector<1x16xf32>,
        %get3A_1340 = vector.shape_cast %get3A_1339 : vector<1x16xf32> to vector<16xf32>
        %mul3A_1341 = arith.mulf %get3A_1340, %gather3A_1272 : vector<16xf32>
        %swap3A_1342 = arith.index_cast %add3A_1276 : i32 to index
        %swap3A_1343 = arith.constant 96 : index
        %swap3A_1344 = tpu.vector_load %arg10[%swap3A_1342, %swap3A_1343] {strides = array<i32>} : memref<128x128xf32, #tpu.memory_space<vmem>>, vector<1x16xf32>,
        %swap3A_1345 = vector.shape_cast %swap3A_1344 : vector<1x16xf32> to vector<16xf32>
        %swap3A_1346 = vector.shape_cast %mul3A_1341 : vector<16xf32> to vector<1x16xf32>
        tpu.vector_store %arg10[%swap3A_1342, %swap3A_1343], %swap3A_1346 {strides = array<i32>} : memref<128x128xf32, #tpu.memory_space<vmem>>, vector<1x16xf32>,
        %get3A_1347 = arith.index_cast %add3A_1276 : i32 to index
        %get3A_1348 = arith.constant 112 : index
        %get3A_1349 = tpu.vector_load %arg10[%get3A_1347, %get3A_1348] {strides = array<i32>} : memref<128x128xf32, #tpu.memory_space<vmem>>, vector<1x16xf32>,
        %get3A_1350 = vector.shape_cast %get3A_1349 : vector<1x16xf32> to vector<16xf32>
        %mul3A_1351 = arith.mulf %get3A_1350, %gather3A_1272 : vector<16xf32>
        %swap3A_1352 = arith.index_cast %add3A_1276 : i32 to index
        %swap3A_1353 = arith.constant 112 : index
        %swap3A_1354 = tpu.vector_load %arg10[%swap3A_1352, %swap3A_1353] {strides = array<i32>} : memref<128x128xf32, #tpu.memory_space<vmem>>, vector<1x16xf32>,
        %swap3A_1355 = vector.shape_cast %swap3A_1354 : vector<1x16xf32> to vector<16xf32>
        %swap3A_1356 = vector.shape_cast %mul3A_1351 : vector<16xf32> to vector<1x16xf32>
        tpu.vector_store %arg10[%swap3A_1352, %swap3A_1353], %swap3A_1356 {strides = array<i32>} : memref<128x128xf32, #tpu.memory_space<vmem>>, vector<1x16xf32>,
        %broadcast_in_dim3A_1357 = arith.constant 15 : i32
        %broadcast_in_dim3A_1358 = vector.broadcast %broadcast_in_dim3A_1357 : i32 to vector<16x1xi32>
        %gather3A_1359 = vector.shape_cast %broadcast_in_dim3A_1358 : vector<16x1xi32> to vector<16xi32>
        %gather3A_1360 = tpu.dynamic_gather %get3A_39[%gather3A_1359] in [0] : vector<16xf32>, vector<16xi32> -> vector<16xf32>
        %mul3A_1361 = arith.constant 16 : i32
        %mul3A_1362 = arith.muli %scan3A_35, %mul3A_1361 : i32
        %add3A_1363 = arith.constant 15 : i32
        %add3A_1364 = arith.addi %mul3A_1362, %add3A_1363 : i32
        %get3A_1365 = arith.index_cast %add3A_1364 : i32 to index
        %get3A_1366 = arith.constant 0 : index
        %get3A_1367 = tpu.vector_load %arg10[%get3A_1365, %get3A_1366] {strides = array<i32>} : memref<128x128xf32, #tpu.memory_space<vmem>>, vector<1x16xf32>,
        %get3A_1368 = vector.shape_cast %get3A_1367 : vector<1x16xf32> to vector<16xf32>
        %mul3A_1369 = arith.mulf %get3A_1368, %gather3A_1360 : vector<16xf32>
        %swap3A_1370 = arith.index_cast %add3A_1364 : i32 to index
        %swap3A_1371 = arith.constant 0 : index
        %swap3A_1372 = tpu.vector_load %arg10[%swap3A_1370, %swap3A_1371] {strides = array<i32>} : memref<128x128xf32, #tpu.memory_space<vmem>>, vector<1x16xf32>,
        %swap3A_1373 = vector.shape_cast %swap3A_1372 : vector<1x16xf32> to vector<16xf32>
        %swap3A_1374 = vector.shape_cast %mul3A_1369 : vector<16xf32> to vector<1x16xf32>
        tpu.vector_store %arg10[%swap3A_1370, %swap3A_1371], %swap3A_1374 {strides = array<i32>} : memref<128x128xf32, #tpu.memory_space<vmem>>, vector<1x16xf32>,
        %get3A_1375 = arith.index_cast %add3A_1364 : i32 to index
        %get3A_1376 = arith.constant 16 : index
        %get3A_1377 = tpu.vector_load %arg10[%get3A_1375, %get3A_1376] {strides = array<i32>} : memref<128x128xf32, #tpu.memory_space<vmem>>, vector<1x16xf32>,
        %get3A_1378 = vector.shape_cast %get3A_1377 : vector<1x16xf32> to vector<16xf32>
        %mul3A_1379 = arith.mulf %get3A_1378, %gather3A_1360 : vector<16xf32>
        %swap3A_1380 = arith.index_cast %add3A_1364 : i32 to index
        %swap3A_1381 = arith.constant 16 : index
        %swap3A_1382 = tpu.vector_load %arg10[%swap3A_1380, %swap3A_1381] {strides = array<i32>} : memref<128x128xf32, #tpu.memory_space<vmem>>, vector<1x16xf32>,
        %swap3A_1383 = vector.shape_cast %swap3A_1382 : vector<1x16xf32> to vector<16xf32>
        %swap3A_1384 = vector.shape_cast %mul3A_1379 : vector<16xf32> to vector<1x16xf32>
        tpu.vector_store %arg10[%swap3A_1380, %swap3A_1381], %swap3A_1384 {strides = array<i32>} : memref<128x128xf32, #tpu.memory_space<vmem>>, vector<1x16xf32>,
        %get3A_1385 = arith.index_cast %add3A_1364 : i32 to index
        %get3A_1386 = arith.constant 32 : index
        %get3A_1387 = tpu.vector_load %arg10[%get3A_1385, %get3A_1386] {strides = array<i32>} : memref<128x128xf32, #tpu.memory_space<vmem>>, vector<1x16xf32>,
        %get3A_1388 = vector.shape_cast %get3A_1387 : vector<1x16xf32> to vector<16xf32>
        %mul3A_1389 = arith.mulf %get3A_1388, %gather3A_1360 : vector<16xf32>
        %swap3A_1390 = arith.index_cast %add3A_1364 : i32 to index
        %swap3A_1391 = arith.constant 32 : index
        %swap3A_1392 = tpu.vector_load %arg10[%swap3A_1390, %swap3A_1391] {strides = array<i32>} : memref<128x128xf32, #tpu.memory_space<vmem>>, vector<1x16xf32>,
        %swap3A_1393 = vector.shape_cast %swap3A_1392 : vector<1x16xf32> to vector<16xf32>
        %swap3A_1394 = vector.shape_cast %mul3A_1389 : vector<16xf32> to vector<1x16xf32>
        tpu.vector_store %arg10[%swap3A_1390, %swap3A_1391], %swap3A_1394 {strides = array<i32>} : memref<128x128xf32, #tpu.memory_space<vmem>>, vector<1x16xf32>,
        %get3A_1395 = arith.index_cast %add3A_1364 : i32 to index
        %get3A_1396 = arith.constant 48 : index
        %get3A_1397 = tpu.vector_load %arg10[%get3A_1395, %get3A_1396] {strides = array<i32>} : memref<128x128xf32, #tpu.memory_space<vmem>>, vector<1x16xf32>,
        %get3A_1398 = vector.shape_cast %get3A_1397 : vector<1x16xf32> to vector<16xf32>
        %mul3A_1399 = arith.mulf %get3A_1398, %gather3A_1360 : vector<16xf32>
        %swap3A_1400 = arith.index_cast %add3A_1364 : i32 to index
        %swap3A_1401 = arith.constant 48 : index
        %swap3A_1402 = tpu.vector_load %arg10[%swap3A_1400, %swap3A_1401] {strides = array<i32>} : memref<128x128xf32, #tpu.memory_space<vmem>>, vector<1x16xf32>,
        %swap3A_1403 = vector.shape_cast %swap3A_1402 : vector<1x16xf32> to vector<16xf32>
        %swap3A_1404 = vector.shape_cast %mul3A_1399 : vector<16xf32> to vector<1x16xf32>
        tpu.vector_store %arg10[%swap3A_1400, %swap3A_1401], %swap3A_1404 {strides = array<i32>} : memref<128x128xf32, #tpu.memory_space<vmem>>, vector<1x16xf32>,
        %get3A_1405 = arith.index_cast %add3A_1364 : i32 to index
        %get3A_1406 = arith.constant 64 : index
        %get3A_1407 = tpu.vector_load %arg10[%get3A_1405, %get3A_1406] {strides = array<i32>} : memref<128x128xf32, #tpu.memory_space<vmem>>, vector<1x16xf32>,
        %get3A_1408 = vector.shape_cast %get3A_1407 : vector<1x16xf32> to vector<16xf32>
        %mul3A_1409 = arith.mulf %get3A_1408, %gather3A_1360 : vector<16xf32>
        %swap3A_1410 = arith.index_cast %add3A_1364 : i32 to index
        %swap3A_1411 = arith.constant 64 : index
        %swap3A_1412 = tpu.vector_load %arg10[%swap3A_1410, %swap3A_1411] {strides = array<i32>} : memref<128x128xf32, #tpu.memory_space<vmem>>, vector<1x16xf32>,
        %swap3A_1413 = vector.shape_cast %swap3A_1412 : vector<1x16xf32> to vector<16xf32>
        %swap3A_1414 = vector.shape_cast %mul3A_1409 : vector<16xf32> to vector<1x16xf32>
        tpu.vector_store %arg10[%swap3A_1410, %swap3A_1411], %swap3A_1414 {strides = array<i32>} : memref<128x128xf32, #tpu.memory_space<vmem>>, vector<1x16xf32>,
        %get3A_1415 = arith.index_cast %add3A_1364 : i32 to index
        %get3A_1416 = arith.constant 80 : index
        %get3A_1417 = tpu.vector_load %arg10[%get3A_1415, %get3A_1416] {strides = array<i32>} : memref<128x128xf32, #tpu.memory_space<vmem>>, vector<1x16xf32>,
        %get3A_1418 = vector.shape_cast %get3A_1417 : vector<1x16xf32> to vector<16xf32>
        %mul3A_1419 = arith.mulf %get3A_1418, %gather3A_1360 : vector<16xf32>
        %swap3A_1420 = arith.index_cast %add3A_1364 : i32 to index
        %swap3A_1421 = arith.constant 80 : index
        %swap3A_1422 = tpu.vector_load %arg10[%swap3A_1420, %swap3A_1421] {strides = array<i32>} : memref<128x128xf32, #tpu.memory_space<vmem>>, vector<1x16xf32>,
        %swap3A_1423 = vector.shape_cast %swap3A_1422 : vector<1x16xf32> to vector<16xf32>
        %swap3A_1424 = vector.shape_cast %mul3A_1419 : vector<16xf32> to vector<1x16xf32>
        tpu.vector_store %arg10[%swap3A_1420, %swap3A_1421], %swap3A_1424 {strides = array<i32>} : memref<128x128xf32, #tpu.memory_space<vmem>>, vector<1x16xf32>,
        %get3A_1425 = arith.index_cast %add3A_1364 : i32 to index
        %get3A_1426 = arith.constant 96 : index
        %get3A_1427 = tpu.vector_load %arg10[%get3A_1425, %get3A_1426] {strides = array<i32>} : memref<128x128xf32, #tpu.memory_space<vmem>>, vector<1x16xf32>,
        %get3A_1428 = vector.shape_cast %get3A_1427 : vector<1x16xf32> to vector<16xf32>
        %mul3A_1429 = arith.mulf %get3A_1428, %gather3A_1360 : vector<16xf32>
        %swap3A_1430 = arith.index_cast %add3A_1364 : i32 to index
        %swap3A_1431 = arith.constant 96 : index
        %swap3A_1432 = tpu.vector_load %arg10[%swap3A_1430, %swap3A_1431] {strides = array<i32>} : memref<128x128xf32, #tpu.memory_space<vmem>>, vector<1x16xf32>,
        %swap3A_1433 = vector.shape_cast %swap3A_1432 : vector<1x16xf32> to vector<16xf32>
        %swap3A_1434 = vector.shape_cast %mul3A_1429 : vector<16xf32> to vector<1x16xf32>
        tpu.vector_store %arg10[%swap3A_1430, %swap3A_1431], %swap3A_1434 {strides = array<i32>} : memref<128x128xf32, #tpu.memory_space<vmem>>, vector<1x16xf32>,
        %get3A_1435 = arith.index_cast %add3A_1364 : i32 to index
        %get3A_1436 = arith.constant 112 : index
        %get3A_1437 = tpu.vector_load %arg10[%get3A_1435, %get3A_1436] {strides = array<i32>} : memref<128x128xf32, #tpu.memory_space<vmem>>, vector<1x16xf32>,
        %get3A_1438 = vector.shape_cast %get3A_1437 : vector<1x16xf32> to vector<16xf32>
        %mul3A_1439 = arith.mulf %get3A_1438, %gather3A_1360 : vector<16xf32>
        %swap3A_1440 = arith.index_cast %add3A_1364 : i32 to index
        %swap3A_1441 = arith.constant 112 : index
        %swap3A_1442 = tpu.vector_load %arg10[%swap3A_1440, %swap3A_1441] {strides = array<i32>} : memref<128x128xf32, #tpu.memory_space<vmem>>, vector<1x16xf32>,
        %swap3A_1443 = vector.shape_cast %swap3A_1442 : vector<1x16xf32> to vector<16xf32>
        %swap3A_1444 = vector.shape_cast %mul3A_1439 : vector<16xf32> to vector<1x16xf32>
        tpu.vector_store %arg10[%swap3A_1440, %swap3A_1441], %swap3A_1444 {strides = array<i32>} : memref<128x128xf32, #tpu.memory_space<vmem>>, vector<1x16xf32>,
      }
      %scan3A_34 = arith.constant 8 : i32
      "tpu.region"() ({
        %run_scoped3A = tpu.sem_alloc : memref<!tpu.dma_semaphore, #tpu.memory_space<semaphore_mem>>
        %dma_start3A_35 = arith.constant 0 : i32
        %dma_start3A_36 = arith.constant 0 : i32
        %dma_start3A_37 = tpu.memref_slice %arg12[%dma_start3A_35, %dma_start3A_36] : memref<2048x128xf32, #tpu.memory_space<vmem_shared>> -> memref<2048x128xf32, #tpu.memory_space<vmem_shared>>
        tpu.enqueue_indirect_dma source(%arg10 : memref<128x128xf32, #tpu.memory_space<vmem>>) target(%dma_start3A_37 : memref<2048x128xf32, #tpu.memory_space<vmem_shared>>) offsets(%arg8 : memref<128xi32, #tpu.memory_space<vmem>>) semaphore(%run_scoped3A : memref<!tpu.dma_semaphore, #tpu.memory_space<semaphore_mem>>) {add = true}
        %dma_wait3A_38 = arith.constant 0 : i32
        %dma_wait3A_39 = arith.constant 0 : i32
        %dma_wait3A_40 = tpu.memref_slice %arg12[%dma_wait3A_38, %dma_wait3A_39] : memref<2048x128xf32, #tpu.memory_space<vmem_shared>> -> memref<2048x128xf32, #tpu.memory_space<vmem_shared>>
        tpu.wait_indirect_dma semaphore(%run_scoped3A : memref<!tpu.dma_semaphore, #tpu.memory_space<semaphore_mem>>) src(%arg10 : memref<128x128xf32, #tpu.memory_space<vmem>>) dst(%dma_wait3A_40 : memref<2048x128xf32, #tpu.memory_space<vmem_shared>>)
        tpu.yield
      }) : () -> ()
    }
    %scan3A_15 = arith.constant 79 : i32
    %barrier3A_16 = arith.constant 0 : index
    tpu.barrier barrier_id(%barrier3A_16)
    %mul3A_17 = arith.constant 128 : i32
    %mul3A_18 = arith.muli %arg1, %mul3A_17 : i32
    %mul3A_19 = arith.constant 128 : i32
    %mul3A_20 = arith.muli %arg1, %mul3A_19 : i32
    "tpu.region"() ({
      %run_scoped3A = tpu.sem_alloc : memref<!tpu.dma_semaphore, #tpu.memory_space<semaphore_mem>>
      %dma_start3A = arith.constant 0 : i32
      %dma_start3A_21 = tpu.memref_slice %arg6[%arg0, %mul3A_20, %dma_start3A] : memref<2x2048x128xf32, #tpu.memory_space<hbm>> -> memref<1x128x128xf32, #tpu.memory_space<hbm>>
      %dma_start3A_22 = tpu.memref_squeeze %dma_start3A_21 : memref<1x128x128xf32, #tpu.memory_space<hbm>> -> memref<128x128xf32, #tpu.memory_space<hbm>>
      %dma_start3A_23 = arith.constant 0 : i32
      %dma_start3A_24 = tpu.memref_slice %arg12[%mul3A_18, %dma_start3A_23] : memref<2048x128xf32, #tpu.memory_space<vmem_shared>> -> memref<128x128xf32, #tpu.memory_space<vmem_shared>>
      tpu.enqueue_dma source(%dma_start3A_24 : memref<128x128xf32, #tpu.memory_space<vmem_shared>>) target(%dma_start3A_22 : memref<128x128xf32, #tpu.memory_space<hbm>>) target_semaphore(%run_scoped3A : memref<!tpu.dma_semaphore, #tpu.memory_space<semaphore_mem>>)
      %dma_wait3A = arith.constant 0 : i32
      %dma_wait3A_25 = tpu.memref_slice %arg6[%arg0, %mul3A_20, %dma_wait3A] : memref<2x2048x128xf32, #tpu.memory_space<hbm>> -> memref<1x128x128xf32, #tpu.memory_space<hbm>>
      %dma_wait3A_26 = tpu.memref_squeeze %dma_wait3A_25 : memref<1x128x128xf32, #tpu.memory_space<hbm>> -> memref<128x128xf32, #tpu.memory_space<hbm>>
      %dma_wait3A_27 = arith.constant 0 : i32
      %dma_wait3A_28 = tpu.memref_slice %arg12[%mul3A_18, %dma_wait3A_27] : memref<2048x128xf32, #tpu.memory_space<vmem_shared>> -> memref<128x128xf32, #tpu.memory_space<vmem_shared>>
      tpu.wait_dma2 semaphore(%run_scoped3A : memref<!tpu.dma_semaphore, #tpu.memory_space<semaphore_mem>>) src(%dma_wait3A_28 : memref<128x128xf32, #tpu.memory_space<vmem_shared>>) dst(%dma_wait3A_26 : memref<128x128xf32, #tpu.memory_space<hbm>>)
      tpu.yield
    }) : () -> ()
    return
  }
}

#map = affine_map<(d0, d1) -> (0, 0)>
#map1 = affine_map<(d0, d1) -> (0)>
module attributes {stable_mosaic.version = 14 : i64} {
  func.func @body(%arg0: i32, %arg1: i32, %arg2: memref<2000x128xf32, #tpu.memory_space<hbm>>, %arg3: memref<323584xi32, #tpu.memory_space<hbm>>, %arg4: memref<323584xi32, #tpu.memory_space<hbm>>, %arg5: memref<323584xf32, #tpu.memory_space<hbm>>, %arg6: memref<10240x128xf32, #tpu.memory_space<hbm>>, %arg7: memref<128xi32, #tpu.memory_space<vmem>>, %arg8: memref<128xi32, #tpu.memory_space<vmem>>, %arg9: memref<128xf32, #tpu.memory_space<vmem>>, %arg10: memref<128x128xf32, #tpu.memory_space<vmem>>, %arg11: memref<320x128xf32, #tpu.memory_space<vmem>>, %arg12: memref<5128x128xf32, #tpu.memory_space<vmem_shared>>, %arg13: memref<!tpu.dma_semaphore, #tpu.memory_space<semaphore_mem>>) attributes {dimension_semantics = [#tpu.dimension_semantics<core_parallel>, #tpu.dimension_semantics<subcore_parallel>], iteration_bounds = array<i64: 2, 16>, scalar_prefetch = 0 : i64, scratch_operands = 7 : i64, tpu.core_type = #tpu.core_type<sc_vector_subcore>, window_params = [{transform_indices = #map}, {transform_indices = #map1}, {transform_indices = #map1}, {transform_indices = #map1}, {transform_indices = #map}]} {
    %scan3A = arith.constant 0 : i32
    %scan3A_0 = arith.constant 0 : i32
    %scan3A_1 = arith.constant 320 : i32
    %scan3A_2 = arith.addi %scan3A_0, %scan3A_1 : i32
    %scan3A_3 = arith.constant 1 : i32
    scf.for %scan3A_21 = %scan3A_0 to %scan3A_2 step %scan3A_3  : i32 {
      %broadcast_in_dim3A = arith.constant 0.000000e+00 : f32
      %broadcast_in_dim3A_22 = vector.broadcast %broadcast_in_dim3A : f32 to vector<16xf32>
      %swap3A = arith.index_cast %scan3A_21 : i32 to index
      %swap3A_23 = arith.constant 0 : index
      %swap3A_24 = tpu.vector_load %arg11[%swap3A, %swap3A_23] {strides = array<i32>} : memref<320x128xf32, #tpu.memory_space<vmem>>, vector<1x16xf32>,
      %swap3A_25 = vector.shape_cast %swap3A_24 : vector<1x16xf32> to vector<16xf32>
      %swap3A_26 = vector.shape_cast %broadcast_in_dim3A_22 : vector<16xf32> to vector<1x16xf32>
      tpu.vector_store %arg11[%swap3A, %swap3A_23], %swap3A_26 {strides = array<i32>} : memref<320x128xf32, #tpu.memory_space<vmem>>, vector<1x16xf32>,
      %broadcast_in_dim3A_27 = arith.constant 0.000000e+00 : f32
      %broadcast_in_dim3A_28 = vector.broadcast %broadcast_in_dim3A_27 : f32 to vector<16xf32>
      %swap3A_29 = arith.index_cast %scan3A_21 : i32 to index
      %swap3A_30 = arith.constant 16 : index
      %swap3A_31 = tpu.vector_load %arg11[%swap3A_29, %swap3A_30] {strides = array<i32>} : memref<320x128xf32, #tpu.memory_space<vmem>>, vector<1x16xf32>,
      %swap3A_32 = vector.shape_cast %swap3A_31 : vector<1x16xf32> to vector<16xf32>
      %swap3A_33 = vector.shape_cast %broadcast_in_dim3A_28 : vector<16xf32> to vector<1x16xf32>
      tpu.vector_store %arg11[%swap3A_29, %swap3A_30], %swap3A_33 {strides = array<i32>} : memref<320x128xf32, #tpu.memory_space<vmem>>, vector<1x16xf32>,
      %broadcast_in_dim3A_34 = arith.constant 0.000000e+00 : f32
      %broadcast_in_dim3A_35 = vector.broadcast %broadcast_in_dim3A_34 : f32 to vector<16xf32>
      %swap3A_36 = arith.index_cast %scan3A_21 : i32 to index
      %swap3A_37 = arith.constant 32 : index
      %swap3A_38 = tpu.vector_load %arg11[%swap3A_36, %swap3A_37] {strides = array<i32>} : memref<320x128xf32, #tpu.memory_space<vmem>>, vector<1x16xf32>,
      %swap3A_39 = vector.shape_cast %swap3A_38 : vector<1x16xf32> to vector<16xf32>
      %swap3A_40 = vector.shape_cast %broadcast_in_dim3A_35 : vector<16xf32> to vector<1x16xf32>
      tpu.vector_store %arg11[%swap3A_36, %swap3A_37], %swap3A_40 {strides = array<i32>} : memref<320x128xf32, #tpu.memory_space<vmem>>, vector<1x16xf32>,
      %broadcast_in_dim3A_41 = arith.constant 0.000000e+00 : f32
      %broadcast_in_dim3A_42 = vector.broadcast %broadcast_in_dim3A_41 : f32 to vector<16xf32>
      %swap3A_43 = arith.index_cast %scan3A_21 : i32 to index
      %swap3A_44 = arith.constant 48 : index
      %swap3A_45 = tpu.vector_load %arg11[%swap3A_43, %swap3A_44] {strides = array<i32>} : memref<320x128xf32, #tpu.memory_space<vmem>>, vector<1x16xf32>,
      %swap3A_46 = vector.shape_cast %swap3A_45 : vector<1x16xf32> to vector<16xf32>
      %swap3A_47 = vector.shape_cast %broadcast_in_dim3A_42 : vector<16xf32> to vector<1x16xf32>
      tpu.vector_store %arg11[%swap3A_43, %swap3A_44], %swap3A_47 {strides = array<i32>} : memref<320x128xf32, #tpu.memory_space<vmem>>, vector<1x16xf32>,
      %broadcast_in_dim3A_48 = arith.constant 0.000000e+00 : f32
      %broadcast_in_dim3A_49 = vector.broadcast %broadcast_in_dim3A_48 : f32 to vector<16xf32>
      %swap3A_50 = arith.index_cast %scan3A_21 : i32 to index
      %swap3A_51 = arith.constant 64 : index
      %swap3A_52 = tpu.vector_load %arg11[%swap3A_50, %swap3A_51] {strides = array<i32>} : memref<320x128xf32, #tpu.memory_space<vmem>>, vector<1x16xf32>,
      %swap3A_53 = vector.shape_cast %swap3A_52 : vector<1x16xf32> to vector<16xf32>
      %swap3A_54 = vector.shape_cast %broadcast_in_dim3A_49 : vector<16xf32> to vector<1x16xf32>
      tpu.vector_store %arg11[%swap3A_50, %swap3A_51], %swap3A_54 {strides = array<i32>} : memref<320x128xf32, #tpu.memory_space<vmem>>, vector<1x16xf32>,
      %broadcast_in_dim3A_55 = arith.constant 0.000000e+00 : f32
      %broadcast_in_dim3A_56 = vector.broadcast %broadcast_in_dim3A_55 : f32 to vector<16xf32>
      %swap3A_57 = arith.index_cast %scan3A_21 : i32 to index
      %swap3A_58 = arith.constant 80 : index
      %swap3A_59 = tpu.vector_load %arg11[%swap3A_57, %swap3A_58] {strides = array<i32>} : memref<320x128xf32, #tpu.memory_space<vmem>>, vector<1x16xf32>,
      %swap3A_60 = vector.shape_cast %swap3A_59 : vector<1x16xf32> to vector<16xf32>
      %swap3A_61 = vector.shape_cast %broadcast_in_dim3A_56 : vector<16xf32> to vector<1x16xf32>
      tpu.vector_store %arg11[%swap3A_57, %swap3A_58], %swap3A_61 {strides = array<i32>} : memref<320x128xf32, #tpu.memory_space<vmem>>, vector<1x16xf32>,
      %broadcast_in_dim3A_62 = arith.constant 0.000000e+00 : f32
      %broadcast_in_dim3A_63 = vector.broadcast %broadcast_in_dim3A_62 : f32 to vector<16xf32>
      %swap3A_64 = arith.index_cast %scan3A_21 : i32 to index
      %swap3A_65 = arith.constant 96 : index
      %swap3A_66 = tpu.vector_load %arg11[%swap3A_64, %swap3A_65] {strides = array<i32>} : memref<320x128xf32, #tpu.memory_space<vmem>>, vector<1x16xf32>,
      %swap3A_67 = vector.shape_cast %swap3A_66 : vector<1x16xf32> to vector<16xf32>
      %swap3A_68 = vector.shape_cast %broadcast_in_dim3A_63 : vector<16xf32> to vector<1x16xf32>
      tpu.vector_store %arg11[%swap3A_64, %swap3A_65], %swap3A_68 {strides = array<i32>} : memref<320x128xf32, #tpu.memory_space<vmem>>, vector<1x16xf32>,
      %broadcast_in_dim3A_69 = arith.constant 0.000000e+00 : f32
      %broadcast_in_dim3A_70 = vector.broadcast %broadcast_in_dim3A_69 : f32 to vector<16xf32>
      %swap3A_71 = arith.index_cast %scan3A_21 : i32 to index
      %swap3A_72 = arith.constant 112 : index
      %swap3A_73 = tpu.vector_load %arg11[%swap3A_71, %swap3A_72] {strides = array<i32>} : memref<320x128xf32, #tpu.memory_space<vmem>>, vector<1x16xf32>,
      %swap3A_74 = vector.shape_cast %swap3A_73 : vector<1x16xf32> to vector<16xf32>
      %swap3A_75 = vector.shape_cast %broadcast_in_dim3A_70 : vector<16xf32> to vector<1x16xf32>
      tpu.vector_store %arg11[%swap3A_71, %swap3A_72], %swap3A_75 {strides = array<i32>} : memref<320x128xf32, #tpu.memory_space<vmem>>, vector<1x16xf32>,
    }
    %scan3A_4 = arith.constant 320 : i32
    %mul3A = arith.constant 320 : i32
    %mul3A_5 = arith.muli %arg1, %mul3A : i32
    "tpu.region"() ({
      %run_scoped3A = tpu.sem_alloc : memref<!tpu.dma_semaphore, #tpu.memory_space<semaphore_mem>>
      %dma_start3A = arith.constant 0 : i32
      %dma_start3A_21 = tpu.memref_slice %arg12[%mul3A_5, %dma_start3A] : memref<5128x128xf32, #tpu.memory_space<vmem_shared>> -> memref<320x128xf32, #tpu.memory_space<vmem_shared>>
      %dma_start3A_22 = arith.constant 0 : i32
      %dma_start3A_23 = tpu.memref_slice %arg12[%mul3A_5, %dma_start3A_22] : memref<5128x128xf32, #tpu.memory_space<vmem_shared>> -> memref<320x128xf32, #tpu.memory_space<vmem_shared>>
      tpu.enqueue_dma source(%arg11 : memref<320x128xf32, #tpu.memory_space<vmem>>) target(%dma_start3A_23 : memref<320x128xf32, #tpu.memory_space<vmem_shared>>) target_semaphore(%run_scoped3A : memref<!tpu.dma_semaphore, #tpu.memory_space<semaphore_mem>>)
      %dma_wait3A = arith.constant 0 : i32
      %dma_wait3A_24 = tpu.memref_slice %arg12[%mul3A_5, %dma_wait3A] : memref<5128x128xf32, #tpu.memory_space<vmem_shared>> -> memref<320x128xf32, #tpu.memory_space<vmem_shared>>
      %dma_wait3A_25 = arith.constant 0 : i32
      %dma_wait3A_26 = tpu.memref_slice %arg12[%mul3A_5, %dma_wait3A_25] : memref<5128x128xf32, #tpu.memory_space<vmem_shared>> -> memref<320x128xf32, #tpu.memory_space<vmem_shared>>
      tpu.wait_dma2 semaphore(%run_scoped3A : memref<!tpu.dma_semaphore, #tpu.memory_space<semaphore_mem>>) src(%arg11 : memref<320x128xf32, #tpu.memory_space<vmem>>) dst(%dma_wait3A_26 : memref<320x128xf32, #tpu.memory_space<vmem_shared>>)
      tpu.yield
    }) : () -> ()
    %barrier3A = arith.constant 0 : index
    tpu.barrier barrier_id(%barrier3A)
    %mul3A_6 = arith.constant 20224 : i32
    %mul3A_7 = arith.muli %arg1, %mul3A_6 : i32
    %mul3A_8 = arith.constant 5120 : i32
    %mul3A_9 = arith.muli %arg0, %mul3A_8 : i32
    %scan3A_10 = arith.constant 0 : i32
    %scan3A_11 = arith.constant 0 : i32
    %scan3A_12 = arith.constant 158 : i32
    %scan3A_13 = arith.addi %scan3A_11, %scan3A_12 : i32
    %scan3A_14 = arith.constant 1 : i32
    scf.for %scan3A_21 = %scan3A_11 to %scan3A_13 step %scan3A_14  : i32 {
      %mul3A_22 = arith.constant 128 : i32
      %mul3A_23 = arith.muli %scan3A_21, %mul3A_22 : i32
      %add3A_24 = arith.addi %mul3A_7, %mul3A_23 : i32
      "tpu.region"() ({
        %run_scoped3A = tpu.sem_alloc : memref<!tpu.dma_semaphore, #tpu.memory_space<semaphore_mem>>
        %dma_start3A_179 = tpu.memref_slice %arg3[%add3A_24] : memref<323584xi32, #tpu.memory_space<hbm>> -> memref<128xi32, #tpu.memory_space<hbm>>
        %dma_start3A_180 = tpu.memref_slice %arg3[%add3A_24] : memref<323584xi32, #tpu.memory_space<hbm>> -> memref<128xi32, #tpu.memory_space<hbm>>
        tpu.enqueue_dma source(%dma_start3A_180 : memref<128xi32, #tpu.memory_space<hbm>>) target(%arg7 : memref<128xi32, #tpu.memory_space<vmem>>) target_semaphore(%run_scoped3A : memref<!tpu.dma_semaphore, #tpu.memory_space<semaphore_mem>>)
        %dma_wait3A_181 = tpu.memref_slice %arg3[%add3A_24] : memref<323584xi32, #tpu.memory_space<hbm>> -> memref<128xi32, #tpu.memory_space<hbm>>
        %dma_wait3A_182 = tpu.memref_slice %arg3[%add3A_24] : memref<323584xi32, #tpu.memory_space<hbm>> -> memref<128xi32, #tpu.memory_space<hbm>>
        tpu.wait_dma2 semaphore(%run_scoped3A : memref<!tpu.dma_semaphore, #tpu.memory_space<semaphore_mem>>) src(%dma_wait3A_182 : memref<128xi32, #tpu.memory_space<hbm>>) dst(%arg7 : memref<128xi32, #tpu.memory_space<vmem>>)
        tpu.yield
      }) : () -> ()
      "tpu.region"() ({
        %run_scoped3A = tpu.sem_alloc : memref<!tpu.dma_semaphore, #tpu.memory_space<semaphore_mem>>
        %dma_start3A_179 = tpu.memref_slice %arg4[%add3A_24] : memref<323584xi32, #tpu.memory_space<hbm>> -> memref<128xi32, #tpu.memory_space<hbm>>
        %dma_start3A_180 = tpu.memref_slice %arg4[%add3A_24] : memref<323584xi32, #tpu.memory_space<hbm>> -> memref<128xi32, #tpu.memory_space<hbm>>
        tpu.enqueue_dma source(%dma_start3A_180 : memref<128xi32, #tpu.memory_space<hbm>>) target(%arg8 : memref<128xi32, #tpu.memory_space<vmem>>) target_semaphore(%run_scoped3A : memref<!tpu.dma_semaphore, #tpu.memory_space<semaphore_mem>>)
        %dma_wait3A_181 = tpu.memref_slice %arg4[%add3A_24] : memref<323584xi32, #tpu.memory_space<hbm>> -> memref<128xi32, #tpu.memory_space<hbm>>
        %dma_wait3A_182 = tpu.memref_slice %arg4[%add3A_24] : memref<323584xi32, #tpu.memory_space<hbm>> -> memref<128xi32, #tpu.memory_space<hbm>>
        tpu.wait_dma2 semaphore(%run_scoped3A : memref<!tpu.dma_semaphore, #tpu.memory_space<semaphore_mem>>) src(%dma_wait3A_182 : memref<128xi32, #tpu.memory_space<hbm>>) dst(%arg8 : memref<128xi32, #tpu.memory_space<vmem>>)
        tpu.yield
      }) : () -> ()
      "tpu.region"() ({
        %run_scoped3A = tpu.sem_alloc : memref<!tpu.dma_semaphore, #tpu.memory_space<semaphore_mem>>
        %dma_start3A_179 = tpu.memref_slice %arg5[%add3A_24] : memref<323584xf32, #tpu.memory_space<hbm>> -> memref<128xf32, #tpu.memory_space<hbm>>
        %dma_start3A_180 = tpu.memref_slice %arg5[%add3A_24] : memref<323584xf32, #tpu.memory_space<hbm>> -> memref<128xf32, #tpu.memory_space<hbm>>
        tpu.enqueue_dma source(%dma_start3A_180 : memref<128xf32, #tpu.memory_space<hbm>>) target(%arg9 : memref<128xf32, #tpu.memory_space<vmem>>) target_semaphore(%run_scoped3A : memref<!tpu.dma_semaphore, #tpu.memory_space<semaphore_mem>>)
        %dma_wait3A_181 = tpu.memref_slice %arg5[%add3A_24] : memref<323584xf32, #tpu.memory_space<hbm>> -> memref<128xf32, #tpu.memory_space<hbm>>
        %dma_wait3A_182 = tpu.memref_slice %arg5[%add3A_24] : memref<323584xf32, #tpu.memory_space<hbm>> -> memref<128xf32, #tpu.memory_space<hbm>>
        tpu.wait_dma2 semaphore(%run_scoped3A : memref<!tpu.dma_semaphore, #tpu.memory_space<semaphore_mem>>) src(%dma_wait3A_182 : memref<128xf32, #tpu.memory_space<hbm>>) dst(%arg9 : memref<128xf32, #tpu.memory_space<vmem>>)
        tpu.yield
      }) : () -> ()
      %get3A = arith.constant 0 : index
      %get3A_25 = tpu.vector_load %arg8[%get3A] {strides = array<i32>} : memref<128xi32, #tpu.memory_space<vmem>>, vector<16xi32>,
      %get3A_26 = vector.shape_cast %get3A_25 : vector<16xi32> to vector<16xi32>
      %sub3A = vector.broadcast %mul3A_9 : i32 to vector<16xi32>
      %sub3A_27 = arith.subi %get3A_26, %sub3A : vector<16xi32>
      %ge3A = arith.constant 0 : i32
      %ge3A_28 = vector.broadcast %ge3A : i32 to vector<16xi32>
      %ge3A_29 = arith.cmpi sge, %sub3A_27, %ge3A_28 : vector<16xi32>
      %lt3A = arith.constant 5120 : i32
      %lt3A_30 = vector.broadcast %lt3A : i32 to vector<16xi32>
      %lt3A_31 = arith.cmpi slt, %sub3A_27, %lt3A_30 : vector<16xi32>
      %and3A = arith.andi %ge3A_29, %lt3A_31 : vector<16xi1>
      %broadcast_in_dim3A = arith.constant 5120 : i32
      %broadcast_in_dim3A_32 = vector.broadcast %broadcast_in_dim3A : i32 to vector<16xi32>
      %select_n3A = arith.select %and3A, %sub3A_27, %broadcast_in_dim3A_32 : vector<16xi1>, vector<16xi32>
      %swap3A = arith.constant 0 : index
      %swap3A_33 = tpu.vector_load %arg8[%swap3A] {strides = array<i32>} : memref<128xi32, #tpu.memory_space<vmem>>, vector<16xi32>,
      %swap3A_34 = vector.shape_cast %swap3A_33 : vector<16xi32> to vector<16xi32>
      %swap3A_35 = vector.shape_cast %select_n3A : vector<16xi32> to vector<16xi32>
      tpu.vector_store %arg8[%swap3A], %swap3A_35 {strides = array<i32>} : memref<128xi32, #tpu.memory_space<vmem>>, vector<16xi32>,
      %get3A_36 = arith.constant 16 : index
      %get3A_37 = tpu.vector_load %arg8[%get3A_36] {strides = array<i32>} : memref<128xi32, #tpu.memory_space<vmem>>, vector<16xi32>,
      %get3A_38 = vector.shape_cast %get3A_37 : vector<16xi32> to vector<16xi32>
      %sub3A_39 = vector.broadcast %mul3A_9 : i32 to vector<16xi32>
      %sub3A_40 = arith.subi %get3A_38, %sub3A_39 : vector<16xi32>
      %ge3A_41 = arith.constant 0 : i32
      %ge3A_42 = vector.broadcast %ge3A_41 : i32 to vector<16xi32>
      %ge3A_43 = arith.cmpi sge, %sub3A_40, %ge3A_42 : vector<16xi32>
      %lt3A_44 = arith.constant 5120 : i32
      %lt3A_45 = vector.broadcast %lt3A_44 : i32 to vector<16xi32>
      %lt3A_46 = arith.cmpi slt, %sub3A_40, %lt3A_45 : vector<16xi32>
      %and3A_47 = arith.andi %ge3A_43, %lt3A_46 : vector<16xi1>
      %broadcast_in_dim3A_48 = arith.constant 5120 : i32
      %broadcast_in_dim3A_49 = vector.broadcast %broadcast_in_dim3A_48 : i32 to vector<16xi32>
      %select_n3A_50 = arith.select %and3A_47, %sub3A_40, %broadcast_in_dim3A_49 : vector<16xi1>, vector<16xi32>
      %swap3A_51 = arith.constant 16 : index
      %swap3A_52 = tpu.vector_load %arg8[%swap3A_51] {strides = array<i32>} : memref<128xi32, #tpu.memory_space<vmem>>, vector<16xi32>,
      %swap3A_53 = vector.shape_cast %swap3A_52 : vector<16xi32> to vector<16xi32>
      %swap3A_54 = vector.shape_cast %select_n3A_50 : vector<16xi32> to vector<16xi32>
      tpu.vector_store %arg8[%swap3A_51], %swap3A_54 {strides = array<i32>} : memref<128xi32, #tpu.memory_space<vmem>>, vector<16xi32>,
      %get3A_55 = arith.constant 32 : index
      %get3A_56 = tpu.vector_load %arg8[%get3A_55] {strides = array<i32>} : memref<128xi32, #tpu.memory_space<vmem>>, vector<16xi32>,
      %get3A_57 = vector.shape_cast %get3A_56 : vector<16xi32> to vector<16xi32>
      %sub3A_58 = vector.broadcast %mul3A_9 : i32 to vector<16xi32>
      %sub3A_59 = arith.subi %get3A_57, %sub3A_58 : vector<16xi32>
      %ge3A_60 = arith.constant 0 : i32
      %ge3A_61 = vector.broadcast %ge3A_60 : i32 to vector<16xi32>
      %ge3A_62 = arith.cmpi sge, %sub3A_59, %ge3A_61 : vector<16xi32>
      %lt3A_63 = arith.constant 5120 : i32
      %lt3A_64 = vector.broadcast %lt3A_63 : i32 to vector<16xi32>
      %lt3A_65 = arith.cmpi slt, %sub3A_59, %lt3A_64 : vector<16xi32>
      %and3A_66 = arith.andi %ge3A_62, %lt3A_65 : vector<16xi1>
      %broadcast_in_dim3A_67 = arith.constant 5120 : i32
      %broadcast_in_dim3A_68 = vector.broadcast %broadcast_in_dim3A_67 : i32 to vector<16xi32>
      %select_n3A_69 = arith.select %and3A_66, %sub3A_59, %broadcast_in_dim3A_68 : vector<16xi1>, vector<16xi32>
      %swap3A_70 = arith.constant 32 : index
      %swap3A_71 = tpu.vector_load %arg8[%swap3A_70] {strides = array<i32>} : memref<128xi32, #tpu.memory_space<vmem>>, vector<16xi32>,
      %swap3A_72 = vector.shape_cast %swap3A_71 : vector<16xi32> to vector<16xi32>
      %swap3A_73 = vector.shape_cast %select_n3A_69 : vector<16xi32> to vector<16xi32>
      tpu.vector_store %arg8[%swap3A_70], %swap3A_73 {strides = array<i32>} : memref<128xi32, #tpu.memory_space<vmem>>, vector<16xi32>,
      %get3A_74 = arith.constant 48 : index
      %get3A_75 = tpu.vector_load %arg8[%get3A_74] {strides = array<i32>} : memref<128xi32, #tpu.memory_space<vmem>>, vector<16xi32>,
      %get3A_76 = vector.shape_cast %get3A_75 : vector<16xi32> to vector<16xi32>
      %sub3A_77 = vector.broadcast %mul3A_9 : i32 to vector<16xi32>
      %sub3A_78 = arith.subi %get3A_76, %sub3A_77 : vector<16xi32>
      %ge3A_79 = arith.constant 0 : i32
      %ge3A_80 = vector.broadcast %ge3A_79 : i32 to vector<16xi32>
      %ge3A_81 = arith.cmpi sge, %sub3A_78, %ge3A_80 : vector<16xi32>
      %lt3A_82 = arith.constant 5120 : i32
      %lt3A_83 = vector.broadcast %lt3A_82 : i32 to vector<16xi32>
      %lt3A_84 = arith.cmpi slt, %sub3A_78, %lt3A_83 : vector<16xi32>
      %and3A_85 = arith.andi %ge3A_81, %lt3A_84 : vector<16xi1>
      %broadcast_in_dim3A_86 = arith.constant 5120 : i32
      %broadcast_in_dim3A_87 = vector.broadcast %broadcast_in_dim3A_86 : i32 to vector<16xi32>
      %select_n3A_88 = arith.select %and3A_85, %sub3A_78, %broadcast_in_dim3A_87 : vector<16xi1>, vector<16xi32>
      %swap3A_89 = arith.constant 48 : index
      %swap3A_90 = tpu.vector_load %arg8[%swap3A_89] {strides = array<i32>} : memref<128xi32, #tpu.memory_space<vmem>>, vector<16xi32>,
      %swap3A_91 = vector.shape_cast %swap3A_90 : vector<16xi32> to vector<16xi32>
      %swap3A_92 = vector.shape_cast %select_n3A_88 : vector<16xi32> to vector<16xi32>
      tpu.vector_store %arg8[%swap3A_89], %swap3A_92 {strides = array<i32>} : memref<128xi32, #tpu.memory_space<vmem>>, vector<16xi32>,
      %get3A_93 = arith.constant 64 : index
      %get3A_94 = tpu.vector_load %arg8[%get3A_93] {strides = array<i32>} : memref<128xi32, #tpu.memory_space<vmem>>, vector<16xi32>,
      %get3A_95 = vector.shape_cast %get3A_94 : vector<16xi32> to vector<16xi32>
      %sub3A_96 = vector.broadcast %mul3A_9 : i32 to vector<16xi32>
      %sub3A_97 = arith.subi %get3A_95, %sub3A_96 : vector<16xi32>
      %ge3A_98 = arith.constant 0 : i32
      %ge3A_99 = vector.broadcast %ge3A_98 : i32 to vector<16xi32>
      %ge3A_100 = arith.cmpi sge, %sub3A_97, %ge3A_99 : vector<16xi32>
      %lt3A_101 = arith.constant 5120 : i32
      %lt3A_102 = vector.broadcast %lt3A_101 : i32 to vector<16xi32>
      %lt3A_103 = arith.cmpi slt, %sub3A_97, %lt3A_102 : vector<16xi32>
      %and3A_104 = arith.andi %ge3A_100, %lt3A_103 : vector<16xi1>
      %broadcast_in_dim3A_105 = arith.constant 5120 : i32
      %broadcast_in_dim3A_106 = vector.broadcast %broadcast_in_dim3A_105 : i32 to vector<16xi32>
      %select_n3A_107 = arith.select %and3A_104, %sub3A_97, %broadcast_in_dim3A_106 : vector<16xi1>, vector<16xi32>
      %swap3A_108 = arith.constant 64 : index
      %swap3A_109 = tpu.vector_load %arg8[%swap3A_108] {strides = array<i32>} : memref<128xi32, #tpu.memory_space<vmem>>, vector<16xi32>,
      %swap3A_110 = vector.shape_cast %swap3A_109 : vector<16xi32> to vector<16xi32>
      %swap3A_111 = vector.shape_cast %select_n3A_107 : vector<16xi32> to vector<16xi32>
      tpu.vector_store %arg8[%swap3A_108], %swap3A_111 {strides = array<i32>} : memref<128xi32, #tpu.memory_space<vmem>>, vector<16xi32>,
      %get3A_112 = arith.constant 80 : index
      %get3A_113 = tpu.vector_load %arg8[%get3A_112] {strides = array<i32>} : memref<128xi32, #tpu.memory_space<vmem>>, vector<16xi32>,
      %get3A_114 = vector.shape_cast %get3A_113 : vector<16xi32> to vector<16xi32>
      %sub3A_115 = vector.broadcast %mul3A_9 : i32 to vector<16xi32>
      %sub3A_116 = arith.subi %get3A_114, %sub3A_115 : vector<16xi32>
      %ge3A_117 = arith.constant 0 : i32
      %ge3A_118 = vector.broadcast %ge3A_117 : i32 to vector<16xi32>
      %ge3A_119 = arith.cmpi sge, %sub3A_116, %ge3A_118 : vector<16xi32>
      %lt3A_120 = arith.constant 5120 : i32
      %lt3A_121 = vector.broadcast %lt3A_120 : i32 to vector<16xi32>
      %lt3A_122 = arith.cmpi slt, %sub3A_116, %lt3A_121 : vector<16xi32>
      %and3A_123 = arith.andi %ge3A_119, %lt3A_122 : vector<16xi1>
      %broadcast_in_dim3A_124 = arith.constant 5120 : i32
      %broadcast_in_dim3A_125 = vector.broadcast %broadcast_in_dim3A_124 : i32 to vector<16xi32>
      %select_n3A_126 = arith.select %and3A_123, %sub3A_116, %broadcast_in_dim3A_125 : vector<16xi1>, vector<16xi32>
      %swap3A_127 = arith.constant 80 : index
      %swap3A_128 = tpu.vector_load %arg8[%swap3A_127] {strides = array<i32>} : memref<128xi32, #tpu.memory_space<vmem>>, vector<16xi32>,
      %swap3A_129 = vector.shape_cast %swap3A_128 : vector<16xi32> to vector<16xi32>
      %swap3A_130 = vector.shape_cast %select_n3A_126 : vector<16xi32> to vector<16xi32>
      tpu.vector_store %arg8[%swap3A_127], %swap3A_130 {strides = array<i32>} : memref<128xi32, #tpu.memory_space<vmem>>, vector<16xi32>,
      %get3A_131 = arith.constant 96 : index
      %get3A_132 = tpu.vector_load %arg8[%get3A_131] {strides = array<i32>} : memref<128xi32, #tpu.memory_space<vmem>>, vector<16xi32>,
      %get3A_133 = vector.shape_cast %get3A_132 : vector<16xi32> to vector<16xi32>
      %sub3A_134 = vector.broadcast %mul3A_9 : i32 to vector<16xi32>
      %sub3A_135 = arith.subi %get3A_133, %sub3A_134 : vector<16xi32>
      %ge3A_136 = arith.constant 0 : i32
      %ge3A_137 = vector.broadcast %ge3A_136 : i32 to vector<16xi32>
      %ge3A_138 = arith.cmpi sge, %sub3A_135, %ge3A_137 : vector<16xi32>
      %lt3A_139 = arith.constant 5120 : i32
      %lt3A_140 = vector.broadcast %lt3A_139 : i32 to vector<16xi32>
      %lt3A_141 = arith.cmpi slt, %sub3A_135, %lt3A_140 : vector<16xi32>
      %and3A_142 = arith.andi %ge3A_138, %lt3A_141 : vector<16xi1>
      %broadcast_in_dim3A_143 = arith.constant 5120 : i32
      %broadcast_in_dim3A_144 = vector.broadcast %broadcast_in_dim3A_143 : i32 to vector<16xi32>
      %select_n3A_145 = arith.select %and3A_142, %sub3A_135, %broadcast_in_dim3A_144 : vector<16xi1>, vector<16xi32>
      %swap3A_146 = arith.constant 96 : index
      %swap3A_147 = tpu.vector_load %arg8[%swap3A_146] {strides = array<i32>} : memref<128xi32, #tpu.memory_space<vmem>>, vector<16xi32>,
      %swap3A_148 = vector.shape_cast %swap3A_147 : vector<16xi32> to vector<16xi32>
      %swap3A_149 = vector.shape_cast %select_n3A_145 : vector<16xi32> to vector<16xi32>
      tpu.vector_store %arg8[%swap3A_146], %swap3A_149 {strides = array<i32>} : memref<128xi32, #tpu.memory_space<vmem>>, vector<16xi32>,
      %get3A_150 = arith.constant 112 : index
      %get3A_151 = tpu.vector_load %arg8[%get3A_150] {strides = array<i32>} : memref<128xi32, #tpu.memory_space<vmem>>, vector<16xi32>,
      %get3A_152 = vector.shape_cast %get3A_151 : vector<16xi32> to vector<16xi32>
      %sub3A_153 = vector.broadcast %mul3A_9 : i32 to vector<16xi32>
      %sub3A_154 = arith.subi %get3A_152, %sub3A_153 : vector<16xi32>
      %ge3A_155 = arith.constant 0 : i32
      %ge3A_156 = vector.broadcast %ge3A_155 : i32 to vector<16xi32>
      %ge3A_157 = arith.cmpi sge, %sub3A_154, %ge3A_156 : vector<16xi32>
      %lt3A_158 = arith.constant 5120 : i32
      %lt3A_159 = vector.broadcast %lt3A_158 : i32 to vector<16xi32>
      %lt3A_160 = arith.cmpi slt, %sub3A_154, %lt3A_159 : vector<16xi32>
      %and3A_161 = arith.andi %ge3A_157, %lt3A_160 : vector<16xi1>
      %broadcast_in_dim3A_162 = arith.constant 5120 : i32
      %broadcast_in_dim3A_163 = vector.broadcast %broadcast_in_dim3A_162 : i32 to vector<16xi32>
      %select_n3A_164 = arith.select %and3A_161, %sub3A_154, %broadcast_in_dim3A_163 : vector<16xi1>, vector<16xi32>
      %swap3A_165 = arith.constant 112 : index
      %swap3A_166 = tpu.vector_load %arg8[%swap3A_165] {strides = array<i32>} : memref<128xi32, #tpu.memory_space<vmem>>, vector<16xi32>,
      %swap3A_167 = vector.shape_cast %swap3A_166 : vector<16xi32> to vector<16xi32>
      %swap3A_168 = vector.shape_cast %select_n3A_164 : vector<16xi32> to vector<16xi32>
      tpu.vector_store %arg8[%swap3A_165], %swap3A_168 {strides = array<i32>} : memref<128xi32, #tpu.memory_space<vmem>>, vector<16xi32>,
      %dma_start3A = arith.constant 0 : i32
      %dma_start3A_169 = arith.constant 0 : i32
      %dma_start3A_170 = tpu.memref_slice %arg2[%dma_start3A, %dma_start3A_169] : memref<2000x128xf32, #tpu.memory_space<hbm>> -> memref<2000x128xf32, #tpu.memory_space<hbm>>
      tpu.enqueue_indirect_dma source(%dma_start3A_170 : memref<2000x128xf32, #tpu.memory_space<hbm>>) target(%arg10 : memref<128x128xf32, #tpu.memory_space<vmem>>) offsets(%arg7 : memref<128xi32, #tpu.memory_space<vmem>>) semaphore(%arg13 : memref<!tpu.dma_semaphore, #tpu.memory_space<semaphore_mem>>)
      %dma_wait3A = arith.constant 0 : i32
      %dma_wait3A_171 = arith.constant 0 : i32
      %dma_wait3A_172 = tpu.memref_slice %arg2[%dma_wait3A, %dma_wait3A_171] : memref<2000x128xf32, #tpu.memory_space<hbm>> -> memref<2000x128xf32, #tpu.memory_space<hbm>>
      tpu.wait_indirect_dma semaphore(%arg13 : memref<!tpu.dma_semaphore, #tpu.memory_space<semaphore_mem>>) src(%dma_wait3A_172 : memref<2000x128xf32, #tpu.memory_space<hbm>>) dst(%arg10 : memref<128x128xf32, #tpu.memory_space<vmem>>)
      %scan3A_173 = arith.constant 0 : i32
      %scan3A_174 = arith.constant 0 : i32
      %scan3A_175 = arith.constant 8 : i32
      %scan3A_176 = arith.addi %scan3A_174, %scan3A_175 : i32
      %scan3A_177 = arith.constant 1 : i32
      scf.for %scan3A_179 = %scan3A_174 to %scan3A_176 step %scan3A_177  : i32 {
        %mul3A_180 = arith.constant 16 : i32
        %mul3A_181 = arith.muli %scan3A_179, %mul3A_180 : i32
        %get3A_182 = arith.index_cast %mul3A_181 : i32 to index
        %get3A_183 = tpu.vector_load %arg9[%get3A_182] {strides = array<i32>} : memref<128xf32, #tpu.memory_space<vmem>>, vector<16xf32>,
        %get3A_184 = vector.shape_cast %get3A_183 : vector<16xf32> to vector<16xf32>
        %broadcast_in_dim3A_185 = arith.constant 0 : i32
        %broadcast_in_dim3A_186 = vector.broadcast %broadcast_in_dim3A_185 : i32 to vector<16x1xi32>
        %gather3A = vector.shape_cast %broadcast_in_dim3A_186 : vector<16x1xi32> to vector<16xi32>
        %gather3A_187 = tpu.dynamic_gather %get3A_184[%gather3A] in [0] : vector<16xf32>, vector<16xi32> -> vector<16xf32>
        %mul3A_188 = arith.constant 16 : i32
        %mul3A_189 = arith.muli %scan3A_179, %mul3A_188 : i32
        %add3A_190 = arith.constant 0 : i32
        %add3A_191 = arith.addi %mul3A_189, %add3A_190 : i32
        %get3A_192 = arith.index_cast %add3A_191 : i32 to index
        %get3A_193 = arith.constant 0 : index
        %get3A_194 = tpu.vector_load %arg10[%get3A_192, %get3A_193] {strides = array<i32>} : memref<128x128xf32, #tpu.memory_space<vmem>>, vector<1x16xf32>,
        %get3A_195 = vector.shape_cast %get3A_194 : vector<1x16xf32> to vector<16xf32>
        %mul3A_196 = arith.mulf %get3A_195, %gather3A_187 : vector<16xf32>
        %swap3A_197 = arith.index_cast %add3A_191 : i32 to index
        %swap3A_198 = arith.constant 0 : index
        %swap3A_199 = tpu.vector_load %arg10[%swap3A_197, %swap3A_198] {strides = array<i32>} : memref<128x128xf32, #tpu.memory_space<vmem>>, vector<1x16xf32>,
        %swap3A_200 = vector.shape_cast %swap3A_199 : vector<1x16xf32> to vector<16xf32>
        %swap3A_201 = vector.shape_cast %mul3A_196 : vector<16xf32> to vector<1x16xf32>
        tpu.vector_store %arg10[%swap3A_197, %swap3A_198], %swap3A_201 {strides = array<i32>} : memref<128x128xf32, #tpu.memory_space<vmem>>, vector<1x16xf32>,
        %get3A_202 = arith.index_cast %add3A_191 : i32 to index
        %get3A_203 = arith.constant 16 : index
        %get3A_204 = tpu.vector_load %arg10[%get3A_202, %get3A_203] {strides = array<i32>} : memref<128x128xf32, #tpu.memory_space<vmem>>, vector<1x16xf32>,
        %get3A_205 = vector.shape_cast %get3A_204 : vector<1x16xf32> to vector<16xf32>
        %mul3A_206 = arith.mulf %get3A_205, %gather3A_187 : vector<16xf32>
        %swap3A_207 = arith.index_cast %add3A_191 : i32 to index
        %swap3A_208 = arith.constant 16 : index
        %swap3A_209 = tpu.vector_load %arg10[%swap3A_207, %swap3A_208] {strides = array<i32>} : memref<128x128xf32, #tpu.memory_space<vmem>>, vector<1x16xf32>,
        %swap3A_210 = vector.shape_cast %swap3A_209 : vector<1x16xf32> to vector<16xf32>
        %swap3A_211 = vector.shape_cast %mul3A_206 : vector<16xf32> to vector<1x16xf32>
        tpu.vector_store %arg10[%swap3A_207, %swap3A_208], %swap3A_211 {strides = array<i32>} : memref<128x128xf32, #tpu.memory_space<vmem>>, vector<1x16xf32>,
        %get3A_212 = arith.index_cast %add3A_191 : i32 to index
        %get3A_213 = arith.constant 32 : index
        %get3A_214 = tpu.vector_load %arg10[%get3A_212, %get3A_213] {strides = array<i32>} : memref<128x128xf32, #tpu.memory_space<vmem>>, vector<1x16xf32>,
        %get3A_215 = vector.shape_cast %get3A_214 : vector<1x16xf32> to vector<16xf32>
        %mul3A_216 = arith.mulf %get3A_215, %gather3A_187 : vector<16xf32>
        %swap3A_217 = arith.index_cast %add3A_191 : i32 to index
        %swap3A_218 = arith.constant 32 : index
        %swap3A_219 = tpu.vector_load %arg10[%swap3A_217, %swap3A_218] {strides = array<i32>} : memref<128x128xf32, #tpu.memory_space<vmem>>, vector<1x16xf32>,
        %swap3A_220 = vector.shape_cast %swap3A_219 : vector<1x16xf32> to vector<16xf32>
        %swap3A_221 = vector.shape_cast %mul3A_216 : vector<16xf32> to vector<1x16xf32>
        tpu.vector_store %arg10[%swap3A_217, %swap3A_218], %swap3A_221 {strides = array<i32>} : memref<128x128xf32, #tpu.memory_space<vmem>>, vector<1x16xf32>,
        %get3A_222 = arith.index_cast %add3A_191 : i32 to index
        %get3A_223 = arith.constant 48 : index
        %get3A_224 = tpu.vector_load %arg10[%get3A_222, %get3A_223] {strides = array<i32>} : memref<128x128xf32, #tpu.memory_space<vmem>>, vector<1x16xf32>,
        %get3A_225 = vector.shape_cast %get3A_224 : vector<1x16xf32> to vector<16xf32>
        %mul3A_226 = arith.mulf %get3A_225, %gather3A_187 : vector<16xf32>
        %swap3A_227 = arith.index_cast %add3A_191 : i32 to index
        %swap3A_228 = arith.constant 48 : index
        %swap3A_229 = tpu.vector_load %arg10[%swap3A_227, %swap3A_228] {strides = array<i32>} : memref<128x128xf32, #tpu.memory_space<vmem>>, vector<1x16xf32>,
        %swap3A_230 = vector.shape_cast %swap3A_229 : vector<1x16xf32> to vector<16xf32>
        %swap3A_231 = vector.shape_cast %mul3A_226 : vector<16xf32> to vector<1x16xf32>
        tpu.vector_store %arg10[%swap3A_227, %swap3A_228], %swap3A_231 {strides = array<i32>} : memref<128x128xf32, #tpu.memory_space<vmem>>, vector<1x16xf32>,
        %get3A_232 = arith.index_cast %add3A_191 : i32 to index
        %get3A_233 = arith.constant 64 : index
        %get3A_234 = tpu.vector_load %arg10[%get3A_232, %get3A_233] {strides = array<i32>} : memref<128x128xf32, #tpu.memory_space<vmem>>, vector<1x16xf32>,
        %get3A_235 = vector.shape_cast %get3A_234 : vector<1x16xf32> to vector<16xf32>
        %mul3A_236 = arith.mulf %get3A_235, %gather3A_187 : vector<16xf32>
        %swap3A_237 = arith.index_cast %add3A_191 : i32 to index
        %swap3A_238 = arith.constant 64 : index
        %swap3A_239 = tpu.vector_load %arg10[%swap3A_237, %swap3A_238] {strides = array<i32>} : memref<128x128xf32, #tpu.memory_space<vmem>>, vector<1x16xf32>,
        %swap3A_240 = vector.shape_cast %swap3A_239 : vector<1x16xf32> to vector<16xf32>
        %swap3A_241 = vector.shape_cast %mul3A_236 : vector<16xf32> to vector<1x16xf32>
        tpu.vector_store %arg10[%swap3A_237, %swap3A_238], %swap3A_241 {strides = array<i32>} : memref<128x128xf32, #tpu.memory_space<vmem>>, vector<1x16xf32>,
        %get3A_242 = arith.index_cast %add3A_191 : i32 to index
        %get3A_243 = arith.constant 80 : index
        %get3A_244 = tpu.vector_load %arg10[%get3A_242, %get3A_243] {strides = array<i32>} : memref<128x128xf32, #tpu.memory_space<vmem>>, vector<1x16xf32>,
        %get3A_245 = vector.shape_cast %get3A_244 : vector<1x16xf32> to vector<16xf32>
        %mul3A_246 = arith.mulf %get3A_245, %gather3A_187 : vector<16xf32>
        %swap3A_247 = arith.index_cast %add3A_191 : i32 to index
        %swap3A_248 = arith.constant 80 : index
        %swap3A_249 = tpu.vector_load %arg10[%swap3A_247, %swap3A_248] {strides = array<i32>} : memref<128x128xf32, #tpu.memory_space<vmem>>, vector<1x16xf32>,
        %swap3A_250 = vector.shape_cast %swap3A_249 : vector<1x16xf32> to vector<16xf32>
        %swap3A_251 = vector.shape_cast %mul3A_246 : vector<16xf32> to vector<1x16xf32>
        tpu.vector_store %arg10[%swap3A_247, %swap3A_248], %swap3A_251 {strides = array<i32>} : memref<128x128xf32, #tpu.memory_space<vmem>>, vector<1x16xf32>,
        %get3A_252 = arith.index_cast %add3A_191 : i32 to index
        %get3A_253 = arith.constant 96 : index
        %get3A_254 = tpu.vector_load %arg10[%get3A_252, %get3A_253] {strides = array<i32>} : memref<128x128xf32, #tpu.memory_space<vmem>>, vector<1x16xf32>,
        %get3A_255 = vector.shape_cast %get3A_254 : vector<1x16xf32> to vector<16xf32>
        %mul3A_256 = arith.mulf %get3A_255, %gather3A_187 : vector<16xf32>
        %swap3A_257 = arith.index_cast %add3A_191 : i32 to index
        %swap3A_258 = arith.constant 96 : index
        %swap3A_259 = tpu.vector_load %arg10[%swap3A_257, %swap3A_258] {strides = array<i32>} : memref<128x128xf32, #tpu.memory_space<vmem>>, vector<1x16xf32>,
        %swap3A_260 = vector.shape_cast %swap3A_259 : vector<1x16xf32> to vector<16xf32>
        %swap3A_261 = vector.shape_cast %mul3A_256 : vector<16xf32> to vector<1x16xf32>
        tpu.vector_store %arg10[%swap3A_257, %swap3A_258], %swap3A_261 {strides = array<i32>} : memref<128x128xf32, #tpu.memory_space<vmem>>, vector<1x16xf32>,
        %get3A_262 = arith.index_cast %add3A_191 : i32 to index
        %get3A_263 = arith.constant 112 : index
        %get3A_264 = tpu.vector_load %arg10[%get3A_262, %get3A_263] {strides = array<i32>} : memref<128x128xf32, #tpu.memory_space<vmem>>, vector<1x16xf32>,
        %get3A_265 = vector.shape_cast %get3A_264 : vector<1x16xf32> to vector<16xf32>
        %mul3A_266 = arith.mulf %get3A_265, %gather3A_187 : vector<16xf32>
        %swap3A_267 = arith.index_cast %add3A_191 : i32 to index
        %swap3A_268 = arith.constant 112 : index
        %swap3A_269 = tpu.vector_load %arg10[%swap3A_267, %swap3A_268] {strides = array<i32>} : memref<128x128xf32, #tpu.memory_space<vmem>>, vector<1x16xf32>,
        %swap3A_270 = vector.shape_cast %swap3A_269 : vector<1x16xf32> to vector<16xf32>
        %swap3A_271 = vector.shape_cast %mul3A_266 : vector<16xf32> to vector<1x16xf32>
        tpu.vector_store %arg10[%swap3A_267, %swap3A_268], %swap3A_271 {strides = array<i32>} : memref<128x128xf32, #tpu.memory_space<vmem>>, vector<1x16xf32>,
        %broadcast_in_dim3A_272 = arith.constant 1 : i32
        %broadcast_in_dim3A_273 = vector.broadcast %broadcast_in_dim3A_272 : i32 to vector<16x1xi32>
        %gather3A_274 = vector.shape_cast %broadcast_in_dim3A_273 : vector<16x1xi32> to vector<16xi32>
        %gather3A_275 = tpu.dynamic_gather %get3A_184[%gather3A_274] in [0] : vector<16xf32>, vector<16xi32> -> vector<16xf32>
        %mul3A_276 = arith.constant 16 : i32
        %mul3A_277 = arith.muli %scan3A_179, %mul3A_276 : i32
        %add3A_278 = arith.constant 1 : i32
        %add3A_279 = arith.addi %mul3A_277, %add3A_278 : i32
        %get3A_280 = arith.index_cast %add3A_279 : i32 to index
        %get3A_281 = arith.constant 0 : index
        %get3A_282 = tpu.vector_load %arg10[%get3A_280, %get3A_281] {strides = array<i32>} : memref<128x128xf32, #tpu.memory_space<vmem>>, vector<1x16xf32>,
        %get3A_283 = vector.shape_cast %get3A_282 : vector<1x16xf32> to vector<16xf32>
        %mul3A_284 = arith.mulf %get3A_283, %gather3A_275 : vector<16xf32>
        %swap3A_285 = arith.index_cast %add3A_279 : i32 to index
        %swap3A_286 = arith.constant 0 : index
        %swap3A_287 = tpu.vector_load %arg10[%swap3A_285, %swap3A_286] {strides = array<i32>} : memref<128x128xf32, #tpu.memory_space<vmem>>, vector<1x16xf32>,
        %swap3A_288 = vector.shape_cast %swap3A_287 : vector<1x16xf32> to vector<16xf32>
        %swap3A_289 = vector.shape_cast %mul3A_284 : vector<16xf32> to vector<1x16xf32>
        tpu.vector_store %arg10[%swap3A_285, %swap3A_286], %swap3A_289 {strides = array<i32>} : memref<128x128xf32, #tpu.memory_space<vmem>>, vector<1x16xf32>,
        %get3A_290 = arith.index_cast %add3A_279 : i32 to index
        %get3A_291 = arith.constant 16 : index
        %get3A_292 = tpu.vector_load %arg10[%get3A_290, %get3A_291] {strides = array<i32>} : memref<128x128xf32, #tpu.memory_space<vmem>>, vector<1x16xf32>,
        %get3A_293 = vector.shape_cast %get3A_292 : vector<1x16xf32> to vector<16xf32>
        %mul3A_294 = arith.mulf %get3A_293, %gather3A_275 : vector<16xf32>
        %swap3A_295 = arith.index_cast %add3A_279 : i32 to index
        %swap3A_296 = arith.constant 16 : index
        %swap3A_297 = tpu.vector_load %arg10[%swap3A_295, %swap3A_296] {strides = array<i32>} : memref<128x128xf32, #tpu.memory_space<vmem>>, vector<1x16xf32>,
        %swap3A_298 = vector.shape_cast %swap3A_297 : vector<1x16xf32> to vector<16xf32>
        %swap3A_299 = vector.shape_cast %mul3A_294 : vector<16xf32> to vector<1x16xf32>
        tpu.vector_store %arg10[%swap3A_295, %swap3A_296], %swap3A_299 {strides = array<i32>} : memref<128x128xf32, #tpu.memory_space<vmem>>, vector<1x16xf32>,
        %get3A_300 = arith.index_cast %add3A_279 : i32 to index
        %get3A_301 = arith.constant 32 : index
        %get3A_302 = tpu.vector_load %arg10[%get3A_300, %get3A_301] {strides = array<i32>} : memref<128x128xf32, #tpu.memory_space<vmem>>, vector<1x16xf32>,
        %get3A_303 = vector.shape_cast %get3A_302 : vector<1x16xf32> to vector<16xf32>
        %mul3A_304 = arith.mulf %get3A_303, %gather3A_275 : vector<16xf32>
        %swap3A_305 = arith.index_cast %add3A_279 : i32 to index
        %swap3A_306 = arith.constant 32 : index
        %swap3A_307 = tpu.vector_load %arg10[%swap3A_305, %swap3A_306] {strides = array<i32>} : memref<128x128xf32, #tpu.memory_space<vmem>>, vector<1x16xf32>,
        %swap3A_308 = vector.shape_cast %swap3A_307 : vector<1x16xf32> to vector<16xf32>
        %swap3A_309 = vector.shape_cast %mul3A_304 : vector<16xf32> to vector<1x16xf32>
        tpu.vector_store %arg10[%swap3A_305, %swap3A_306], %swap3A_309 {strides = array<i32>} : memref<128x128xf32, #tpu.memory_space<vmem>>, vector<1x16xf32>,
        %get3A_310 = arith.index_cast %add3A_279 : i32 to index
        %get3A_311 = arith.constant 48 : index
        %get3A_312 = tpu.vector_load %arg10[%get3A_310, %get3A_311] {strides = array<i32>} : memref<128x128xf32, #tpu.memory_space<vmem>>, vector<1x16xf32>,
        %get3A_313 = vector.shape_cast %get3A_312 : vector<1x16xf32> to vector<16xf32>
        %mul3A_314 = arith.mulf %get3A_313, %gather3A_275 : vector<16xf32>
        %swap3A_315 = arith.index_cast %add3A_279 : i32 to index
        %swap3A_316 = arith.constant 48 : index
        %swap3A_317 = tpu.vector_load %arg10[%swap3A_315, %swap3A_316] {strides = array<i32>} : memref<128x128xf32, #tpu.memory_space<vmem>>, vector<1x16xf32>,
        %swap3A_318 = vector.shape_cast %swap3A_317 : vector<1x16xf32> to vector<16xf32>
        %swap3A_319 = vector.shape_cast %mul3A_314 : vector<16xf32> to vector<1x16xf32>
        tpu.vector_store %arg10[%swap3A_315, %swap3A_316], %swap3A_319 {strides = array<i32>} : memref<128x128xf32, #tpu.memory_space<vmem>>, vector<1x16xf32>,
        %get3A_320 = arith.index_cast %add3A_279 : i32 to index
        %get3A_321 = arith.constant 64 : index
        %get3A_322 = tpu.vector_load %arg10[%get3A_320, %get3A_321] {strides = array<i32>} : memref<128x128xf32, #tpu.memory_space<vmem>>, vector<1x16xf32>,
        %get3A_323 = vector.shape_cast %get3A_322 : vector<1x16xf32> to vector<16xf32>
        %mul3A_324 = arith.mulf %get3A_323, %gather3A_275 : vector<16xf32>
        %swap3A_325 = arith.index_cast %add3A_279 : i32 to index
        %swap3A_326 = arith.constant 64 : index
        %swap3A_327 = tpu.vector_load %arg10[%swap3A_325, %swap3A_326] {strides = array<i32>} : memref<128x128xf32, #tpu.memory_space<vmem>>, vector<1x16xf32>,
        %swap3A_328 = vector.shape_cast %swap3A_327 : vector<1x16xf32> to vector<16xf32>
        %swap3A_329 = vector.shape_cast %mul3A_324 : vector<16xf32> to vector<1x16xf32>
        tpu.vector_store %arg10[%swap3A_325, %swap3A_326], %swap3A_329 {strides = array<i32>} : memref<128x128xf32, #tpu.memory_space<vmem>>, vector<1x16xf32>,
        %get3A_330 = arith.index_cast %add3A_279 : i32 to index
        %get3A_331 = arith.constant 80 : index
        %get3A_332 = tpu.vector_load %arg10[%get3A_330, %get3A_331] {strides = array<i32>} : memref<128x128xf32, #tpu.memory_space<vmem>>, vector<1x16xf32>,
        %get3A_333 = vector.shape_cast %get3A_332 : vector<1x16xf32> to vector<16xf32>
        %mul3A_334 = arith.mulf %get3A_333, %gather3A_275 : vector<16xf32>
        %swap3A_335 = arith.index_cast %add3A_279 : i32 to index
        %swap3A_336 = arith.constant 80 : index
        %swap3A_337 = tpu.vector_load %arg10[%swap3A_335, %swap3A_336] {strides = array<i32>} : memref<128x128xf32, #tpu.memory_space<vmem>>, vector<1x16xf32>,
        %swap3A_338 = vector.shape_cast %swap3A_337 : vector<1x16xf32> to vector<16xf32>
        %swap3A_339 = vector.shape_cast %mul3A_334 : vector<16xf32> to vector<1x16xf32>
        tpu.vector_store %arg10[%swap3A_335, %swap3A_336], %swap3A_339 {strides = array<i32>} : memref<128x128xf32, #tpu.memory_space<vmem>>, vector<1x16xf32>,
        %get3A_340 = arith.index_cast %add3A_279 : i32 to index
        %get3A_341 = arith.constant 96 : index
        %get3A_342 = tpu.vector_load %arg10[%get3A_340, %get3A_341] {strides = array<i32>} : memref<128x128xf32, #tpu.memory_space<vmem>>, vector<1x16xf32>,
        %get3A_343 = vector.shape_cast %get3A_342 : vector<1x16xf32> to vector<16xf32>
        %mul3A_344 = arith.mulf %get3A_343, %gather3A_275 : vector<16xf32>
        %swap3A_345 = arith.index_cast %add3A_279 : i32 to index
        %swap3A_346 = arith.constant 96 : index
        %swap3A_347 = tpu.vector_load %arg10[%swap3A_345, %swap3A_346] {strides = array<i32>} : memref<128x128xf32, #tpu.memory_space<vmem>>, vector<1x16xf32>,
        %swap3A_348 = vector.shape_cast %swap3A_347 : vector<1x16xf32> to vector<16xf32>
        %swap3A_349 = vector.shape_cast %mul3A_344 : vector<16xf32> to vector<1x16xf32>
        tpu.vector_store %arg10[%swap3A_345, %swap3A_346], %swap3A_349 {strides = array<i32>} : memref<128x128xf32, #tpu.memory_space<vmem>>, vector<1x16xf32>,
        %get3A_350 = arith.index_cast %add3A_279 : i32 to index
        %get3A_351 = arith.constant 112 : index
        %get3A_352 = tpu.vector_load %arg10[%get3A_350, %get3A_351] {strides = array<i32>} : memref<128x128xf32, #tpu.memory_space<vmem>>, vector<1x16xf32>,
        %get3A_353 = vector.shape_cast %get3A_352 : vector<1x16xf32> to vector<16xf32>
        %mul3A_354 = arith.mulf %get3A_353, %gather3A_275 : vector<16xf32>
        %swap3A_355 = arith.index_cast %add3A_279 : i32 to index
        %swap3A_356 = arith.constant 112 : index
        %swap3A_357 = tpu.vector_load %arg10[%swap3A_355, %swap3A_356] {strides = array<i32>} : memref<128x128xf32, #tpu.memory_space<vmem>>, vector<1x16xf32>,
        %swap3A_358 = vector.shape_cast %swap3A_357 : vector<1x16xf32> to vector<16xf32>
        %swap3A_359 = vector.shape_cast %mul3A_354 : vector<16xf32> to vector<1x16xf32>
        tpu.vector_store %arg10[%swap3A_355, %swap3A_356], %swap3A_359 {strides = array<i32>} : memref<128x128xf32, #tpu.memory_space<vmem>>, vector<1x16xf32>,
        %broadcast_in_dim3A_360 = arith.constant 2 : i32
        %broadcast_in_dim3A_361 = vector.broadcast %broadcast_in_dim3A_360 : i32 to vector<16x1xi32>
        %gather3A_362 = vector.shape_cast %broadcast_in_dim3A_361 : vector<16x1xi32> to vector<16xi32>
        %gather3A_363 = tpu.dynamic_gather %get3A_184[%gather3A_362] in [0] : vector<16xf32>, vector<16xi32> -> vector<16xf32>
        %mul3A_364 = arith.constant 16 : i32
        %mul3A_365 = arith.muli %scan3A_179, %mul3A_364 : i32
        %add3A_366 = arith.constant 2 : i32
        %add3A_367 = arith.addi %mul3A_365, %add3A_366 : i32
        %get3A_368 = arith.index_cast %add3A_367 : i32 to index
        %get3A_369 = arith.constant 0 : index
        %get3A_370 = tpu.vector_load %arg10[%get3A_368, %get3A_369] {strides = array<i32>} : memref<128x128xf32, #tpu.memory_space<vmem>>, vector<1x16xf32>,
        %get3A_371 = vector.shape_cast %get3A_370 : vector<1x16xf32> to vector<16xf32>
        %mul3A_372 = arith.mulf %get3A_371, %gather3A_363 : vector<16xf32>
        %swap3A_373 = arith.index_cast %add3A_367 : i32 to index
        %swap3A_374 = arith.constant 0 : index
        %swap3A_375 = tpu.vector_load %arg10[%swap3A_373, %swap3A_374] {strides = array<i32>} : memref<128x128xf32, #tpu.memory_space<vmem>>, vector<1x16xf32>,
        %swap3A_376 = vector.shape_cast %swap3A_375 : vector<1x16xf32> to vector<16xf32>
        %swap3A_377 = vector.shape_cast %mul3A_372 : vector<16xf32> to vector<1x16xf32>
        tpu.vector_store %arg10[%swap3A_373, %swap3A_374], %swap3A_377 {strides = array<i32>} : memref<128x128xf32, #tpu.memory_space<vmem>>, vector<1x16xf32>,
        %get3A_378 = arith.index_cast %add3A_367 : i32 to index
        %get3A_379 = arith.constant 16 : index
        %get3A_380 = tpu.vector_load %arg10[%get3A_378, %get3A_379] {strides = array<i32>} : memref<128x128xf32, #tpu.memory_space<vmem>>, vector<1x16xf32>,
        %get3A_381 = vector.shape_cast %get3A_380 : vector<1x16xf32> to vector<16xf32>
        %mul3A_382 = arith.mulf %get3A_381, %gather3A_363 : vector<16xf32>
        %swap3A_383 = arith.index_cast %add3A_367 : i32 to index
        %swap3A_384 = arith.constant 16 : index
        %swap3A_385 = tpu.vector_load %arg10[%swap3A_383, %swap3A_384] {strides = array<i32>} : memref<128x128xf32, #tpu.memory_space<vmem>>, vector<1x16xf32>,
        %swap3A_386 = vector.shape_cast %swap3A_385 : vector<1x16xf32> to vector<16xf32>
        %swap3A_387 = vector.shape_cast %mul3A_382 : vector<16xf32> to vector<1x16xf32>
        tpu.vector_store %arg10[%swap3A_383, %swap3A_384], %swap3A_387 {strides = array<i32>} : memref<128x128xf32, #tpu.memory_space<vmem>>, vector<1x16xf32>,
        %get3A_388 = arith.index_cast %add3A_367 : i32 to index
        %get3A_389 = arith.constant 32 : index
        %get3A_390 = tpu.vector_load %arg10[%get3A_388, %get3A_389] {strides = array<i32>} : memref<128x128xf32, #tpu.memory_space<vmem>>, vector<1x16xf32>,
        %get3A_391 = vector.shape_cast %get3A_390 : vector<1x16xf32> to vector<16xf32>
        %mul3A_392 = arith.mulf %get3A_391, %gather3A_363 : vector<16xf32>
        %swap3A_393 = arith.index_cast %add3A_367 : i32 to index
        %swap3A_394 = arith.constant 32 : index
        %swap3A_395 = tpu.vector_load %arg10[%swap3A_393, %swap3A_394] {strides = array<i32>} : memref<128x128xf32, #tpu.memory_space<vmem>>, vector<1x16xf32>,
        %swap3A_396 = vector.shape_cast %swap3A_395 : vector<1x16xf32> to vector<16xf32>
        %swap3A_397 = vector.shape_cast %mul3A_392 : vector<16xf32> to vector<1x16xf32>
        tpu.vector_store %arg10[%swap3A_393, %swap3A_394], %swap3A_397 {strides = array<i32>} : memref<128x128xf32, #tpu.memory_space<vmem>>, vector<1x16xf32>,
        %get3A_398 = arith.index_cast %add3A_367 : i32 to index
        %get3A_399 = arith.constant 48 : index
        %get3A_400 = tpu.vector_load %arg10[%get3A_398, %get3A_399] {strides = array<i32>} : memref<128x128xf32, #tpu.memory_space<vmem>>, vector<1x16xf32>,
        %get3A_401 = vector.shape_cast %get3A_400 : vector<1x16xf32> to vector<16xf32>
        %mul3A_402 = arith.mulf %get3A_401, %gather3A_363 : vector<16xf32>
        %swap3A_403 = arith.index_cast %add3A_367 : i32 to index
        %swap3A_404 = arith.constant 48 : index
        %swap3A_405 = tpu.vector_load %arg10[%swap3A_403, %swap3A_404] {strides = array<i32>} : memref<128x128xf32, #tpu.memory_space<vmem>>, vector<1x16xf32>,
        %swap3A_406 = vector.shape_cast %swap3A_405 : vector<1x16xf32> to vector<16xf32>
        %swap3A_407 = vector.shape_cast %mul3A_402 : vector<16xf32> to vector<1x16xf32>
        tpu.vector_store %arg10[%swap3A_403, %swap3A_404], %swap3A_407 {strides = array<i32>} : memref<128x128xf32, #tpu.memory_space<vmem>>, vector<1x16xf32>,
        %get3A_408 = arith.index_cast %add3A_367 : i32 to index
        %get3A_409 = arith.constant 64 : index
        %get3A_410 = tpu.vector_load %arg10[%get3A_408, %get3A_409] {strides = array<i32>} : memref<128x128xf32, #tpu.memory_space<vmem>>, vector<1x16xf32>,
        %get3A_411 = vector.shape_cast %get3A_410 : vector<1x16xf32> to vector<16xf32>
        %mul3A_412 = arith.mulf %get3A_411, %gather3A_363 : vector<16xf32>
        %swap3A_413 = arith.index_cast %add3A_367 : i32 to index
        %swap3A_414 = arith.constant 64 : index
        %swap3A_415 = tpu.vector_load %arg10[%swap3A_413, %swap3A_414] {strides = array<i32>} : memref<128x128xf32, #tpu.memory_space<vmem>>, vector<1x16xf32>,
        %swap3A_416 = vector.shape_cast %swap3A_415 : vector<1x16xf32> to vector<16xf32>
        %swap3A_417 = vector.shape_cast %mul3A_412 : vector<16xf32> to vector<1x16xf32>
        tpu.vector_store %arg10[%swap3A_413, %swap3A_414], %swap3A_417 {strides = array<i32>} : memref<128x128xf32, #tpu.memory_space<vmem>>, vector<1x16xf32>,
        %get3A_418 = arith.index_cast %add3A_367 : i32 to index
        %get3A_419 = arith.constant 80 : index
        %get3A_420 = tpu.vector_load %arg10[%get3A_418, %get3A_419] {strides = array<i32>} : memref<128x128xf32, #tpu.memory_space<vmem>>, vector<1x16xf32>,
        %get3A_421 = vector.shape_cast %get3A_420 : vector<1x16xf32> to vector<16xf32>
        %mul3A_422 = arith.mulf %get3A_421, %gather3A_363 : vector<16xf32>
        %swap3A_423 = arith.index_cast %add3A_367 : i32 to index
        %swap3A_424 = arith.constant 80 : index
        %swap3A_425 = tpu.vector_load %arg10[%swap3A_423, %swap3A_424] {strides = array<i32>} : memref<128x128xf32, #tpu.memory_space<vmem>>, vector<1x16xf32>,
        %swap3A_426 = vector.shape_cast %swap3A_425 : vector<1x16xf32> to vector<16xf32>
        %swap3A_427 = vector.shape_cast %mul3A_422 : vector<16xf32> to vector<1x16xf32>
        tpu.vector_store %arg10[%swap3A_423, %swap3A_424], %swap3A_427 {strides = array<i32>} : memref<128x128xf32, #tpu.memory_space<vmem>>, vector<1x16xf32>,
        %get3A_428 = arith.index_cast %add3A_367 : i32 to index
        %get3A_429 = arith.constant 96 : index
        %get3A_430 = tpu.vector_load %arg10[%get3A_428, %get3A_429] {strides = array<i32>} : memref<128x128xf32, #tpu.memory_space<vmem>>, vector<1x16xf32>,
        %get3A_431 = vector.shape_cast %get3A_430 : vector<1x16xf32> to vector<16xf32>
        %mul3A_432 = arith.mulf %get3A_431, %gather3A_363 : vector<16xf32>
        %swap3A_433 = arith.index_cast %add3A_367 : i32 to index
        %swap3A_434 = arith.constant 96 : index
        %swap3A_435 = tpu.vector_load %arg10[%swap3A_433, %swap3A_434] {strides = array<i32>} : memref<128x128xf32, #tpu.memory_space<vmem>>, vector<1x16xf32>,
        %swap3A_436 = vector.shape_cast %swap3A_435 : vector<1x16xf32> to vector<16xf32>
        %swap3A_437 = vector.shape_cast %mul3A_432 : vector<16xf32> to vector<1x16xf32>
        tpu.vector_store %arg10[%swap3A_433, %swap3A_434], %swap3A_437 {strides = array<i32>} : memref<128x128xf32, #tpu.memory_space<vmem>>, vector<1x16xf32>,
        %get3A_438 = arith.index_cast %add3A_367 : i32 to index
        %get3A_439 = arith.constant 112 : index
        %get3A_440 = tpu.vector_load %arg10[%get3A_438, %get3A_439] {strides = array<i32>} : memref<128x128xf32, #tpu.memory_space<vmem>>, vector<1x16xf32>,
        %get3A_441 = vector.shape_cast %get3A_440 : vector<1x16xf32> to vector<16xf32>
        %mul3A_442 = arith.mulf %get3A_441, %gather3A_363 : vector<16xf32>
        %swap3A_443 = arith.index_cast %add3A_367 : i32 to index
        %swap3A_444 = arith.constant 112 : index
        %swap3A_445 = tpu.vector_load %arg10[%swap3A_443, %swap3A_444] {strides = array<i32>} : memref<128x128xf32, #tpu.memory_space<vmem>>, vector<1x16xf32>,
        %swap3A_446 = vector.shape_cast %swap3A_445 : vector<1x16xf32> to vector<16xf32>
        %swap3A_447 = vector.shape_cast %mul3A_442 : vector<16xf32> to vector<1x16xf32>
        tpu.vector_store %arg10[%swap3A_443, %swap3A_444], %swap3A_447 {strides = array<i32>} : memref<128x128xf32, #tpu.memory_space<vmem>>, vector<1x16xf32>,
        %broadcast_in_dim3A_448 = arith.constant 3 : i32
        %broadcast_in_dim3A_449 = vector.broadcast %broadcast_in_dim3A_448 : i32 to vector<16x1xi32>
        %gather3A_450 = vector.shape_cast %broadcast_in_dim3A_449 : vector<16x1xi32> to vector<16xi32>
        %gather3A_451 = tpu.dynamic_gather %get3A_184[%gather3A_450] in [0] : vector<16xf32>, vector<16xi32> -> vector<16xf32>
        %mul3A_452 = arith.constant 16 : i32
        %mul3A_453 = arith.muli %scan3A_179, %mul3A_452 : i32
        %add3A_454 = arith.constant 3 : i32
        %add3A_455 = arith.addi %mul3A_453, %add3A_454 : i32
        %get3A_456 = arith.index_cast %add3A_455 : i32 to index
        %get3A_457 = arith.constant 0 : index
        %get3A_458 = tpu.vector_load %arg10[%get3A_456, %get3A_457] {strides = array<i32>} : memref<128x128xf32, #tpu.memory_space<vmem>>, vector<1x16xf32>,
        %get3A_459 = vector.shape_cast %get3A_458 : vector<1x16xf32> to vector<16xf32>
        %mul3A_460 = arith.mulf %get3A_459, %gather3A_451 : vector<16xf32>
        %swap3A_461 = arith.index_cast %add3A_455 : i32 to index
        %swap3A_462 = arith.constant 0 : index
        %swap3A_463 = tpu.vector_load %arg10[%swap3A_461, %swap3A_462] {strides = array<i32>} : memref<128x128xf32, #tpu.memory_space<vmem>>, vector<1x16xf32>,
        %swap3A_464 = vector.shape_cast %swap3A_463 : vector<1x16xf32> to vector<16xf32>
        %swap3A_465 = vector.shape_cast %mul3A_460 : vector<16xf32> to vector<1x16xf32>
        tpu.vector_store %arg10[%swap3A_461, %swap3A_462], %swap3A_465 {strides = array<i32>} : memref<128x128xf32, #tpu.memory_space<vmem>>, vector<1x16xf32>,
        %get3A_466 = arith.index_cast %add3A_455 : i32 to index
        %get3A_467 = arith.constant 16 : index
        %get3A_468 = tpu.vector_load %arg10[%get3A_466, %get3A_467] {strides = array<i32>} : memref<128x128xf32, #tpu.memory_space<vmem>>, vector<1x16xf32>,
        %get3A_469 = vector.shape_cast %get3A_468 : vector<1x16xf32> to vector<16xf32>
        %mul3A_470 = arith.mulf %get3A_469, %gather3A_451 : vector<16xf32>
        %swap3A_471 = arith.index_cast %add3A_455 : i32 to index
        %swap3A_472 = arith.constant 16 : index
        %swap3A_473 = tpu.vector_load %arg10[%swap3A_471, %swap3A_472] {strides = array<i32>} : memref<128x128xf32, #tpu.memory_space<vmem>>, vector<1x16xf32>,
        %swap3A_474 = vector.shape_cast %swap3A_473 : vector<1x16xf32> to vector<16xf32>
        %swap3A_475 = vector.shape_cast %mul3A_470 : vector<16xf32> to vector<1x16xf32>
        tpu.vector_store %arg10[%swap3A_471, %swap3A_472], %swap3A_475 {strides = array<i32>} : memref<128x128xf32, #tpu.memory_space<vmem>>, vector<1x16xf32>,
        %get3A_476 = arith.index_cast %add3A_455 : i32 to index
        %get3A_477 = arith.constant 32 : index
        %get3A_478 = tpu.vector_load %arg10[%get3A_476, %get3A_477] {strides = array<i32>} : memref<128x128xf32, #tpu.memory_space<vmem>>, vector<1x16xf32>,
        %get3A_479 = vector.shape_cast %get3A_478 : vector<1x16xf32> to vector<16xf32>
        %mul3A_480 = arith.mulf %get3A_479, %gather3A_451 : vector<16xf32>
        %swap3A_481 = arith.index_cast %add3A_455 : i32 to index
        %swap3A_482 = arith.constant 32 : index
        %swap3A_483 = tpu.vector_load %arg10[%swap3A_481, %swap3A_482] {strides = array<i32>} : memref<128x128xf32, #tpu.memory_space<vmem>>, vector<1x16xf32>,
        %swap3A_484 = vector.shape_cast %swap3A_483 : vector<1x16xf32> to vector<16xf32>
        %swap3A_485 = vector.shape_cast %mul3A_480 : vector<16xf32> to vector<1x16xf32>
        tpu.vector_store %arg10[%swap3A_481, %swap3A_482], %swap3A_485 {strides = array<i32>} : memref<128x128xf32, #tpu.memory_space<vmem>>, vector<1x16xf32>,
        %get3A_486 = arith.index_cast %add3A_455 : i32 to index
        %get3A_487 = arith.constant 48 : index
        %get3A_488 = tpu.vector_load %arg10[%get3A_486, %get3A_487] {strides = array<i32>} : memref<128x128xf32, #tpu.memory_space<vmem>>, vector<1x16xf32>,
        %get3A_489 = vector.shape_cast %get3A_488 : vector<1x16xf32> to vector<16xf32>
        %mul3A_490 = arith.mulf %get3A_489, %gather3A_451 : vector<16xf32>
        %swap3A_491 = arith.index_cast %add3A_455 : i32 to index
        %swap3A_492 = arith.constant 48 : index
        %swap3A_493 = tpu.vector_load %arg10[%swap3A_491, %swap3A_492] {strides = array<i32>} : memref<128x128xf32, #tpu.memory_space<vmem>>, vector<1x16xf32>,
        %swap3A_494 = vector.shape_cast %swap3A_493 : vector<1x16xf32> to vector<16xf32>
        %swap3A_495 = vector.shape_cast %mul3A_490 : vector<16xf32> to vector<1x16xf32>
        tpu.vector_store %arg10[%swap3A_491, %swap3A_492], %swap3A_495 {strides = array<i32>} : memref<128x128xf32, #tpu.memory_space<vmem>>, vector<1x16xf32>,
        %get3A_496 = arith.index_cast %add3A_455 : i32 to index
        %get3A_497 = arith.constant 64 : index
        %get3A_498 = tpu.vector_load %arg10[%get3A_496, %get3A_497] {strides = array<i32>} : memref<128x128xf32, #tpu.memory_space<vmem>>, vector<1x16xf32>,
        %get3A_499 = vector.shape_cast %get3A_498 : vector<1x16xf32> to vector<16xf32>
        %mul3A_500 = arith.mulf %get3A_499, %gather3A_451 : vector<16xf32>
        %swap3A_501 = arith.index_cast %add3A_455 : i32 to index
        %swap3A_502 = arith.constant 64 : index
        %swap3A_503 = tpu.vector_load %arg10[%swap3A_501, %swap3A_502] {strides = array<i32>} : memref<128x128xf32, #tpu.memory_space<vmem>>, vector<1x16xf32>,
        %swap3A_504 = vector.shape_cast %swap3A_503 : vector<1x16xf32> to vector<16xf32>
        %swap3A_505 = vector.shape_cast %mul3A_500 : vector<16xf32> to vector<1x16xf32>
        tpu.vector_store %arg10[%swap3A_501, %swap3A_502], %swap3A_505 {strides = array<i32>} : memref<128x128xf32, #tpu.memory_space<vmem>>, vector<1x16xf32>,
        %get3A_506 = arith.index_cast %add3A_455 : i32 to index
        %get3A_507 = arith.constant 80 : index
        %get3A_508 = tpu.vector_load %arg10[%get3A_506, %get3A_507] {strides = array<i32>} : memref<128x128xf32, #tpu.memory_space<vmem>>, vector<1x16xf32>,
        %get3A_509 = vector.shape_cast %get3A_508 : vector<1x16xf32> to vector<16xf32>
        %mul3A_510 = arith.mulf %get3A_509, %gather3A_451 : vector<16xf32>
        %swap3A_511 = arith.index_cast %add3A_455 : i32 to index
        %swap3A_512 = arith.constant 80 : index
        %swap3A_513 = tpu.vector_load %arg10[%swap3A_511, %swap3A_512] {strides = array<i32>} : memref<128x128xf32, #tpu.memory_space<vmem>>, vector<1x16xf32>,
        %swap3A_514 = vector.shape_cast %swap3A_513 : vector<1x16xf32> to vector<16xf32>
        %swap3A_515 = vector.shape_cast %mul3A_510 : vector<16xf32> to vector<1x16xf32>
        tpu.vector_store %arg10[%swap3A_511, %swap3A_512], %swap3A_515 {strides = array<i32>} : memref<128x128xf32, #tpu.memory_space<vmem>>, vector<1x16xf32>,
        %get3A_516 = arith.index_cast %add3A_455 : i32 to index
        %get3A_517 = arith.constant 96 : index
        %get3A_518 = tpu.vector_load %arg10[%get3A_516, %get3A_517] {strides = array<i32>} : memref<128x128xf32, #tpu.memory_space<vmem>>, vector<1x16xf32>,
        %get3A_519 = vector.shape_cast %get3A_518 : vector<1x16xf32> to vector<16xf32>
        %mul3A_520 = arith.mulf %get3A_519, %gather3A_451 : vector<16xf32>
        %swap3A_521 = arith.index_cast %add3A_455 : i32 to index
        %swap3A_522 = arith.constant 96 : index
        %swap3A_523 = tpu.vector_load %arg10[%swap3A_521, %swap3A_522] {strides = array<i32>} : memref<128x128xf32, #tpu.memory_space<vmem>>, vector<1x16xf32>,
        %swap3A_524 = vector.shape_cast %swap3A_523 : vector<1x16xf32> to vector<16xf32>
        %swap3A_525 = vector.shape_cast %mul3A_520 : vector<16xf32> to vector<1x16xf32>
        tpu.vector_store %arg10[%swap3A_521, %swap3A_522], %swap3A_525 {strides = array<i32>} : memref<128x128xf32, #tpu.memory_space<vmem>>, vector<1x16xf32>,
        %get3A_526 = arith.index_cast %add3A_455 : i32 to index
        %get3A_527 = arith.constant 112 : index
        %get3A_528 = tpu.vector_load %arg10[%get3A_526, %get3A_527] {strides = array<i32>} : memref<128x128xf32, #tpu.memory_space<vmem>>, vector<1x16xf32>,
        %get3A_529 = vector.shape_cast %get3A_528 : vector<1x16xf32> to vector<16xf32>
        %mul3A_530 = arith.mulf %get3A_529, %gather3A_451 : vector<16xf32>
        %swap3A_531 = arith.index_cast %add3A_455 : i32 to index
        %swap3A_532 = arith.constant 112 : index
        %swap3A_533 = tpu.vector_load %arg10[%swap3A_531, %swap3A_532] {strides = array<i32>} : memref<128x128xf32, #tpu.memory_space<vmem>>, vector<1x16xf32>,
        %swap3A_534 = vector.shape_cast %swap3A_533 : vector<1x16xf32> to vector<16xf32>
        %swap3A_535 = vector.shape_cast %mul3A_530 : vector<16xf32> to vector<1x16xf32>
        tpu.vector_store %arg10[%swap3A_531, %swap3A_532], %swap3A_535 {strides = array<i32>} : memref<128x128xf32, #tpu.memory_space<vmem>>, vector<1x16xf32>,
        %broadcast_in_dim3A_536 = arith.constant 4 : i32
        %broadcast_in_dim3A_537 = vector.broadcast %broadcast_in_dim3A_536 : i32 to vector<16x1xi32>
        %gather3A_538 = vector.shape_cast %broadcast_in_dim3A_537 : vector<16x1xi32> to vector<16xi32>
        %gather3A_539 = tpu.dynamic_gather %get3A_184[%gather3A_538] in [0] : vector<16xf32>, vector<16xi32> -> vector<16xf32>
        %mul3A_540 = arith.constant 16 : i32
        %mul3A_541 = arith.muli %scan3A_179, %mul3A_540 : i32
        %add3A_542 = arith.constant 4 : i32
        %add3A_543 = arith.addi %mul3A_541, %add3A_542 : i32
        %get3A_544 = arith.index_cast %add3A_543 : i32 to index
        %get3A_545 = arith.constant 0 : index
        %get3A_546 = tpu.vector_load %arg10[%get3A_544, %get3A_545] {strides = array<i32>} : memref<128x128xf32, #tpu.memory_space<vmem>>, vector<1x16xf32>,
        %get3A_547 = vector.shape_cast %get3A_546 : vector<1x16xf32> to vector<16xf32>
        %mul3A_548 = arith.mulf %get3A_547, %gather3A_539 : vector<16xf32>
        %swap3A_549 = arith.index_cast %add3A_543 : i32 to index
        %swap3A_550 = arith.constant 0 : index
        %swap3A_551 = tpu.vector_load %arg10[%swap3A_549, %swap3A_550] {strides = array<i32>} : memref<128x128xf32, #tpu.memory_space<vmem>>, vector<1x16xf32>,
        %swap3A_552 = vector.shape_cast %swap3A_551 : vector<1x16xf32> to vector<16xf32>
        %swap3A_553 = vector.shape_cast %mul3A_548 : vector<16xf32> to vector<1x16xf32>
        tpu.vector_store %arg10[%swap3A_549, %swap3A_550], %swap3A_553 {strides = array<i32>} : memref<128x128xf32, #tpu.memory_space<vmem>>, vector<1x16xf32>,
        %get3A_554 = arith.index_cast %add3A_543 : i32 to index
        %get3A_555 = arith.constant 16 : index
        %get3A_556 = tpu.vector_load %arg10[%get3A_554, %get3A_555] {strides = array<i32>} : memref<128x128xf32, #tpu.memory_space<vmem>>, vector<1x16xf32>,
        %get3A_557 = vector.shape_cast %get3A_556 : vector<1x16xf32> to vector<16xf32>
        %mul3A_558 = arith.mulf %get3A_557, %gather3A_539 : vector<16xf32>
        %swap3A_559 = arith.index_cast %add3A_543 : i32 to index
        %swap3A_560 = arith.constant 16 : index
        %swap3A_561 = tpu.vector_load %arg10[%swap3A_559, %swap3A_560] {strides = array<i32>} : memref<128x128xf32, #tpu.memory_space<vmem>>, vector<1x16xf32>,
        %swap3A_562 = vector.shape_cast %swap3A_561 : vector<1x16xf32> to vector<16xf32>
        %swap3A_563 = vector.shape_cast %mul3A_558 : vector<16xf32> to vector<1x16xf32>
        tpu.vector_store %arg10[%swap3A_559, %swap3A_560], %swap3A_563 {strides = array<i32>} : memref<128x128xf32, #tpu.memory_space<vmem>>, vector<1x16xf32>,
        %get3A_564 = arith.index_cast %add3A_543 : i32 to index
        %get3A_565 = arith.constant 32 : index
        %get3A_566 = tpu.vector_load %arg10[%get3A_564, %get3A_565] {strides = array<i32>} : memref<128x128xf32, #tpu.memory_space<vmem>>, vector<1x16xf32>,
        %get3A_567 = vector.shape_cast %get3A_566 : vector<1x16xf32> to vector<16xf32>
        %mul3A_568 = arith.mulf %get3A_567, %gather3A_539 : vector<16xf32>
        %swap3A_569 = arith.index_cast %add3A_543 : i32 to index
        %swap3A_570 = arith.constant 32 : index
        %swap3A_571 = tpu.vector_load %arg10[%swap3A_569, %swap3A_570] {strides = array<i32>} : memref<128x128xf32, #tpu.memory_space<vmem>>, vector<1x16xf32>,
        %swap3A_572 = vector.shape_cast %swap3A_571 : vector<1x16xf32> to vector<16xf32>
        %swap3A_573 = vector.shape_cast %mul3A_568 : vector<16xf32> to vector<1x16xf32>
        tpu.vector_store %arg10[%swap3A_569, %swap3A_570], %swap3A_573 {strides = array<i32>} : memref<128x128xf32, #tpu.memory_space<vmem>>, vector<1x16xf32>,
        %get3A_574 = arith.index_cast %add3A_543 : i32 to index
        %get3A_575 = arith.constant 48 : index
        %get3A_576 = tpu.vector_load %arg10[%get3A_574, %get3A_575] {strides = array<i32>} : memref<128x128xf32, #tpu.memory_space<vmem>>, vector<1x16xf32>,
        %get3A_577 = vector.shape_cast %get3A_576 : vector<1x16xf32> to vector<16xf32>
        %mul3A_578 = arith.mulf %get3A_577, %gather3A_539 : vector<16xf32>
        %swap3A_579 = arith.index_cast %add3A_543 : i32 to index
        %swap3A_580 = arith.constant 48 : index
        %swap3A_581 = tpu.vector_load %arg10[%swap3A_579, %swap3A_580] {strides = array<i32>} : memref<128x128xf32, #tpu.memory_space<vmem>>, vector<1x16xf32>,
        %swap3A_582 = vector.shape_cast %swap3A_581 : vector<1x16xf32> to vector<16xf32>
        %swap3A_583 = vector.shape_cast %mul3A_578 : vector<16xf32> to vector<1x16xf32>
        tpu.vector_store %arg10[%swap3A_579, %swap3A_580], %swap3A_583 {strides = array<i32>} : memref<128x128xf32, #tpu.memory_space<vmem>>, vector<1x16xf32>,
        %get3A_584 = arith.index_cast %add3A_543 : i32 to index
        %get3A_585 = arith.constant 64 : index
        %get3A_586 = tpu.vector_load %arg10[%get3A_584, %get3A_585] {strides = array<i32>} : memref<128x128xf32, #tpu.memory_space<vmem>>, vector<1x16xf32>,
        %get3A_587 = vector.shape_cast %get3A_586 : vector<1x16xf32> to vector<16xf32>
        %mul3A_588 = arith.mulf %get3A_587, %gather3A_539 : vector<16xf32>
        %swap3A_589 = arith.index_cast %add3A_543 : i32 to index
        %swap3A_590 = arith.constant 64 : index
        %swap3A_591 = tpu.vector_load %arg10[%swap3A_589, %swap3A_590] {strides = array<i32>} : memref<128x128xf32, #tpu.memory_space<vmem>>, vector<1x16xf32>,
        %swap3A_592 = vector.shape_cast %swap3A_591 : vector<1x16xf32> to vector<16xf32>
        %swap3A_593 = vector.shape_cast %mul3A_588 : vector<16xf32> to vector<1x16xf32>
        tpu.vector_store %arg10[%swap3A_589, %swap3A_590], %swap3A_593 {strides = array<i32>} : memref<128x128xf32, #tpu.memory_space<vmem>>, vector<1x16xf32>,
        %get3A_594 = arith.index_cast %add3A_543 : i32 to index
        %get3A_595 = arith.constant 80 : index
        %get3A_596 = tpu.vector_load %arg10[%get3A_594, %get3A_595] {strides = array<i32>} : memref<128x128xf32, #tpu.memory_space<vmem>>, vector<1x16xf32>,
        %get3A_597 = vector.shape_cast %get3A_596 : vector<1x16xf32> to vector<16xf32>
        %mul3A_598 = arith.mulf %get3A_597, %gather3A_539 : vector<16xf32>
        %swap3A_599 = arith.index_cast %add3A_543 : i32 to index
        %swap3A_600 = arith.constant 80 : index
        %swap3A_601 = tpu.vector_load %arg10[%swap3A_599, %swap3A_600] {strides = array<i32>} : memref<128x128xf32, #tpu.memory_space<vmem>>, vector<1x16xf32>,
        %swap3A_602 = vector.shape_cast %swap3A_601 : vector<1x16xf32> to vector<16xf32>
        %swap3A_603 = vector.shape_cast %mul3A_598 : vector<16xf32> to vector<1x16xf32>
        tpu.vector_store %arg10[%swap3A_599, %swap3A_600], %swap3A_603 {strides = array<i32>} : memref<128x128xf32, #tpu.memory_space<vmem>>, vector<1x16xf32>,
        %get3A_604 = arith.index_cast %add3A_543 : i32 to index
        %get3A_605 = arith.constant 96 : index
        %get3A_606 = tpu.vector_load %arg10[%get3A_604, %get3A_605] {strides = array<i32>} : memref<128x128xf32, #tpu.memory_space<vmem>>, vector<1x16xf32>,
        %get3A_607 = vector.shape_cast %get3A_606 : vector<1x16xf32> to vector<16xf32>
        %mul3A_608 = arith.mulf %get3A_607, %gather3A_539 : vector<16xf32>
        %swap3A_609 = arith.index_cast %add3A_543 : i32 to index
        %swap3A_610 = arith.constant 96 : index
        %swap3A_611 = tpu.vector_load %arg10[%swap3A_609, %swap3A_610] {strides = array<i32>} : memref<128x128xf32, #tpu.memory_space<vmem>>, vector<1x16xf32>,
        %swap3A_612 = vector.shape_cast %swap3A_611 : vector<1x16xf32> to vector<16xf32>
        %swap3A_613 = vector.shape_cast %mul3A_608 : vector<16xf32> to vector<1x16xf32>
        tpu.vector_store %arg10[%swap3A_609, %swap3A_610], %swap3A_613 {strides = array<i32>} : memref<128x128xf32, #tpu.memory_space<vmem>>, vector<1x16xf32>,
        %get3A_614 = arith.index_cast %add3A_543 : i32 to index
        %get3A_615 = arith.constant 112 : index
        %get3A_616 = tpu.vector_load %arg10[%get3A_614, %get3A_615] {strides = array<i32>} : memref<128x128xf32, #tpu.memory_space<vmem>>, vector<1x16xf32>,
        %get3A_617 = vector.shape_cast %get3A_616 : vector<1x16xf32> to vector<16xf32>
        %mul3A_618 = arith.mulf %get3A_617, %gather3A_539 : vector<16xf32>
        %swap3A_619 = arith.index_cast %add3A_543 : i32 to index
        %swap3A_620 = arith.constant 112 : index
        %swap3A_621 = tpu.vector_load %arg10[%swap3A_619, %swap3A_620] {strides = array<i32>} : memref<128x128xf32, #tpu.memory_space<vmem>>, vector<1x16xf32>,
        %swap3A_622 = vector.shape_cast %swap3A_621 : vector<1x16xf32> to vector<16xf32>
        %swap3A_623 = vector.shape_cast %mul3A_618 : vector<16xf32> to vector<1x16xf32>
        tpu.vector_store %arg10[%swap3A_619, %swap3A_620], %swap3A_623 {strides = array<i32>} : memref<128x128xf32, #tpu.memory_space<vmem>>, vector<1x16xf32>,
        %broadcast_in_dim3A_624 = arith.constant 5 : i32
        %broadcast_in_dim3A_625 = vector.broadcast %broadcast_in_dim3A_624 : i32 to vector<16x1xi32>
        %gather3A_626 = vector.shape_cast %broadcast_in_dim3A_625 : vector<16x1xi32> to vector<16xi32>
        %gather3A_627 = tpu.dynamic_gather %get3A_184[%gather3A_626] in [0] : vector<16xf32>, vector<16xi32> -> vector<16xf32>
        %mul3A_628 = arith.constant 16 : i32
        %mul3A_629 = arith.muli %scan3A_179, %mul3A_628 : i32
        %add3A_630 = arith.constant 5 : i32
        %add3A_631 = arith.addi %mul3A_629, %add3A_630 : i32
        %get3A_632 = arith.index_cast %add3A_631 : i32 to index
        %get3A_633 = arith.constant 0 : index
        %get3A_634 = tpu.vector_load %arg10[%get3A_632, %get3A_633] {strides = array<i32>} : memref<128x128xf32, #tpu.memory_space<vmem>>, vector<1x16xf32>,
        %get3A_635 = vector.shape_cast %get3A_634 : vector<1x16xf32> to vector<16xf32>
        %mul3A_636 = arith.mulf %get3A_635, %gather3A_627 : vector<16xf32>
        %swap3A_637 = arith.index_cast %add3A_631 : i32 to index
        %swap3A_638 = arith.constant 0 : index
        %swap3A_639 = tpu.vector_load %arg10[%swap3A_637, %swap3A_638] {strides = array<i32>} : memref<128x128xf32, #tpu.memory_space<vmem>>, vector<1x16xf32>,
        %swap3A_640 = vector.shape_cast %swap3A_639 : vector<1x16xf32> to vector<16xf32>
        %swap3A_641 = vector.shape_cast %mul3A_636 : vector<16xf32> to vector<1x16xf32>
        tpu.vector_store %arg10[%swap3A_637, %swap3A_638], %swap3A_641 {strides = array<i32>} : memref<128x128xf32, #tpu.memory_space<vmem>>, vector<1x16xf32>,
        %get3A_642 = arith.index_cast %add3A_631 : i32 to index
        %get3A_643 = arith.constant 16 : index
        %get3A_644 = tpu.vector_load %arg10[%get3A_642, %get3A_643] {strides = array<i32>} : memref<128x128xf32, #tpu.memory_space<vmem>>, vector<1x16xf32>,
        %get3A_645 = vector.shape_cast %get3A_644 : vector<1x16xf32> to vector<16xf32>
        %mul3A_646 = arith.mulf %get3A_645, %gather3A_627 : vector<16xf32>
        %swap3A_647 = arith.index_cast %add3A_631 : i32 to index
        %swap3A_648 = arith.constant 16 : index
        %swap3A_649 = tpu.vector_load %arg10[%swap3A_647, %swap3A_648] {strides = array<i32>} : memref<128x128xf32, #tpu.memory_space<vmem>>, vector<1x16xf32>,
        %swap3A_650 = vector.shape_cast %swap3A_649 : vector<1x16xf32> to vector<16xf32>
        %swap3A_651 = vector.shape_cast %mul3A_646 : vector<16xf32> to vector<1x16xf32>
        tpu.vector_store %arg10[%swap3A_647, %swap3A_648], %swap3A_651 {strides = array<i32>} : memref<128x128xf32, #tpu.memory_space<vmem>>, vector<1x16xf32>,
        %get3A_652 = arith.index_cast %add3A_631 : i32 to index
        %get3A_653 = arith.constant 32 : index
        %get3A_654 = tpu.vector_load %arg10[%get3A_652, %get3A_653] {strides = array<i32>} : memref<128x128xf32, #tpu.memory_space<vmem>>, vector<1x16xf32>,
        %get3A_655 = vector.shape_cast %get3A_654 : vector<1x16xf32> to vector<16xf32>
        %mul3A_656 = arith.mulf %get3A_655, %gather3A_627 : vector<16xf32>
        %swap3A_657 = arith.index_cast %add3A_631 : i32 to index
        %swap3A_658 = arith.constant 32 : index
        %swap3A_659 = tpu.vector_load %arg10[%swap3A_657, %swap3A_658] {strides = array<i32>} : memref<128x128xf32, #tpu.memory_space<vmem>>, vector<1x16xf32>,
        %swap3A_660 = vector.shape_cast %swap3A_659 : vector<1x16xf32> to vector<16xf32>
        %swap3A_661 = vector.shape_cast %mul3A_656 : vector<16xf32> to vector<1x16xf32>
        tpu.vector_store %arg10[%swap3A_657, %swap3A_658], %swap3A_661 {strides = array<i32>} : memref<128x128xf32, #tpu.memory_space<vmem>>, vector<1x16xf32>,
        %get3A_662 = arith.index_cast %add3A_631 : i32 to index
        %get3A_663 = arith.constant 48 : index
        %get3A_664 = tpu.vector_load %arg10[%get3A_662, %get3A_663] {strides = array<i32>} : memref<128x128xf32, #tpu.memory_space<vmem>>, vector<1x16xf32>,
        %get3A_665 = vector.shape_cast %get3A_664 : vector<1x16xf32> to vector<16xf32>
        %mul3A_666 = arith.mulf %get3A_665, %gather3A_627 : vector<16xf32>
        %swap3A_667 = arith.index_cast %add3A_631 : i32 to index
        %swap3A_668 = arith.constant 48 : index
        %swap3A_669 = tpu.vector_load %arg10[%swap3A_667, %swap3A_668] {strides = array<i32>} : memref<128x128xf32, #tpu.memory_space<vmem>>, vector<1x16xf32>,
        %swap3A_670 = vector.shape_cast %swap3A_669 : vector<1x16xf32> to vector<16xf32>
        %swap3A_671 = vector.shape_cast %mul3A_666 : vector<16xf32> to vector<1x16xf32>
        tpu.vector_store %arg10[%swap3A_667, %swap3A_668], %swap3A_671 {strides = array<i32>} : memref<128x128xf32, #tpu.memory_space<vmem>>, vector<1x16xf32>,
        %get3A_672 = arith.index_cast %add3A_631 : i32 to index
        %get3A_673 = arith.constant 64 : index
        %get3A_674 = tpu.vector_load %arg10[%get3A_672, %get3A_673] {strides = array<i32>} : memref<128x128xf32, #tpu.memory_space<vmem>>, vector<1x16xf32>,
        %get3A_675 = vector.shape_cast %get3A_674 : vector<1x16xf32> to vector<16xf32>
        %mul3A_676 = arith.mulf %get3A_675, %gather3A_627 : vector<16xf32>
        %swap3A_677 = arith.index_cast %add3A_631 : i32 to index
        %swap3A_678 = arith.constant 64 : index
        %swap3A_679 = tpu.vector_load %arg10[%swap3A_677, %swap3A_678] {strides = array<i32>} : memref<128x128xf32, #tpu.memory_space<vmem>>, vector<1x16xf32>,
        %swap3A_680 = vector.shape_cast %swap3A_679 : vector<1x16xf32> to vector<16xf32>
        %swap3A_681 = vector.shape_cast %mul3A_676 : vector<16xf32> to vector<1x16xf32>
        tpu.vector_store %arg10[%swap3A_677, %swap3A_678], %swap3A_681 {strides = array<i32>} : memref<128x128xf32, #tpu.memory_space<vmem>>, vector<1x16xf32>,
        %get3A_682 = arith.index_cast %add3A_631 : i32 to index
        %get3A_683 = arith.constant 80 : index
        %get3A_684 = tpu.vector_load %arg10[%get3A_682, %get3A_683] {strides = array<i32>} : memref<128x128xf32, #tpu.memory_space<vmem>>, vector<1x16xf32>,
        %get3A_685 = vector.shape_cast %get3A_684 : vector<1x16xf32> to vector<16xf32>
        %mul3A_686 = arith.mulf %get3A_685, %gather3A_627 : vector<16xf32>
        %swap3A_687 = arith.index_cast %add3A_631 : i32 to index
        %swap3A_688 = arith.constant 80 : index
        %swap3A_689 = tpu.vector_load %arg10[%swap3A_687, %swap3A_688] {strides = array<i32>} : memref<128x128xf32, #tpu.memory_space<vmem>>, vector<1x16xf32>,
        %swap3A_690 = vector.shape_cast %swap3A_689 : vector<1x16xf32> to vector<16xf32>
        %swap3A_691 = vector.shape_cast %mul3A_686 : vector<16xf32> to vector<1x16xf32>
        tpu.vector_store %arg10[%swap3A_687, %swap3A_688], %swap3A_691 {strides = array<i32>} : memref<128x128xf32, #tpu.memory_space<vmem>>, vector<1x16xf32>,
        %get3A_692 = arith.index_cast %add3A_631 : i32 to index
        %get3A_693 = arith.constant 96 : index
        %get3A_694 = tpu.vector_load %arg10[%get3A_692, %get3A_693] {strides = array<i32>} : memref<128x128xf32, #tpu.memory_space<vmem>>, vector<1x16xf32>,
        %get3A_695 = vector.shape_cast %get3A_694 : vector<1x16xf32> to vector<16xf32>
        %mul3A_696 = arith.mulf %get3A_695, %gather3A_627 : vector<16xf32>
        %swap3A_697 = arith.index_cast %add3A_631 : i32 to index
        %swap3A_698 = arith.constant 96 : index
        %swap3A_699 = tpu.vector_load %arg10[%swap3A_697, %swap3A_698] {strides = array<i32>} : memref<128x128xf32, #tpu.memory_space<vmem>>, vector<1x16xf32>,
        %swap3A_700 = vector.shape_cast %swap3A_699 : vector<1x16xf32> to vector<16xf32>
        %swap3A_701 = vector.shape_cast %mul3A_696 : vector<16xf32> to vector<1x16xf32>
        tpu.vector_store %arg10[%swap3A_697, %swap3A_698], %swap3A_701 {strides = array<i32>} : memref<128x128xf32, #tpu.memory_space<vmem>>, vector<1x16xf32>,
        %get3A_702 = arith.index_cast %add3A_631 : i32 to index
        %get3A_703 = arith.constant 112 : index
        %get3A_704 = tpu.vector_load %arg10[%get3A_702, %get3A_703] {strides = array<i32>} : memref<128x128xf32, #tpu.memory_space<vmem>>, vector<1x16xf32>,
        %get3A_705 = vector.shape_cast %get3A_704 : vector<1x16xf32> to vector<16xf32>
        %mul3A_706 = arith.mulf %get3A_705, %gather3A_627 : vector<16xf32>
        %swap3A_707 = arith.index_cast %add3A_631 : i32 to index
        %swap3A_708 = arith.constant 112 : index
        %swap3A_709 = tpu.vector_load %arg10[%swap3A_707, %swap3A_708] {strides = array<i32>} : memref<128x128xf32, #tpu.memory_space<vmem>>, vector<1x16xf32>,
        %swap3A_710 = vector.shape_cast %swap3A_709 : vector<1x16xf32> to vector<16xf32>
        %swap3A_711 = vector.shape_cast %mul3A_706 : vector<16xf32> to vector<1x16xf32>
        tpu.vector_store %arg10[%swap3A_707, %swap3A_708], %swap3A_711 {strides = array<i32>} : memref<128x128xf32, #tpu.memory_space<vmem>>, vector<1x16xf32>,
        %broadcast_in_dim3A_712 = arith.constant 6 : i32
        %broadcast_in_dim3A_713 = vector.broadcast %broadcast_in_dim3A_712 : i32 to vector<16x1xi32>
        %gather3A_714 = vector.shape_cast %broadcast_in_dim3A_713 : vector<16x1xi32> to vector<16xi32>
        %gather3A_715 = tpu.dynamic_gather %get3A_184[%gather3A_714] in [0] : vector<16xf32>, vector<16xi32> -> vector<16xf32>
        %mul3A_716 = arith.constant 16 : i32
        %mul3A_717 = arith.muli %scan3A_179, %mul3A_716 : i32
        %add3A_718 = arith.constant 6 : i32
        %add3A_719 = arith.addi %mul3A_717, %add3A_718 : i32
        %get3A_720 = arith.index_cast %add3A_719 : i32 to index
        %get3A_721 = arith.constant 0 : index
        %get3A_722 = tpu.vector_load %arg10[%get3A_720, %get3A_721] {strides = array<i32>} : memref<128x128xf32, #tpu.memory_space<vmem>>, vector<1x16xf32>,
        %get3A_723 = vector.shape_cast %get3A_722 : vector<1x16xf32> to vector<16xf32>
        %mul3A_724 = arith.mulf %get3A_723, %gather3A_715 : vector<16xf32>
        %swap3A_725 = arith.index_cast %add3A_719 : i32 to index
        %swap3A_726 = arith.constant 0 : index
        %swap3A_727 = tpu.vector_load %arg10[%swap3A_725, %swap3A_726] {strides = array<i32>} : memref<128x128xf32, #tpu.memory_space<vmem>>, vector<1x16xf32>,
        %swap3A_728 = vector.shape_cast %swap3A_727 : vector<1x16xf32> to vector<16xf32>
        %swap3A_729 = vector.shape_cast %mul3A_724 : vector<16xf32> to vector<1x16xf32>
        tpu.vector_store %arg10[%swap3A_725, %swap3A_726], %swap3A_729 {strides = array<i32>} : memref<128x128xf32, #tpu.memory_space<vmem>>, vector<1x16xf32>,
        %get3A_730 = arith.index_cast %add3A_719 : i32 to index
        %get3A_731 = arith.constant 16 : index
        %get3A_732 = tpu.vector_load %arg10[%get3A_730, %get3A_731] {strides = array<i32>} : memref<128x128xf32, #tpu.memory_space<vmem>>, vector<1x16xf32>,
        %get3A_733 = vector.shape_cast %get3A_732 : vector<1x16xf32> to vector<16xf32>
        %mul3A_734 = arith.mulf %get3A_733, %gather3A_715 : vector<16xf32>
        %swap3A_735 = arith.index_cast %add3A_719 : i32 to index
        %swap3A_736 = arith.constant 16 : index
        %swap3A_737 = tpu.vector_load %arg10[%swap3A_735, %swap3A_736] {strides = array<i32>} : memref<128x128xf32, #tpu.memory_space<vmem>>, vector<1x16xf32>,
        %swap3A_738 = vector.shape_cast %swap3A_737 : vector<1x16xf32> to vector<16xf32>
        %swap3A_739 = vector.shape_cast %mul3A_734 : vector<16xf32> to vector<1x16xf32>
        tpu.vector_store %arg10[%swap3A_735, %swap3A_736], %swap3A_739 {strides = array<i32>} : memref<128x128xf32, #tpu.memory_space<vmem>>, vector<1x16xf32>,
        %get3A_740 = arith.index_cast %add3A_719 : i32 to index
        %get3A_741 = arith.constant 32 : index
        %get3A_742 = tpu.vector_load %arg10[%get3A_740, %get3A_741] {strides = array<i32>} : memref<128x128xf32, #tpu.memory_space<vmem>>, vector<1x16xf32>,
        %get3A_743 = vector.shape_cast %get3A_742 : vector<1x16xf32> to vector<16xf32>
        %mul3A_744 = arith.mulf %get3A_743, %gather3A_715 : vector<16xf32>
        %swap3A_745 = arith.index_cast %add3A_719 : i32 to index
        %swap3A_746 = arith.constant 32 : index
        %swap3A_747 = tpu.vector_load %arg10[%swap3A_745, %swap3A_746] {strides = array<i32>} : memref<128x128xf32, #tpu.memory_space<vmem>>, vector<1x16xf32>,
        %swap3A_748 = vector.shape_cast %swap3A_747 : vector<1x16xf32> to vector<16xf32>
        %swap3A_749 = vector.shape_cast %mul3A_744 : vector<16xf32> to vector<1x16xf32>
        tpu.vector_store %arg10[%swap3A_745, %swap3A_746], %swap3A_749 {strides = array<i32>} : memref<128x128xf32, #tpu.memory_space<vmem>>, vector<1x16xf32>,
        %get3A_750 = arith.index_cast %add3A_719 : i32 to index
        %get3A_751 = arith.constant 48 : index
        %get3A_752 = tpu.vector_load %arg10[%get3A_750, %get3A_751] {strides = array<i32>} : memref<128x128xf32, #tpu.memory_space<vmem>>, vector<1x16xf32>,
        %get3A_753 = vector.shape_cast %get3A_752 : vector<1x16xf32> to vector<16xf32>
        %mul3A_754 = arith.mulf %get3A_753, %gather3A_715 : vector<16xf32>
        %swap3A_755 = arith.index_cast %add3A_719 : i32 to index
        %swap3A_756 = arith.constant 48 : index
        %swap3A_757 = tpu.vector_load %arg10[%swap3A_755, %swap3A_756] {strides = array<i32>} : memref<128x128xf32, #tpu.memory_space<vmem>>, vector<1x16xf32>,
        %swap3A_758 = vector.shape_cast %swap3A_757 : vector<1x16xf32> to vector<16xf32>
        %swap3A_759 = vector.shape_cast %mul3A_754 : vector<16xf32> to vector<1x16xf32>
        tpu.vector_store %arg10[%swap3A_755, %swap3A_756], %swap3A_759 {strides = array<i32>} : memref<128x128xf32, #tpu.memory_space<vmem>>, vector<1x16xf32>,
        %get3A_760 = arith.index_cast %add3A_719 : i32 to index
        %get3A_761 = arith.constant 64 : index
        %get3A_762 = tpu.vector_load %arg10[%get3A_760, %get3A_761] {strides = array<i32>} : memref<128x128xf32, #tpu.memory_space<vmem>>, vector<1x16xf32>,
        %get3A_763 = vector.shape_cast %get3A_762 : vector<1x16xf32> to vector<16xf32>
        %mul3A_764 = arith.mulf %get3A_763, %gather3A_715 : vector<16xf32>
        %swap3A_765 = arith.index_cast %add3A_719 : i32 to index
        %swap3A_766 = arith.constant 64 : index
        %swap3A_767 = tpu.vector_load %arg10[%swap3A_765, %swap3A_766] {strides = array<i32>} : memref<128x128xf32, #tpu.memory_space<vmem>>, vector<1x16xf32>,
        %swap3A_768 = vector.shape_cast %swap3A_767 : vector<1x16xf32> to vector<16xf32>
        %swap3A_769 = vector.shape_cast %mul3A_764 : vector<16xf32> to vector<1x16xf32>
        tpu.vector_store %arg10[%swap3A_765, %swap3A_766], %swap3A_769 {strides = array<i32>} : memref<128x128xf32, #tpu.memory_space<vmem>>, vector<1x16xf32>,
        %get3A_770 = arith.index_cast %add3A_719 : i32 to index
        %get3A_771 = arith.constant 80 : index
        %get3A_772 = tpu.vector_load %arg10[%get3A_770, %get3A_771] {strides = array<i32>} : memref<128x128xf32, #tpu.memory_space<vmem>>, vector<1x16xf32>,
        %get3A_773 = vector.shape_cast %get3A_772 : vector<1x16xf32> to vector<16xf32>
        %mul3A_774 = arith.mulf %get3A_773, %gather3A_715 : vector<16xf32>
        %swap3A_775 = arith.index_cast %add3A_719 : i32 to index
        %swap3A_776 = arith.constant 80 : index
        %swap3A_777 = tpu.vector_load %arg10[%swap3A_775, %swap3A_776] {strides = array<i32>} : memref<128x128xf32, #tpu.memory_space<vmem>>, vector<1x16xf32>,
        %swap3A_778 = vector.shape_cast %swap3A_777 : vector<1x16xf32> to vector<16xf32>
        %swap3A_779 = vector.shape_cast %mul3A_774 : vector<16xf32> to vector<1x16xf32>
        tpu.vector_store %arg10[%swap3A_775, %swap3A_776], %swap3A_779 {strides = array<i32>} : memref<128x128xf32, #tpu.memory_space<vmem>>, vector<1x16xf32>,
        %get3A_780 = arith.index_cast %add3A_719 : i32 to index
        %get3A_781 = arith.constant 96 : index
        %get3A_782 = tpu.vector_load %arg10[%get3A_780, %get3A_781] {strides = array<i32>} : memref<128x128xf32, #tpu.memory_space<vmem>>, vector<1x16xf32>,
        %get3A_783 = vector.shape_cast %get3A_782 : vector<1x16xf32> to vector<16xf32>
        %mul3A_784 = arith.mulf %get3A_783, %gather3A_715 : vector<16xf32>
        %swap3A_785 = arith.index_cast %add3A_719 : i32 to index
        %swap3A_786 = arith.constant 96 : index
        %swap3A_787 = tpu.vector_load %arg10[%swap3A_785, %swap3A_786] {strides = array<i32>} : memref<128x128xf32, #tpu.memory_space<vmem>>, vector<1x16xf32>,
        %swap3A_788 = vector.shape_cast %swap3A_787 : vector<1x16xf32> to vector<16xf32>
        %swap3A_789 = vector.shape_cast %mul3A_784 : vector<16xf32> to vector<1x16xf32>
        tpu.vector_store %arg10[%swap3A_785, %swap3A_786], %swap3A_789 {strides = array<i32>} : memref<128x128xf32, #tpu.memory_space<vmem>>, vector<1x16xf32>,
        %get3A_790 = arith.index_cast %add3A_719 : i32 to index
        %get3A_791 = arith.constant 112 : index
        %get3A_792 = tpu.vector_load %arg10[%get3A_790, %get3A_791] {strides = array<i32>} : memref<128x128xf32, #tpu.memory_space<vmem>>, vector<1x16xf32>,
        %get3A_793 = vector.shape_cast %get3A_792 : vector<1x16xf32> to vector<16xf32>
        %mul3A_794 = arith.mulf %get3A_793, %gather3A_715 : vector<16xf32>
        %swap3A_795 = arith.index_cast %add3A_719 : i32 to index
        %swap3A_796 = arith.constant 112 : index
        %swap3A_797 = tpu.vector_load %arg10[%swap3A_795, %swap3A_796] {strides = array<i32>} : memref<128x128xf32, #tpu.memory_space<vmem>>, vector<1x16xf32>,
        %swap3A_798 = vector.shape_cast %swap3A_797 : vector<1x16xf32> to vector<16xf32>
        %swap3A_799 = vector.shape_cast %mul3A_794 : vector<16xf32> to vector<1x16xf32>
        tpu.vector_store %arg10[%swap3A_795, %swap3A_796], %swap3A_799 {strides = array<i32>} : memref<128x128xf32, #tpu.memory_space<vmem>>, vector<1x16xf32>,
        %broadcast_in_dim3A_800 = arith.constant 7 : i32
        %broadcast_in_dim3A_801 = vector.broadcast %broadcast_in_dim3A_800 : i32 to vector<16x1xi32>
        %gather3A_802 = vector.shape_cast %broadcast_in_dim3A_801 : vector<16x1xi32> to vector<16xi32>
        %gather3A_803 = tpu.dynamic_gather %get3A_184[%gather3A_802] in [0] : vector<16xf32>, vector<16xi32> -> vector<16xf32>
        %mul3A_804 = arith.constant 16 : i32
        %mul3A_805 = arith.muli %scan3A_179, %mul3A_804 : i32
        %add3A_806 = arith.constant 7 : i32
        %add3A_807 = arith.addi %mul3A_805, %add3A_806 : i32
        %get3A_808 = arith.index_cast %add3A_807 : i32 to index
        %get3A_809 = arith.constant 0 : index
        %get3A_810 = tpu.vector_load %arg10[%get3A_808, %get3A_809] {strides = array<i32>} : memref<128x128xf32, #tpu.memory_space<vmem>>, vector<1x16xf32>,
        %get3A_811 = vector.shape_cast %get3A_810 : vector<1x16xf32> to vector<16xf32>
        %mul3A_812 = arith.mulf %get3A_811, %gather3A_803 : vector<16xf32>
        %swap3A_813 = arith.index_cast %add3A_807 : i32 to index
        %swap3A_814 = arith.constant 0 : index
        %swap3A_815 = tpu.vector_load %arg10[%swap3A_813, %swap3A_814] {strides = array<i32>} : memref<128x128xf32, #tpu.memory_space<vmem>>, vector<1x16xf32>,
        %swap3A_816 = vector.shape_cast %swap3A_815 : vector<1x16xf32> to vector<16xf32>
        %swap3A_817 = vector.shape_cast %mul3A_812 : vector<16xf32> to vector<1x16xf32>
        tpu.vector_store %arg10[%swap3A_813, %swap3A_814], %swap3A_817 {strides = array<i32>} : memref<128x128xf32, #tpu.memory_space<vmem>>, vector<1x16xf32>,
        %get3A_818 = arith.index_cast %add3A_807 : i32 to index
        %get3A_819 = arith.constant 16 : index
        %get3A_820 = tpu.vector_load %arg10[%get3A_818, %get3A_819] {strides = array<i32>} : memref<128x128xf32, #tpu.memory_space<vmem>>, vector<1x16xf32>,
        %get3A_821 = vector.shape_cast %get3A_820 : vector<1x16xf32> to vector<16xf32>
        %mul3A_822 = arith.mulf %get3A_821, %gather3A_803 : vector<16xf32>
        %swap3A_823 = arith.index_cast %add3A_807 : i32 to index
        %swap3A_824 = arith.constant 16 : index
        %swap3A_825 = tpu.vector_load %arg10[%swap3A_823, %swap3A_824] {strides = array<i32>} : memref<128x128xf32, #tpu.memory_space<vmem>>, vector<1x16xf32>,
        %swap3A_826 = vector.shape_cast %swap3A_825 : vector<1x16xf32> to vector<16xf32>
        %swap3A_827 = vector.shape_cast %mul3A_822 : vector<16xf32> to vector<1x16xf32>
        tpu.vector_store %arg10[%swap3A_823, %swap3A_824], %swap3A_827 {strides = array<i32>} : memref<128x128xf32, #tpu.memory_space<vmem>>, vector<1x16xf32>,
        %get3A_828 = arith.index_cast %add3A_807 : i32 to index
        %get3A_829 = arith.constant 32 : index
        %get3A_830 = tpu.vector_load %arg10[%get3A_828, %get3A_829] {strides = array<i32>} : memref<128x128xf32, #tpu.memory_space<vmem>>, vector<1x16xf32>,
        %get3A_831 = vector.shape_cast %get3A_830 : vector<1x16xf32> to vector<16xf32>
        %mul3A_832 = arith.mulf %get3A_831, %gather3A_803 : vector<16xf32>
        %swap3A_833 = arith.index_cast %add3A_807 : i32 to index
        %swap3A_834 = arith.constant 32 : index
        %swap3A_835 = tpu.vector_load %arg10[%swap3A_833, %swap3A_834] {strides = array<i32>} : memref<128x128xf32, #tpu.memory_space<vmem>>, vector<1x16xf32>,
        %swap3A_836 = vector.shape_cast %swap3A_835 : vector<1x16xf32> to vector<16xf32>
        %swap3A_837 = vector.shape_cast %mul3A_832 : vector<16xf32> to vector<1x16xf32>
        tpu.vector_store %arg10[%swap3A_833, %swap3A_834], %swap3A_837 {strides = array<i32>} : memref<128x128xf32, #tpu.memory_space<vmem>>, vector<1x16xf32>,
        %get3A_838 = arith.index_cast %add3A_807 : i32 to index
        %get3A_839 = arith.constant 48 : index
        %get3A_840 = tpu.vector_load %arg10[%get3A_838, %get3A_839] {strides = array<i32>} : memref<128x128xf32, #tpu.memory_space<vmem>>, vector<1x16xf32>,
        %get3A_841 = vector.shape_cast %get3A_840 : vector<1x16xf32> to vector<16xf32>
        %mul3A_842 = arith.mulf %get3A_841, %gather3A_803 : vector<16xf32>
        %swap3A_843 = arith.index_cast %add3A_807 : i32 to index
        %swap3A_844 = arith.constant 48 : index
        %swap3A_845 = tpu.vector_load %arg10[%swap3A_843, %swap3A_844] {strides = array<i32>} : memref<128x128xf32, #tpu.memory_space<vmem>>, vector<1x16xf32>,
        %swap3A_846 = vector.shape_cast %swap3A_845 : vector<1x16xf32> to vector<16xf32>
        %swap3A_847 = vector.shape_cast %mul3A_842 : vector<16xf32> to vector<1x16xf32>
        tpu.vector_store %arg10[%swap3A_843, %swap3A_844], %swap3A_847 {strides = array<i32>} : memref<128x128xf32, #tpu.memory_space<vmem>>, vector<1x16xf32>,
        %get3A_848 = arith.index_cast %add3A_807 : i32 to index
        %get3A_849 = arith.constant 64 : index
        %get3A_850 = tpu.vector_load %arg10[%get3A_848, %get3A_849] {strides = array<i32>} : memref<128x128xf32, #tpu.memory_space<vmem>>, vector<1x16xf32>,
        %get3A_851 = vector.shape_cast %get3A_850 : vector<1x16xf32> to vector<16xf32>
        %mul3A_852 = arith.mulf %get3A_851, %gather3A_803 : vector<16xf32>
        %swap3A_853 = arith.index_cast %add3A_807 : i32 to index
        %swap3A_854 = arith.constant 64 : index
        %swap3A_855 = tpu.vector_load %arg10[%swap3A_853, %swap3A_854] {strides = array<i32>} : memref<128x128xf32, #tpu.memory_space<vmem>>, vector<1x16xf32>,
        %swap3A_856 = vector.shape_cast %swap3A_855 : vector<1x16xf32> to vector<16xf32>
        %swap3A_857 = vector.shape_cast %mul3A_852 : vector<16xf32> to vector<1x16xf32>
        tpu.vector_store %arg10[%swap3A_853, %swap3A_854], %swap3A_857 {strides = array<i32>} : memref<128x128xf32, #tpu.memory_space<vmem>>, vector<1x16xf32>,
        %get3A_858 = arith.index_cast %add3A_807 : i32 to index
        %get3A_859 = arith.constant 80 : index
        %get3A_860 = tpu.vector_load %arg10[%get3A_858, %get3A_859] {strides = array<i32>} : memref<128x128xf32, #tpu.memory_space<vmem>>, vector<1x16xf32>,
        %get3A_861 = vector.shape_cast %get3A_860 : vector<1x16xf32> to vector<16xf32>
        %mul3A_862 = arith.mulf %get3A_861, %gather3A_803 : vector<16xf32>
        %swap3A_863 = arith.index_cast %add3A_807 : i32 to index
        %swap3A_864 = arith.constant 80 : index
        %swap3A_865 = tpu.vector_load %arg10[%swap3A_863, %swap3A_864] {strides = array<i32>} : memref<128x128xf32, #tpu.memory_space<vmem>>, vector<1x16xf32>,
        %swap3A_866 = vector.shape_cast %swap3A_865 : vector<1x16xf32> to vector<16xf32>
        %swap3A_867 = vector.shape_cast %mul3A_862 : vector<16xf32> to vector<1x16xf32>
        tpu.vector_store %arg10[%swap3A_863, %swap3A_864], %swap3A_867 {strides = array<i32>} : memref<128x128xf32, #tpu.memory_space<vmem>>, vector<1x16xf32>,
        %get3A_868 = arith.index_cast %add3A_807 : i32 to index
        %get3A_869 = arith.constant 96 : index
        %get3A_870 = tpu.vector_load %arg10[%get3A_868, %get3A_869] {strides = array<i32>} : memref<128x128xf32, #tpu.memory_space<vmem>>, vector<1x16xf32>,
        %get3A_871 = vector.shape_cast %get3A_870 : vector<1x16xf32> to vector<16xf32>
        %mul3A_872 = arith.mulf %get3A_871, %gather3A_803 : vector<16xf32>
        %swap3A_873 = arith.index_cast %add3A_807 : i32 to index
        %swap3A_874 = arith.constant 96 : index
        %swap3A_875 = tpu.vector_load %arg10[%swap3A_873, %swap3A_874] {strides = array<i32>} : memref<128x128xf32, #tpu.memory_space<vmem>>, vector<1x16xf32>,
        %swap3A_876 = vector.shape_cast %swap3A_875 : vector<1x16xf32> to vector<16xf32>
        %swap3A_877 = vector.shape_cast %mul3A_872 : vector<16xf32> to vector<1x16xf32>
        tpu.vector_store %arg10[%swap3A_873, %swap3A_874], %swap3A_877 {strides = array<i32>} : memref<128x128xf32, #tpu.memory_space<vmem>>, vector<1x16xf32>,
        %get3A_878 = arith.index_cast %add3A_807 : i32 to index
        %get3A_879 = arith.constant 112 : index
        %get3A_880 = tpu.vector_load %arg10[%get3A_878, %get3A_879] {strides = array<i32>} : memref<128x128xf32, #tpu.memory_space<vmem>>, vector<1x16xf32>,
        %get3A_881 = vector.shape_cast %get3A_880 : vector<1x16xf32> to vector<16xf32>
        %mul3A_882 = arith.mulf %get3A_881, %gather3A_803 : vector<16xf32>
        %swap3A_883 = arith.index_cast %add3A_807 : i32 to index
        %swap3A_884 = arith.constant 112 : index
        %swap3A_885 = tpu.vector_load %arg10[%swap3A_883, %swap3A_884] {strides = array<i32>} : memref<128x128xf32, #tpu.memory_space<vmem>>, vector<1x16xf32>,
        %swap3A_886 = vector.shape_cast %swap3A_885 : vector<1x16xf32> to vector<16xf32>
        %swap3A_887 = vector.shape_cast %mul3A_882 : vector<16xf32> to vector<1x16xf32>
        tpu.vector_store %arg10[%swap3A_883, %swap3A_884], %swap3A_887 {strides = array<i32>} : memref<128x128xf32, #tpu.memory_space<vmem>>, vector<1x16xf32>,
        %broadcast_in_dim3A_888 = arith.constant 8 : i32
        %broadcast_in_dim3A_889 = vector.broadcast %broadcast_in_dim3A_888 : i32 to vector<16x1xi32>
        %gather3A_890 = vector.shape_cast %broadcast_in_dim3A_889 : vector<16x1xi32> to vector<16xi32>
        %gather3A_891 = tpu.dynamic_gather %get3A_184[%gather3A_890] in [0] : vector<16xf32>, vector<16xi32> -> vector<16xf32>
        %mul3A_892 = arith.constant 16 : i32
        %mul3A_893 = arith.muli %scan3A_179, %mul3A_892 : i32
        %add3A_894 = arith.constant 8 : i32
        %add3A_895 = arith.addi %mul3A_893, %add3A_894 : i32
        %get3A_896 = arith.index_cast %add3A_895 : i32 to index
        %get3A_897 = arith.constant 0 : index
        %get3A_898 = tpu.vector_load %arg10[%get3A_896, %get3A_897] {strides = array<i32>} : memref<128x128xf32, #tpu.memory_space<vmem>>, vector<1x16xf32>,
        %get3A_899 = vector.shape_cast %get3A_898 : vector<1x16xf32> to vector<16xf32>
        %mul3A_900 = arith.mulf %get3A_899, %gather3A_891 : vector<16xf32>
        %swap3A_901 = arith.index_cast %add3A_895 : i32 to index
        %swap3A_902 = arith.constant 0 : index
        %swap3A_903 = tpu.vector_load %arg10[%swap3A_901, %swap3A_902] {strides = array<i32>} : memref<128x128xf32, #tpu.memory_space<vmem>>, vector<1x16xf32>,
        %swap3A_904 = vector.shape_cast %swap3A_903 : vector<1x16xf32> to vector<16xf32>
        %swap3A_905 = vector.shape_cast %mul3A_900 : vector<16xf32> to vector<1x16xf32>
        tpu.vector_store %arg10[%swap3A_901, %swap3A_902], %swap3A_905 {strides = array<i32>} : memref<128x128xf32, #tpu.memory_space<vmem>>, vector<1x16xf32>,
        %get3A_906 = arith.index_cast %add3A_895 : i32 to index
        %get3A_907 = arith.constant 16 : index
        %get3A_908 = tpu.vector_load %arg10[%get3A_906, %get3A_907] {strides = array<i32>} : memref<128x128xf32, #tpu.memory_space<vmem>>, vector<1x16xf32>,
        %get3A_909 = vector.shape_cast %get3A_908 : vector<1x16xf32> to vector<16xf32>
        %mul3A_910 = arith.mulf %get3A_909, %gather3A_891 : vector<16xf32>
        %swap3A_911 = arith.index_cast %add3A_895 : i32 to index
        %swap3A_912 = arith.constant 16 : index
        %swap3A_913 = tpu.vector_load %arg10[%swap3A_911, %swap3A_912] {strides = array<i32>} : memref<128x128xf32, #tpu.memory_space<vmem>>, vector<1x16xf32>,
        %swap3A_914 = vector.shape_cast %swap3A_913 : vector<1x16xf32> to vector<16xf32>
        %swap3A_915 = vector.shape_cast %mul3A_910 : vector<16xf32> to vector<1x16xf32>
        tpu.vector_store %arg10[%swap3A_911, %swap3A_912], %swap3A_915 {strides = array<i32>} : memref<128x128xf32, #tpu.memory_space<vmem>>, vector<1x16xf32>,
        %get3A_916 = arith.index_cast %add3A_895 : i32 to index
        %get3A_917 = arith.constant 32 : index
        %get3A_918 = tpu.vector_load %arg10[%get3A_916, %get3A_917] {strides = array<i32>} : memref<128x128xf32, #tpu.memory_space<vmem>>, vector<1x16xf32>,
        %get3A_919 = vector.shape_cast %get3A_918 : vector<1x16xf32> to vector<16xf32>
        %mul3A_920 = arith.mulf %get3A_919, %gather3A_891 : vector<16xf32>
        %swap3A_921 = arith.index_cast %add3A_895 : i32 to index
        %swap3A_922 = arith.constant 32 : index
        %swap3A_923 = tpu.vector_load %arg10[%swap3A_921, %swap3A_922] {strides = array<i32>} : memref<128x128xf32, #tpu.memory_space<vmem>>, vector<1x16xf32>,
        %swap3A_924 = vector.shape_cast %swap3A_923 : vector<1x16xf32> to vector<16xf32>
        %swap3A_925 = vector.shape_cast %mul3A_920 : vector<16xf32> to vector<1x16xf32>
        tpu.vector_store %arg10[%swap3A_921, %swap3A_922], %swap3A_925 {strides = array<i32>} : memref<128x128xf32, #tpu.memory_space<vmem>>, vector<1x16xf32>,
        %get3A_926 = arith.index_cast %add3A_895 : i32 to index
        %get3A_927 = arith.constant 48 : index
        %get3A_928 = tpu.vector_load %arg10[%get3A_926, %get3A_927] {strides = array<i32>} : memref<128x128xf32, #tpu.memory_space<vmem>>, vector<1x16xf32>,
        %get3A_929 = vector.shape_cast %get3A_928 : vector<1x16xf32> to vector<16xf32>
        %mul3A_930 = arith.mulf %get3A_929, %gather3A_891 : vector<16xf32>
        %swap3A_931 = arith.index_cast %add3A_895 : i32 to index
        %swap3A_932 = arith.constant 48 : index
        %swap3A_933 = tpu.vector_load %arg10[%swap3A_931, %swap3A_932] {strides = array<i32>} : memref<128x128xf32, #tpu.memory_space<vmem>>, vector<1x16xf32>,
        %swap3A_934 = vector.shape_cast %swap3A_933 : vector<1x16xf32> to vector<16xf32>
        %swap3A_935 = vector.shape_cast %mul3A_930 : vector<16xf32> to vector<1x16xf32>
        tpu.vector_store %arg10[%swap3A_931, %swap3A_932], %swap3A_935 {strides = array<i32>} : memref<128x128xf32, #tpu.memory_space<vmem>>, vector<1x16xf32>,
        %get3A_936 = arith.index_cast %add3A_895 : i32 to index
        %get3A_937 = arith.constant 64 : index
        %get3A_938 = tpu.vector_load %arg10[%get3A_936, %get3A_937] {strides = array<i32>} : memref<128x128xf32, #tpu.memory_space<vmem>>, vector<1x16xf32>,
        %get3A_939 = vector.shape_cast %get3A_938 : vector<1x16xf32> to vector<16xf32>
        %mul3A_940 = arith.mulf %get3A_939, %gather3A_891 : vector<16xf32>
        %swap3A_941 = arith.index_cast %add3A_895 : i32 to index
        %swap3A_942 = arith.constant 64 : index
        %swap3A_943 = tpu.vector_load %arg10[%swap3A_941, %swap3A_942] {strides = array<i32>} : memref<128x128xf32, #tpu.memory_space<vmem>>, vector<1x16xf32>,
        %swap3A_944 = vector.shape_cast %swap3A_943 : vector<1x16xf32> to vector<16xf32>
        %swap3A_945 = vector.shape_cast %mul3A_940 : vector<16xf32> to vector<1x16xf32>
        tpu.vector_store %arg10[%swap3A_941, %swap3A_942], %swap3A_945 {strides = array<i32>} : memref<128x128xf32, #tpu.memory_space<vmem>>, vector<1x16xf32>,
        %get3A_946 = arith.index_cast %add3A_895 : i32 to index
        %get3A_947 = arith.constant 80 : index
        %get3A_948 = tpu.vector_load %arg10[%get3A_946, %get3A_947] {strides = array<i32>} : memref<128x128xf32, #tpu.memory_space<vmem>>, vector<1x16xf32>,
        %get3A_949 = vector.shape_cast %get3A_948 : vector<1x16xf32> to vector<16xf32>
        %mul3A_950 = arith.mulf %get3A_949, %gather3A_891 : vector<16xf32>
        %swap3A_951 = arith.index_cast %add3A_895 : i32 to index
        %swap3A_952 = arith.constant 80 : index
        %swap3A_953 = tpu.vector_load %arg10[%swap3A_951, %swap3A_952] {strides = array<i32>} : memref<128x128xf32, #tpu.memory_space<vmem>>, vector<1x16xf32>,
        %swap3A_954 = vector.shape_cast %swap3A_953 : vector<1x16xf32> to vector<16xf32>
        %swap3A_955 = vector.shape_cast %mul3A_950 : vector<16xf32> to vector<1x16xf32>
        tpu.vector_store %arg10[%swap3A_951, %swap3A_952], %swap3A_955 {strides = array<i32>} : memref<128x128xf32, #tpu.memory_space<vmem>>, vector<1x16xf32>,
        %get3A_956 = arith.index_cast %add3A_895 : i32 to index
        %get3A_957 = arith.constant 96 : index
        %get3A_958 = tpu.vector_load %arg10[%get3A_956, %get3A_957] {strides = array<i32>} : memref<128x128xf32, #tpu.memory_space<vmem>>, vector<1x16xf32>,
        %get3A_959 = vector.shape_cast %get3A_958 : vector<1x16xf32> to vector<16xf32>
        %mul3A_960 = arith.mulf %get3A_959, %gather3A_891 : vector<16xf32>
        %swap3A_961 = arith.index_cast %add3A_895 : i32 to index
        %swap3A_962 = arith.constant 96 : index
        %swap3A_963 = tpu.vector_load %arg10[%swap3A_961, %swap3A_962] {strides = array<i32>} : memref<128x128xf32, #tpu.memory_space<vmem>>, vector<1x16xf32>,
        %swap3A_964 = vector.shape_cast %swap3A_963 : vector<1x16xf32> to vector<16xf32>
        %swap3A_965 = vector.shape_cast %mul3A_960 : vector<16xf32> to vector<1x16xf32>
        tpu.vector_store %arg10[%swap3A_961, %swap3A_962], %swap3A_965 {strides = array<i32>} : memref<128x128xf32, #tpu.memory_space<vmem>>, vector<1x16xf32>,
        %get3A_966 = arith.index_cast %add3A_895 : i32 to index
        %get3A_967 = arith.constant 112 : index
        %get3A_968 = tpu.vector_load %arg10[%get3A_966, %get3A_967] {strides = array<i32>} : memref<128x128xf32, #tpu.memory_space<vmem>>, vector<1x16xf32>,
        %get3A_969 = vector.shape_cast %get3A_968 : vector<1x16xf32> to vector<16xf32>
        %mul3A_970 = arith.mulf %get3A_969, %gather3A_891 : vector<16xf32>
        %swap3A_971 = arith.index_cast %add3A_895 : i32 to index
        %swap3A_972 = arith.constant 112 : index
        %swap3A_973 = tpu.vector_load %arg10[%swap3A_971, %swap3A_972] {strides = array<i32>} : memref<128x128xf32, #tpu.memory_space<vmem>>, vector<1x16xf32>,
        %swap3A_974 = vector.shape_cast %swap3A_973 : vector<1x16xf32> to vector<16xf32>
        %swap3A_975 = vector.shape_cast %mul3A_970 : vector<16xf32> to vector<1x16xf32>
        tpu.vector_store %arg10[%swap3A_971, %swap3A_972], %swap3A_975 {strides = array<i32>} : memref<128x128xf32, #tpu.memory_space<vmem>>, vector<1x16xf32>,
        %broadcast_in_dim3A_976 = arith.constant 9 : i32
        %broadcast_in_dim3A_977 = vector.broadcast %broadcast_in_dim3A_976 : i32 to vector<16x1xi32>
        %gather3A_978 = vector.shape_cast %broadcast_in_dim3A_977 : vector<16x1xi32> to vector<16xi32>
        %gather3A_979 = tpu.dynamic_gather %get3A_184[%gather3A_978] in [0] : vector<16xf32>, vector<16xi32> -> vector<16xf32>
        %mul3A_980 = arith.constant 16 : i32
        %mul3A_981 = arith.muli %scan3A_179, %mul3A_980 : i32
        %add3A_982 = arith.constant 9 : i32
        %add3A_983 = arith.addi %mul3A_981, %add3A_982 : i32
        %get3A_984 = arith.index_cast %add3A_983 : i32 to index
        %get3A_985 = arith.constant 0 : index
        %get3A_986 = tpu.vector_load %arg10[%get3A_984, %get3A_985] {strides = array<i32>} : memref<128x128xf32, #tpu.memory_space<vmem>>, vector<1x16xf32>,
        %get3A_987 = vector.shape_cast %get3A_986 : vector<1x16xf32> to vector<16xf32>
        %mul3A_988 = arith.mulf %get3A_987, %gather3A_979 : vector<16xf32>
        %swap3A_989 = arith.index_cast %add3A_983 : i32 to index
        %swap3A_990 = arith.constant 0 : index
        %swap3A_991 = tpu.vector_load %arg10[%swap3A_989, %swap3A_990] {strides = array<i32>} : memref<128x128xf32, #tpu.memory_space<vmem>>, vector<1x16xf32>,
        %swap3A_992 = vector.shape_cast %swap3A_991 : vector<1x16xf32> to vector<16xf32>
        %swap3A_993 = vector.shape_cast %mul3A_988 : vector<16xf32> to vector<1x16xf32>
        tpu.vector_store %arg10[%swap3A_989, %swap3A_990], %swap3A_993 {strides = array<i32>} : memref<128x128xf32, #tpu.memory_space<vmem>>, vector<1x16xf32>,
        %get3A_994 = arith.index_cast %add3A_983 : i32 to index
        %get3A_995 = arith.constant 16 : index
        %get3A_996 = tpu.vector_load %arg10[%get3A_994, %get3A_995] {strides = array<i32>} : memref<128x128xf32, #tpu.memory_space<vmem>>, vector<1x16xf32>,
        %get3A_997 = vector.shape_cast %get3A_996 : vector<1x16xf32> to vector<16xf32>
        %mul3A_998 = arith.mulf %get3A_997, %gather3A_979 : vector<16xf32>
        %swap3A_999 = arith.index_cast %add3A_983 : i32 to index
        %swap3A_1000 = arith.constant 16 : index
        %swap3A_1001 = tpu.vector_load %arg10[%swap3A_999, %swap3A_1000] {strides = array<i32>} : memref<128x128xf32, #tpu.memory_space<vmem>>, vector<1x16xf32>,
        %swap3A_1002 = vector.shape_cast %swap3A_1001 : vector<1x16xf32> to vector<16xf32>
        %swap3A_1003 = vector.shape_cast %mul3A_998 : vector<16xf32> to vector<1x16xf32>
        tpu.vector_store %arg10[%swap3A_999, %swap3A_1000], %swap3A_1003 {strides = array<i32>} : memref<128x128xf32, #tpu.memory_space<vmem>>, vector<1x16xf32>,
        %get3A_1004 = arith.index_cast %add3A_983 : i32 to index
        %get3A_1005 = arith.constant 32 : index
        %get3A_1006 = tpu.vector_load %arg10[%get3A_1004, %get3A_1005] {strides = array<i32>} : memref<128x128xf32, #tpu.memory_space<vmem>>, vector<1x16xf32>,
        %get3A_1007 = vector.shape_cast %get3A_1006 : vector<1x16xf32> to vector<16xf32>
        %mul3A_1008 = arith.mulf %get3A_1007, %gather3A_979 : vector<16xf32>
        %swap3A_1009 = arith.index_cast %add3A_983 : i32 to index
        %swap3A_1010 = arith.constant 32 : index
        %swap3A_1011 = tpu.vector_load %arg10[%swap3A_1009, %swap3A_1010] {strides = array<i32>} : memref<128x128xf32, #tpu.memory_space<vmem>>, vector<1x16xf32>,
        %swap3A_1012 = vector.shape_cast %swap3A_1011 : vector<1x16xf32> to vector<16xf32>
        %swap3A_1013 = vector.shape_cast %mul3A_1008 : vector<16xf32> to vector<1x16xf32>
        tpu.vector_store %arg10[%swap3A_1009, %swap3A_1010], %swap3A_1013 {strides = array<i32>} : memref<128x128xf32, #tpu.memory_space<vmem>>, vector<1x16xf32>,
        %get3A_1014 = arith.index_cast %add3A_983 : i32 to index
        %get3A_1015 = arith.constant 48 : index
        %get3A_1016 = tpu.vector_load %arg10[%get3A_1014, %get3A_1015] {strides = array<i32>} : memref<128x128xf32, #tpu.memory_space<vmem>>, vector<1x16xf32>,
        %get3A_1017 = vector.shape_cast %get3A_1016 : vector<1x16xf32> to vector<16xf32>
        %mul3A_1018 = arith.mulf %get3A_1017, %gather3A_979 : vector<16xf32>
        %swap3A_1019 = arith.index_cast %add3A_983 : i32 to index
        %swap3A_1020 = arith.constant 48 : index
        %swap3A_1021 = tpu.vector_load %arg10[%swap3A_1019, %swap3A_1020] {strides = array<i32>} : memref<128x128xf32, #tpu.memory_space<vmem>>, vector<1x16xf32>,
        %swap3A_1022 = vector.shape_cast %swap3A_1021 : vector<1x16xf32> to vector<16xf32>
        %swap3A_1023 = vector.shape_cast %mul3A_1018 : vector<16xf32> to vector<1x16xf32>
        tpu.vector_store %arg10[%swap3A_1019, %swap3A_1020], %swap3A_1023 {strides = array<i32>} : memref<128x128xf32, #tpu.memory_space<vmem>>, vector<1x16xf32>,
        %get3A_1024 = arith.index_cast %add3A_983 : i32 to index
        %get3A_1025 = arith.constant 64 : index
        %get3A_1026 = tpu.vector_load %arg10[%get3A_1024, %get3A_1025] {strides = array<i32>} : memref<128x128xf32, #tpu.memory_space<vmem>>, vector<1x16xf32>,
        %get3A_1027 = vector.shape_cast %get3A_1026 : vector<1x16xf32> to vector<16xf32>
        %mul3A_1028 = arith.mulf %get3A_1027, %gather3A_979 : vector<16xf32>
        %swap3A_1029 = arith.index_cast %add3A_983 : i32 to index
        %swap3A_1030 = arith.constant 64 : index
        %swap3A_1031 = tpu.vector_load %arg10[%swap3A_1029, %swap3A_1030] {strides = array<i32>} : memref<128x128xf32, #tpu.memory_space<vmem>>, vector<1x16xf32>,
        %swap3A_1032 = vector.shape_cast %swap3A_1031 : vector<1x16xf32> to vector<16xf32>
        %swap3A_1033 = vector.shape_cast %mul3A_1028 : vector<16xf32> to vector<1x16xf32>
        tpu.vector_store %arg10[%swap3A_1029, %swap3A_1030], %swap3A_1033 {strides = array<i32>} : memref<128x128xf32, #tpu.memory_space<vmem>>, vector<1x16xf32>,
        %get3A_1034 = arith.index_cast %add3A_983 : i32 to index
        %get3A_1035 = arith.constant 80 : index
        %get3A_1036 = tpu.vector_load %arg10[%get3A_1034, %get3A_1035] {strides = array<i32>} : memref<128x128xf32, #tpu.memory_space<vmem>>, vector<1x16xf32>,
        %get3A_1037 = vector.shape_cast %get3A_1036 : vector<1x16xf32> to vector<16xf32>
        %mul3A_1038 = arith.mulf %get3A_1037, %gather3A_979 : vector<16xf32>
        %swap3A_1039 = arith.index_cast %add3A_983 : i32 to index
        %swap3A_1040 = arith.constant 80 : index
        %swap3A_1041 = tpu.vector_load %arg10[%swap3A_1039, %swap3A_1040] {strides = array<i32>} : memref<128x128xf32, #tpu.memory_space<vmem>>, vector<1x16xf32>,
        %swap3A_1042 = vector.shape_cast %swap3A_1041 : vector<1x16xf32> to vector<16xf32>
        %swap3A_1043 = vector.shape_cast %mul3A_1038 : vector<16xf32> to vector<1x16xf32>
        tpu.vector_store %arg10[%swap3A_1039, %swap3A_1040], %swap3A_1043 {strides = array<i32>} : memref<128x128xf32, #tpu.memory_space<vmem>>, vector<1x16xf32>,
        %get3A_1044 = arith.index_cast %add3A_983 : i32 to index
        %get3A_1045 = arith.constant 96 : index
        %get3A_1046 = tpu.vector_load %arg10[%get3A_1044, %get3A_1045] {strides = array<i32>} : memref<128x128xf32, #tpu.memory_space<vmem>>, vector<1x16xf32>,
        %get3A_1047 = vector.shape_cast %get3A_1046 : vector<1x16xf32> to vector<16xf32>
        %mul3A_1048 = arith.mulf %get3A_1047, %gather3A_979 : vector<16xf32>
        %swap3A_1049 = arith.index_cast %add3A_983 : i32 to index
        %swap3A_1050 = arith.constant 96 : index
        %swap3A_1051 = tpu.vector_load %arg10[%swap3A_1049, %swap3A_1050] {strides = array<i32>} : memref<128x128xf32, #tpu.memory_space<vmem>>, vector<1x16xf32>,
        %swap3A_1052 = vector.shape_cast %swap3A_1051 : vector<1x16xf32> to vector<16xf32>
        %swap3A_1053 = vector.shape_cast %mul3A_1048 : vector<16xf32> to vector<1x16xf32>
        tpu.vector_store %arg10[%swap3A_1049, %swap3A_1050], %swap3A_1053 {strides = array<i32>} : memref<128x128xf32, #tpu.memory_space<vmem>>, vector<1x16xf32>,
        %get3A_1054 = arith.index_cast %add3A_983 : i32 to index
        %get3A_1055 = arith.constant 112 : index
        %get3A_1056 = tpu.vector_load %arg10[%get3A_1054, %get3A_1055] {strides = array<i32>} : memref<128x128xf32, #tpu.memory_space<vmem>>, vector<1x16xf32>,
        %get3A_1057 = vector.shape_cast %get3A_1056 : vector<1x16xf32> to vector<16xf32>
        %mul3A_1058 = arith.mulf %get3A_1057, %gather3A_979 : vector<16xf32>
        %swap3A_1059 = arith.index_cast %add3A_983 : i32 to index
        %swap3A_1060 = arith.constant 112 : index
        %swap3A_1061 = tpu.vector_load %arg10[%swap3A_1059, %swap3A_1060] {strides = array<i32>} : memref<128x128xf32, #tpu.memory_space<vmem>>, vector<1x16xf32>,
        %swap3A_1062 = vector.shape_cast %swap3A_1061 : vector<1x16xf32> to vector<16xf32>
        %swap3A_1063 = vector.shape_cast %mul3A_1058 : vector<16xf32> to vector<1x16xf32>
        tpu.vector_store %arg10[%swap3A_1059, %swap3A_1060], %swap3A_1063 {strides = array<i32>} : memref<128x128xf32, #tpu.memory_space<vmem>>, vector<1x16xf32>,
        %broadcast_in_dim3A_1064 = arith.constant 10 : i32
        %broadcast_in_dim3A_1065 = vector.broadcast %broadcast_in_dim3A_1064 : i32 to vector<16x1xi32>
        %gather3A_1066 = vector.shape_cast %broadcast_in_dim3A_1065 : vector<16x1xi32> to vector<16xi32>
        %gather3A_1067 = tpu.dynamic_gather %get3A_184[%gather3A_1066] in [0] : vector<16xf32>, vector<16xi32> -> vector<16xf32>
        %mul3A_1068 = arith.constant 16 : i32
        %mul3A_1069 = arith.muli %scan3A_179, %mul3A_1068 : i32
        %add3A_1070 = arith.constant 10 : i32
        %add3A_1071 = arith.addi %mul3A_1069, %add3A_1070 : i32
        %get3A_1072 = arith.index_cast %add3A_1071 : i32 to index
        %get3A_1073 = arith.constant 0 : index
        %get3A_1074 = tpu.vector_load %arg10[%get3A_1072, %get3A_1073] {strides = array<i32>} : memref<128x128xf32, #tpu.memory_space<vmem>>, vector<1x16xf32>,
        %get3A_1075 = vector.shape_cast %get3A_1074 : vector<1x16xf32> to vector<16xf32>
        %mul3A_1076 = arith.mulf %get3A_1075, %gather3A_1067 : vector<16xf32>
        %swap3A_1077 = arith.index_cast %add3A_1071 : i32 to index
        %swap3A_1078 = arith.constant 0 : index
        %swap3A_1079 = tpu.vector_load %arg10[%swap3A_1077, %swap3A_1078] {strides = array<i32>} : memref<128x128xf32, #tpu.memory_space<vmem>>, vector<1x16xf32>,
        %swap3A_1080 = vector.shape_cast %swap3A_1079 : vector<1x16xf32> to vector<16xf32>
        %swap3A_1081 = vector.shape_cast %mul3A_1076 : vector<16xf32> to vector<1x16xf32>
        tpu.vector_store %arg10[%swap3A_1077, %swap3A_1078], %swap3A_1081 {strides = array<i32>} : memref<128x128xf32, #tpu.memory_space<vmem>>, vector<1x16xf32>,
        %get3A_1082 = arith.index_cast %add3A_1071 : i32 to index
        %get3A_1083 = arith.constant 16 : index
        %get3A_1084 = tpu.vector_load %arg10[%get3A_1082, %get3A_1083] {strides = array<i32>} : memref<128x128xf32, #tpu.memory_space<vmem>>, vector<1x16xf32>,
        %get3A_1085 = vector.shape_cast %get3A_1084 : vector<1x16xf32> to vector<16xf32>
        %mul3A_1086 = arith.mulf %get3A_1085, %gather3A_1067 : vector<16xf32>
        %swap3A_1087 = arith.index_cast %add3A_1071 : i32 to index
        %swap3A_1088 = arith.constant 16 : index
        %swap3A_1089 = tpu.vector_load %arg10[%swap3A_1087, %swap3A_1088] {strides = array<i32>} : memref<128x128xf32, #tpu.memory_space<vmem>>, vector<1x16xf32>,
        %swap3A_1090 = vector.shape_cast %swap3A_1089 : vector<1x16xf32> to vector<16xf32>
        %swap3A_1091 = vector.shape_cast %mul3A_1086 : vector<16xf32> to vector<1x16xf32>
        tpu.vector_store %arg10[%swap3A_1087, %swap3A_1088], %swap3A_1091 {strides = array<i32>} : memref<128x128xf32, #tpu.memory_space<vmem>>, vector<1x16xf32>,
        %get3A_1092 = arith.index_cast %add3A_1071 : i32 to index
        %get3A_1093 = arith.constant 32 : index
        %get3A_1094 = tpu.vector_load %arg10[%get3A_1092, %get3A_1093] {strides = array<i32>} : memref<128x128xf32, #tpu.memory_space<vmem>>, vector<1x16xf32>,
        %get3A_1095 = vector.shape_cast %get3A_1094 : vector<1x16xf32> to vector<16xf32>
        %mul3A_1096 = arith.mulf %get3A_1095, %gather3A_1067 : vector<16xf32>
        %swap3A_1097 = arith.index_cast %add3A_1071 : i32 to index
        %swap3A_1098 = arith.constant 32 : index
        %swap3A_1099 = tpu.vector_load %arg10[%swap3A_1097, %swap3A_1098] {strides = array<i32>} : memref<128x128xf32, #tpu.memory_space<vmem>>, vector<1x16xf32>,
        %swap3A_1100 = vector.shape_cast %swap3A_1099 : vector<1x16xf32> to vector<16xf32>
        %swap3A_1101 = vector.shape_cast %mul3A_1096 : vector<16xf32> to vector<1x16xf32>
        tpu.vector_store %arg10[%swap3A_1097, %swap3A_1098], %swap3A_1101 {strides = array<i32>} : memref<128x128xf32, #tpu.memory_space<vmem>>, vector<1x16xf32>,
        %get3A_1102 = arith.index_cast %add3A_1071 : i32 to index
        %get3A_1103 = arith.constant 48 : index
        %get3A_1104 = tpu.vector_load %arg10[%get3A_1102, %get3A_1103] {strides = array<i32>} : memref<128x128xf32, #tpu.memory_space<vmem>>, vector<1x16xf32>,
        %get3A_1105 = vector.shape_cast %get3A_1104 : vector<1x16xf32> to vector<16xf32>
        %mul3A_1106 = arith.mulf %get3A_1105, %gather3A_1067 : vector<16xf32>
        %swap3A_1107 = arith.index_cast %add3A_1071 : i32 to index
        %swap3A_1108 = arith.constant 48 : index
        %swap3A_1109 = tpu.vector_load %arg10[%swap3A_1107, %swap3A_1108] {strides = array<i32>} : memref<128x128xf32, #tpu.memory_space<vmem>>, vector<1x16xf32>,
        %swap3A_1110 = vector.shape_cast %swap3A_1109 : vector<1x16xf32> to vector<16xf32>
        %swap3A_1111 = vector.shape_cast %mul3A_1106 : vector<16xf32> to vector<1x16xf32>
        tpu.vector_store %arg10[%swap3A_1107, %swap3A_1108], %swap3A_1111 {strides = array<i32>} : memref<128x128xf32, #tpu.memory_space<vmem>>, vector<1x16xf32>,
        %get3A_1112 = arith.index_cast %add3A_1071 : i32 to index
        %get3A_1113 = arith.constant 64 : index
        %get3A_1114 = tpu.vector_load %arg10[%get3A_1112, %get3A_1113] {strides = array<i32>} : memref<128x128xf32, #tpu.memory_space<vmem>>, vector<1x16xf32>,
        %get3A_1115 = vector.shape_cast %get3A_1114 : vector<1x16xf32> to vector<16xf32>
        %mul3A_1116 = arith.mulf %get3A_1115, %gather3A_1067 : vector<16xf32>
        %swap3A_1117 = arith.index_cast %add3A_1071 : i32 to index
        %swap3A_1118 = arith.constant 64 : index
        %swap3A_1119 = tpu.vector_load %arg10[%swap3A_1117, %swap3A_1118] {strides = array<i32>} : memref<128x128xf32, #tpu.memory_space<vmem>>, vector<1x16xf32>,
        %swap3A_1120 = vector.shape_cast %swap3A_1119 : vector<1x16xf32> to vector<16xf32>
        %swap3A_1121 = vector.shape_cast %mul3A_1116 : vector<16xf32> to vector<1x16xf32>
        tpu.vector_store %arg10[%swap3A_1117, %swap3A_1118], %swap3A_1121 {strides = array<i32>} : memref<128x128xf32, #tpu.memory_space<vmem>>, vector<1x16xf32>,
        %get3A_1122 = arith.index_cast %add3A_1071 : i32 to index
        %get3A_1123 = arith.constant 80 : index
        %get3A_1124 = tpu.vector_load %arg10[%get3A_1122, %get3A_1123] {strides = array<i32>} : memref<128x128xf32, #tpu.memory_space<vmem>>, vector<1x16xf32>,
        %get3A_1125 = vector.shape_cast %get3A_1124 : vector<1x16xf32> to vector<16xf32>
        %mul3A_1126 = arith.mulf %get3A_1125, %gather3A_1067 : vector<16xf32>
        %swap3A_1127 = arith.index_cast %add3A_1071 : i32 to index
        %swap3A_1128 = arith.constant 80 : index
        %swap3A_1129 = tpu.vector_load %arg10[%swap3A_1127, %swap3A_1128] {strides = array<i32>} : memref<128x128xf32, #tpu.memory_space<vmem>>, vector<1x16xf32>,
        %swap3A_1130 = vector.shape_cast %swap3A_1129 : vector<1x16xf32> to vector<16xf32>
        %swap3A_1131 = vector.shape_cast %mul3A_1126 : vector<16xf32> to vector<1x16xf32>
        tpu.vector_store %arg10[%swap3A_1127, %swap3A_1128], %swap3A_1131 {strides = array<i32>} : memref<128x128xf32, #tpu.memory_space<vmem>>, vector<1x16xf32>,
        %get3A_1132 = arith.index_cast %add3A_1071 : i32 to index
        %get3A_1133 = arith.constant 96 : index
        %get3A_1134 = tpu.vector_load %arg10[%get3A_1132, %get3A_1133] {strides = array<i32>} : memref<128x128xf32, #tpu.memory_space<vmem>>, vector<1x16xf32>,
        %get3A_1135 = vector.shape_cast %get3A_1134 : vector<1x16xf32> to vector<16xf32>
        %mul3A_1136 = arith.mulf %get3A_1135, %gather3A_1067 : vector<16xf32>
        %swap3A_1137 = arith.index_cast %add3A_1071 : i32 to index
        %swap3A_1138 = arith.constant 96 : index
        %swap3A_1139 = tpu.vector_load %arg10[%swap3A_1137, %swap3A_1138] {strides = array<i32>} : memref<128x128xf32, #tpu.memory_space<vmem>>, vector<1x16xf32>,
        %swap3A_1140 = vector.shape_cast %swap3A_1139 : vector<1x16xf32> to vector<16xf32>
        %swap3A_1141 = vector.shape_cast %mul3A_1136 : vector<16xf32> to vector<1x16xf32>
        tpu.vector_store %arg10[%swap3A_1137, %swap3A_1138], %swap3A_1141 {strides = array<i32>} : memref<128x128xf32, #tpu.memory_space<vmem>>, vector<1x16xf32>,
        %get3A_1142 = arith.index_cast %add3A_1071 : i32 to index
        %get3A_1143 = arith.constant 112 : index
        %get3A_1144 = tpu.vector_load %arg10[%get3A_1142, %get3A_1143] {strides = array<i32>} : memref<128x128xf32, #tpu.memory_space<vmem>>, vector<1x16xf32>,
        %get3A_1145 = vector.shape_cast %get3A_1144 : vector<1x16xf32> to vector<16xf32>
        %mul3A_1146 = arith.mulf %get3A_1145, %gather3A_1067 : vector<16xf32>
        %swap3A_1147 = arith.index_cast %add3A_1071 : i32 to index
        %swap3A_1148 = arith.constant 112 : index
        %swap3A_1149 = tpu.vector_load %arg10[%swap3A_1147, %swap3A_1148] {strides = array<i32>} : memref<128x128xf32, #tpu.memory_space<vmem>>, vector<1x16xf32>,
        %swap3A_1150 = vector.shape_cast %swap3A_1149 : vector<1x16xf32> to vector<16xf32>
        %swap3A_1151 = vector.shape_cast %mul3A_1146 : vector<16xf32> to vector<1x16xf32>
        tpu.vector_store %arg10[%swap3A_1147, %swap3A_1148], %swap3A_1151 {strides = array<i32>} : memref<128x128xf32, #tpu.memory_space<vmem>>, vector<1x16xf32>,
        %broadcast_in_dim3A_1152 = arith.constant 11 : i32
        %broadcast_in_dim3A_1153 = vector.broadcast %broadcast_in_dim3A_1152 : i32 to vector<16x1xi32>
        %gather3A_1154 = vector.shape_cast %broadcast_in_dim3A_1153 : vector<16x1xi32> to vector<16xi32>
        %gather3A_1155 = tpu.dynamic_gather %get3A_184[%gather3A_1154] in [0] : vector<16xf32>, vector<16xi32> -> vector<16xf32>
        %mul3A_1156 = arith.constant 16 : i32
        %mul3A_1157 = arith.muli %scan3A_179, %mul3A_1156 : i32
        %add3A_1158 = arith.constant 11 : i32
        %add3A_1159 = arith.addi %mul3A_1157, %add3A_1158 : i32
        %get3A_1160 = arith.index_cast %add3A_1159 : i32 to index
        %get3A_1161 = arith.constant 0 : index
        %get3A_1162 = tpu.vector_load %arg10[%get3A_1160, %get3A_1161] {strides = array<i32>} : memref<128x128xf32, #tpu.memory_space<vmem>>, vector<1x16xf32>,
        %get3A_1163 = vector.shape_cast %get3A_1162 : vector<1x16xf32> to vector<16xf32>
        %mul3A_1164 = arith.mulf %get3A_1163, %gather3A_1155 : vector<16xf32>
        %swap3A_1165 = arith.index_cast %add3A_1159 : i32 to index
        %swap3A_1166 = arith.constant 0 : index
        %swap3A_1167 = tpu.vector_load %arg10[%swap3A_1165, %swap3A_1166] {strides = array<i32>} : memref<128x128xf32, #tpu.memory_space<vmem>>, vector<1x16xf32>,
        %swap3A_1168 = vector.shape_cast %swap3A_1167 : vector<1x16xf32> to vector<16xf32>
        %swap3A_1169 = vector.shape_cast %mul3A_1164 : vector<16xf32> to vector<1x16xf32>
        tpu.vector_store %arg10[%swap3A_1165, %swap3A_1166], %swap3A_1169 {strides = array<i32>} : memref<128x128xf32, #tpu.memory_space<vmem>>, vector<1x16xf32>,
        %get3A_1170 = arith.index_cast %add3A_1159 : i32 to index
        %get3A_1171 = arith.constant 16 : index
        %get3A_1172 = tpu.vector_load %arg10[%get3A_1170, %get3A_1171] {strides = array<i32>} : memref<128x128xf32, #tpu.memory_space<vmem>>, vector<1x16xf32>,
        %get3A_1173 = vector.shape_cast %get3A_1172 : vector<1x16xf32> to vector<16xf32>
        %mul3A_1174 = arith.mulf %get3A_1173, %gather3A_1155 : vector<16xf32>
        %swap3A_1175 = arith.index_cast %add3A_1159 : i32 to index
        %swap3A_1176 = arith.constant 16 : index
        %swap3A_1177 = tpu.vector_load %arg10[%swap3A_1175, %swap3A_1176] {strides = array<i32>} : memref<128x128xf32, #tpu.memory_space<vmem>>, vector<1x16xf32>,
        %swap3A_1178 = vector.shape_cast %swap3A_1177 : vector<1x16xf32> to vector<16xf32>
        %swap3A_1179 = vector.shape_cast %mul3A_1174 : vector<16xf32> to vector<1x16xf32>
        tpu.vector_store %arg10[%swap3A_1175, %swap3A_1176], %swap3A_1179 {strides = array<i32>} : memref<128x128xf32, #tpu.memory_space<vmem>>, vector<1x16xf32>,
        %get3A_1180 = arith.index_cast %add3A_1159 : i32 to index
        %get3A_1181 = arith.constant 32 : index
        %get3A_1182 = tpu.vector_load %arg10[%get3A_1180, %get3A_1181] {strides = array<i32>} : memref<128x128xf32, #tpu.memory_space<vmem>>, vector<1x16xf32>,
        %get3A_1183 = vector.shape_cast %get3A_1182 : vector<1x16xf32> to vector<16xf32>
        %mul3A_1184 = arith.mulf %get3A_1183, %gather3A_1155 : vector<16xf32>
        %swap3A_1185 = arith.index_cast %add3A_1159 : i32 to index
        %swap3A_1186 = arith.constant 32 : index
        %swap3A_1187 = tpu.vector_load %arg10[%swap3A_1185, %swap3A_1186] {strides = array<i32>} : memref<128x128xf32, #tpu.memory_space<vmem>>, vector<1x16xf32>,
        %swap3A_1188 = vector.shape_cast %swap3A_1187 : vector<1x16xf32> to vector<16xf32>
        %swap3A_1189 = vector.shape_cast %mul3A_1184 : vector<16xf32> to vector<1x16xf32>
        tpu.vector_store %arg10[%swap3A_1185, %swap3A_1186], %swap3A_1189 {strides = array<i32>} : memref<128x128xf32, #tpu.memory_space<vmem>>, vector<1x16xf32>,
        %get3A_1190 = arith.index_cast %add3A_1159 : i32 to index
        %get3A_1191 = arith.constant 48 : index
        %get3A_1192 = tpu.vector_load %arg10[%get3A_1190, %get3A_1191] {strides = array<i32>} : memref<128x128xf32, #tpu.memory_space<vmem>>, vector<1x16xf32>,
        %get3A_1193 = vector.shape_cast %get3A_1192 : vector<1x16xf32> to vector<16xf32>
        %mul3A_1194 = arith.mulf %get3A_1193, %gather3A_1155 : vector<16xf32>
        %swap3A_1195 = arith.index_cast %add3A_1159 : i32 to index
        %swap3A_1196 = arith.constant 48 : index
        %swap3A_1197 = tpu.vector_load %arg10[%swap3A_1195, %swap3A_1196] {strides = array<i32>} : memref<128x128xf32, #tpu.memory_space<vmem>>, vector<1x16xf32>,
        %swap3A_1198 = vector.shape_cast %swap3A_1197 : vector<1x16xf32> to vector<16xf32>
        %swap3A_1199 = vector.shape_cast %mul3A_1194 : vector<16xf32> to vector<1x16xf32>
        tpu.vector_store %arg10[%swap3A_1195, %swap3A_1196], %swap3A_1199 {strides = array<i32>} : memref<128x128xf32, #tpu.memory_space<vmem>>, vector<1x16xf32>,
        %get3A_1200 = arith.index_cast %add3A_1159 : i32 to index
        %get3A_1201 = arith.constant 64 : index
        %get3A_1202 = tpu.vector_load %arg10[%get3A_1200, %get3A_1201] {strides = array<i32>} : memref<128x128xf32, #tpu.memory_space<vmem>>, vector<1x16xf32>,
        %get3A_1203 = vector.shape_cast %get3A_1202 : vector<1x16xf32> to vector<16xf32>
        %mul3A_1204 = arith.mulf %get3A_1203, %gather3A_1155 : vector<16xf32>
        %swap3A_1205 = arith.index_cast %add3A_1159 : i32 to index
        %swap3A_1206 = arith.constant 64 : index
        %swap3A_1207 = tpu.vector_load %arg10[%swap3A_1205, %swap3A_1206] {strides = array<i32>} : memref<128x128xf32, #tpu.memory_space<vmem>>, vector<1x16xf32>,
        %swap3A_1208 = vector.shape_cast %swap3A_1207 : vector<1x16xf32> to vector<16xf32>
        %swap3A_1209 = vector.shape_cast %mul3A_1204 : vector<16xf32> to vector<1x16xf32>
        tpu.vector_store %arg10[%swap3A_1205, %swap3A_1206], %swap3A_1209 {strides = array<i32>} : memref<128x128xf32, #tpu.memory_space<vmem>>, vector<1x16xf32>,
        %get3A_1210 = arith.index_cast %add3A_1159 : i32 to index
        %get3A_1211 = arith.constant 80 : index
        %get3A_1212 = tpu.vector_load %arg10[%get3A_1210, %get3A_1211] {strides = array<i32>} : memref<128x128xf32, #tpu.memory_space<vmem>>, vector<1x16xf32>,
        %get3A_1213 = vector.shape_cast %get3A_1212 : vector<1x16xf32> to vector<16xf32>
        %mul3A_1214 = arith.mulf %get3A_1213, %gather3A_1155 : vector<16xf32>
        %swap3A_1215 = arith.index_cast %add3A_1159 : i32 to index
        %swap3A_1216 = arith.constant 80 : index
        %swap3A_1217 = tpu.vector_load %arg10[%swap3A_1215, %swap3A_1216] {strides = array<i32>} : memref<128x128xf32, #tpu.memory_space<vmem>>, vector<1x16xf32>,
        %swap3A_1218 = vector.shape_cast %swap3A_1217 : vector<1x16xf32> to vector<16xf32>
        %swap3A_1219 = vector.shape_cast %mul3A_1214 : vector<16xf32> to vector<1x16xf32>
        tpu.vector_store %arg10[%swap3A_1215, %swap3A_1216], %swap3A_1219 {strides = array<i32>} : memref<128x128xf32, #tpu.memory_space<vmem>>, vector<1x16xf32>,
        %get3A_1220 = arith.index_cast %add3A_1159 : i32 to index
        %get3A_1221 = arith.constant 96 : index
        %get3A_1222 = tpu.vector_load %arg10[%get3A_1220, %get3A_1221] {strides = array<i32>} : memref<128x128xf32, #tpu.memory_space<vmem>>, vector<1x16xf32>,
        %get3A_1223 = vector.shape_cast %get3A_1222 : vector<1x16xf32> to vector<16xf32>
        %mul3A_1224 = arith.mulf %get3A_1223, %gather3A_1155 : vector<16xf32>
        %swap3A_1225 = arith.index_cast %add3A_1159 : i32 to index
        %swap3A_1226 = arith.constant 96 : index
        %swap3A_1227 = tpu.vector_load %arg10[%swap3A_1225, %swap3A_1226] {strides = array<i32>} : memref<128x128xf32, #tpu.memory_space<vmem>>, vector<1x16xf32>,
        %swap3A_1228 = vector.shape_cast %swap3A_1227 : vector<1x16xf32> to vector<16xf32>
        %swap3A_1229 = vector.shape_cast %mul3A_1224 : vector<16xf32> to vector<1x16xf32>
        tpu.vector_store %arg10[%swap3A_1225, %swap3A_1226], %swap3A_1229 {strides = array<i32>} : memref<128x128xf32, #tpu.memory_space<vmem>>, vector<1x16xf32>,
        %get3A_1230 = arith.index_cast %add3A_1159 : i32 to index
        %get3A_1231 = arith.constant 112 : index
        %get3A_1232 = tpu.vector_load %arg10[%get3A_1230, %get3A_1231] {strides = array<i32>} : memref<128x128xf32, #tpu.memory_space<vmem>>, vector<1x16xf32>,
        %get3A_1233 = vector.shape_cast %get3A_1232 : vector<1x16xf32> to vector<16xf32>
        %mul3A_1234 = arith.mulf %get3A_1233, %gather3A_1155 : vector<16xf32>
        %swap3A_1235 = arith.index_cast %add3A_1159 : i32 to index
        %swap3A_1236 = arith.constant 112 : index
        %swap3A_1237 = tpu.vector_load %arg10[%swap3A_1235, %swap3A_1236] {strides = array<i32>} : memref<128x128xf32, #tpu.memory_space<vmem>>, vector<1x16xf32>,
        %swap3A_1238 = vector.shape_cast %swap3A_1237 : vector<1x16xf32> to vector<16xf32>
        %swap3A_1239 = vector.shape_cast %mul3A_1234 : vector<16xf32> to vector<1x16xf32>
        tpu.vector_store %arg10[%swap3A_1235, %swap3A_1236], %swap3A_1239 {strides = array<i32>} : memref<128x128xf32, #tpu.memory_space<vmem>>, vector<1x16xf32>,
        %broadcast_in_dim3A_1240 = arith.constant 12 : i32
        %broadcast_in_dim3A_1241 = vector.broadcast %broadcast_in_dim3A_1240 : i32 to vector<16x1xi32>
        %gather3A_1242 = vector.shape_cast %broadcast_in_dim3A_1241 : vector<16x1xi32> to vector<16xi32>
        %gather3A_1243 = tpu.dynamic_gather %get3A_184[%gather3A_1242] in [0] : vector<16xf32>, vector<16xi32> -> vector<16xf32>
        %mul3A_1244 = arith.constant 16 : i32
        %mul3A_1245 = arith.muli %scan3A_179, %mul3A_1244 : i32
        %add3A_1246 = arith.constant 12 : i32
        %add3A_1247 = arith.addi %mul3A_1245, %add3A_1246 : i32
        %get3A_1248 = arith.index_cast %add3A_1247 : i32 to index
        %get3A_1249 = arith.constant 0 : index
        %get3A_1250 = tpu.vector_load %arg10[%get3A_1248, %get3A_1249] {strides = array<i32>} : memref<128x128xf32, #tpu.memory_space<vmem>>, vector<1x16xf32>,
        %get3A_1251 = vector.shape_cast %get3A_1250 : vector<1x16xf32> to vector<16xf32>
        %mul3A_1252 = arith.mulf %get3A_1251, %gather3A_1243 : vector<16xf32>
        %swap3A_1253 = arith.index_cast %add3A_1247 : i32 to index
        %swap3A_1254 = arith.constant 0 : index
        %swap3A_1255 = tpu.vector_load %arg10[%swap3A_1253, %swap3A_1254] {strides = array<i32>} : memref<128x128xf32, #tpu.memory_space<vmem>>, vector<1x16xf32>,
        %swap3A_1256 = vector.shape_cast %swap3A_1255 : vector<1x16xf32> to vector<16xf32>
        %swap3A_1257 = vector.shape_cast %mul3A_1252 : vector<16xf32> to vector<1x16xf32>
        tpu.vector_store %arg10[%swap3A_1253, %swap3A_1254], %swap3A_1257 {strides = array<i32>} : memref<128x128xf32, #tpu.memory_space<vmem>>, vector<1x16xf32>,
        %get3A_1258 = arith.index_cast %add3A_1247 : i32 to index
        %get3A_1259 = arith.constant 16 : index
        %get3A_1260 = tpu.vector_load %arg10[%get3A_1258, %get3A_1259] {strides = array<i32>} : memref<128x128xf32, #tpu.memory_space<vmem>>, vector<1x16xf32>,
        %get3A_1261 = vector.shape_cast %get3A_1260 : vector<1x16xf32> to vector<16xf32>
        %mul3A_1262 = arith.mulf %get3A_1261, %gather3A_1243 : vector<16xf32>
        %swap3A_1263 = arith.index_cast %add3A_1247 : i32 to index
        %swap3A_1264 = arith.constant 16 : index
        %swap3A_1265 = tpu.vector_load %arg10[%swap3A_1263, %swap3A_1264] {strides = array<i32>} : memref<128x128xf32, #tpu.memory_space<vmem>>, vector<1x16xf32>,
        %swap3A_1266 = vector.shape_cast %swap3A_1265 : vector<1x16xf32> to vector<16xf32>
        %swap3A_1267 = vector.shape_cast %mul3A_1262 : vector<16xf32> to vector<1x16xf32>
        tpu.vector_store %arg10[%swap3A_1263, %swap3A_1264], %swap3A_1267 {strides = array<i32>} : memref<128x128xf32, #tpu.memory_space<vmem>>, vector<1x16xf32>,
        %get3A_1268 = arith.index_cast %add3A_1247 : i32 to index
        %get3A_1269 = arith.constant 32 : index
        %get3A_1270 = tpu.vector_load %arg10[%get3A_1268, %get3A_1269] {strides = array<i32>} : memref<128x128xf32, #tpu.memory_space<vmem>>, vector<1x16xf32>,
        %get3A_1271 = vector.shape_cast %get3A_1270 : vector<1x16xf32> to vector<16xf32>
        %mul3A_1272 = arith.mulf %get3A_1271, %gather3A_1243 : vector<16xf32>
        %swap3A_1273 = arith.index_cast %add3A_1247 : i32 to index
        %swap3A_1274 = arith.constant 32 : index
        %swap3A_1275 = tpu.vector_load %arg10[%swap3A_1273, %swap3A_1274] {strides = array<i32>} : memref<128x128xf32, #tpu.memory_space<vmem>>, vector<1x16xf32>,
        %swap3A_1276 = vector.shape_cast %swap3A_1275 : vector<1x16xf32> to vector<16xf32>
        %swap3A_1277 = vector.shape_cast %mul3A_1272 : vector<16xf32> to vector<1x16xf32>
        tpu.vector_store %arg10[%swap3A_1273, %swap3A_1274], %swap3A_1277 {strides = array<i32>} : memref<128x128xf32, #tpu.memory_space<vmem>>, vector<1x16xf32>,
        %get3A_1278 = arith.index_cast %add3A_1247 : i32 to index
        %get3A_1279 = arith.constant 48 : index
        %get3A_1280 = tpu.vector_load %arg10[%get3A_1278, %get3A_1279] {strides = array<i32>} : memref<128x128xf32, #tpu.memory_space<vmem>>, vector<1x16xf32>,
        %get3A_1281 = vector.shape_cast %get3A_1280 : vector<1x16xf32> to vector<16xf32>
        %mul3A_1282 = arith.mulf %get3A_1281, %gather3A_1243 : vector<16xf32>
        %swap3A_1283 = arith.index_cast %add3A_1247 : i32 to index
        %swap3A_1284 = arith.constant 48 : index
        %swap3A_1285 = tpu.vector_load %arg10[%swap3A_1283, %swap3A_1284] {strides = array<i32>} : memref<128x128xf32, #tpu.memory_space<vmem>>, vector<1x16xf32>,
        %swap3A_1286 = vector.shape_cast %swap3A_1285 : vector<1x16xf32> to vector<16xf32>
        %swap3A_1287 = vector.shape_cast %mul3A_1282 : vector<16xf32> to vector<1x16xf32>
        tpu.vector_store %arg10[%swap3A_1283, %swap3A_1284], %swap3A_1287 {strides = array<i32>} : memref<128x128xf32, #tpu.memory_space<vmem>>, vector<1x16xf32>,
        %get3A_1288 = arith.index_cast %add3A_1247 : i32 to index
        %get3A_1289 = arith.constant 64 : index
        %get3A_1290 = tpu.vector_load %arg10[%get3A_1288, %get3A_1289] {strides = array<i32>} : memref<128x128xf32, #tpu.memory_space<vmem>>, vector<1x16xf32>,
        %get3A_1291 = vector.shape_cast %get3A_1290 : vector<1x16xf32> to vector<16xf32>
        %mul3A_1292 = arith.mulf %get3A_1291, %gather3A_1243 : vector<16xf32>
        %swap3A_1293 = arith.index_cast %add3A_1247 : i32 to index
        %swap3A_1294 = arith.constant 64 : index
        %swap3A_1295 = tpu.vector_load %arg10[%swap3A_1293, %swap3A_1294] {strides = array<i32>} : memref<128x128xf32, #tpu.memory_space<vmem>>, vector<1x16xf32>,
        %swap3A_1296 = vector.shape_cast %swap3A_1295 : vector<1x16xf32> to vector<16xf32>
        %swap3A_1297 = vector.shape_cast %mul3A_1292 : vector<16xf32> to vector<1x16xf32>
        tpu.vector_store %arg10[%swap3A_1293, %swap3A_1294], %swap3A_1297 {strides = array<i32>} : memref<128x128xf32, #tpu.memory_space<vmem>>, vector<1x16xf32>,
        %get3A_1298 = arith.index_cast %add3A_1247 : i32 to index
        %get3A_1299 = arith.constant 80 : index
        %get3A_1300 = tpu.vector_load %arg10[%get3A_1298, %get3A_1299] {strides = array<i32>} : memref<128x128xf32, #tpu.memory_space<vmem>>, vector<1x16xf32>,
        %get3A_1301 = vector.shape_cast %get3A_1300 : vector<1x16xf32> to vector<16xf32>
        %mul3A_1302 = arith.mulf %get3A_1301, %gather3A_1243 : vector<16xf32>
        %swap3A_1303 = arith.index_cast %add3A_1247 : i32 to index
        %swap3A_1304 = arith.constant 80 : index
        %swap3A_1305 = tpu.vector_load %arg10[%swap3A_1303, %swap3A_1304] {strides = array<i32>} : memref<128x128xf32, #tpu.memory_space<vmem>>, vector<1x16xf32>,
        %swap3A_1306 = vector.shape_cast %swap3A_1305 : vector<1x16xf32> to vector<16xf32>
        %swap3A_1307 = vector.shape_cast %mul3A_1302 : vector<16xf32> to vector<1x16xf32>
        tpu.vector_store %arg10[%swap3A_1303, %swap3A_1304], %swap3A_1307 {strides = array<i32>} : memref<128x128xf32, #tpu.memory_space<vmem>>, vector<1x16xf32>,
        %get3A_1308 = arith.index_cast %add3A_1247 : i32 to index
        %get3A_1309 = arith.constant 96 : index
        %get3A_1310 = tpu.vector_load %arg10[%get3A_1308, %get3A_1309] {strides = array<i32>} : memref<128x128xf32, #tpu.memory_space<vmem>>, vector<1x16xf32>,
        %get3A_1311 = vector.shape_cast %get3A_1310 : vector<1x16xf32> to vector<16xf32>
        %mul3A_1312 = arith.mulf %get3A_1311, %gather3A_1243 : vector<16xf32>
        %swap3A_1313 = arith.index_cast %add3A_1247 : i32 to index
        %swap3A_1314 = arith.constant 96 : index
        %swap3A_1315 = tpu.vector_load %arg10[%swap3A_1313, %swap3A_1314] {strides = array<i32>} : memref<128x128xf32, #tpu.memory_space<vmem>>, vector<1x16xf32>,
        %swap3A_1316 = vector.shape_cast %swap3A_1315 : vector<1x16xf32> to vector<16xf32>
        %swap3A_1317 = vector.shape_cast %mul3A_1312 : vector<16xf32> to vector<1x16xf32>
        tpu.vector_store %arg10[%swap3A_1313, %swap3A_1314], %swap3A_1317 {strides = array<i32>} : memref<128x128xf32, #tpu.memory_space<vmem>>, vector<1x16xf32>,
        %get3A_1318 = arith.index_cast %add3A_1247 : i32 to index
        %get3A_1319 = arith.constant 112 : index
        %get3A_1320 = tpu.vector_load %arg10[%get3A_1318, %get3A_1319] {strides = array<i32>} : memref<128x128xf32, #tpu.memory_space<vmem>>, vector<1x16xf32>,
        %get3A_1321 = vector.shape_cast %get3A_1320 : vector<1x16xf32> to vector<16xf32>
        %mul3A_1322 = arith.mulf %get3A_1321, %gather3A_1243 : vector<16xf32>
        %swap3A_1323 = arith.index_cast %add3A_1247 : i32 to index
        %swap3A_1324 = arith.constant 112 : index
        %swap3A_1325 = tpu.vector_load %arg10[%swap3A_1323, %swap3A_1324] {strides = array<i32>} : memref<128x128xf32, #tpu.memory_space<vmem>>, vector<1x16xf32>,
        %swap3A_1326 = vector.shape_cast %swap3A_1325 : vector<1x16xf32> to vector<16xf32>
        %swap3A_1327 = vector.shape_cast %mul3A_1322 : vector<16xf32> to vector<1x16xf32>
        tpu.vector_store %arg10[%swap3A_1323, %swap3A_1324], %swap3A_1327 {strides = array<i32>} : memref<128x128xf32, #tpu.memory_space<vmem>>, vector<1x16xf32>,
        %broadcast_in_dim3A_1328 = arith.constant 13 : i32
        %broadcast_in_dim3A_1329 = vector.broadcast %broadcast_in_dim3A_1328 : i32 to vector<16x1xi32>
        %gather3A_1330 = vector.shape_cast %broadcast_in_dim3A_1329 : vector<16x1xi32> to vector<16xi32>
        %gather3A_1331 = tpu.dynamic_gather %get3A_184[%gather3A_1330] in [0] : vector<16xf32>, vector<16xi32> -> vector<16xf32>
        %mul3A_1332 = arith.constant 16 : i32
        %mul3A_1333 = arith.muli %scan3A_179, %mul3A_1332 : i32
        %add3A_1334 = arith.constant 13 : i32
        %add3A_1335 = arith.addi %mul3A_1333, %add3A_1334 : i32
        %get3A_1336 = arith.index_cast %add3A_1335 : i32 to index
        %get3A_1337 = arith.constant 0 : index
        %get3A_1338 = tpu.vector_load %arg10[%get3A_1336, %get3A_1337] {strides = array<i32>} : memref<128x128xf32, #tpu.memory_space<vmem>>, vector<1x16xf32>,
        %get3A_1339 = vector.shape_cast %get3A_1338 : vector<1x16xf32> to vector<16xf32>
        %mul3A_1340 = arith.mulf %get3A_1339, %gather3A_1331 : vector<16xf32>
        %swap3A_1341 = arith.index_cast %add3A_1335 : i32 to index
        %swap3A_1342 = arith.constant 0 : index
        %swap3A_1343 = tpu.vector_load %arg10[%swap3A_1341, %swap3A_1342] {strides = array<i32>} : memref<128x128xf32, #tpu.memory_space<vmem>>, vector<1x16xf32>,
        %swap3A_1344 = vector.shape_cast %swap3A_1343 : vector<1x16xf32> to vector<16xf32>
        %swap3A_1345 = vector.shape_cast %mul3A_1340 : vector<16xf32> to vector<1x16xf32>
        tpu.vector_store %arg10[%swap3A_1341, %swap3A_1342], %swap3A_1345 {strides = array<i32>} : memref<128x128xf32, #tpu.memory_space<vmem>>, vector<1x16xf32>,
        %get3A_1346 = arith.index_cast %add3A_1335 : i32 to index
        %get3A_1347 = arith.constant 16 : index
        %get3A_1348 = tpu.vector_load %arg10[%get3A_1346, %get3A_1347] {strides = array<i32>} : memref<128x128xf32, #tpu.memory_space<vmem>>, vector<1x16xf32>,
        %get3A_1349 = vector.shape_cast %get3A_1348 : vector<1x16xf32> to vector<16xf32>
        %mul3A_1350 = arith.mulf %get3A_1349, %gather3A_1331 : vector<16xf32>
        %swap3A_1351 = arith.index_cast %add3A_1335 : i32 to index
        %swap3A_1352 = arith.constant 16 : index
        %swap3A_1353 = tpu.vector_load %arg10[%swap3A_1351, %swap3A_1352] {strides = array<i32>} : memref<128x128xf32, #tpu.memory_space<vmem>>, vector<1x16xf32>,
        %swap3A_1354 = vector.shape_cast %swap3A_1353 : vector<1x16xf32> to vector<16xf32>
        %swap3A_1355 = vector.shape_cast %mul3A_1350 : vector<16xf32> to vector<1x16xf32>
        tpu.vector_store %arg10[%swap3A_1351, %swap3A_1352], %swap3A_1355 {strides = array<i32>} : memref<128x128xf32, #tpu.memory_space<vmem>>, vector<1x16xf32>,
        %get3A_1356 = arith.index_cast %add3A_1335 : i32 to index
        %get3A_1357 = arith.constant 32 : index
        %get3A_1358 = tpu.vector_load %arg10[%get3A_1356, %get3A_1357] {strides = array<i32>} : memref<128x128xf32, #tpu.memory_space<vmem>>, vector<1x16xf32>,
        %get3A_1359 = vector.shape_cast %get3A_1358 : vector<1x16xf32> to vector<16xf32>
        %mul3A_1360 = arith.mulf %get3A_1359, %gather3A_1331 : vector<16xf32>
        %swap3A_1361 = arith.index_cast %add3A_1335 : i32 to index
        %swap3A_1362 = arith.constant 32 : index
        %swap3A_1363 = tpu.vector_load %arg10[%swap3A_1361, %swap3A_1362] {strides = array<i32>} : memref<128x128xf32, #tpu.memory_space<vmem>>, vector<1x16xf32>,
        %swap3A_1364 = vector.shape_cast %swap3A_1363 : vector<1x16xf32> to vector<16xf32>
        %swap3A_1365 = vector.shape_cast %mul3A_1360 : vector<16xf32> to vector<1x16xf32>
        tpu.vector_store %arg10[%swap3A_1361, %swap3A_1362], %swap3A_1365 {strides = array<i32>} : memref<128x128xf32, #tpu.memory_space<vmem>>, vector<1x16xf32>,
        %get3A_1366 = arith.index_cast %add3A_1335 : i32 to index
        %get3A_1367 = arith.constant 48 : index
        %get3A_1368 = tpu.vector_load %arg10[%get3A_1366, %get3A_1367] {strides = array<i32>} : memref<128x128xf32, #tpu.memory_space<vmem>>, vector<1x16xf32>,
        %get3A_1369 = vector.shape_cast %get3A_1368 : vector<1x16xf32> to vector<16xf32>
        %mul3A_1370 = arith.mulf %get3A_1369, %gather3A_1331 : vector<16xf32>
        %swap3A_1371 = arith.index_cast %add3A_1335 : i32 to index
        %swap3A_1372 = arith.constant 48 : index
        %swap3A_1373 = tpu.vector_load %arg10[%swap3A_1371, %swap3A_1372] {strides = array<i32>} : memref<128x128xf32, #tpu.memory_space<vmem>>, vector<1x16xf32>,
        %swap3A_1374 = vector.shape_cast %swap3A_1373 : vector<1x16xf32> to vector<16xf32>
        %swap3A_1375 = vector.shape_cast %mul3A_1370 : vector<16xf32> to vector<1x16xf32>
        tpu.vector_store %arg10[%swap3A_1371, %swap3A_1372], %swap3A_1375 {strides = array<i32>} : memref<128x128xf32, #tpu.memory_space<vmem>>, vector<1x16xf32>,
        %get3A_1376 = arith.index_cast %add3A_1335 : i32 to index
        %get3A_1377 = arith.constant 64 : index
        %get3A_1378 = tpu.vector_load %arg10[%get3A_1376, %get3A_1377] {strides = array<i32>} : memref<128x128xf32, #tpu.memory_space<vmem>>, vector<1x16xf32>,
        %get3A_1379 = vector.shape_cast %get3A_1378 : vector<1x16xf32> to vector<16xf32>
        %mul3A_1380 = arith.mulf %get3A_1379, %gather3A_1331 : vector<16xf32>
        %swap3A_1381 = arith.index_cast %add3A_1335 : i32 to index
        %swap3A_1382 = arith.constant 64 : index
        %swap3A_1383 = tpu.vector_load %arg10[%swap3A_1381, %swap3A_1382] {strides = array<i32>} : memref<128x128xf32, #tpu.memory_space<vmem>>, vector<1x16xf32>,
        %swap3A_1384 = vector.shape_cast %swap3A_1383 : vector<1x16xf32> to vector<16xf32>
        %swap3A_1385 = vector.shape_cast %mul3A_1380 : vector<16xf32> to vector<1x16xf32>
        tpu.vector_store %arg10[%swap3A_1381, %swap3A_1382], %swap3A_1385 {strides = array<i32>} : memref<128x128xf32, #tpu.memory_space<vmem>>, vector<1x16xf32>,
        %get3A_1386 = arith.index_cast %add3A_1335 : i32 to index
        %get3A_1387 = arith.constant 80 : index
        %get3A_1388 = tpu.vector_load %arg10[%get3A_1386, %get3A_1387] {strides = array<i32>} : memref<128x128xf32, #tpu.memory_space<vmem>>, vector<1x16xf32>,
        %get3A_1389 = vector.shape_cast %get3A_1388 : vector<1x16xf32> to vector<16xf32>
        %mul3A_1390 = arith.mulf %get3A_1389, %gather3A_1331 : vector<16xf32>
        %swap3A_1391 = arith.index_cast %add3A_1335 : i32 to index
        %swap3A_1392 = arith.constant 80 : index
        %swap3A_1393 = tpu.vector_load %arg10[%swap3A_1391, %swap3A_1392] {strides = array<i32>} : memref<128x128xf32, #tpu.memory_space<vmem>>, vector<1x16xf32>,
        %swap3A_1394 = vector.shape_cast %swap3A_1393 : vector<1x16xf32> to vector<16xf32>
        %swap3A_1395 = vector.shape_cast %mul3A_1390 : vector<16xf32> to vector<1x16xf32>
        tpu.vector_store %arg10[%swap3A_1391, %swap3A_1392], %swap3A_1395 {strides = array<i32>} : memref<128x128xf32, #tpu.memory_space<vmem>>, vector<1x16xf32>,
        %get3A_1396 = arith.index_cast %add3A_1335 : i32 to index
        %get3A_1397 = arith.constant 96 : index
        %get3A_1398 = tpu.vector_load %arg10[%get3A_1396, %get3A_1397] {strides = array<i32>} : memref<128x128xf32, #tpu.memory_space<vmem>>, vector<1x16xf32>,
        %get3A_1399 = vector.shape_cast %get3A_1398 : vector<1x16xf32> to vector<16xf32>
        %mul3A_1400 = arith.mulf %get3A_1399, %gather3A_1331 : vector<16xf32>
        %swap3A_1401 = arith.index_cast %add3A_1335 : i32 to index
        %swap3A_1402 = arith.constant 96 : index
        %swap3A_1403 = tpu.vector_load %arg10[%swap3A_1401, %swap3A_1402] {strides = array<i32>} : memref<128x128xf32, #tpu.memory_space<vmem>>, vector<1x16xf32>,
        %swap3A_1404 = vector.shape_cast %swap3A_1403 : vector<1x16xf32> to vector<16xf32>
        %swap3A_1405 = vector.shape_cast %mul3A_1400 : vector<16xf32> to vector<1x16xf32>
        tpu.vector_store %arg10[%swap3A_1401, %swap3A_1402], %swap3A_1405 {strides = array<i32>} : memref<128x128xf32, #tpu.memory_space<vmem>>, vector<1x16xf32>,
        %get3A_1406 = arith.index_cast %add3A_1335 : i32 to index
        %get3A_1407 = arith.constant 112 : index
        %get3A_1408 = tpu.vector_load %arg10[%get3A_1406, %get3A_1407] {strides = array<i32>} : memref<128x128xf32, #tpu.memory_space<vmem>>, vector<1x16xf32>,
        %get3A_1409 = vector.shape_cast %get3A_1408 : vector<1x16xf32> to vector<16xf32>
        %mul3A_1410 = arith.mulf %get3A_1409, %gather3A_1331 : vector<16xf32>
        %swap3A_1411 = arith.index_cast %add3A_1335 : i32 to index
        %swap3A_1412 = arith.constant 112 : index
        %swap3A_1413 = tpu.vector_load %arg10[%swap3A_1411, %swap3A_1412] {strides = array<i32>} : memref<128x128xf32, #tpu.memory_space<vmem>>, vector<1x16xf32>,
        %swap3A_1414 = vector.shape_cast %swap3A_1413 : vector<1x16xf32> to vector<16xf32>
        %swap3A_1415 = vector.shape_cast %mul3A_1410 : vector<16xf32> to vector<1x16xf32>
        tpu.vector_store %arg10[%swap3A_1411, %swap3A_1412], %swap3A_1415 {strides = array<i32>} : memref<128x128xf32, #tpu.memory_space<vmem>>, vector<1x16xf32>,
        %broadcast_in_dim3A_1416 = arith.constant 14 : i32
        %broadcast_in_dim3A_1417 = vector.broadcast %broadcast_in_dim3A_1416 : i32 to vector<16x1xi32>
        %gather3A_1418 = vector.shape_cast %broadcast_in_dim3A_1417 : vector<16x1xi32> to vector<16xi32>
        %gather3A_1419 = tpu.dynamic_gather %get3A_184[%gather3A_1418] in [0] : vector<16xf32>, vector<16xi32> -> vector<16xf32>
        %mul3A_1420 = arith.constant 16 : i32
        %mul3A_1421 = arith.muli %scan3A_179, %mul3A_1420 : i32
        %add3A_1422 = arith.constant 14 : i32
        %add3A_1423 = arith.addi %mul3A_1421, %add3A_1422 : i32
        %get3A_1424 = arith.index_cast %add3A_1423 : i32 to index
        %get3A_1425 = arith.constant 0 : index
        %get3A_1426 = tpu.vector_load %arg10[%get3A_1424, %get3A_1425] {strides = array<i32>} : memref<128x128xf32, #tpu.memory_space<vmem>>, vector<1x16xf32>,
        %get3A_1427 = vector.shape_cast %get3A_1426 : vector<1x16xf32> to vector<16xf32>
        %mul3A_1428 = arith.mulf %get3A_1427, %gather3A_1419 : vector<16xf32>
        %swap3A_1429 = arith.index_cast %add3A_1423 : i32 to index
        %swap3A_1430 = arith.constant 0 : index
        %swap3A_1431 = tpu.vector_load %arg10[%swap3A_1429, %swap3A_1430] {strides = array<i32>} : memref<128x128xf32, #tpu.memory_space<vmem>>, vector<1x16xf32>,
        %swap3A_1432 = vector.shape_cast %swap3A_1431 : vector<1x16xf32> to vector<16xf32>
        %swap3A_1433 = vector.shape_cast %mul3A_1428 : vector<16xf32> to vector<1x16xf32>
        tpu.vector_store %arg10[%swap3A_1429, %swap3A_1430], %swap3A_1433 {strides = array<i32>} : memref<128x128xf32, #tpu.memory_space<vmem>>, vector<1x16xf32>,
        %get3A_1434 = arith.index_cast %add3A_1423 : i32 to index
        %get3A_1435 = arith.constant 16 : index
        %get3A_1436 = tpu.vector_load %arg10[%get3A_1434, %get3A_1435] {strides = array<i32>} : memref<128x128xf32, #tpu.memory_space<vmem>>, vector<1x16xf32>,
        %get3A_1437 = vector.shape_cast %get3A_1436 : vector<1x16xf32> to vector<16xf32>
        %mul3A_1438 = arith.mulf %get3A_1437, %gather3A_1419 : vector<16xf32>
        %swap3A_1439 = arith.index_cast %add3A_1423 : i32 to index
        %swap3A_1440 = arith.constant 16 : index
        %swap3A_1441 = tpu.vector_load %arg10[%swap3A_1439, %swap3A_1440] {strides = array<i32>} : memref<128x128xf32, #tpu.memory_space<vmem>>, vector<1x16xf32>,
        %swap3A_1442 = vector.shape_cast %swap3A_1441 : vector<1x16xf32> to vector<16xf32>
        %swap3A_1443 = vector.shape_cast %mul3A_1438 : vector<16xf32> to vector<1x16xf32>
        tpu.vector_store %arg10[%swap3A_1439, %swap3A_1440], %swap3A_1443 {strides = array<i32>} : memref<128x128xf32, #tpu.memory_space<vmem>>, vector<1x16xf32>,
        %get3A_1444 = arith.index_cast %add3A_1423 : i32 to index
        %get3A_1445 = arith.constant 32 : index
        %get3A_1446 = tpu.vector_load %arg10[%get3A_1444, %get3A_1445] {strides = array<i32>} : memref<128x128xf32, #tpu.memory_space<vmem>>, vector<1x16xf32>,
        %get3A_1447 = vector.shape_cast %get3A_1446 : vector<1x16xf32> to vector<16xf32>
        %mul3A_1448 = arith.mulf %get3A_1447, %gather3A_1419 : vector<16xf32>
        %swap3A_1449 = arith.index_cast %add3A_1423 : i32 to index
        %swap3A_1450 = arith.constant 32 : index
        %swap3A_1451 = tpu.vector_load %arg10[%swap3A_1449, %swap3A_1450] {strides = array<i32>} : memref<128x128xf32, #tpu.memory_space<vmem>>, vector<1x16xf32>,
        %swap3A_1452 = vector.shape_cast %swap3A_1451 : vector<1x16xf32> to vector<16xf32>
        %swap3A_1453 = vector.shape_cast %mul3A_1448 : vector<16xf32> to vector<1x16xf32>
        tpu.vector_store %arg10[%swap3A_1449, %swap3A_1450], %swap3A_1453 {strides = array<i32>} : memref<128x128xf32, #tpu.memory_space<vmem>>, vector<1x16xf32>,
        %get3A_1454 = arith.index_cast %add3A_1423 : i32 to index
        %get3A_1455 = arith.constant 48 : index
        %get3A_1456 = tpu.vector_load %arg10[%get3A_1454, %get3A_1455] {strides = array<i32>} : memref<128x128xf32, #tpu.memory_space<vmem>>, vector<1x16xf32>,
        %get3A_1457 = vector.shape_cast %get3A_1456 : vector<1x16xf32> to vector<16xf32>
        %mul3A_1458 = arith.mulf %get3A_1457, %gather3A_1419 : vector<16xf32>
        %swap3A_1459 = arith.index_cast %add3A_1423 : i32 to index
        %swap3A_1460 = arith.constant 48 : index
        %swap3A_1461 = tpu.vector_load %arg10[%swap3A_1459, %swap3A_1460] {strides = array<i32>} : memref<128x128xf32, #tpu.memory_space<vmem>>, vector<1x16xf32>,
        %swap3A_1462 = vector.shape_cast %swap3A_1461 : vector<1x16xf32> to vector<16xf32>
        %swap3A_1463 = vector.shape_cast %mul3A_1458 : vector<16xf32> to vector<1x16xf32>
        tpu.vector_store %arg10[%swap3A_1459, %swap3A_1460], %swap3A_1463 {strides = array<i32>} : memref<128x128xf32, #tpu.memory_space<vmem>>, vector<1x16xf32>,
        %get3A_1464 = arith.index_cast %add3A_1423 : i32 to index
        %get3A_1465 = arith.constant 64 : index
        %get3A_1466 = tpu.vector_load %arg10[%get3A_1464, %get3A_1465] {strides = array<i32>} : memref<128x128xf32, #tpu.memory_space<vmem>>, vector<1x16xf32>,
        %get3A_1467 = vector.shape_cast %get3A_1466 : vector<1x16xf32> to vector<16xf32>
        %mul3A_1468 = arith.mulf %get3A_1467, %gather3A_1419 : vector<16xf32>
        %swap3A_1469 = arith.index_cast %add3A_1423 : i32 to index
        %swap3A_1470 = arith.constant 64 : index
        %swap3A_1471 = tpu.vector_load %arg10[%swap3A_1469, %swap3A_1470] {strides = array<i32>} : memref<128x128xf32, #tpu.memory_space<vmem>>, vector<1x16xf32>,
        %swap3A_1472 = vector.shape_cast %swap3A_1471 : vector<1x16xf32> to vector<16xf32>
        %swap3A_1473 = vector.shape_cast %mul3A_1468 : vector<16xf32> to vector<1x16xf32>
        tpu.vector_store %arg10[%swap3A_1469, %swap3A_1470], %swap3A_1473 {strides = array<i32>} : memref<128x128xf32, #tpu.memory_space<vmem>>, vector<1x16xf32>,
        %get3A_1474 = arith.index_cast %add3A_1423 : i32 to index
        %get3A_1475 = arith.constant 80 : index
        %get3A_1476 = tpu.vector_load %arg10[%get3A_1474, %get3A_1475] {strides = array<i32>} : memref<128x128xf32, #tpu.memory_space<vmem>>, vector<1x16xf32>,
        %get3A_1477 = vector.shape_cast %get3A_1476 : vector<1x16xf32> to vector<16xf32>
        %mul3A_1478 = arith.mulf %get3A_1477, %gather3A_1419 : vector<16xf32>
        %swap3A_1479 = arith.index_cast %add3A_1423 : i32 to index
        %swap3A_1480 = arith.constant 80 : index
        %swap3A_1481 = tpu.vector_load %arg10[%swap3A_1479, %swap3A_1480] {strides = array<i32>} : memref<128x128xf32, #tpu.memory_space<vmem>>, vector<1x16xf32>,
        %swap3A_1482 = vector.shape_cast %swap3A_1481 : vector<1x16xf32> to vector<16xf32>
        %swap3A_1483 = vector.shape_cast %mul3A_1478 : vector<16xf32> to vector<1x16xf32>
        tpu.vector_store %arg10[%swap3A_1479, %swap3A_1480], %swap3A_1483 {strides = array<i32>} : memref<128x128xf32, #tpu.memory_space<vmem>>, vector<1x16xf32>,
        %get3A_1484 = arith.index_cast %add3A_1423 : i32 to index
        %get3A_1485 = arith.constant 96 : index
        %get3A_1486 = tpu.vector_load %arg10[%get3A_1484, %get3A_1485] {strides = array<i32>} : memref<128x128xf32, #tpu.memory_space<vmem>>, vector<1x16xf32>,
        %get3A_1487 = vector.shape_cast %get3A_1486 : vector<1x16xf32> to vector<16xf32>
        %mul3A_1488 = arith.mulf %get3A_1487, %gather3A_1419 : vector<16xf32>
        %swap3A_1489 = arith.index_cast %add3A_1423 : i32 to index
        %swap3A_1490 = arith.constant 96 : index
        %swap3A_1491 = tpu.vector_load %arg10[%swap3A_1489, %swap3A_1490] {strides = array<i32>} : memref<128x128xf32, #tpu.memory_space<vmem>>, vector<1x16xf32>,
        %swap3A_1492 = vector.shape_cast %swap3A_1491 : vector<1x16xf32> to vector<16xf32>
        %swap3A_1493 = vector.shape_cast %mul3A_1488 : vector<16xf32> to vector<1x16xf32>
        tpu.vector_store %arg10[%swap3A_1489, %swap3A_1490], %swap3A_1493 {strides = array<i32>} : memref<128x128xf32, #tpu.memory_space<vmem>>, vector<1x16xf32>,
        %get3A_1494 = arith.index_cast %add3A_1423 : i32 to index
        %get3A_1495 = arith.constant 112 : index
        %get3A_1496 = tpu.vector_load %arg10[%get3A_1494, %get3A_1495] {strides = array<i32>} : memref<128x128xf32, #tpu.memory_space<vmem>>, vector<1x16xf32>,
        %get3A_1497 = vector.shape_cast %get3A_1496 : vector<1x16xf32> to vector<16xf32>
        %mul3A_1498 = arith.mulf %get3A_1497, %gather3A_1419 : vector<16xf32>
        %swap3A_1499 = arith.index_cast %add3A_1423 : i32 to index
        %swap3A_1500 = arith.constant 112 : index
        %swap3A_1501 = tpu.vector_load %arg10[%swap3A_1499, %swap3A_1500] {strides = array<i32>} : memref<128x128xf32, #tpu.memory_space<vmem>>, vector<1x16xf32>,
        %swap3A_1502 = vector.shape_cast %swap3A_1501 : vector<1x16xf32> to vector<16xf32>
        %swap3A_1503 = vector.shape_cast %mul3A_1498 : vector<16xf32> to vector<1x16xf32>
        tpu.vector_store %arg10[%swap3A_1499, %swap3A_1500], %swap3A_1503 {strides = array<i32>} : memref<128x128xf32, #tpu.memory_space<vmem>>, vector<1x16xf32>,
        %broadcast_in_dim3A_1504 = arith.constant 15 : i32
        %broadcast_in_dim3A_1505 = vector.broadcast %broadcast_in_dim3A_1504 : i32 to vector<16x1xi32>
        %gather3A_1506 = vector.shape_cast %broadcast_in_dim3A_1505 : vector<16x1xi32> to vector<16xi32>
        %gather3A_1507 = tpu.dynamic_gather %get3A_184[%gather3A_1506] in [0] : vector<16xf32>, vector<16xi32> -> vector<16xf32>
        %mul3A_1508 = arith.constant 16 : i32
        %mul3A_1509 = arith.muli %scan3A_179, %mul3A_1508 : i32
        %add3A_1510 = arith.constant 15 : i32
        %add3A_1511 = arith.addi %mul3A_1509, %add3A_1510 : i32
        %get3A_1512 = arith.index_cast %add3A_1511 : i32 to index
        %get3A_1513 = arith.constant 0 : index
        %get3A_1514 = tpu.vector_load %arg10[%get3A_1512, %get3A_1513] {strides = array<i32>} : memref<128x128xf32, #tpu.memory_space<vmem>>, vector<1x16xf32>,
        %get3A_1515 = vector.shape_cast %get3A_1514 : vector<1x16xf32> to vector<16xf32>
        %mul3A_1516 = arith.mulf %get3A_1515, %gather3A_1507 : vector<16xf32>
        %swap3A_1517 = arith.index_cast %add3A_1511 : i32 to index
        %swap3A_1518 = arith.constant 0 : index
        %swap3A_1519 = tpu.vector_load %arg10[%swap3A_1517, %swap3A_1518] {strides = array<i32>} : memref<128x128xf32, #tpu.memory_space<vmem>>, vector<1x16xf32>,
        %swap3A_1520 = vector.shape_cast %swap3A_1519 : vector<1x16xf32> to vector<16xf32>
        %swap3A_1521 = vector.shape_cast %mul3A_1516 : vector<16xf32> to vector<1x16xf32>
        tpu.vector_store %arg10[%swap3A_1517, %swap3A_1518], %swap3A_1521 {strides = array<i32>} : memref<128x128xf32, #tpu.memory_space<vmem>>, vector<1x16xf32>,
        %get3A_1522 = arith.index_cast %add3A_1511 : i32 to index
        %get3A_1523 = arith.constant 16 : index
        %get3A_1524 = tpu.vector_load %arg10[%get3A_1522, %get3A_1523] {strides = array<i32>} : memref<128x128xf32, #tpu.memory_space<vmem>>, vector<1x16xf32>,
        %get3A_1525 = vector.shape_cast %get3A_1524 : vector<1x16xf32> to vector<16xf32>
        %mul3A_1526 = arith.mulf %get3A_1525, %gather3A_1507 : vector<16xf32>
        %swap3A_1527 = arith.index_cast %add3A_1511 : i32 to index
        %swap3A_1528 = arith.constant 16 : index
        %swap3A_1529 = tpu.vector_load %arg10[%swap3A_1527, %swap3A_1528] {strides = array<i32>} : memref<128x128xf32, #tpu.memory_space<vmem>>, vector<1x16xf32>,
        %swap3A_1530 = vector.shape_cast %swap3A_1529 : vector<1x16xf32> to vector<16xf32>
        %swap3A_1531 = vector.shape_cast %mul3A_1526 : vector<16xf32> to vector<1x16xf32>
        tpu.vector_store %arg10[%swap3A_1527, %swap3A_1528], %swap3A_1531 {strides = array<i32>} : memref<128x128xf32, #tpu.memory_space<vmem>>, vector<1x16xf32>,
        %get3A_1532 = arith.index_cast %add3A_1511 : i32 to index
        %get3A_1533 = arith.constant 32 : index
        %get3A_1534 = tpu.vector_load %arg10[%get3A_1532, %get3A_1533] {strides = array<i32>} : memref<128x128xf32, #tpu.memory_space<vmem>>, vector<1x16xf32>,
        %get3A_1535 = vector.shape_cast %get3A_1534 : vector<1x16xf32> to vector<16xf32>
        %mul3A_1536 = arith.mulf %get3A_1535, %gather3A_1507 : vector<16xf32>
        %swap3A_1537 = arith.index_cast %add3A_1511 : i32 to index
        %swap3A_1538 = arith.constant 32 : index
        %swap3A_1539 = tpu.vector_load %arg10[%swap3A_1537, %swap3A_1538] {strides = array<i32>} : memref<128x128xf32, #tpu.memory_space<vmem>>, vector<1x16xf32>,
        %swap3A_1540 = vector.shape_cast %swap3A_1539 : vector<1x16xf32> to vector<16xf32>
        %swap3A_1541 = vector.shape_cast %mul3A_1536 : vector<16xf32> to vector<1x16xf32>
        tpu.vector_store %arg10[%swap3A_1537, %swap3A_1538], %swap3A_1541 {strides = array<i32>} : memref<128x128xf32, #tpu.memory_space<vmem>>, vector<1x16xf32>,
        %get3A_1542 = arith.index_cast %add3A_1511 : i32 to index
        %get3A_1543 = arith.constant 48 : index
        %get3A_1544 = tpu.vector_load %arg10[%get3A_1542, %get3A_1543] {strides = array<i32>} : memref<128x128xf32, #tpu.memory_space<vmem>>, vector<1x16xf32>,
        %get3A_1545 = vector.shape_cast %get3A_1544 : vector<1x16xf32> to vector<16xf32>
        %mul3A_1546 = arith.mulf %get3A_1545, %gather3A_1507 : vector<16xf32>
        %swap3A_1547 = arith.index_cast %add3A_1511 : i32 to index
        %swap3A_1548 = arith.constant 48 : index
        %swap3A_1549 = tpu.vector_load %arg10[%swap3A_1547, %swap3A_1548] {strides = array<i32>} : memref<128x128xf32, #tpu.memory_space<vmem>>, vector<1x16xf32>,
        %swap3A_1550 = vector.shape_cast %swap3A_1549 : vector<1x16xf32> to vector<16xf32>
        %swap3A_1551 = vector.shape_cast %mul3A_1546 : vector<16xf32> to vector<1x16xf32>
        tpu.vector_store %arg10[%swap3A_1547, %swap3A_1548], %swap3A_1551 {strides = array<i32>} : memref<128x128xf32, #tpu.memory_space<vmem>>, vector<1x16xf32>,
        %get3A_1552 = arith.index_cast %add3A_1511 : i32 to index
        %get3A_1553 = arith.constant 64 : index
        %get3A_1554 = tpu.vector_load %arg10[%get3A_1552, %get3A_1553] {strides = array<i32>} : memref<128x128xf32, #tpu.memory_space<vmem>>, vector<1x16xf32>,
        %get3A_1555 = vector.shape_cast %get3A_1554 : vector<1x16xf32> to vector<16xf32>
        %mul3A_1556 = arith.mulf %get3A_1555, %gather3A_1507 : vector<16xf32>
        %swap3A_1557 = arith.index_cast %add3A_1511 : i32 to index
        %swap3A_1558 = arith.constant 64 : index
        %swap3A_1559 = tpu.vector_load %arg10[%swap3A_1557, %swap3A_1558] {strides = array<i32>} : memref<128x128xf32, #tpu.memory_space<vmem>>, vector<1x16xf32>,
        %swap3A_1560 = vector.shape_cast %swap3A_1559 : vector<1x16xf32> to vector<16xf32>
        %swap3A_1561 = vector.shape_cast %mul3A_1556 : vector<16xf32> to vector<1x16xf32>
        tpu.vector_store %arg10[%swap3A_1557, %swap3A_1558], %swap3A_1561 {strides = array<i32>} : memref<128x128xf32, #tpu.memory_space<vmem>>, vector<1x16xf32>,
        %get3A_1562 = arith.index_cast %add3A_1511 : i32 to index
        %get3A_1563 = arith.constant 80 : index
        %get3A_1564 = tpu.vector_load %arg10[%get3A_1562, %get3A_1563] {strides = array<i32>} : memref<128x128xf32, #tpu.memory_space<vmem>>, vector<1x16xf32>,
        %get3A_1565 = vector.shape_cast %get3A_1564 : vector<1x16xf32> to vector<16xf32>
        %mul3A_1566 = arith.mulf %get3A_1565, %gather3A_1507 : vector<16xf32>
        %swap3A_1567 = arith.index_cast %add3A_1511 : i32 to index
        %swap3A_1568 = arith.constant 80 : index
        %swap3A_1569 = tpu.vector_load %arg10[%swap3A_1567, %swap3A_1568] {strides = array<i32>} : memref<128x128xf32, #tpu.memory_space<vmem>>, vector<1x16xf32>,
        %swap3A_1570 = vector.shape_cast %swap3A_1569 : vector<1x16xf32> to vector<16xf32>
        %swap3A_1571 = vector.shape_cast %mul3A_1566 : vector<16xf32> to vector<1x16xf32>
        tpu.vector_store %arg10[%swap3A_1567, %swap3A_1568], %swap3A_1571 {strides = array<i32>} : memref<128x128xf32, #tpu.memory_space<vmem>>, vector<1x16xf32>,
        %get3A_1572 = arith.index_cast %add3A_1511 : i32 to index
        %get3A_1573 = arith.constant 96 : index
        %get3A_1574 = tpu.vector_load %arg10[%get3A_1572, %get3A_1573] {strides = array<i32>} : memref<128x128xf32, #tpu.memory_space<vmem>>, vector<1x16xf32>,
        %get3A_1575 = vector.shape_cast %get3A_1574 : vector<1x16xf32> to vector<16xf32>
        %mul3A_1576 = arith.mulf %get3A_1575, %gather3A_1507 : vector<16xf32>
        %swap3A_1577 = arith.index_cast %add3A_1511 : i32 to index
        %swap3A_1578 = arith.constant 96 : index
        %swap3A_1579 = tpu.vector_load %arg10[%swap3A_1577, %swap3A_1578] {strides = array<i32>} : memref<128x128xf32, #tpu.memory_space<vmem>>, vector<1x16xf32>,
        %swap3A_1580 = vector.shape_cast %swap3A_1579 : vector<1x16xf32> to vector<16xf32>
        %swap3A_1581 = vector.shape_cast %mul3A_1576 : vector<16xf32> to vector<1x16xf32>
        tpu.vector_store %arg10[%swap3A_1577, %swap3A_1578], %swap3A_1581 {strides = array<i32>} : memref<128x128xf32, #tpu.memory_space<vmem>>, vector<1x16xf32>,
        %get3A_1582 = arith.index_cast %add3A_1511 : i32 to index
        %get3A_1583 = arith.constant 112 : index
        %get3A_1584 = tpu.vector_load %arg10[%get3A_1582, %get3A_1583] {strides = array<i32>} : memref<128x128xf32, #tpu.memory_space<vmem>>, vector<1x16xf32>,
        %get3A_1585 = vector.shape_cast %get3A_1584 : vector<1x16xf32> to vector<16xf32>
        %mul3A_1586 = arith.mulf %get3A_1585, %gather3A_1507 : vector<16xf32>
        %swap3A_1587 = arith.index_cast %add3A_1511 : i32 to index
        %swap3A_1588 = arith.constant 112 : index
        %swap3A_1589 = tpu.vector_load %arg10[%swap3A_1587, %swap3A_1588] {strides = array<i32>} : memref<128x128xf32, #tpu.memory_space<vmem>>, vector<1x16xf32>,
        %swap3A_1590 = vector.shape_cast %swap3A_1589 : vector<1x16xf32> to vector<16xf32>
        %swap3A_1591 = vector.shape_cast %mul3A_1586 : vector<16xf32> to vector<1x16xf32>
        tpu.vector_store %arg10[%swap3A_1587, %swap3A_1588], %swap3A_1591 {strides = array<i32>} : memref<128x128xf32, #tpu.memory_space<vmem>>, vector<1x16xf32>,
      }
      %scan3A_178 = arith.constant 8 : i32
      "tpu.region"() ({
        %run_scoped3A = tpu.sem_alloc : memref<!tpu.dma_semaphore, #tpu.memory_space<semaphore_mem>>
        %dma_start3A_179 = arith.constant 0 : i32
        %dma_start3A_180 = arith.constant 0 : i32
        %dma_start3A_181 = tpu.memref_slice %arg12[%dma_start3A_179, %dma_start3A_180] : memref<5128x128xf32, #tpu.memory_space<vmem_shared>> -> memref<5128x128xf32, #tpu.memory_space<vmem_shared>>
        tpu.enqueue_indirect_dma source(%arg10 : memref<128x128xf32, #tpu.memory_space<vmem>>) target(%dma_start3A_181 : memref<5128x128xf32, #tpu.memory_space<vmem_shared>>) offsets(%arg8 : memref<128xi32, #tpu.memory_space<vmem>>) semaphore(%run_scoped3A : memref<!tpu.dma_semaphore, #tpu.memory_space<semaphore_mem>>) {add = true}
        %dma_wait3A_182 = arith.constant 0 : i32
        %dma_wait3A_183 = arith.constant 0 : i32
        %dma_wait3A_184 = tpu.memref_slice %arg12[%dma_wait3A_182, %dma_wait3A_183] : memref<5128x128xf32, #tpu.memory_space<vmem_shared>> -> memref<5128x128xf32, #tpu.memory_space<vmem_shared>>
        tpu.wait_indirect_dma semaphore(%run_scoped3A : memref<!tpu.dma_semaphore, #tpu.memory_space<semaphore_mem>>) src(%arg10 : memref<128x128xf32, #tpu.memory_space<vmem>>) dst(%dma_wait3A_184 : memref<5128x128xf32, #tpu.memory_space<vmem_shared>>)
        tpu.yield
      }) : () -> ()
    }
    %scan3A_15 = arith.constant 158 : i32
    %barrier3A_16 = arith.constant 0 : index
    tpu.barrier barrier_id(%barrier3A_16)
    %mul3A_17 = arith.constant 320 : i32
    %mul3A_18 = arith.muli %arg1, %mul3A_17 : i32
    %mul3A_19 = arith.constant 320 : i32
    %mul3A_20 = arith.muli %arg1, %mul3A_19 : i32
    %add3A = arith.addi %mul3A_9, %mul3A_20 : i32
    "tpu.region"() ({
      %run_scoped3A = tpu.sem_alloc : memref<!tpu.dma_semaphore, #tpu.memory_space<semaphore_mem>>
      %dma_start3A = arith.constant 0 : i32
      %dma_start3A_21 = tpu.memref_slice %arg6[%add3A, %dma_start3A] : memref<10240x128xf32, #tpu.memory_space<hbm>> -> memref<320x128xf32, #tpu.memory_space<hbm>>
      %dma_start3A_22 = arith.constant 0 : i32
      %dma_start3A_23 = tpu.memref_slice %arg12[%mul3A_18, %dma_start3A_22] : memref<5128x128xf32, #tpu.memory_space<vmem_shared>> -> memref<320x128xf32, #tpu.memory_space<vmem_shared>>
      tpu.enqueue_dma source(%dma_start3A_23 : memref<320x128xf32, #tpu.memory_space<vmem_shared>>) target(%dma_start3A_21 : memref<320x128xf32, #tpu.memory_space<hbm>>) target_semaphore(%run_scoped3A : memref<!tpu.dma_semaphore, #tpu.memory_space<semaphore_mem>>)
      %dma_wait3A = arith.constant 0 : i32
      %dma_wait3A_24 = tpu.memref_slice %arg6[%add3A, %dma_wait3A] : memref<10240x128xf32, #tpu.memory_space<hbm>> -> memref<320x128xf32, #tpu.memory_space<hbm>>
      %dma_wait3A_25 = arith.constant 0 : i32
      %dma_wait3A_26 = tpu.memref_slice %arg12[%mul3A_18, %dma_wait3A_25] : memref<5128x128xf32, #tpu.memory_space<vmem_shared>> -> memref<320x128xf32, #tpu.memory_space<vmem_shared>>
      tpu.wait_dma2 semaphore(%run_scoped3A : memref<!tpu.dma_semaphore, #tpu.memory_space<semaphore_mem>>) src(%dma_wait3A_26 : memref<320x128xf32, #tpu.memory_space<vmem_shared>>) dst(%dma_wait3A_24 : memref<320x128xf32, #tpu.memory_space<hbm>>)
      tpu.yield
    }) : () -> ()
    return
  }
}

module attributes {stable_mosaic.version = 14 : i64} {
  func.func @_project_kernel(%arg0: i32, %arg1: memref<1000x128xf32, #tpu.memory_space<vmem>>, %arg2: memref<128x128xf32, #tpu.memory_space<vmem>>, %arg3: memref<1x128xf32, #tpu.memory_space<vmem>>, %arg4: memref<1000x1xf32, #tpu.memory_space<vmem>>, %arg5: memref<1000x128xf32, #tpu.memory_space<vmem>>) attributes {dimension_semantics = [#tpu.dimension_semantics<arbitrary>], iteration_bounds = array<i64: 10>, scalar_prefetch = 0 : i64, scratch_operands = 0 : i64, tpu.core_type = #tpu.core_type<tc>, window_params = [{transform_indices = @transform_0, window_bounds = array<i64: 1000, 128>}, {pipeline_mode = #tpu.pipeline_mode<synchronous>, transform_indices = @transform_1, window_bounds = array<i64: 128, 128>}, {pipeline_mode = #tpu.pipeline_mode<synchronous>, transform_indices = @transform_2, window_bounds = array<i64: 1, 128>}, {transform_indices = @transform_3, window_bounds = array<i64: 1000, 1>}, {transform_indices = @transform_4, window_bounds = array<i64: 1000, 128>}]} {
    %get3A = arith.constant 0 : index
    %get3A_0 = arith.constant 0 : index
    %get3A_1 = vector.load %arg1[%get3A, %get3A_0] : memref<1000x128xf32, #tpu.memory_space<vmem>>, vector<1000x128xf32>
    %get3A_2 = arith.constant 0 : index
    %get3A_3 = arith.constant 0 : index
    %get3A_4 = vector.load %arg2[%get3A_2, %get3A_3] : memref<128x128xf32, #tpu.memory_space<vmem>>, vector<128x128xf32>
    %dot_general3A = arith.constant dense<0.000000e+00> : vector<1000x128xf32>
    %dot_general3A_5 = tpu.matmul %get3A_1, %get3A_4, %dot_general3A {dimension_numbers = #tpu.dot_dimension_numbers<[1], [0], [0], [1], [0, 0, 1, 1], [], []>, transpose_lhs_hint = false} : vector<1000x128xf32>, vector<128x128xf32>, vector<1000x128xf32> -> vector<1000x128xf32>
    %get3A_6 = arith.constant 0 : index
    %get3A_7 = arith.constant 0 : index
    %get3A_8 = vector.load %arg3[%get3A_6, %get3A_7] : memref<1x128xf32, #tpu.memory_space<vmem>>, vector<1x128xf32>
    %add3A = vector.broadcast %get3A_8 : vector<1x128xf32> to vector<1000x128xf32>
    %add3A_9 = arith.addf %dot_general3A_5, %add3A : vector<1000x128xf32>
    %max3A = arith.constant 0.000000e+00 : f32
    %max3A_10 = vector.broadcast %max3A : f32 to vector<1000x128xf32>
    %max3A_11 = arith.maximumf %add3A_9, %max3A_10 : vector<1000x128xf32>
    %get3A_12 = arith.constant 0 : index
    %get3A_13 = arith.constant 0 : index
    %get3A_14 = vector.load %arg4[%get3A_12, %get3A_13] : memref<1000x1xf32, #tpu.memory_space<vmem>>, vector<1000x1xf32>
    %mul3A = vector.broadcast %get3A_14 : vector<1000x1xf32> to vector<1000x128xf32>
    %mul3A_15 = arith.mulf %max3A_11, %mul3A : vector<1000x128xf32>
    %swap3A = arith.constant 0 : index
    %swap3A_16 = arith.constant 0 : index
    %swap3A_17 = vector.load %arg5[%swap3A, %swap3A_16] : memref<1000x128xf32, #tpu.memory_space<vmem>>, vector<1000x128xf32>
    tpu.vector_store %arg5[%swap3A, %swap3A_16], %mul3A_15 {strides = array<i32>} : memref<1000x128xf32, #tpu.memory_space<vmem>>, vector<1000x128xf32>,
    return
  }
  func.func @transform_0(%arg0: i32) -> (i32, i32) {
    %c0_i32 = arith.constant 0 : i32
    %c0_i32_0 = arith.constant 0 : i32
    return %arg0, %c0_i32 : i32, i32
  }
  func.func @transform_1(%arg0: i32) -> (i32, i32) {
    %c0_i32 = arith.constant 0 : i32
    %c0_i32_0 = arith.constant 0 : i32
    %c0_i32_1 = arith.constant 0 : i32
    return %c0_i32, %c0_i32_0 : i32, i32
  }
  func.func @transform_2(%arg0: i32) -> (i32, i32) {
    %c0_i32 = arith.constant 0 : i32
    %c0_i32_0 = arith.constant 0 : i32
    %c0_i32_1 = arith.constant 0 : i32
    return %c0_i32, %c0_i32_0 : i32, i32
  }
  func.func @transform_3(%arg0: i32) -> (i32, i32) {
    %c0_i32 = arith.constant 0 : i32
    %c0_i32_0 = arith.constant 0 : i32
    return %arg0, %c0_i32 : i32, i32
  }
  func.func @transform_4(%arg0: i32) -> (i32, i32) {
    %c0_i32 = arith.constant 0 : i32
    %c0_i32_0 = arith.constant 0 : i32
    return %arg0, %c0_i32 : i32, i32
  }
}

module attributes {stable_mosaic.version = 14 : i64} {
  func.func @_combine_kernel(%arg0: i32, %arg1: memref<2x1000x128xf32, #tpu.memory_space<vmem>>, %arg2: memref<1000x1xf32, #tpu.memory_space<vmem>>, %arg3: memref<1000x128xf32, #tpu.memory_space<vmem>>) attributes {dimension_semantics = [#tpu.dimension_semantics<arbitrary>], iteration_bounds = array<i64: 2>, scalar_prefetch = 0 : i64, scratch_operands = 0 : i64, tpu.core_type = #tpu.core_type<tc>, window_params = [{transform_indices = @transform_0, window_bounds = array<i64: 2, 1000, 128>}, {transform_indices = @transform_1, window_bounds = array<i64: 1000, 1>}, {transform_indices = @transform_2, window_bounds = array<i64: 1000, 128>}]} {
    %get3A = arith.constant 0 : index
    %get3A_0 = arith.constant 0 : index
    %get3A_1 = arith.constant 0 : index
    %get3A_2 = vector.load %arg1[%get3A, %get3A_0, %get3A_1] : memref<2x1000x128xf32, #tpu.memory_space<vmem>>, vector<1x1000x128xf32>
    %get3A_3 = vector.shape_cast %get3A_2 : vector<1x1000x128xf32> to vector<1000x128xf32>
    %get3A_4 = arith.constant 1 : index
    %get3A_5 = arith.constant 0 : index
    %get3A_6 = arith.constant 0 : index
    %get3A_7 = vector.load %arg1[%get3A_4, %get3A_5, %get3A_6] : memref<2x1000x128xf32, #tpu.memory_space<vmem>>, vector<1x1000x128xf32>
    %get3A_8 = vector.shape_cast %get3A_7 : vector<1x1000x128xf32> to vector<1000x128xf32>
    %add3A = arith.addf %get3A_3, %get3A_8 : vector<1000x128xf32>
    %get3A_9 = arith.constant 0 : index
    %get3A_10 = arith.constant 0 : index
    %get3A_11 = vector.load %arg2[%get3A_9, %get3A_10] : memref<1000x1xf32, #tpu.memory_space<vmem>>, vector<1000x1xf32>
    %mul3A = vector.broadcast %get3A_11 : vector<1000x1xf32> to vector<1000x128xf32>
    %mul3A_12 = arith.mulf %add3A, %mul3A : vector<1000x128xf32>
    %swap3A = arith.constant 0 : index
    %swap3A_13 = arith.constant 0 : index
    %swap3A_14 = vector.load %arg3[%swap3A, %swap3A_13] : memref<1000x128xf32, #tpu.memory_space<vmem>>, vector<1000x128xf32>
    tpu.vector_store %arg3[%swap3A, %swap3A_13], %mul3A_12 {strides = array<i32>} : memref<1000x128xf32, #tpu.memory_space<vmem>>, vector<1000x128xf32>,
    return
  }
  func.func @transform_0(%arg0: i32) -> (i32, i32, i32) {
    %c0_i32 = arith.constant 0 : i32
    %c0_i32_0 = arith.constant 0 : i32
    %c0_i32_1 = arith.constant 0 : i32
    return %c0_i32, %arg0, %c0_i32_0 : i32, i32, i32
  }
  func.func @transform_1(%arg0: i32) -> (i32, i32) {
    %c0_i32 = arith.constant 0 : i32
    %c0_i32_0 = arith.constant 0 : i32
    return %arg0, %c0_i32 : i32, i32
  }
  func.func @transform_2(%arg0: i32) -> (i32, i32) {
    %c0_i32 = arith.constant 0 : i32
    %c0_i32_0 = arith.constant 0 : i32
    return %arg0, %c0_i32 : i32, i32
  }
}

module attributes {stable_mosaic.version = 14 : i64} {
  func.func @_scale_kernel(%arg0: i32, %arg1: memref<1000x128xf32, #tpu.memory_space<vmem>>, %arg2: memref<1000x1xf32, #tpu.memory_space<vmem>>, %arg3: memref<1000x128xf32, #tpu.memory_space<vmem>>) attributes {dimension_semantics = [#tpu.dimension_semantics<arbitrary>], iteration_bounds = array<i64: 10>, scalar_prefetch = 0 : i64, scratch_operands = 0 : i64, tpu.core_type = #tpu.core_type<tc>, window_params = [{transform_indices = @transform_0, window_bounds = array<i64: 1000, 128>}, {transform_indices = @transform_1, window_bounds = array<i64: 1000, 1>}, {transform_indices = @transform_2, window_bounds = array<i64: 1000, 128>}]} {
    %get3A = arith.constant 0 : index
    %get3A_0 = arith.constant 0 : index
    %get3A_1 = vector.load %arg1[%get3A, %get3A_0] : memref<1000x128xf32, #tpu.memory_space<vmem>>, vector<1000x128xf32>
    %get3A_2 = arith.constant 0 : index
    %get3A_3 = arith.constant 0 : index
    %get3A_4 = vector.load %arg2[%get3A_2, %get3A_3] : memref<1000x1xf32, #tpu.memory_space<vmem>>, vector<1000x1xf32>
    %mul3A = vector.broadcast %get3A_4 : vector<1000x1xf32> to vector<1000x128xf32>
    %mul3A_5 = arith.mulf %get3A_1, %mul3A : vector<1000x128xf32>
    %swap3A = arith.constant 0 : index
    %swap3A_6 = arith.constant 0 : index
    %swap3A_7 = vector.load %arg3[%swap3A, %swap3A_6] : memref<1000x128xf32, #tpu.memory_space<vmem>>, vector<1000x128xf32>
    tpu.vector_store %arg3[%swap3A, %swap3A_6], %mul3A_5 {strides = array<i32>} : memref<1000x128xf32, #tpu.memory_space<vmem>>, vector<1000x128xf32>,
    return
  }
  func.func @transform_0(%arg0: i32) -> (i32, i32) {
    %c0_i32 = arith.constant 0 : i32
    %c0_i32_0 = arith.constant 0 : i32
    return %arg0, %c0_i32 : i32, i32
  }
  func.func @transform_1(%arg0: i32) -> (i32, i32) {
    %c0_i32 = arith.constant 0 : i32
    %c0_i32_0 = arith.constant 0 : i32
    return %arg0, %c0_i32 : i32, i32
  }
  func.func @transform_2(%arg0: i32) -> (i32, i32) {
    %c0_i32 = arith.constant 0 : i32
    %c0_i32_0 = arith.constant 0 : i32
    return %arg0, %c0_i32 : i32, i32
  }
}

</mosaic_0001>

<sc_bundles>
// kernel: kernel.10.cloned.1.call-start
scs
__scs_entry_jumppad:
0x0: {  	(pc) =	sbr.rel $0x88, $3  }
0x1: {  	(tag) =	ssettag $0x0;
	lr =	simm.s32 $0x1  }
0x2: {  	[smem:$0x3F98] =	sst lr;
	_ =	strace $0xD0000000  }
0x3: {  	_ = 	snop  }
0x4: {  	_ = 	snop  }
0x5: {  	_ = 	snop  }
0x6: {  	_ = 	snop  }
0x7: {  	_ = 	snop  }
__scs_overlays_trampoline_lowered:
0x8: {  	[smem:$0x3FA7] =	sst s0  }
0x9: {  	[smem:$0x3FA8] =	sst s1  }
0xa: {  	[smem:$0x3FA9] =	sst s2  }
0xb: {  	[smem:$0x3FAA] =	sst s3  }
0xc: {  	[smem:$0x3FAB] =	sst s4  }
0xd: {  	[smem:$0x3FAC] =	sst s5  }
0xe: {  	[smem:$0x3FAD] =	sst s6  }
0xf: {  	[smem:$0x3FAE] =	sst s7  }
0x10: {  	[smem:$0x3FAF] =	sst s8  }
0x11: {  	[smem:$0x3FB0] =	sst s9;
	s0 =	simm.s32 @!p0 $0x0  }
0x12: {  	s1 =	sld [smem:$0x3F96];
	s0 =	simm.s32 @p0 $0x1  }
0x13: {  	[smem:$0x3FB1] =	sst s0;
	s0 =	simm.s32 @!p1 $0x0  }
0x14: {  	s2 =	sld [smem:$0x3F95];
	s0 =	simm.s32 @p1 $0x1  }
0x15: {  	[smem:$0x3FB2] =	sst s0;
	s0 =	simm.s32 @!p2 $0x0  }
0x16: {  	s3 =	sld [smem:$0x3FDB];
	s0 =	simm.s32 @p2 $0x1  }
0x17: {  	s4 =	simm.s32 $0x1BF5;
	[smem:$0x3FB4] =	sst s0  }
0x18: {  	s0 =	sld [smem:$0x3F97];
	_ =	swait.ge [sflag:s4], $0x0  }
0x19: {  	s7 =	sld [smem:$0x3F98]  }
0x1a: {  	s8 =	sadd.s32 $0xFFFFE003, lr  }
0x1b: {  	s9 =	sadd.s32 $0xFFFFFEF7, lr;
	s5 =	simm.s32 $0xFFFFFFFF;
	p2 =	slt.u32 s8, $0xFFFFF086  }
0x1c: {  	p1 =	slt.u32 s9, $0xF7A;
	s5 =	simm.s32 @!p2 $0x0  }
0x1d: {  	s5 =	simm.s32 @p1 $0x1;
	p0 =	seq.s32 s7, s2  }
0x1e: {  	s7 =	smul.u32 @!p0 $0xF7A, s2;
	p2 =	seq.s32 @!p0 s5, $0x0  }
0x1f: {  	s9 =	smul.u32 $0xF7A, s1;
	s8 =	simm.s32 @!p0 $0x1BF5;
	p2 =	por !p2, p0  }
0x20: {  	[sflag:s8] =	ssyncset.s32 @!p0 $0xFFFFF086;
	s6 =	sadd.s32 @!p0 s3, s7;
	s7 =	simm.s32 @!p0 $0x108  }
0x21: {  	s3 =	sadd.s32 s3, s9;
	s6 =	sadd.s32 @!p0 $0x88, s6;
	s7 =	simm.s32 @p2 $0x1082  }
0x22: {  	[simem:s7], [sflag:s8] =	dma.local @!p0 [hbm:s6], $0xF7A  }
0x23: {  	s9 =	sor.u32 $0xD0000000, s2;
	s6 =	simm.s32 $0x108;
	_ =	swait.ge @!p0 [sflag:s8], $0x0  }
0x24: {  	s3 =	sadd.s32 $0x88, s3;
	s6 =	simm.s32 @!p1 $0x1082;
	[sflag:s4] =	ssyncset.s32 $0xFFFFF086  }
0x25: {  	[simem:s6], [sflag:s4] =	dma.local [hbm:s3], $0xF7A  }
0x26: {  	[smem:$0x3F98] =	sst s1;
	(tag) =	ssettag s2;
	_ =	strace s9  }
0x27: {  	s1 =	sld [smem:$0x3FA8]  }
0x28: {  	s2 =	sld [smem:$0x3FA9]  }
0x29: {  	s4 =	sld [smem:$0x3FAB]  }
0x2a: {  	p0 =	seq.s32 s5, $0x0;
	s5 =	sld [smem:$0x3FAC]  }
0x2b: {  	s6 =	sld [smem:$0x3FAD]  }
0x2c: {  	s7 =	sld [smem:$0x3FAE]  }
0x2d: {  	s3 =	simm.s32 $0x108;
	s8 =	sld [smem:$0x3FAF]  }
0x2e: {  	s3 =	simm.s32 @!p0 $0x1082;
	s9 =	sld [smem:$0x3FB0]  }
0x2f: {  	lr =	sadd.s32 s0, s3;
	s0 =	sld [smem:$0x3FA7]  }
0x30: {  	s3 =	sld [smem:$0x3FAA]  }
0x31: {  	[smem:$0x3FB3] =	sst s10  }
0x32: {  	s10 =	sld [smem:$0x3FB1];
	_ =	sdelay $0x3  }
0x33: {  	p0 =	seq.s32 s10, $0x1;
	s10 =	sld [smem:$0x3FB3];
	_ =	sdelay $0x3  }
0x34: {  	[smem:$0x3FB3] =	sst s10  }
0x35: {  	s10 =	sld [smem:$0x3FB2];
	_ =	sdelay $0x3  }
0x36: {  	p1 =	seq.s32 s10, $0x1;
	s10 =	sld [smem:$0x3FB3];
	_ =	sdelay $0x3  }
0x37: {  	[smem:$0x3FB3] =	sst s10  }
0x38: {  	s10 =	sld [smem:$0x3FB4]  }
0x39: {  	_ = 	snop;
	(pc) =	sbr.ind lr, $3  }
0x3a: {  	_ = 	snop  }
0x3b: {  	_ = 	snop  }
0x3c: {  	p2 =	seq.s32 s10, $0x1;
	s10 =	sld [smem:$0x3FB3]  }
0x3d: {  	_ =	shalt  }
0x3e: {  	_ =	shalt  }
0x3f: {  	_ =	shalt  }
0x40: {  	_ =	shalt  }
0x41: {  	_ =	shalt  }
0x42: {  	_ =	shalt  }
0x43: {  	_ =	shalt  }
0x44: {  	_ =	shalt  }
0x45: {  	_ =	shalt  }
0x46: {  	_ =	shalt  }
0x47: {  	_ =	shalt  }
0x48: {  	_ =	shalt  }
0x49: {  	_ =	shalt  }
0x4a: {  	_ =	shalt  }
0x4b: {  	_ =	shalt  }
0x4c: {  	_ =	shalt  }
0x4d: {  	_ =	shalt  }
0x4e: {  	_ =	shalt  }
0x4f: {  	_ =	shalt  }
0x50: {  	_ =	shalt  }
0x51: {  	_ =	shalt  }
0x52: {  	_ =	shalt  }
0x53: {  	_ =	shalt  }
0x54: {  	_ =	shalt  }
0x55: {  	_ =	shalt  }
0x56: {  	_ =	shalt  }
0x57: {  	_ =	shalt  }
0x58: {  	_ =	shalt  }
0x59: {  	_ =	shalt  }
0x5a: {  	_ =	shalt  }
0x5b: {  	_ =	shalt  }
0x5c: {  	_ =	shalt  }
0x5d: {  	_ =	shalt  }
0x5e: {  	_ =	shalt  }
0x5f: {  	_ =	shalt  }
0x60: {  	_ =	shalt  }
0x61: {  	_ =	shalt  }
0x62: {  	_ =	shalt  }
0x63: {  	_ =	shalt  }
0x64: {  	_ =	shalt  }
0x65: {  	_ =	shalt  }
0x66: {  	_ =	shalt  }
0x67: {  	_ =	shalt  }
0x68: {  	_ =	shalt  }
0x69: {  	_ =	shalt  }
0x6a: {  	_ =	shalt  }
0x6b: {  	_ =	shalt  }
0x6c: {  	_ =	shalt  }
0x6d: {  	_ =	shalt  }
0x6e: {  	_ =	shalt  }
0x6f: {  	_ =	shalt  }
0x70: {  	_ =	shalt  }
0x71: {  	_ =	shalt  }
0x72: {  	_ =	shalt  }
0x73: {  	_ =	shalt  }
0x74: {  	_ =	shalt  }
0x75: {  	_ =	shalt  }
0x76: {  	_ =	shalt  }
0x77: {  	_ =	shalt  }
0x78: {  	_ =	shalt  }
0x79: {  	_ =	shalt  }
0x7a: {  	_ =	shalt  }
0x7b: {  	_ =	shalt  }
0x7c: {  	_ =	shalt  }
0x7d: {  	_ =	shalt  }
0x7e: {  	_ =	shalt  }
0x7f: {  	_ =	shalt  }
0x80: {  	_ =	shalt  }
0x81: {  	_ =	shalt  }
0x82: {  	_ =	shalt  }
0x83: {  	_ =	shalt  }
0x84: {  	_ =	shalt  }
0x85: {  	_ =	shalt  }
0x86: {  	_ =	shalt  }
0x87: {  	_ =	shalt  }
.Lfunc_end0:
.L_simem_size_0:
called_computation.1_lowered:
.L_overlay_start_0:
0x88: {  	s2 =	sld [smem:$0x3FD9]  }
0x89: {  	s3 =	sld [smem:$0x3FFE];
	_ =	sdelay $0x1  }
0x8a: {  	s1 =	srdreg.scid  }
0x8b: {  	s0 =	sand.u32 $0x1, s1  }
0x8c: {  	s17 =	sshll.u32 s0, $0xA;
	s2 =	sadd.s32 s3, s2  }
0x8d: {  	s2 =	sadd.s32 s2, s17  }
0x8e: {  	[smem:$0x3FBF] =	sst s2  }
0x8f: {  	_ = 	snop  }
0x90: {  	s2 =	sld [smem:$0x3FD0];
	(tm) =	ssettm $0x1  }
0x91: {  	s18 =	sld [smem:$0x3FFB];
	_ =	sdelay $0x3  }
0x92: {  	_ =	strace s18  }
0x93: {  	s3 =	sld [smem:$0x3FFC];
	_ =	sdelay $0x3  }
0x94: {  	_ =	strace s3  }
0x95: {  	s3 =	sld [smem:$0x3FFD];
	_ =	sdelay $0x3  }
0x96: {  	_ =	strace s3  }
0x97: {  	_ =	strace $0x8FFFFFFF  }
0x98: {  	s19 =	sld [smem:$0x3FDB];
	_ =	sdelay $0x1  }
0x99: {  	s4 =	simm.s32 $_scs_section_size  }
0x9a: {  	s5 =	simm.s32 $_size__tile_overlayer_lowered;
	s6 =	simm.s32 $_tile_overlayer_lowered  }
0x9b: {  	s22 =	simm.s32 $0x1BFF;
	s21 =	sshll.u32 s6, $0x1;
	s3 =	sadd.s32 s4, s19  }
0x9c: {  	s7 =	simm.s32 $0x0;
	s20 =	sshll.u32 s5, $0x1;
	s5 =	sadd.s32 s21, s3  }
0x9d: {  	[timem:s7], [sflag:s22] =	dma.local [hbm:s5], s20  }
0x9e: {  	_ =	swait.ge [sflag:s22], s20  }
0x9f: {  	s4 =	ssub.s32 $0x0, s20;
	[sflag:s22] =	ssyncset.done $0x0  }
0xa0: {  	[sflag:s22] =	ssyncadd.s32 s4;
	_ =	sdelay $0x1  }
0xa1: {  	s23 =	simm.s32 $0x1B8B  }
0xa2: {  	_ =	swait.ge [sflag:s23], $0x1  }
0xa3: {  	[sflag:s23] =	ssyncset.done $0x0  }
0xa4: {  	s25 =	simm.s32 $0x1B8E;
	s24 =	sld [smem:$0x3FFE];
	[sflag:s23] =	ssyncadd.s32 $0xFFFFFFFF  }
0xa5: {  	s26 =	simm.s32 $execute0_lowered;
	[smem:$0x3FD2] =	sst s25  }
0xa6: {  	s5 =	sshll.u32 s26, $0x1;
	_ =	strace $0x80000049;
	[dreg:$0x1] =	wrdreg $0xFFFFFFFF  }
0xa7: {  	s28 =	simm.s32 $_size_execute0_lowered;
	s3 =	sadd.s32 s3, s5;
	[dreg:$0x0] =	wrdreg $0x0  }
0xa8: {  	s5 =	sshll.u32 s28, $0x1;
	[dreg:$0x2] =	wrdreg s3  }
0xa9: {  	[dreg:$0x3] =	wrdreg s5  }
0xaa: {  	[dreg:$0x4] =	wrdreg $0xC0  }
0xab: {  	_ =	task [dreg:s7], $0x5FFFF  }
0xac: {  	[dreg:$0x1] =	wrdreg $0xFFFFFFFF  }
0xad: {  	[dreg:$0x0] =	wrdreg $0x60  }
0xae: {  	[dreg:$0x2] =	wrdreg s2  }
0xaf: {  	[dreg:$0x3] =	wrdreg s24  }
0xb0: {  	[dreg:$0x4] =	wrdreg $0xE1800  }
0xb1: {  	[dreg:$0x5] =	wrdreg $0x9  }
0xb2: {  	_ =	task.clear_ibuf [dreg:s7], $0x6FFFF;
	_ =	strace $0x90000049  }
0xb3: {  	s29 =	simm.s32 $0x9;
	_ =	strace $0x8000004B  }
0xb4: {  	_ =	swait.ge [sflag:s29], $0x1  }
0xb5: {  	[sflag:s29] =	ssyncadd.s32 $0xFFFFFFFF  }
0xb6: {  	_ =	strace $0x9000004B  }
0xb7: {  	_ =	sfence  }
0xb8: {  	s30 =	sld [smem:$0x0];
	_ =	sdelay $0x2  }
0xb9: {  	s31 =	sshll.u32 s1, $0xD;
	s1 =	sshrl.u32 s1, $0x2  }
0xba: {  	s3 =	sand.u32 $0x4000, s31;
	s1 =	sadd.s32 s1, s30  }
0xbb: {  	s0 =	sor.u32 s3, s0;
	s1 =	sshll.u32 s1, $0x11  }
0xbc: {  	s0 =	sor.u32 s1, s0  }
0xbd: {  	s0 =	sadd.s32 $0x8F2B, s0  }
0xbe: {  	[sflag:s0] =	ssyncadd.remote.s32 $0x1  }
0xbf: {  	_ =	sfence.sel $0xFFFF  }
0xc0: {  	[dreg:$0x0] =	wrdreg $0xFFFFFFFF;
	(pc) =	sbr.abs _section_cstart, $3  }
0xc1: {  	[dreg:$0x1] =	wrdreg $0xFFFFFFFF  }
0xc2: {  	_ =	task.clear_ibuf [dreg:s7], $0x2FFFF;
	_ =	strace $0x9FFFFFFF  }
0xc3: {  	(tm) =	ssettm $0x7FFFFFFF  }
tec
execute0_lowered:
.L_overlay_start_1:
0x0: {  	(tag) =	ssettag $0x1  }
0x1: {  	s1 =	rddreg [dreg:$0x0]  }
0x2: {  	s8 =	rddreg [dreg:$0x1]  }
0x3: {  	s3 =	rddreg [dreg:$0x2]  }
0x4: {  	s0 =	rddreg [dreg:$0x3];
	s4 =	simm.s32 $0x0;
	s5 =	srdreg.scid  }
0x5: {  	s2 =	stileid.u32;
	s14 =	simm.s32 $0x80;
	s15 =	simm.s32 $0x100  }
0x6: {  	s16 =	simm.s32 $0x180;
	s17 =	simm.s32 $0x1;
	[smem:$0x7FF] =	sst s4  }
0x7: {  	s9 =	sand.u32 $0x1, s5;
	s10 =	smul.u32 $0x140, s2;
	s5 =	sadd.s32 $0xC400, s8  }
0x8: {  	s6 =	sadd.s32 $0x2600, s8;
	s12 =	smul.u32 $0x28000, s2;
	s7 =	sadd.s32 $0x16200, s8  }
0x9: {  	v1 =	vimm.f32 $0.0e+00;
	v2 =	vimm.s32 $0x0;
	v3 =	vimm.s32 $0x1;
	s18 =	sshll.u32 s2, $0x6;
	s11 =	smul.u32 $0x1400, s9;
	s9 =	ssub.s32 $0x2, s9  }
0xa: {  	v4 =	vimm.s32 $0x2;
	v5 =	vimm.s32 $0x3;
	v6 =	vimm.s32 $0x4;
	_ =	strace $0x8000004A;
	s18 =	sor.u32 $0x1C02, s18;
	s13 =	sshrl.u32 s9, $0x1  }
0xb: {  	v7 =	vimm.s32 $0x5;
	v8 =	vimm.s32 $0x6;
	v9 =	vimm.s32 $0x7;
	s12 =	sshrl.u32 s12, $0x2;
	s10 =	sadd.s32 s10, s11;
	s31 =	ssub.s32 s9, s13  }
0xc: {  	v10 =	vimm.s32 $0x8;
	v11 =	vimm.s32 $0x9;
	v12 =	vimm.s32 $0xA;
	s9 =	smul.u32 $0x9E, s2;
	s13 =	simm.s32 $0x2;
	s10 =	sshll.u32 s10, $0x4  }
0xd: {  	v13 =	vimm.s32 $0xB;
	v14 =	vimm.s32 $0xC;
	v0 =	vmov s11;
	s11 =	smax.u32 s31, $0x1;
	s10 =	sadd.s32 s10, s8;
	s8 =	sadd.s32 s12, s3  }
0xe: {  	v15 =	vimm.s32 $0xD;
	v16 =	vimm.s32 $0xE;
	v17 =	vimm.s32 $0xF;
	s12 =	simm.s32 $0x4180;
	s10 =	sadd.s32 $0x20000, s10;
	s19 =	sshrl.u32 s8, $0x3  }
.LBB2_1:
0xf: {  	s20 =	simm.s32 $0x0;
	s21 =	simm.s32 $0x200  }
.LBB2_2:
0x10: {  	p0 =	sne.s32 s21, $0x27E00;
	[tilespmem:s20+$0x41F0] =	vst v1  }
0x11: {  	[tilespmem:s20+$0x4180] =	vst v1  }
0x12: {  	[tilespmem:s20+$0x4190] =	vst v1  }
.Ltmp0:
0x13: {  	[tilespmem:s20+$0x41A0] =	vst v1;
	(pc) =	sbr.rel @p0 .LBB2_2-.Ltmp0, $4  }
0x14: {  	[tilespmem:s20+$0x41B0] =	vst v1  }
0x15: {  	[tilespmem:s20+$0x41C0] =	vst v1  }
0x16: {  	[tilespmem:s20+$0x41D0] =	vst v1  }
0x17: {  	[tilespmem:s20+$0x41E0] =	vst v1;
	s20 =	sshra.s32 s21, $0x2;
	s21 =	sadd.s32 $0x200, s21  }
0x18: {  	[tilespmem:s20+$0x41F0] =	vst v1  }
0x19: {  	[tilespmem:s20+$0x4180] =	vst v1  }
0x1a: {  	[tilespmem:s20+$0x4190] =	vst v1  }
0x1b: {  	[tilespmem:s20+$0x41A0] =	vst v1  }
0x1c: {  	[tilespmem:s20+$0x41B0] =	vst v1  }
0x1d: {  	[tilespmem:s20+$0x41C0] =	vst v1  }
0x1e: {  	[tilespmem:s20+$0x41D0] =	vst v1  }
0x1f: {  	[tilespmem:s20+$0x41E0] =	vst v1  }
0x20: {  	[spmem:s8] =	stream.linear.scatter [tilespmem:s12], [sflag:$0x2], $0xA000, $0x38;
	[tilespmem:$0x181C0] =	vst v63  }
0x21: {  	_ =	swait.ge [sflag:s13], $0xA000  }
0x22: {  	[sflag:s13] =	ssyncset.done $0x0  }
0x23: {  	[sflag:s13] =	ssyncadd.s32 $0xFFFF6000  }
0x24: {  	s20 =	simm.s32 $0x0;
	s21 =	simm.s32 $0x0;
	[bflag:$0x0] =	sbarrier.arrive $0xFFFF  }
.LBB2_4:
0x25: {  	s22 =	sadd.s32 s9, s21  }
0x26: {  	s22 =	sshll.u32 s22, $0x4  }
0x27: {  	s23 =	sadd.s32 s5, s22  }
0x28: {  	[tilespmem:s20], [sflag:$0x2] =	stream.linear.gather [hbm4b:s23+s20], $0x80, $0x38;
	[tilespmem:$0x181C0] =	vst v63  }
0x29: {  	_ =	swait.ge [sflag:s13], $0x80  }
0x2a: {  	[sflag:s13] =	ssyncset.done $0x0  }
0x2b: {  	s31 =	sadd.s32 s6, s22;
	[sflag:s13] =	ssyncadd.s32 $0xFFFFFF80  }
0x2c: {  	[tilespmem:s14], [sflag:$0x2] =	stream.linear.gather [hbm4b:s31+s20], $0x80, $0x38;
	[tilespmem:$0x181C0] =	vst v63  }
0x2d: {  	_ =	swait.ge [sflag:s13], $0x80  }
0x2e: {  	[sflag:s13] =	ssyncset.done $0x0  }
0x2f: {  	s22 =	sadd.s32 s7, s22;
	[sflag:s13] =	ssyncadd.s32 $0xFFFFFF80  }
0x30: {  	[tilespmem:s15], [sflag:$0x2] =	stream.linear.gather [hbm4b:s22+s20], $0x80, $0x38;
	[tilespmem:$0x181C0] =	vst v63  }
0x31: {  	_ =	swait.ge [sflag:s13], $0x80  }
0x32: {  	[sflag:s13] =	ssyncset.done $0x0  }
0x33: {  	[sflag:s13] =	ssyncadd.s32 $0xFFFFFF80  }
0x34: {  	v18 =	vld [tilespmem:$0x80]  }
0x35: {  	v19 =	vld [tilespmem:$0x90]  }
0x36: {  	v20 =	vld [tilespmem:$0xA0]  }
0x37: {  	v21 =	vld [tilespmem:$0xB0]  }
0x38: {  	v22 =	vld [tilespmem:$0xC0]  }
0x39: {  	v23 =	vld [tilespmem:$0xD0];
	v18 =	vsub.s32 v18, v0  }
0x3a: {  	v24 =	vld [tilespmem:$0xE0];
	v19 =	vsub.s32 v19, v0;
	v18 =	vmin.u32 v18, $0x1400  }
0x3b: {  	v63 =	vld [tilespmem:$0xF0];
	[tilespmem:$0x80] =	vst v18;
	v18 =	vmin.u32 v19, $0x1400;
	v19 =	vsub.s32 v20, v0  }
0x3c: {  	[tilespmem:$0x90] =	vst v18;
	v18 =	vmin.u32 v19, $0x1400;
	v19 =	vsub.s32 v21, v0  }
0x3d: {  	[tilespmem:$0xA0] =	vst v18;
	v18 =	vmin.u32 v19, $0x1400;
	v19 =	vsub.s32 v22, v0  }
0x3e: {  	[tilespmem:$0xB0] =	vst v18;
	v18 =	vmin.u32 v19, $0x1400;
	v19 =	vsub.s32 v23, v0  }
0x3f: {  	[tilespmem:$0xC0] =	vst v18;
	v18 =	vmin.u32 v19, $0x1400;
	v19 =	vsub.s32 v24, v0  }
0x40: {  	[tilespmem:$0xD0] =	vst v18;
	v18 =	vmin.u32 v19, $0x1400;
	v19 =	vsub.s32 v63, v0  }
0x41: {  	[tilespmem:$0xE0] =	vst v18;
	v18 =	vmin.u32 v19, $0x1400  }
0x42: {  	[tilespmem:$0xF0] =	vst v18  }
0x43: {  	[tilespmem:s16], [sflag:$0x1] =	stream.indirect.gather [hbm4b:s1+s14], $0x80, s20, s14, $0xb8;
	[tilespmem:$0x181C0] =	vst v63  }
0x44: {  	_ =	swait.ge [sflag:s17], $0x4000  }
0x45: {  	[sflag:s17] =	ssyncset.done $0x0  }
0x46: {  	s22 =	simm.s32 $0x0;
	[sflag:s17] =	ssyncadd.s32 $0xFFFFC000  }
.LBB2_5:
0x47: {  	s23 =	sshll.u32 s22, $0x4  }
0x48: {  	s23 =	sand.u32 $0x3FFFFFF0, s23  }
0x49: {  	s31 =	sshll.u32 s22, $0xB;
	v18 =	vld [tilespmem:s23+$0x100]  }
0x4a: {  	s23 =	sand.u32 $0x3FFFF800, s31  }
0x4b: {  	v19 =	vld [tilespmem:s23+$0x180]  }
0x4c: {  	v20 =	vld [tilespmem:s23+$0x190]  }
0x4d: {  	v21 =	vld [tilespmem:s23+$0x1A0]  }
0x4e: {  	v23 =	vld [tilespmem:s23+$0x1B0];
	v22 =	vperm.xlane v18, v2  }
0x4f: {  	v24 =	vld [tilespmem:s23+$0x1C0]  }
0x50: {  	v25 =	vld [tilespmem:s23+$0x1D0];
	v19 =	vmul.f32 v19, v22  }
0x51: {  	v26 =	vld [tilespmem:s23+$0x1E0];
	v20 =	vmul.f32 v20, v22  }
0x52: {  	v43 =	vld [tilespmem:s23+$0x1F0];
	[tilespmem:s23+$0x180] =	vst v19;
	v19 =	vmul.f32 v21, v22  }
0x53: {  	v45 =	vld [tilespmem:s23+$0x200];
	v44 =	vmul.f32 v23, v22;
	[tilespmem:s23+$0x190] =	vst v20  }
0x54: {  	v46 =	vld [tilespmem:s23+$0x210];
	[tilespmem:s23+$0x1A0] =	vst v19;
	v19 =	vmul.f32 v24, v22  }
0x55: {  	v48 =	vld [tilespmem:s23+$0x220];
	v47 =	vmul.f32 v25, v22;
	[tilespmem:s23+$0x1B0] =	vst v44  }
0x56: {  	v27 =	vld [tilespmem:s23+$0x230];
	v49 =	vperm.xlane v18, v3;
	[tilespmem:s23+$0x1C0] =	vst v19;
	v19 =	vmul.f32 v26, v22  }
0x57: {  	v51 =	vld [tilespmem:s23+$0x240];
	v50 =	vmul.f32 v43, v22;
	[tilespmem:s23+$0x1D0] =	vst v47  }
0x58: {  	v52 =	vld [tilespmem:s23+$0x250];
	[tilespmem:s23+$0x1E0] =	vst v19;
	v19 =	vmul.f32 v45, v49  }
0x59: {  	v54 =	vld [tilespmem:s23+$0x260];
	v53 =	vmul.f32 v46, v49;
	[tilespmem:s23+$0x1F0] =	vst v50  }
0x5a: {  	v55 =	vld [tilespmem:s23+$0x270];
	[tilespmem:s23+$0x200] =	vst v19;
	v19 =	vmul.f32 v48, v49  }
0x5b: {  	v57 =	vld [tilespmem:s23+$0x280];
	v56 =	vmul.f32 v27, v49;
	[tilespmem:s23+$0x210] =	vst v53  }
0x5c: {  	v58 =	vld [tilespmem:s23+$0x290];
	[tilespmem:s23+$0x220] =	vst v19;
	v19 =	vmul.f32 v51, v49  }
0x5d: {  	v60 =	vld [tilespmem:s23+$0x2A0];
	v59 =	vmul.f32 v52, v49;
	[tilespmem:s23+$0x230] =	vst v56  }
0x5e: {  	v62 =	vld [tilespmem:s23+$0x2B0];
	v61 =	vperm.xlane v18, v4;
	[tilespmem:s23+$0x240] =	vst v19;
	v19 =	vmul.f32 v54, v49  }
0x5f: {  	v28 =	vld [tilespmem:s23+$0x2C0];
	v63 =	vmul.f32 v55, v49;
	[tilespmem:s23+$0x250] =	vst v59  }
0x60: {  	v29 =	vld [tilespmem:s23+$0x2D0];
	[tilespmem:s23+$0x260] =	vst v19;
	v19 =	vmul.f32 v57, v61  }
0x61: {  	v31 =	vld [tilespmem:s23+$0x2E0];
	v30 =	vmul.f32 v58, v61;
	[tilespmem:s23+$0x270] =	vst v63  }
0x62: {  	v32 =	vld [tilespmem:s23+$0x2F0];
	[tilespmem:s23+$0x280] =	vst v19;
	v19 =	vmul.f32 v60, v61  }
0x63: {  	v34 =	vld [tilespmem:s23+$0x300];
	v33 =	vmul.f32 v62, v61;
	[tilespmem:s23+$0x290] =	vst v30  }
0x64: {  	v35 =	vld [tilespmem:s23+$0x310];
	[tilespmem:s23+$0x2A0] =	vst v19;
	v19 =	vmul.f32 v28, v61  }
0x65: {  	v37 =	vld [tilespmem:s23+$0x320];
	v36 =	vmul.f32 v29, v61;
	[tilespmem:s23+$0x2B0] =	vst v33  }
0x66: {  	v39 =	vld [tilespmem:s23+$0x330];
	v38 =	vperm.xlane v18, v5;
	[tilespmem:s23+$0x2C0] =	vst v19;
	v19 =	vmul.f32 v31, v61  }
0x67: {  	v41 =	vld [tilespmem:s23+$0x340];
	v40 =	vmul.f32 v32, v61;
	[tilespmem:s23+$0x2D0] =	vst v36  }
0x68: {  	v45 =	vld [tilespmem:s23+$0x370];
	[tilespmem:s23+$0x2E0] =	vst v19;
	v19 =	vmul.f32 v34, v38  }
0x69: {  	v43 =	vmul.f32 v35, v38;
	[tilespmem:s23+$0x2F0] =	vst v40;
	v44 =	vld [tilespmem:s23+$0x360]  }
0x6a: {  	v42 =	vld [tilespmem:s23+$0x350];
	[tilespmem:s23+$0x300] =	vst v19;
	v19 =	vmul.f32 v37, v38  }
0x6b: {  	v46 =	vmul.f32 v39, v38;
	[tilespmem:s23+$0x310] =	vst v43;
	v47 =	vld [tilespmem:s23+$0x380]  }
0x6c: {  	v52 =	vld [tilespmem:s23+$0x3B0];
	[tilespmem:s23+$0x320] =	vst v19;
	v19 =	vmul.f32 v41, v38  }
0x6d: {  	[tilespmem:s23+$0x330] =	vst v46;
	v50 =	vld [tilespmem:s23+$0x3A0];
	v53 =	vmul.f32 v45, v38  }
0x6e: {  	v55 =	vld [tilespmem:s23+$0x3D0];
	v51 =	vperm.xlane v18, v6;
	[tilespmem:s23+$0x340] =	vst v19;
	v19 =	vmul.f32 v44, v38  }
0x6f: {  	v49 =	vmul.f32 v42, v38;
	v54 =	vld [tilespmem:s23+$0x3C0];
	[tilespmem:s23+$0x370] =	vst v53  }
0x70: {  	v58 =	vld [tilespmem:s23+$0x3F0];
	[tilespmem:s23+$0x360] =	vst v19;
	v19 =	vmul.f32 v47, v51  }
0x71: {  	v59 =	vmul.f32 v52, v51;
	[tilespmem:s23+$0x350] =	vst v49;
	v57 =	vld [tilespmem:s23+$0x3E0]  }
0x72: {  	v48 =	vld [tilespmem:s23+$0x390];
	[tilespmem:s23+$0x380] =	vst v19;
	v19 =	vmul.f32 v50, v51  }
0x73: {  	v62 =	vmul.f32 v55, v51;
	[tilespmem:s23+$0x3B0] =	vst v59;
	v60 =	vld [tilespmem:s23+$0x400]  }
0x74: {  	v40 =	vld [tilespmem:s23+$0x490];
	[tilespmem:s23+$0x3A0] =	vst v19;
	v19 =	vmul.f32 v54, v51  }
0x75: {  	v63 =	vld [tilespmem:s23+$0x420];
	v32 =	vmul.f32 v58, v51;
	[tilespmem:s23+$0x3D0] =	vst v62  }
0x76: {  	v30 =	vperm.xlane v18, v7;
	v61 =	vld [tilespmem:s23+$0x410];
	[tilespmem:s23+$0x3C0] =	vst v19;
	v19 =	vmul.f32 v57, v51  }
0x77: {  	v33 =	vld [tilespmem:s23+$0x440];
	v43 =	vperm.xlane v18, v8;
	v56 =	vmul.f32 v48, v51;
	[tilespmem:s23+$0x3F0] =	vst v32  }
0x78: {  	v53 =	vld [tilespmem:s23+$0x510];
	[tilespmem:s23+$0x3E0] =	vst v19;
	v19 =	vmul.f32 v60, v30  }
0x79: {  	v36 =	vld [tilespmem:s23+$0x460];
	v48 =	vmul.f32 v40, v43;
	[tilespmem:s23+$0x390] =	vst v56  }
0x7a: {  	v31 =	vld [tilespmem:s23+$0x430];
	[tilespmem:s23+$0x400] =	vst v19;
	v19 =	vmul.f32 v63, v30  }
0x7b: {  	v39 =	vld [tilespmem:s23+$0x480];
	[tilespmem:s23+$0x490] =	vst v48;
	v56 =	vperm.xlane v18, v9;
	v35 =	vmul.f32 v61, v30  }
0x7c: {  	v34 =	vld [tilespmem:s23+$0x450];
	[tilespmem:s23+$0x420] =	vst v19;
	v19 =	vmul.f32 v33, v30  }
0x7d: {  	v42 =	vld [tilespmem:s23+$0x4A0];
	v61 =	vmul.f32 v53, v56;
	[tilespmem:s23+$0x410] =	vst v35  }
0x7e: {  	v37 =	vld [tilespmem:s23+$0x470];
	[tilespmem:s23+$0x440] =	vst v19;
	v19 =	vmul.f32 v36, v30  }
0x7f: {  	v46 =	vld [tilespmem:s23+$0x4C0];
	[tilespmem:s23+$0x510] =	vst v61;
	v38 =	vmul.f32 v31, v30  }
0x80: {  	v47 =	vld [tilespmem:s23+$0x4D0];
	[tilespmem:s23+$0x460] =	vst v19;
	v19 =	vmul.f32 v39, v43  }
0x81: {  	v49 =	vld [tilespmem:s23+$0x4E0];
	v41 =	vmul.f32 v34, v30;
	[tilespmem:s23+$0x430] =	vst v38  }
0x82: {  	v38 =	vld [tilespmem:s23+$0x5D0];
	[tilespmem:s23+$0x480] =	vst v19;
	v19 =	vmul.f32 v42, v43  }
0x83: {  	v52 =	vld [tilespmem:s23+$0x500];
	[tilespmem:s23+$0x450] =	vst v41;
	v45 =	vmul.f32 v37, v30  }
0x84: {  	v44 =	vld [tilespmem:s23+$0x4B0];
	[tilespmem:s23+$0x4A0] =	vst v19;
	v19 =	vmul.f32 v46, v43  }
0x85: {  	v55 =	vld [tilespmem:s23+$0x520];
	v34 =	vperm.xlane v18, v10;
	[tilespmem:s23+$0x470] =	vst v45;
	v54 =	vmul.f32 v47, v43  }
0x86: {  	v50 =	vld [tilespmem:s23+$0x4F0];
	[tilespmem:s23+$0x4C0] =	vst v19;
	v19 =	vmul.f32 v49, v43  }
0x87: {  	v59 =	vld [tilespmem:s23+$0x540];
	v45 =	vmul.f32 v38, v34;
	[tilespmem:s23+$0x4D0] =	vst v54  }
0x88: {  	v57 =	vld [tilespmem:s23+$0x530];
	[tilespmem:s23+$0x4E0] =	vst v19;
	v19 =	vmul.f32 v52, v56  }
0x89: {  	v62 =	vld [tilespmem:s23+$0x560];
	v51 =	vmul.f32 v44, v43;
	[tilespmem:s23+$0x5D0] =	vst v45  }
0x8a: {  	v60 =	vld [tilespmem:s23+$0x550];
	[tilespmem:s23+$0x500] =	vst v19;
	v19 =	vmul.f32 v55, v56  }
0x8b: {  	v58 =	vmul.f32 v50, v43;
	[tilespmem:s23+$0x4B0] =	vst v51;
	v30 =	vld [tilespmem:s23+$0x580]  }
0x8c: {  	v51 =	vld [tilespmem:s23+$0x650];
	[tilespmem:s23+$0x520] =	vst v19;
	v19 =	vmul.f32 v59, v56  }
0x8d: {  	[tilespmem:s23+$0x4F0] =	vst v58;
	v29 =	vmul.f32 v57, v56;
	v33 =	vld [tilespmem:s23+$0x5A0]  }
0x8e: {  	v63 =	vld [tilespmem:s23+$0x570];
	[tilespmem:s23+$0x540] =	vst v19;
	v19 =	vmul.f32 v62, v56  }
0x8f: {  	v37 =	vld [tilespmem:s23+$0x5C0];
	v47 =	vperm.xlane v18, v11;
	[tilespmem:s23+$0x530] =	vst v29;
	v32 =	vmul.f32 v60, v56  }
0x90: {  	v61 =	vld [tilespmem:s23+$0x6B0];
	[tilespmem:s23+$0x560] =	vst v19;
	v19 =	vmul.f32 v30, v34  }
0x91: {  	v40 =	vld [tilespmem:s23+$0x5E0];
	v58 =	vmul.f32 v51, v47;
	[tilespmem:s23+$0x550] =	vst v32  }
0x92: {  	v31 =	vld [tilespmem:s23+$0x590];
	[tilespmem:s23+$0x580] =	vst v19;
	v19 =	vmul.f32 v33, v34  }
0x93: {  	v60 =	vperm.xlane v18, v12;
	v36 =	vmul.f32 v63, v56;
	[tilespmem:s23+$0x650] =	vst v58;
	v43 =	vld [tilespmem:s23+$0x600]  }
0x94: {  	v57 =	vld [tilespmem:s23+$0x690];
	[tilespmem:s23+$0x5A0] =	vst v19;
	v19 =	vmul.f32 v37, v34  }
0x95: {  	v32 =	vmul.f32 v61, v60;
	[tilespmem:s23+$0x570] =	vst v36;
	v46 =	vld [tilespmem:s23+$0x620]  }
0x96: {  	v35 =	vld [tilespmem:s23+$0x5B0];
	[tilespmem:s23+$0x5C0] =	vst v19;
	v19 =	vmul.f32 v40, v34  }
0x97: {  	v50 =	vld [tilespmem:s23+$0x640];
	v39 =	vmul.f32 v31, v34;
	[tilespmem:s23+$0x6B0] =	vst v32  }
0x98: {  	v28 =	vld [tilespmem:s23+$0x6D0];
	[tilespmem:s23+$0x5E0] =	vst v19;
	v19 =	vmul.f32 v43, v47  }
0x99: {  	v53 =	vld [tilespmem:s23+$0x660];
	v29 =	vmul.f32 v57, v60;
	[tilespmem:s23+$0x590] =	vst v39  }
0x9a: {  	v31 =	vld [tilespmem:s23+$0x6F0];
	[tilespmem:s23+$0x600] =	vst v19;
	v19 =	vmul.f32 v46, v47  }
0x9b: {  	v42 =	vmul.f32 v35, v34;
	[tilespmem:s23+$0x690] =	vst v29;
	v56 =	vld [tilespmem:s23+$0x680]  }
0x9c: {  	v41 =	vld [tilespmem:s23+$0x5F0];
	[tilespmem:s23+$0x620] =	vst v19;
	v19 =	vmul.f32 v50, v47  }
0x9d: {  	v35 =	vmul.f32 v28, v60;
	[tilespmem:s23+$0x5B0] =	vst v42;
	v59 =	vld [tilespmem:s23+$0x6A0]  }
0x9e: {  	v44 =	vld [tilespmem:s23+$0x610];
	[tilespmem:s23+$0x640] =	vst v19;
	v19 =	vmul.f32 v53, v47  }
0x9f: {  	v63 =	vld [tilespmem:s23+$0x6C0];
	[tilespmem:s23+$0x6D0] =	vst v35;
	v39 =	vmul.f32 v31, v60  }
0xa0: {  	v48 =	vld [tilespmem:s23+$0x630];
	[tilespmem:s23+$0x660] =	vst v19;
	v19 =	vmul.f32 v56, v60  }
0xa1: {  	v49 =	vmul.f32 v41, v34;
	[tilespmem:s23+$0x6F0] =	vst v39;
	v30 =	vld [tilespmem:s23+$0x6E0]  }
0xa2: {  	v54 =	vld [tilespmem:s23+$0x670];
	[tilespmem:s23+$0x680] =	vst v19;
	v19 =	vmul.f32 v59, v60  }
0xa3: {  	[tilespmem:s23+$0x5F0] =	vst v49;
	v52 =	vmul.f32 v44, v47;
	v33 =	vld [tilespmem:s23+$0x700]  }
0xa4: {  	v38 =	vld [tilespmem:s23+$0x730];
	[tilespmem:s23+$0x6A0] =	vst v19;
	v19 =	vmul.f32 v63, v60  }
0xa5: {  	v36 =	vld [tilespmem:s23+$0x720];
	[tilespmem:s23+$0x610] =	vst v52;
	v55 =	vmul.f32 v48, v47  }
0xa6: {  	v41 =	vld [tilespmem:s23+$0x750];
	v37 =	vperm.xlane v18, v13;
	[tilespmem:s23+$0x6C0] =	vst v19;
	v19 =	vmul.f32 v30, v60  }
0xa7: {  	[tilespmem:s23+$0x630] =	vst v55;
	v62 =	vmul.f32 v54, v47;
	v40 =	vld [tilespmem:s23+$0x740]  }
0xa8: {  	v44 =	vld [tilespmem:s23+$0x770];
	[tilespmem:s23+$0x6E0] =	vst v19;
	v19 =	vmul.f32 v33, v37  }
0xa9: {  	[tilespmem:s23+$0x670] =	vst v62;
	v45 =	vmul.f32 v38, v37;
	v43 =	vld [tilespmem:s23+$0x760]  }
0xaa: {  	v34 =	vld [tilespmem:s23+$0x710];
	[tilespmem:s23+$0x700] =	vst v19;
	v19 =	vmul.f32 v36, v37  }
0xab: {  	v48 =	vmul.f32 v41, v37;
	[tilespmem:s23+$0x730] =	vst v45;
	v46 =	vld [tilespmem:s23+$0x780]  }
0xac: {  	v51 =	vld [tilespmem:s23+$0x7B0];
	[tilespmem:s23+$0x720] =	vst v19;
	v19 =	vmul.f32 v40, v37  }
0xad: {  	v49 =	vld [tilespmem:s23+$0x7A0];
	v52 =	vmul.f32 v44, v37;
	[tilespmem:s23+$0x750] =	vst v48  }
0xae: {  	v54 =	vld [tilespmem:s23+$0x7D0];
	v50 =	vperm.xlane v18, v14;
	[tilespmem:s23+$0x740] =	vst v19;
	v19 =	vmul.f32 v43, v37  }
0xaf: {  	[tilespmem:s23+$0x770] =	vst v52;
	v42 =	vmul.f32 v34, v37;
	v53 =	vld [tilespmem:s23+$0x7C0]  }
0xb0: {  	v57 =	vld [tilespmem:s23+$0x7F0];
	[tilespmem:s23+$0x760] =	vst v19;
	v19 =	vmul.f32 v46, v50  }
0xb1: {  	[tilespmem:s23+$0x710] =	vst v42;
	v58 =	vmul.f32 v51, v50;
	v56 =	vld [tilespmem:s23+$0x7E0]  }
0xb2: {  	v47 =	vld [tilespmem:s23+$0x790];
	[tilespmem:s23+$0x780] =	vst v19;
	v19 =	vmul.f32 v49, v50  }
0xb3: {  	v61 =	vmul.f32 v54, v50;
	[tilespmem:s23+$0x7B0] =	vst v58;
	v59 =	vld [tilespmem:s23+$0x800]  }
0xb4: {  	v39 =	vld [tilespmem:s23+$0x890];
	[tilespmem:s23+$0x7A0] =	vst v19;
	v19 =	vmul.f32 v53, v50  }
0xb5: {  	v62 =	vld [tilespmem:s23+$0x820];
	v31 =	vmul.f32 v57, v50;
	[tilespmem:s23+$0x7D0] =	vst v61  }
0xb6: {  	v63 =	vperm.xlane v18, v15;
	v60 =	vld [tilespmem:s23+$0x810];
	[tilespmem:s23+$0x7C0] =	vst v19;
	v19 =	vmul.f32 v56, v50  }
0xb7: {  	v32 =	vld [tilespmem:s23+$0x840];
	v42 =	vperm.xlane v18, v16;
	[tilespmem:s23+$0x7F0] =	vst v31;
	v55 =	vmul.f32 v47, v50  }
0xb8: {  	v33 =	vld [tilespmem:s23+$0x850];
	[tilespmem:s23+$0x7E0] =	vst v19;
	v19 =	vmul.f32 v59, v63  }
0xb9: {  	v35 =	vld [tilespmem:s23+$0x860];
	v47 =	vmul.f32 v39, v42;
	[tilespmem:s23+$0x790] =	vst v55  }
0xba: {  	v30 =	vld [tilespmem:s23+$0x830];
	[tilespmem:s23+$0x800] =	vst v19;
	v19 =	vmul.f32 v62, v63  }
0xbb: {  	v38 =	vld [tilespmem:s23+$0x880];
	[tilespmem:s23+$0x890] =	vst v47;
	v34 =	vmul.f32 v60, v63  }
0xbc: {  	v36 =	vld [tilespmem:s23+$0x870];
	[tilespmem:s23+$0x820] =	vst v19;
	v19 =	vmul.f32 v32, v63  }
0xbd: {  	v41 =	vld [tilespmem:s23+$0x8A0];
	[tilespmem:s23+$0x810] =	vst v34;
	v40 =	vmul.f32 v33, v63  }
0xbe: {  	v46 =	vld [tilespmem:s23+$0x8D0];
	[tilespmem:s23+$0x840] =	vst v19;
	v19 =	vmul.f32 v35, v63  }
0xbf: {  	v45 =	vld [tilespmem:s23+$0x8C0];
	v37 =	vmul.f32 v30, v63;
	[tilespmem:s23+$0x850] =	vst v40  }
0xc0: {  	v43 =	vld [tilespmem:s23+$0x8B0];
	[tilespmem:s23+$0x860] =	vst v19;
	v19 =	vmul.f32 v38, v42  }
0xc1: {  	v48 =	vld [tilespmem:s23+$0x8E0];
	v44 =	vmul.f32 v36, v63;
	[tilespmem:s23+$0x830] =	vst v37  }
0xc2: {  	v49 =	vld [tilespmem:s23+$0x8F0];
	[tilespmem:s23+$0x880] =	vst v19;
	v19 =	vmul.f32 v41, v42  }
0xc3: {  	v51 =	vld [tilespmem:s23+$0x900];
	[tilespmem:s23+$0x870] =	vst v44;
	v53 =	vmul.f32 v46, v42  }
0xc4: {  	v52 =	vld [tilespmem:s23+$0x910];
	[tilespmem:s23+$0x8A0] =	vst v19;
	v19 =	vmul.f32 v45, v42  }
0xc5: {  	v54 =	vld [tilespmem:s23+$0x920];
	v50 =	vmul.f32 v43, v42;
	[tilespmem:s23+$0x8D0] =	vst v53  }
0xc6: {  	v18 =	vperm.xlane v18, v17;
	v55 =	vld [tilespmem:s23+$0x930];
	[tilespmem:s23+$0x8C0] =	vst v19;
	v19 =	vmul.f32 v48, v42  }
0xc7: {  	v57 =	vld [tilespmem:s23+$0x940];
	v56 =	vmul.f32 v49, v42;
	[tilespmem:s23+$0x8B0] =	vst v50  }
0xc8: {  	v58 =	vld [tilespmem:s23+$0x950];
	[tilespmem:s23+$0x8E0] =	vst v19;
	v19 =	vmul.f32 v51, v18  }
0xc9: {  	v60 =	vld [tilespmem:s23+$0x960];
	v59 =	vmul.f32 v52, v18;
	[tilespmem:s23+$0x8F0] =	vst v56  }
0xca: {  	v61 =	vld [tilespmem:s23+$0x970];
	[tilespmem:s23+$0x900] =	vst v19;
	v19 =	vmul.f32 v54, v18  }
0xcb: {  	[tilespmem:s23+$0x910] =	vst v59;
	v62 =	vmul.f32 v55, v18  }
0xcc: {  	p0 =	sne.s32 s22, $0x7;
	[tilespmem:s23+$0x920] =	vst v19;
	v19 =	vmul.f32 v57, v18  }
.Ltmp1:
0xcd: {  	[tilespmem:s23+$0x930] =	vst v62;
	v63 =	vmul.f32 v58, v18;
	(pc) =	sbr.rel @p0 .LBB2_5-.Ltmp1, $4  }
0xce: {  	[tilespmem:s23+$0x940] =	vst v19;
	v19 =	vmul.f32 v60, v18  }
0xcf: {  	[tilespmem:s23+$0x950] =	vst v63;
	v18 =	vmul.f32 v61, v18  }
0xd0: {  	[tilespmem:s23+$0x960] =	vst v19  }
0xd1: {  	s22 =	sadd.s32 $0x1, s22;
	[tilespmem:s23+$0x970] =	vst v18  }
0xd2: {  	s21 =	sadd.s32 $0x1, s21  }
0xd3: {  	p0 =	sne.s32 s21, $0x9E  }
.Ltmp2:
0xd4: {  	_ = 	snop;
	(pc) =	sbr.rel @p0 .LBB2_4-.Ltmp2, $4  }
0xd5: {  	[spmem:s3] =	stream.indirect.scatter.add.f32 [tilespmem:s16], [sflag:$0x2], $0x80, s14, s14, $0xb8;
	[tilespmem:$0x181C0] =	vst v63  }
0xd6: {  	_ =	swait.ge [sflag:s13], $0x4000  }
0xd7: {  	[sflag:s13] =	ssyncset.done $0x0  }
0xd8: {  	[sflag:s13] =	ssyncadd.s32 $0xFFFFC000  }
0xd9: {  	s4 =	sadd.s32 $0x1, s4  }
0xda: {  	p0 =	sne.s32 s4, s11  }
.Ltmp3:
0xdb: {  	[bflag:$0x0] =	sbarrier.arrive $0xFFFF;
	(pc) =	sbr.rel @p0 .LBB2_1-.Ltmp3, $4  }
0xdc: {  	[hbm:s10], [sflag:s18] =	dma.local [spmem:s19], $0x1400  }
0xdd: {  	_ =	swait.ge [sflag:s13], $0x1400  }
0xde: {  	[sflag:s13] =	ssyncset.done $0x0  }
0xdf: {  	[sflag:s13] =	ssyncadd.s32 $0xFFFFEC00  }
0xe0: {  	_ =	sfence.sel $0x180000  }
0xe1: {  	[bflag:$0x0] =	sbarrier.arrive $0xFFFF  }
0xe2: {  	p0 =	sne.s32 s2, $0x0;
	_ =	strace $0x9000004A  }
0xe3: {  	s0 =	sadd.s32 @!p0 $0x100000, s0;
	[bflag:$0x2] =	sbarrier.arrive $0xFFFF  }
0xe4: {  	[sflag:s0] =	ssyncadd.tile.s32 @!p0 $0x1;
	_ =	shalt  }
.Lfunc_end2:
_tile_overlayer_lowered:
.L_overlay_start_2:
0xe5: {  	(tag) =	ssettag $0x2  }
0xe6: {  	s0 =	rddreg [dreg:$0x0];
	s2 =	stileid.u32  }
0xe7: {  	s1 =	rddreg [dreg:$0x1];
	p0 =	sne.s32 s2, $0x0  }
0xe8: {  	s3 =	rddreg [dreg:$0x2];
	[bflag:$0x3] =	sbarrier.arrive $0xFFFF;
	s2 =	simm.s32 @!p0 $0x1C02  }
0xe9: {  	[timem:s3], [sflag:s2] =	dma.local @!p0 [hbm:s0], s1  }
0xea: {  	s0 =	simm.s32 @!p0 $0x2  }
0xeb: {  	_ =	swait.ge @!p0 [sflag:s0], s1  }
0xec: {  	s1 =	ssub.s32 @!p0 $0x0, s1;
	[sflag:s0] =	ssyncset.done @!p0 $0x0  }
0xed: {  	[sflag:s0] =	ssyncadd.s32 @!p0 s1  }
0xee: {  	[bflag:$0x3] =	sbarrier.arrive $0xFFFF  }
0xef: {  	_ =	shalt  }

// kernel: kernel.7.cloned.1.call-start
scs
__scs_entry_jumppad:
0x0: {  	(pc) =	sbr.rel $0x88, $3  }
0x1: {  	(tag) =	ssettag $0x0;
	lr =	simm.s32 $0x1  }
0x2: {  	[smem:$0x3F98] =	sst lr;
	_ =	strace $0xD0000000  }
0x3: {  	_ = 	snop  }
0x4: {  	_ = 	snop  }
0x5: {  	_ = 	snop  }
0x6: {  	_ = 	snop  }
0x7: {  	_ = 	snop  }
__scs_overlays_trampoline_lowered:
0x8: {  	[smem:$0x3FA7] =	sst s0  }
0x9: {  	[smem:$0x3FA8] =	sst s1  }
0xa: {  	[smem:$0x3FA9] =	sst s2  }
0xb: {  	[smem:$0x3FAA] =	sst s3  }
0xc: {  	[smem:$0x3FAB] =	sst s4  }
0xd: {  	[smem:$0x3FAC] =	sst s5  }
0xe: {  	[smem:$0x3FAD] =	sst s6  }
0xf: {  	[smem:$0x3FAE] =	sst s7  }
0x10: {  	[smem:$0x3FAF] =	sst s8  }
0x11: {  	[smem:$0x3FB0] =	sst s9;
	s0 =	simm.s32 @!p0 $0x0  }
0x12: {  	s1 =	sld [smem:$0x3F96];
	s0 =	simm.s32 @p0 $0x1  }
0x13: {  	[smem:$0x3FB1] =	sst s0;
	s0 =	simm.s32 @!p1 $0x0  }
0x14: {  	s2 =	sld [smem:$0x3F95];
	s0 =	simm.s32 @p1 $0x1  }
0x15: {  	[smem:$0x3FB2] =	sst s0;
	s0 =	simm.s32 @!p2 $0x0  }
0x16: {  	s3 =	sld [smem:$0x3FDB];
	s0 =	simm.s32 @p2 $0x1  }
0x17: {  	s4 =	simm.s32 $0x1BF5;
	[smem:$0x3FB4] =	sst s0  }
0x18: {  	s0 =	sld [smem:$0x3F97];
	_ =	swait.ge [sflag:s4], $0x0  }
0x19: {  	s7 =	sld [smem:$0x3F98]  }
0x1a: {  	s8 =	sadd.s32 $0xFFFFE003, lr  }
0x1b: {  	s9 =	sadd.s32 $0xFFFFFEF7, lr;
	s5 =	simm.s32 $0xFFFFFFFF;
	p2 =	slt.u32 s8, $0xFFFFF086  }
0x1c: {  	p1 =	slt.u32 s9, $0xF7A;
	s5 =	simm.s32 @!p2 $0x0  }
0x1d: {  	s5 =	simm.s32 @p1 $0x1;
	p0 =	seq.s32 s7, s2  }
0x1e: {  	s7 =	smul.u32 @!p0 $0xF7A, s2;
	p2 =	seq.s32 @!p0 s5, $0x0  }
0x1f: {  	s9 =	smul.u32 $0xF7A, s1;
	s8 =	simm.s32 @!p0 $0x1BF5;
	p2 =	por !p2, p0  }
0x20: {  	[sflag:s8] =	ssyncset.s32 @!p0 $0xFFFFF086;
	s6 =	sadd.s32 @!p0 s3, s7;
	s7 =	simm.s32 @!p0 $0x108  }
0x21: {  	s3 =	sadd.s32 s3, s9;
	s6 =	sadd.s32 @!p0 $0x88, s6;
	s7 =	simm.s32 @p2 $0x1082  }
0x22: {  	[simem:s7], [sflag:s8] =	dma.local @!p0 [hbm:s6], $0xF7A  }
0x23: {  	s9 =	sor.u32 $0xD0000000, s2;
	s6 =	simm.s32 $0x108;
	_ =	swait.ge @!p0 [sflag:s8], $0x0  }
0x24: {  	s3 =	sadd.s32 $0x88, s3;
	s6 =	simm.s32 @!p1 $0x1082;
	[sflag:s4] =	ssyncset.s32 $0xFFFFF086  }
0x25: {  	[simem:s6], [sflag:s4] =	dma.local [hbm:s3], $0xF7A  }
0x26: {  	[smem:$0x3F98] =	sst s1;
	(tag) =	ssettag s2;
	_ =	strace s9  }
0x27: {  	s1 =	sld [smem:$0x3FA8]  }
0x28: {  	s2 =	sld [smem:$0x3FA9]  }
0x29: {  	s4 =	sld [smem:$0x3FAB]  }
0x2a: {  	p0 =	seq.s32 s5, $0x0;
	s5 =	sld [smem:$0x3FAC]  }
0x2b: {  	s6 =	sld [smem:$0x3FAD]  }
0x2c: {  	s7 =	sld [smem:$0x3FAE]  }
0x2d: {  	s3 =	simm.s32 $0x108;
	s8 =	sld [smem:$0x3FAF]  }
0x2e: {  	s3 =	simm.s32 @!p0 $0x1082;
	s9 =	sld [smem:$0x3FB0]  }
0x2f: {  	lr =	sadd.s32 s0, s3;
	s0 =	sld [smem:$0x3FA7]  }
0x30: {  	s3 =	sld [smem:$0x3FAA]  }
0x31: {  	[smem:$0x3FB3] =	sst s10  }
0x32: {  	s10 =	sld [smem:$0x3FB1];
	_ =	sdelay $0x3  }
0x33: {  	p0 =	seq.s32 s10, $0x1;
	s10 =	sld [smem:$0x3FB3];
	_ =	sdelay $0x3  }
0x34: {  	[smem:$0x3FB3] =	sst s10  }
0x35: {  	s10 =	sld [smem:$0x3FB2];
	_ =	sdelay $0x3  }
0x36: {  	p1 =	seq.s32 s10, $0x1;
	s10 =	sld [smem:$0x3FB3];
	_ =	sdelay $0x3  }
0x37: {  	[smem:$0x3FB3] =	sst s10  }
0x38: {  	s10 =	sld [smem:$0x3FB4]  }
0x39: {  	_ = 	snop;
	(pc) =	sbr.ind lr, $3  }
0x3a: {  	_ = 	snop  }
0x3b: {  	_ = 	snop  }
0x3c: {  	p2 =	seq.s32 s10, $0x1;
	s10 =	sld [smem:$0x3FB3]  }
0x3d: {  	_ =	shalt  }
0x3e: {  	_ =	shalt  }
0x3f: {  	_ =	shalt  }
0x40: {  	_ =	shalt  }
0x41: {  	_ =	shalt  }
0x42: {  	_ =	shalt  }
0x43: {  	_ =	shalt  }
0x44: {  	_ =	shalt  }
0x45: {  	_ =	shalt  }
0x46: {  	_ =	shalt  }
0x47: {  	_ =	shalt  }
0x48: {  	_ =	shalt  }
0x49: {  	_ =	shalt  }
0x4a: {  	_ =	shalt  }
0x4b: {  	_ =	shalt  }
0x4c: {  	_ =	shalt  }
0x4d: {  	_ =	shalt  }
0x4e: {  	_ =	shalt  }
0x4f: {  	_ =	shalt  }
0x50: {  	_ =	shalt  }
0x51: {  	_ =	shalt  }
0x52: {  	_ =	shalt  }
0x53: {  	_ =	shalt  }
0x54: {  	_ =	shalt  }
0x55: {  	_ =	shalt  }
0x56: {  	_ =	shalt  }
0x57: {  	_ =	shalt  }
0x58: {  	_ =	shalt  }
0x59: {  	_ =	shalt  }
0x5a: {  	_ =	shalt  }
0x5b: {  	_ =	shalt  }
0x5c: {  	_ =	shalt  }
0x5d: {  	_ =	shalt  }
0x5e: {  	_ =	shalt  }
0x5f: {  	_ =	shalt  }
0x60: {  	_ =	shalt  }
0x61: {  	_ =	shalt  }
0x62: {  	_ =	shalt  }
0x63: {  	_ =	shalt  }
0x64: {  	_ =	shalt  }
0x65: {  	_ =	shalt  }
0x66: {  	_ =	shalt  }
0x67: {  	_ =	shalt  }
0x68: {  	_ =	shalt  }
0x69: {  	_ =	shalt  }
0x6a: {  	_ =	shalt  }
0x6b: {  	_ =	shalt  }
0x6c: {  	_ =	shalt  }
0x6d: {  	_ =	shalt  }
0x6e: {  	_ =	shalt  }
0x6f: {  	_ =	shalt  }
0x70: {  	_ =	shalt  }
0x71: {  	_ =	shalt  }
0x72: {  	_ =	shalt  }
0x73: {  	_ =	shalt  }
0x74: {  	_ =	shalt  }
0x75: {  	_ =	shalt  }
0x76: {  	_ =	shalt  }
0x77: {  	_ =	shalt  }
0x78: {  	_ =	shalt  }
0x79: {  	_ =	shalt  }
0x7a: {  	_ =	shalt  }
0x7b: {  	_ =	shalt  }
0x7c: {  	_ =	shalt  }
0x7d: {  	_ =	shalt  }
0x7e: {  	_ =	shalt  }
0x7f: {  	_ =	shalt  }
0x80: {  	_ =	shalt  }
0x81: {  	_ =	shalt  }
0x82: {  	_ =	shalt  }
0x83: {  	_ =	shalt  }
0x84: {  	_ =	shalt  }
0x85: {  	_ =	shalt  }
0x86: {  	_ =	shalt  }
0x87: {  	_ =	shalt  }
.Lfunc_end0:
.L_simem_size_0:
called_computation_lowered:
.L_overlay_start_0:
0x88: {  	s2 =	sld [smem:$0x3FD9]  }
0x89: {  	s3 =	sld [smem:$0x3FFE];
	_ =	sdelay $0x1  }
0x8a: {  	s1 =	srdreg.scid  }
0x8b: {  	s0 =	sand.u32 $0x1, s1  }
0x8c: {  	s17 =	sshll.u32 s0, $0xA;
	s2 =	sadd.s32 s3, s2  }
0x8d: {  	s2 =	sadd.s32 s2, s17  }
0x8e: {  	[smem:$0x3FBF] =	sst s2  }
0x8f: {  	_ = 	snop  }
0x90: {  	s2 =	sld [smem:$0x3FD0];
	(tm) =	ssettm $0x1  }
0x91: {  	s18 =	sld [smem:$0x3FFB];
	_ =	sdelay $0x3  }
0x92: {  	_ =	strace s18  }
0x93: {  	s3 =	sld [smem:$0x3FFC];
	_ =	sdelay $0x3  }
0x94: {  	_ =	strace s3  }
0x95: {  	s3 =	sld [smem:$0x3FFD];
	_ =	sdelay $0x3  }
0x96: {  	_ =	strace s3  }
0x97: {  	_ =	strace $0x8FFFFFFF  }
0x98: {  	s19 =	sld [smem:$0x3FDB];
	_ =	sdelay $0x1  }
0x99: {  	s4 =	simm.s32 $_scs_section_size  }
0x9a: {  	s5 =	simm.s32 $_size__tile_overlayer_lowered;
	s6 =	simm.s32 $_tile_overlayer_lowered  }
0x9b: {  	s22 =	simm.s32 $0x1BFF;
	s21 =	sshll.u32 s6, $0x1;
	s3 =	sadd.s32 s4, s19  }
0x9c: {  	s7 =	simm.s32 $0x0;
	s20 =	sshll.u32 s5, $0x1;
	s5 =	sadd.s32 s21, s3  }
0x9d: {  	[timem:s7], [sflag:s22] =	dma.local [hbm:s5], s20  }
0x9e: {  	_ =	swait.ge [sflag:s22], s20  }
0x9f: {  	s4 =	ssub.s32 $0x0, s20;
	[sflag:s22] =	ssyncset.done $0x0  }
0xa0: {  	[sflag:s22] =	ssyncadd.s32 s4;
	_ =	sdelay $0x1  }
0xa1: {  	s23 =	simm.s32 $0x1B8B  }
0xa2: {  	_ =	swait.ge [sflag:s23], $0x1  }
0xa3: {  	[sflag:s23] =	ssyncset.done $0x0  }
0xa4: {  	s25 =	simm.s32 $0x1B8E;
	s24 =	sld [smem:$0x3FFE];
	[sflag:s23] =	ssyncadd.s32 $0xFFFFFFFF  }
0xa5: {  	s26 =	simm.s32 $execute0_lowered;
	[smem:$0x3FD2] =	sst s25  }
0xa6: {  	s5 =	sshll.u32 s26, $0x1;
	_ =	strace $0x80000046;
	[dreg:$0x1] =	wrdreg $0xFFFFFFFF  }
0xa7: {  	s28 =	simm.s32 $_size_execute0_lowered;
	s3 =	sadd.s32 s3, s5;
	[dreg:$0x0] =	wrdreg $0x0  }
0xa8: {  	s5 =	sshll.u32 s28, $0x1;
	[dreg:$0x2] =	wrdreg s3  }
0xa9: {  	[dreg:$0x3] =	wrdreg s5  }
0xaa: {  	[dreg:$0x4] =	wrdreg $0xC0  }
0xab: {  	_ =	task [dreg:s7], $0x5FFFF  }
0xac: {  	[dreg:$0x1] =	wrdreg $0xFFFFFFFF  }
0xad: {  	[dreg:$0x0] =	wrdreg $0x60  }
0xae: {  	[dreg:$0x2] =	wrdreg s2  }
0xaf: {  	[dreg:$0x3] =	wrdreg s24  }
0xb0: {  	[dreg:$0x4] =	wrdreg $0x81800  }
0xb1: {  	[dreg:$0x5] =	wrdreg $0x9  }
0xb2: {  	_ =	task.clear_ibuf [dreg:s7], $0x6FFFF;
	_ =	strace $0x90000046  }
0xb3: {  	s29 =	simm.s32 $0x9;
	_ =	strace $0x80000048  }
0xb4: {  	_ =	swait.ge [sflag:s29], $0x1  }
0xb5: {  	[sflag:s29] =	ssyncadd.s32 $0xFFFFFFFF  }
0xb6: {  	_ =	strace $0x90000048  }
0xb7: {  	_ =	sfence  }
0xb8: {  	s30 =	sld [smem:$0x0];
	_ =	sdelay $0x2  }
0xb9: {  	s31 =	sshll.u32 s1, $0xD;
	s1 =	sshrl.u32 s1, $0x2  }
0xba: {  	s3 =	sand.u32 $0x4000, s31;
	s1 =	sadd.s32 s1, s30  }
0xbb: {  	s0 =	sor.u32 s3, s0;
	s1 =	sshll.u32 s1, $0x11  }
0xbc: {  	s0 =	sor.u32 s1, s0  }
0xbd: {  	s0 =	sadd.s32 $0x8F2B, s0  }
0xbe: {  	[sflag:s0] =	ssyncadd.remote.s32 $0x1  }
0xbf: {  	_ =	sfence.sel $0xFFFF  }
0xc0: {  	[dreg:$0x0] =	wrdreg $0xFFFFFFFF;
	(pc) =	sbr.abs _section_cstart, $3  }
0xc1: {  	[dreg:$0x1] =	wrdreg $0xFFFFFFFF  }
0xc2: {  	_ =	task.clear_ibuf [dreg:s7], $0x2FFFF;
	_ =	strace $0x9FFFFFFF  }
0xc3: {  	(tm) =	ssettm $0x7FFFFFFF  }
tec
execute0_lowered:
.L_overlay_start_1:
0x0: {  	(tag) =	ssettag $0x1  }
0x1: {  	s1 =	rddreg [dreg:$0x0]  }
0x2: {  	s8 =	rddreg [dreg:$0x1]  }
0x3: {  	s2 =	rddreg [dreg:$0x2]  }
0x4: {  	s0 =	rddreg [dreg:$0x3];
	s3 =	simm.s32 $0x0;
	s4 =	srdreg.scid  }
0x5: {  	s14 =	simm.s32 $0x80;
	s15 =	simm.s32 $0x100;
	s16 =	simm.s32 $0x180  }
0x6: {  	s17 =	simm.s32 $0x1;
	[smem:$0x7FF] =	sst s3;
	s9 =	sand.u32 $0x1, s4  }
0x7: {  	s5 =	sadd.s32 $0x2600, s8;
	s4 =	stileid.u32;
	s6 =	sadd.s32 $0xC400, s8  }
0x8: {  	s7 =	sadd.s32 $0x16200, s8;
	_ =	strace $0x80000047;
	s10 =	ssub.s32 $0x2, s9  }
0x9: {  	v0 =	vimm.f32 $0.0e+00;
	v1 =	vimm.s32 $0x0;
	s11 =	sshll.u32 s4, $0xB;
	s29 =	sshll.u32 s9, $0x4;
	s30 =	sshll.u32 s4, $0xE  }
0xa: {  	v2 =	vimm.s32 $0x1;
	v3 =	vimm.s32 $0x2;
	v4 =	vimm.s32 $0x3;
	s9 =	sshll.u32 s9, $0xF;
	s18 =	sshll.u32 s4, $0x6;
	s12 =	sshrl.u32 s10, $0x1  }
0xb: {  	v5 =	vimm.s32 $0x4;
	v6 =	vimm.s32 $0x5;
	v7 =	vimm.s32 $0x6;
	s11 =	sadd.s32 s11, s8;
	s13 =	sor.u32 s4, s29;
	s8 =	sadd.s32 s30, s2  }
0xc: {  	v8 =	vimm.s32 $0x7;
	v9 =	vimm.s32 $0x8;
	v10 =	vimm.s32 $0x9;
	s18 =	sor.u32 $0x1C02, s18;
	s12 =	ssub.s32 s10, s12;
	s31 =	sadd.s32 s9, s11  }
0xd: {  	v11 =	vimm.s32 $0xA;
	v12 =	vimm.s32 $0xB;
	v13 =	vimm.s32 $0xC;
	s9 =	smul.u32 $0x4F, s13;
	s13 =	simm.s32 $0x2;
	s19 =	sshrl.u32 s8, $0x3  }
0xe: {  	v14 =	vimm.s32 $0xD;
	v15 =	vimm.s32 $0xE;
	v16 =	vimm.s32 $0xF;
	s10 =	sadd.s32 $0x20000, s31;
	s11 =	smax.u32 s12, $0x1;
	s12 =	simm.s32 $0x4180  }
.LBB2_1:
0xf: {  	s20 =	simm.s32 $0x0;
	s21 =	simm.s32 $0x200  }
.LBB2_2:
0x10: {  	p0 =	sne.s32 s21, $0xFE00;
	[tilespmem:s20+$0x41F0] =	vst v0  }
0x11: {  	[tilespmem:s20+$0x4180] =	vst v0  }
0x12: {  	[tilespmem:s20+$0x4190] =	vst v0  }
.Ltmp0:
0x13: {  	[tilespmem:s20+$0x41A0] =	vst v0;
	(pc) =	sbr.rel @p0 .LBB2_2-.Ltmp0, $4  }
0x14: {  	[tilespmem:s20+$0x41B0] =	vst v0  }
0x15: {  	[tilespmem:s20+$0x41C0] =	vst v0  }
0x16: {  	[tilespmem:s20+$0x41D0] =	vst v0  }
0x17: {  	[tilespmem:s20+$0x41E0] =	vst v0;
	s20 =	sshra.s32 s21, $0x2;
	s21 =	sadd.s32 $0x200, s21  }
0x18: {  	[tilespmem:s20+$0x41F0] =	vst v0  }
0x19: {  	[tilespmem:s20+$0x4180] =	vst v0  }
0x1a: {  	[tilespmem:s20+$0x4190] =	vst v0  }
0x1b: {  	[tilespmem:s20+$0x41A0] =	vst v0  }
0x1c: {  	[tilespmem:s20+$0x41B0] =	vst v0  }
0x1d: {  	[tilespmem:s20+$0x41C0] =	vst v0  }
0x1e: {  	[tilespmem:s20+$0x41D0] =	vst v0  }
0x1f: {  	[tilespmem:s20+$0x41E0] =	vst v0  }
0x20: {  	[spmem:s8] =	stream.linear.scatter [tilespmem:s12], [sflag:$0x2], $0x4000, $0x38;
	[tilespmem:$0xC180] =	vst v63  }
0x21: {  	_ =	swait.ge [sflag:s13], $0x4000  }
0x22: {  	[sflag:s13] =	ssyncset.done $0x0  }
0x23: {  	[sflag:s13] =	ssyncadd.s32 $0xFFFFC000  }
0x24: {  	s20 =	simm.s32 $0x0;
	s21 =	simm.s32 $0x0;
	[bflag:$0x0] =	sbarrier.arrive $0xFFFF  }
.LBB2_4:
0x25: {  	s22 =	sadd.s32 s9, s21  }
0x26: {  	s22 =	sshll.u32 s22, $0x4  }
0x27: {  	s23 =	sadd.s32 s5, s22  }
0x28: {  	[tilespmem:s20], [sflag:$0x2] =	stream.linear.gather [hbm4b:s23+s20], $0x80, $0x38;
	[tilespmem:$0xC180] =	vst v63  }
0x29: {  	_ =	swait.ge [sflag:s13], $0x80  }
0x2a: {  	[sflag:s13] =	ssyncset.done $0x0  }
0x2b: {  	s31 =	sadd.s32 s6, s22;
	[sflag:s13] =	ssyncadd.s32 $0xFFFFFF80  }
0x2c: {  	[tilespmem:s14], [sflag:$0x2] =	stream.linear.gather [hbm4b:s31+s20], $0x80, $0x38;
	[tilespmem:$0xC180] =	vst v63  }
0x2d: {  	_ =	swait.ge [sflag:s13], $0x80  }
0x2e: {  	[sflag:s13] =	ssyncset.done $0x0  }
0x2f: {  	s22 =	sadd.s32 s7, s22;
	[sflag:s13] =	ssyncadd.s32 $0xFFFFFF80  }
0x30: {  	[tilespmem:s15], [sflag:$0x2] =	stream.linear.gather [hbm4b:s22+s20], $0x80, $0x38;
	[tilespmem:$0xC180] =	vst v63  }
0x31: {  	_ =	swait.ge [sflag:s13], $0x80  }
0x32: {  	[sflag:s13] =	ssyncset.done $0x0  }
0x33: {  	[sflag:s13] =	ssyncadd.s32 $0xFFFFFF80  }
0x34: {  	[tilespmem:s16], [sflag:$0x1] =	stream.indirect.gather [hbm4b:s1+s14], $0x80, s20, s14, $0xb8;
	[tilespmem:$0xC180] =	vst v63  }
0x35: {  	_ =	swait.ge [sflag:s17], $0x4000  }
0x36: {  	[sflag:s17] =	ssyncset.done $0x0  }
0x37: {  	s22 =	simm.s32 $0x0;
	[sflag:s17] =	ssyncadd.s32 $0xFFFFC000  }
.LBB2_5:
0x38: {  	s23 =	sshll.u32 s22, $0x4  }
0x39: {  	s23 =	sand.u32 $0x3FFFFFF0, s23  }
0x3a: {  	s31 =	sshll.u32 s22, $0xB;
	v17 =	vld [tilespmem:s23+$0x100]  }
0x3b: {  	s23 =	sand.u32 $0x3FFFF800, s31  }
0x3c: {  	v18 =	vld [tilespmem:s23+$0x180]  }
0x3d: {  	v19 =	vld [tilespmem:s23+$0x190]  }
0x3e: {  	v20 =	vld [tilespmem:s23+$0x1A0]  }
0x3f: {  	v22 =	vld [tilespmem:s23+$0x1B0];
	v21 =	vperm.xlane v17, v1  }
0x40: {  	v23 =	vld [tilespmem:s23+$0x1C0]  }
0x41: {  	v24 =	vld [tilespmem:s23+$0x1D0];
	v18 =	vmul.f32 v18, v21  }
0x42: {  	v25 =	vld [tilespmem:s23+$0x1E0];
	v19 =	vmul.f32 v19, v21  }
0x43: {  	v38 =	vld [tilespmem:s23+$0x1F0];
	[tilespmem:s23+$0x180] =	vst v18;
	v18 =	vmul.f32 v20, v21  }
0x44: {  	v39 =	vld [tilespmem:s23+$0x200];
	[tilespmem:s23+$0x190] =	vst v19;
	v19 =	vmul.f32 v22, v21  }
0x45: {  	v40 =	vld [tilespmem:s23+$0x210];
	[tilespmem:s23+$0x1A0] =	vst v18;
	v18 =	vmul.f32 v23, v21  }
0x46: {  	v41 =	vld [tilespmem:s23+$0x220];
	[tilespmem:s23+$0x1B0] =	vst v19;
	v19 =	vmul.f32 v24, v21  }
0x47: {  	v26 =	vld [tilespmem:s23+$0x230];
	v42 =	vperm.xlane v17, v2;
	[tilespmem:s23+$0x1C0] =	vst v18;
	v18 =	vmul.f32 v25, v21  }
0x48: {  	v43 =	vld [tilespmem:s23+$0x240];
	[tilespmem:s23+$0x1D0] =	vst v19;
	v19 =	vmul.f32 v38, v21  }
0x49: {  	v44 =	vld [tilespmem:s23+$0x250];
	[tilespmem:s23+$0x1E0] =	vst v18;
	v18 =	vmul.f32 v39, v42  }
0x4a: {  	v45 =	vld [tilespmem:s23+$0x260];
	[tilespmem:s23+$0x1F0] =	vst v19;
	v19 =	vmul.f32 v40, v42  }
0x4b: {  	v46 =	vld [tilespmem:s23+$0x270];
	[tilespmem:s23+$0x200] =	vst v18;
	v18 =	vmul.f32 v41, v42  }
0x4c: {  	v47 =	vld [tilespmem:s23+$0x280];
	[tilespmem:s23+$0x210] =	vst v19;
	v19 =	vmul.f32 v26, v42  }
0x4d: {  	v48 =	vld [tilespmem:s23+$0x290];
	[tilespmem:s23+$0x220] =	vst v18;
	v18 =	vmul.f32 v43, v42  }
0x4e: {  	v49 =	vld [tilespmem:s23+$0x2A0];
	[tilespmem:s23+$0x230] =	vst v19;
	v19 =	vmul.f32 v44, v42  }
0x4f: {  	v51 =	vld [tilespmem:s23+$0x2B0];
	v50 =	vperm.xlane v17, v3;
	[tilespmem:s23+$0x240] =	vst v18;
	v18 =	vmul.f32 v45, v42  }
0x50: {  	v52 =	vld [tilespmem:s23+$0x2C0];
	[tilespmem:s23+$0x250] =	vst v19;
	v19 =	vmul.f32 v46, v42  }
0x51: {  	v53 =	vld [tilespmem:s23+$0x2D0];
	[tilespmem:s23+$0x260] =	vst v18;
	v18 =	vmul.f32 v47, v50  }
0x52: {  	v54 =	vld [tilespmem:s23+$0x2E0];
	[tilespmem:s23+$0x270] =	vst v19;
	v19 =	vmul.f32 v48, v50  }
0x53: {  	v55 =	vld [tilespmem:s23+$0x2F0];
	[tilespmem:s23+$0x280] =	vst v18;
	v18 =	vmul.f32 v49, v50  }
0x54: {  	v56 =	vld [tilespmem:s23+$0x300];
	[tilespmem:s23+$0x290] =	vst v19;
	v19 =	vmul.f32 v51, v50  }
0x55: {  	v57 =	vld [tilespmem:s23+$0x310];
	[tilespmem:s23+$0x2A0] =	vst v18;
	v18 =	vmul.f32 v52, v50  }
0x56: {  	v58 =	vld [tilespmem:s23+$0x320];
	[tilespmem:s23+$0x2B0] =	vst v19;
	v19 =	vmul.f32 v53, v50  }
0x57: {  	v60 =	vld [tilespmem:s23+$0x330];
	v59 =	vperm.xlane v17, v4;
	[tilespmem:s23+$0x2C0] =	vst v18;
	v18 =	vmul.f32 v54, v50  }
0x58: {  	v61 =	vld [tilespmem:s23+$0x340];
	[tilespmem:s23+$0x2D0] =	vst v19;
	v19 =	vmul.f32 v55, v50  }
0x59: {  	v62 =	vld [tilespmem:s23+$0x350];
	[tilespmem:s23+$0x2E0] =	vst v18;
	v18 =	vmul.f32 v56, v59  }
0x5a: {  	v63 =	vld [tilespmem:s23+$0x360];
	[tilespmem:s23+$0x2F0] =	vst v19;
	v19 =	vmul.f32 v57, v59  }
0x5b: {  	v28 =	vld [tilespmem:s23+$0x370];
	[tilespmem:s23+$0x300] =	vst v18;
	v18 =	vmul.f32 v58, v59  }
0x5c: {  	v29 =	vld [tilespmem:s23+$0x380];
	[tilespmem:s23+$0x310] =	vst v19;
	v19 =	vmul.f32 v60, v59  }
0x5d: {  	v30 =	vld [tilespmem:s23+$0x390];
	[tilespmem:s23+$0x320] =	vst v18;
	v18 =	vmul.f32 v61, v59  }
0x5e: {  	v31 =	vld [tilespmem:s23+$0x3A0];
	[tilespmem:s23+$0x330] =	vst v19;
	v19 =	vmul.f32 v62, v59  }
0x5f: {  	v33 =	vld [tilespmem:s23+$0x3B0];
	v32 =	vperm.xlane v17, v5;
	[tilespmem:s23+$0x340] =	vst v18;
	v18 =	vmul.f32 v63, v59  }
0x60: {  	v34 =	vld [tilespmem:s23+$0x3C0];
	[tilespmem:s23+$0x350] =	vst v19;
	v19 =	vmul.f32 v28, v59  }
0x61: {  	v35 =	vld [tilespmem:s23+$0x3D0];
	[tilespmem:s23+$0x360] =	vst v18;
	v18 =	vmul.f32 v29, v32  }
0x62: {  	v36 =	vld [tilespmem:s23+$0x3E0];
	[tilespmem:s23+$0x370] =	vst v19;
	v19 =	vmul.f32 v30, v32  }
0x63: {  	v37 =	vld [tilespmem:s23+$0x3F0];
	[tilespmem:s23+$0x380] =	vst v18;
	v18 =	vmul.f32 v31, v32  }
0x64: {  	v38 =	vld [tilespmem:s23+$0x400];
	[tilespmem:s23+$0x390] =	vst v19;
	v19 =	vmul.f32 v33, v32  }
0x65: {  	v39 =	vld [tilespmem:s23+$0x410];
	[tilespmem:s23+$0x3A0] =	vst v18;
	v18 =	vmul.f32 v34, v32  }
0x66: {  	v40 =	vld [tilespmem:s23+$0x420];
	[tilespmem:s23+$0x3B0] =	vst v19;
	v19 =	vmul.f32 v35, v32  }
0x67: {  	v41 =	vperm.xlane v17, v6;
	v42 =	vld [tilespmem:s23+$0x430];
	[tilespmem:s23+$0x3C0] =	vst v18;
	v18 =	vmul.f32 v36, v32  }
0x68: {  	v43 =	vld [tilespmem:s23+$0x440];
	[tilespmem:s23+$0x3D0] =	vst v19;
	v19 =	vmul.f32 v37, v32  }
0x69: {  	v44 =	vld [tilespmem:s23+$0x450];
	[tilespmem:s23+$0x3E0] =	vst v18;
	v18 =	vmul.f32 v38, v41  }
0x6a: {  	v45 =	vld [tilespmem:s23+$0x460];
	[tilespmem:s23+$0x3F0] =	vst v19;
	v19 =	vmul.f32 v39, v41  }
0x6b: {  	v46 =	vld [tilespmem:s23+$0x470];
	[tilespmem:s23+$0x400] =	vst v18;
	v18 =	vmul.f32 v40, v41  }
0x6c: {  	v47 =	vld [tilespmem:s23+$0x480];
	[tilespmem:s23+$0x410] =	vst v19;
	v19 =	vmul.f32 v42, v41  }
0x6d: {  	v48 =	vld [tilespmem:s23+$0x490];
	[tilespmem:s23+$0x420] =	vst v18;
	v18 =	vmul.f32 v43, v41  }
0x6e: {  	v49 =	vld [tilespmem:s23+$0x4A0];
	[tilespmem:s23+$0x430] =	vst v19;
	v19 =	vmul.f32 v44, v41  }
0x6f: {  	v51 =	vld [tilespmem:s23+$0x4B0];
	v50 =	vperm.xlane v17, v7;
	[tilespmem:s23+$0x440] =	vst v18;
	v18 =	vmul.f32 v45, v41  }
0x70: {  	v52 =	vld [tilespmem:s23+$0x4C0];
	[tilespmem:s23+$0x450] =	vst v19;
	v19 =	vmul.f32 v46, v41  }
0x71: {  	v53 =	vld [tilespmem:s23+$0x4D0];
	[tilespmem:s23+$0x460] =	vst v18;
	v18 =	vmul.f32 v47, v50  }
0x72: {  	v54 =	vld [tilespmem:s23+$0x4E0];
	[tilespmem:s23+$0x470] =	vst v19;
	v19 =	vmul.f32 v48, v50  }
0x73: {  	v55 =	vld [tilespmem:s23+$0x4F0];
	[tilespmem:s23+$0x480] =	vst v18;
	v18 =	vmul.f32 v49, v50  }
0x74: {  	v56 =	vld [tilespmem:s23+$0x500];
	[tilespmem:s23+$0x490] =	vst v19;
	v19 =	vmul.f32 v51, v50  }
0x75: {  	v57 =	vld [tilespmem:s23+$0x510];
	[tilespmem:s23+$0x4A0] =	vst v18;
	v18 =	vmul.f32 v52, v50  }
0x76: {  	v58 =	vld [tilespmem:s23+$0x520];
	[tilespmem:s23+$0x4B0] =	vst v19;
	v19 =	vmul.f32 v53, v50  }
0x77: {  	v60 =	vld [tilespmem:s23+$0x530];
	v59 =	vperm.xlane v17, v8;
	[tilespmem:s23+$0x4C0] =	vst v18;
	v18 =	vmul.f32 v54, v50  }
0x78: {  	v61 =	vld [tilespmem:s23+$0x540];
	[tilespmem:s23+$0x4D0] =	vst v19;
	v19 =	vmul.f32 v55, v50  }
0x79: {  	v62 =	vld [tilespmem:s23+$0x550];
	[tilespmem:s23+$0x4E0] =	vst v18;
	v18 =	vmul.f32 v56, v59  }
0x7a: {  	v63 =	vld [tilespmem:s23+$0x560];
	[tilespmem:s23+$0x4F0] =	vst v19;
	v19 =	vmul.f32 v57, v59  }
0x7b: {  	v28 =	vld [tilespmem:s23+$0x570];
	[tilespmem:s23+$0x500] =	vst v18;
	v18 =	vmul.f32 v58, v59  }
0x7c: {  	v29 =	vld [tilespmem:s23+$0x580];
	[tilespmem:s23+$0x510] =	vst v19;
	v19 =	vmul.f32 v60, v59  }
0x7d: {  	v30 =	vld [tilespmem:s23+$0x590];
	[tilespmem:s23+$0x520] =	vst v18;
	v18 =	vmul.f32 v61, v59  }
0x7e: {  	v31 =	vld [tilespmem:s23+$0x5A0];
	[tilespmem:s23+$0x530] =	vst v19;
	v19 =	vmul.f32 v62, v59  }
0x7f: {  	v33 =	vld [tilespmem:s23+$0x5B0];
	v32 =	vperm.xlane v17, v9;
	[tilespmem:s23+$0x540] =	vst v18;
	v18 =	vmul.f32 v63, v59  }
0x80: {  	v34 =	vld [tilespmem:s23+$0x5C0];
	[tilespmem:s23+$0x550] =	vst v19;
	v19 =	vmul.f32 v28, v59  }
0x81: {  	v35 =	vld [tilespmem:s23+$0x5D0];
	[tilespmem:s23+$0x560] =	vst v18;
	v18 =	vmul.f32 v29, v32  }
0x82: {  	v36 =	vld [tilespmem:s23+$0x5E0];
	[tilespmem:s23+$0x570] =	vst v19;
	v19 =	vmul.f32 v30, v32  }
0x83: {  	v37 =	vld [tilespmem:s23+$0x5F0];
	[tilespmem:s23+$0x580] =	vst v18;
	v18 =	vmul.f32 v31, v32  }
0x84: {  	v38 =	vld [tilespmem:s23+$0x600];
	[tilespmem:s23+$0x590] =	vst v19;
	v19 =	vmul.f32 v33, v32  }
0x85: {  	v39 =	vld [tilespmem:s23+$0x610];
	[tilespmem:s23+$0x5A0] =	vst v18;
	v18 =	vmul.f32 v34, v32  }
0x86: {  	v40 =	vld [tilespmem:s23+$0x620];
	[tilespmem:s23+$0x5B0] =	vst v19;
	v19 =	vmul.f32 v35, v32  }
0x87: {  	v42 =	vld [tilespmem:s23+$0x630];
	v41 =	vperm.xlane v17, v10;
	[tilespmem:s23+$0x5C0] =	vst v18;
	v18 =	vmul.f32 v36, v32  }
0x88: {  	v43 =	vld [tilespmem:s23+$0x640];
	[tilespmem:s23+$0x5D0] =	vst v19;
	v19 =	vmul.f32 v37, v32  }
0x89: {  	v44 =	vld [tilespmem:s23+$0x650];
	[tilespmem:s23+$0x5E0] =	vst v18;
	v18 =	vmul.f32 v38, v41  }
0x8a: {  	v45 =	vld [tilespmem:s23+$0x660];
	[tilespmem:s23+$0x5F0] =	vst v19;
	v19 =	vmul.f32 v39, v41  }
0x8b: {  	v46 =	vld [tilespmem:s23+$0x670];
	[tilespmem:s23+$0x600] =	vst v18;
	v18 =	vmul.f32 v40, v41  }
0x8c: {  	v47 =	vld [tilespmem:s23+$0x680];
	[tilespmem:s23+$0x610] =	vst v19;
	v19 =	vmul.f32 v42, v41  }
0x8d: {  	v48 =	vld [tilespmem:s23+$0x690];
	[tilespmem:s23+$0x620] =	vst v18;
	v18 =	vmul.f32 v43, v41  }
0x8e: {  	v49 =	vld [tilespmem:s23+$0x6A0];
	[tilespmem:s23+$0x630] =	vst v19;
	v19 =	vmul.f32 v44, v41  }
0x8f: {  	v51 =	vld [tilespmem:s23+$0x6B0];
	v50 =	vperm.xlane v17, v11;
	[tilespmem:s23+$0x640] =	vst v18;
	v18 =	vmul.f32 v45, v41  }
0x90: {  	v52 =	vld [tilespmem:s23+$0x6C0];
	[tilespmem:s23+$0x650] =	vst v19;
	v19 =	vmul.f32 v46, v41  }
0x91: {  	v53 =	vld [tilespmem:s23+$0x6D0];
	[tilespmem:s23+$0x660] =	vst v18;
	v18 =	vmul.f32 v47, v50  }
0x92: {  	v54 =	vld [tilespmem:s23+$0x6E0];
	[tilespmem:s23+$0x670] =	vst v19;
	v19 =	vmul.f32 v48, v50  }
0x93: {  	v55 =	vld [tilespmem:s23+$0x6F0];
	[tilespmem:s23+$0x680] =	vst v18;
	v18 =	vmul.f32 v49, v50  }
0x94: {  	v56 =	vld [tilespmem:s23+$0x700];
	[tilespmem:s23+$0x690] =	vst v19;
	v19 =	vmul.f32 v51, v50  }
0x95: {  	v57 =	vld [tilespmem:s23+$0x710];
	[tilespmem:s23+$0x6A0] =	vst v18;
	v18 =	vmul.f32 v52, v50  }
0x96: {  	v58 =	vld [tilespmem:s23+$0x720];
	[tilespmem:s23+$0x6B0] =	vst v19;
	v19 =	vmul.f32 v53, v50  }
0x97: {  	v60 =	vld [tilespmem:s23+$0x730];
	v59 =	vperm.xlane v17, v12;
	[tilespmem:s23+$0x6C0] =	vst v18;
	v18 =	vmul.f32 v54, v50  }
0x98: {  	v61 =	vld [tilespmem:s23+$0x740];
	[tilespmem:s23+$0x6D0] =	vst v19;
	v19 =	vmul.f32 v55, v50  }
0x99: {  	v62 =	vld [tilespmem:s23+$0x750];
	[tilespmem:s23+$0x6E0] =	vst v18;
	v18 =	vmul.f32 v56, v59  }
0x9a: {  	v63 =	vld [tilespmem:s23+$0x760];
	[tilespmem:s23+$0x6F0] =	vst v19;
	v19 =	vmul.f32 v57, v59  }
0x9b: {  	v28 =	vld [tilespmem:s23+$0x770];
	[tilespmem:s23+$0x700] =	vst v18;
	v18 =	vmul.f32 v58, v59  }
0x9c: {  	v29 =	vld [tilespmem:s23+$0x780];
	[tilespmem:s23+$0x710] =	vst v19;
	v19 =	vmul.f32 v60, v59  }
0x9d: {  	v30 =	vld [tilespmem:s23+$0x790];
	[tilespmem:s23+$0x720] =	vst v18;
	v18 =	vmul.f32 v61, v59  }
0x9e: {  	v31 =	vld [tilespmem:s23+$0x7A0];
	[tilespmem:s23+$0x730] =	vst v19;
	v19 =	vmul.f32 v62, v59  }
0x9f: {  	v33 =	vld [tilespmem:s23+$0x7B0];
	v32 =	vperm.xlane v17, v13;
	[tilespmem:s23+$0x740] =	vst v18;
	v18 =	vmul.f32 v63, v59  }
0xa0: {  	v34 =	vld [tilespmem:s23+$0x7C0];
	[tilespmem:s23+$0x750] =	vst v19;
	v19 =	vmul.f32 v28, v59  }
0xa1: {  	v35 =	vld [tilespmem:s23+$0x7D0];
	[tilespmem:s23+$0x760] =	vst v18;
	v18 =	vmul.f32 v29, v32  }
0xa2: {  	v36 =	vld [tilespmem:s23+$0x7E0];
	[tilespmem:s23+$0x770] =	vst v19;
	v19 =	vmul.f32 v30, v32  }
0xa3: {  	v37 =	vld [tilespmem:s23+$0x7F0];
	[tilespmem:s23+$0x780] =	vst v18;
	v18 =	vmul.f32 v31, v32  }
0xa4: {  	v38 =	vld [tilespmem:s23+$0x800];
	[tilespmem:s23+$0x790] =	vst v19;
	v19 =	vmul.f32 v33, v32  }
0xa5: {  	v39 =	vld [tilespmem:s23+$0x810];
	[tilespmem:s23+$0x7A0] =	vst v18;
	v18 =	vmul.f32 v34, v32  }
0xa6: {  	v40 =	vld [tilespmem:s23+$0x820];
	[tilespmem:s23+$0x7B0] =	vst v19;
	v19 =	vmul.f32 v35, v32  }
0xa7: {  	v42 =	vld [tilespmem:s23+$0x830];
	v41 =	vperm.xlane v17, v14;
	[tilespmem:s23+$0x7C0] =	vst v18;
	v18 =	vmul.f32 v36, v32  }
0xa8: {  	v43 =	vld [tilespmem:s23+$0x840];
	[tilespmem:s23+$0x7D0] =	vst v19;
	v19 =	vmul.f32 v37, v32  }
0xa9: {  	v44 =	vld [tilespmem:s23+$0x850];
	[tilespmem:s23+$0x7E0] =	vst v18;
	v18 =	vmul.f32 v38, v41  }
0xaa: {  	v45 =	vld [tilespmem:s23+$0x860];
	[tilespmem:s23+$0x7F0] =	vst v19;
	v19 =	vmul.f32 v39, v41  }
0xab: {  	v46 =	vld [tilespmem:s23+$0x870];
	[tilespmem:s23+$0x800] =	vst v18;
	v18 =	vmul.f32 v40, v41  }
0xac: {  	v47 =	vld [tilespmem:s23+$0x880];
	[tilespmem:s23+$0x810] =	vst v19;
	v19 =	vmul.f32 v42, v41  }
0xad: {  	v48 =	vld [tilespmem:s23+$0x890];
	[tilespmem:s23+$0x820] =	vst v18;
	v18 =	vmul.f32 v43, v41  }
0xae: {  	v49 =	vld [tilespmem:s23+$0x8A0];
	[tilespmem:s23+$0x830] =	vst v19;
	v19 =	vmul.f32 v44, v41  }
0xaf: {  	v51 =	vld [tilespmem:s23+$0x8B0];
	v50 =	vperm.xlane v17, v15;
	[tilespmem:s23+$0x840] =	vst v18;
	v18 =	vmul.f32 v45, v41  }
0xb0: {  	v52 =	vld [tilespmem:s23+$0x8C0];
	[tilespmem:s23+$0x850] =	vst v19;
	v19 =	vmul.f32 v46, v41  }
0xb1: {  	v53 =	vld [tilespmem:s23+$0x8D0];
	[tilespmem:s23+$0x860] =	vst v18;
	v18 =	vmul.f32 v47, v50  }
0xb2: {  	v54 =	vld [tilespmem:s23+$0x8E0];
	[tilespmem:s23+$0x870] =	vst v19;
	v19 =	vmul.f32 v48, v50  }
0xb3: {  	v55 =	vld [tilespmem:s23+$0x8F0];
	[tilespmem:s23+$0x880] =	vst v18;
	v18 =	vmul.f32 v49, v50  }
0xb4: {  	v56 =	vld [tilespmem:s23+$0x900];
	[tilespmem:s23+$0x890] =	vst v19;
	v19 =	vmul.f32 v51, v50  }
0xb5: {  	v57 =	vld [tilespmem:s23+$0x910];
	[tilespmem:s23+$0x8A0] =	vst v18;
	v18 =	vmul.f32 v52, v50  }
0xb6: {  	v58 =	vld [tilespmem:s23+$0x920];
	[tilespmem:s23+$0x8B0] =	vst v19;
	v19 =	vmul.f32 v53, v50  }
0xb7: {  	v17 =	vperm.xlane v17, v16;
	v59 =	vld [tilespmem:s23+$0x930];
	[tilespmem:s23+$0x8C0] =	vst v18;
	v18 =	vmul.f32 v54, v50  }
0xb8: {  	v60 =	vld [tilespmem:s23+$0x940];
	[tilespmem:s23+$0x8D0] =	vst v19;
	v19 =	vmul.f32 v55, v50  }
0xb9: {  	v61 =	vld [tilespmem:s23+$0x950];
	[tilespmem:s23+$0x8E0] =	vst v18;
	v18 =	vmul.f32 v56, v17  }
0xba: {  	v62 =	vld [tilespmem:s23+$0x960];
	[tilespmem:s23+$0x8F0] =	vst v19;
	v19 =	vmul.f32 v57, v17  }
0xbb: {  	v63 =	vld [tilespmem:s23+$0x970];
	[tilespmem:s23+$0x900] =	vst v18;
	v18 =	vmul.f32 v58, v17  }
0xbc: {  	[tilespmem:s23+$0x910] =	vst v19;
	v19 =	vmul.f32 v59, v17  }
0xbd: {  	p0 =	sne.s32 s22, $0x7;
	[tilespmem:s23+$0x920] =	vst v18;
	v18 =	vmul.f32 v60, v17  }
.Ltmp1:
0xbe: {  	[tilespmem:s23+$0x930] =	vst v19;
	v19 =	vmul.f32 v61, v17;
	(pc) =	sbr.rel @p0 .LBB2_5-.Ltmp1, $4  }
0xbf: {  	[tilespmem:s23+$0x940] =	vst v18;
	v18 =	vmul.f32 v62, v17  }
0xc0: {  	[tilespmem:s23+$0x950] =	vst v19;
	v17 =	vmul.f32 v63, v17  }
0xc1: {  	[tilespmem:s23+$0x960] =	vst v18  }
0xc2: {  	s22 =	sadd.s32 $0x1, s22;
	[tilespmem:s23+$0x970] =	vst v17  }
0xc3: {  	s21 =	sadd.s32 $0x1, s21  }
0xc4: {  	p0 =	sne.s32 s21, $0x4F  }
.Ltmp2:
0xc5: {  	_ = 	snop;
	(pc) =	sbr.rel @p0 .LBB2_4-.Ltmp2, $4  }
0xc6: {  	[spmem:s2] =	stream.indirect.scatter.add.f32 [tilespmem:s16], [sflag:$0x2], $0x80, s14, s14, $0xb8;
	[tilespmem:$0xC180] =	vst v63  }
0xc7: {  	_ =	swait.ge [sflag:s13], $0x4000  }
0xc8: {  	[sflag:s13] =	ssyncset.done $0x0  }
0xc9: {  	[sflag:s13] =	ssyncadd.s32 $0xFFFFC000  }
0xca: {  	s3 =	sadd.s32 $0x1, s3  }
0xcb: {  	p0 =	sne.s32 s3, s11  }
.Ltmp3:
0xcc: {  	[bflag:$0x0] =	sbarrier.arrive $0xFFFF;
	(pc) =	sbr.rel @p0 .LBB2_1-.Ltmp3, $4  }
0xcd: {  	[hbm:s10], [sflag:s18] =	dma.local [spmem:s19], $0x800  }
0xce: {  	_ =	swait.ge [sflag:s13], $0x800  }
0xcf: {  	[sflag:s13] =	ssyncset.done $0x0  }
0xd0: {  	[sflag:s13] =	ssyncadd.s32 $0xFFFFF800  }
0xd1: {  	_ =	sfence.sel $0x180000  }
0xd2: {  	[bflag:$0x0] =	sbarrier.arrive $0xFFFF  }
0xd3: {  	p0 =	sne.s32 s4, $0x0;
	_ =	strace $0x90000047  }
0xd4: {  	s0 =	sadd.s32 @!p0 $0x100000, s0;
	[bflag:$0x2] =	sbarrier.arrive $0xFFFF  }
0xd5: {  	[sflag:s0] =	ssyncadd.tile.s32 @!p0 $0x1;
	_ =	shalt  }
.Lfunc_end2:
_tile_overlayer_lowered:
.L_overlay_start_2:
0xd6: {  	(tag) =	ssettag $0x2  }
0xd7: {  	s0 =	rddreg [dreg:$0x0];
	s2 =	stileid.u32  }
0xd8: {  	s1 =	rddreg [dreg:$0x1];
	p0 =	sne.s32 s2, $0x0  }
0xd9: {  	s3 =	rddreg [dreg:$0x2];
	[bflag:$0x3] =	sbarrier.arrive $0xFFFF;
	s2 =	simm.s32 @!p0 $0x1C02  }
0xda: {  	[timem:s3], [sflag:s2] =	dma.local @!p0 [hbm:s0], s1  }
0xdb: {  	s0 =	simm.s32 @!p0 $0x2  }
0xdc: {  	_ =	swait.ge @!p0 [sflag:s0], s1  }
0xdd: {  	s1 =	ssub.s32 @!p0 $0x0, s1;
	[sflag:s0] =	ssyncset.done @!p0 $0x0  }
0xde: {  	[sflag:s0] =	ssyncadd.s32 @!p0 s1  }
0xdf: {  	[bflag:$0x3] =	sbarrier.arrive $0xFFFF  }
0xe0: {  	_ =	shalt  }

</sc_bundles>
